<compile_context>
chip_gen: v7x
topology: tpu7x:2x2x1
jax: 0.10.2.dev20260603
libtpu: 0.0.44.dev20260713+nightly
codegen_flags: <defaults>
</compile_context>

<pallas_src>
import functools

import numpy as np
import jax
import jax.numpy as jnp
from jax import lax
from jax.experimental import pallas as pl
from jax.experimental.pallas import tpu as pltpu
from jax.experimental.pallas import tpu_sc as plsc

V = 1000
VP = 1024
D = 128
B = 4096
L = 20
NW = 32
BPW = B // NW
K = 32
LANES = 16
BBLK = 128


def _mz_body(emb_ref, lw_ref, b_ref, m_ref, z_ref):
    m = lax.dot_general(emb_ref[...], lw_ref[...],
                        (((1,), (1,)), ((), ())),
                        preferred_element_type=jnp.float32)
    m = m + b_ref[...]
    m_ref[:, :V] = m
    rmax = jnp.max(m, axis=1, keepdims=True)
    s = jnp.sum(jnp.exp(m - rmax), axis=1, keepdims=True)
    z_ref[...] = rmax + jnp.log(s)


def _compute_m_z(emb_table, lin_w, lin_b):
    bias = lin_b.reshape(1, V)
    return pl.pallas_call(
        _mz_body,
        out_shape=[
            jax.ShapeDtypeStruct((V, VP), jnp.float32),
            jax.ShapeDtypeStruct((V, 1), jnp.float32),
        ],
    )(emb_table, lin_w, bias)


def _sc_body(m_hbm, centers_hbm, ctx_hbm, z_hbm, rtab_hbm, part_hbm,
             c_v, ctx_v, z_v, idx_v, rtab_v, buf_v, acc1, acc2, sem):
    cid = lax.axis_index("c")
    sid = lax.axis_index("s")
    wid = sid * 2 + cid
    b0w = wid * BPW

    pltpu.sync_copy(centers_hbm.at[pl.ds(b0w, BPW)], c_v)
    pltpu.sync_copy(ctx_hbm.at[pl.ds(b0w * L, BPW * L)], ctx_v)
    pltpu.sync_copy(z_hbm.at[:], z_v)
    pltpu.sync_copy(rtab_hbm.at[:], rtab_v)

    acc1[...] = jnp.zeros((LANES,), jnp.float32)
    acc2[...] = jnp.zeros((LANES,), jnp.float32)

    for ci in range(BPW // K):
        b0l = ci * K
        for j in range(K // LANES):
            idx_v[pl.ds(j * LANES, LANES)] = c_v[pl.ds(b0l + j * LANES,
                                                       LANES)]
        pltpu.async_copy(m_hbm.at[idx_v], buf_v, sem).wait()
        for t in range(K * L // LANES):
            row = rtab_v[pl.ds(t * LANES, LANES)]
            col = ctx_v[pl.ds(b0l * L + t * LANES, LANES)]
            acc2[...] = acc2[...] + plsc.load_gather(buf_v, [row, col])

    for j in range(BPW // LANES):
        acc1[...] = acc1[...] + plsc.load_gather(
            z_v, [c_v[pl.ds(j * LANES, LANES)]])

    acc1[...] = acc1[...] * jnp.float32(L) - acc2[...]
    pltpu.sync_copy(acc1, part_hbm.at[wid])


@functools.partial(
    pl.kernel,
    out_type=[
        jax.ShapeDtypeStruct((NW, LANES), jnp.float32),
    ],
    mesh=plsc.VectorSubcoreMesh(core_axis_name="c", subcore_axis_name="s"),
    compiler_params=pltpu.CompilerParams(needs_layout_passes=False),
    scratch_types=[
        pltpu.VMEM((BPW,), jnp.int32),
        pltpu.VMEM((BPW * L,), jnp.int32),
        pltpu.VMEM((V,), jnp.float32),
        pltpu.VMEM((K,), jnp.int32),
        pltpu.VMEM((K * L,), jnp.int32),
        pltpu.VMEM((K, VP), jnp.float32),
        pltpu.VMEM((LANES,), jnp.float32),
        pltpu.VMEM((LANES,), jnp.float32),
        pltpu.SemaphoreType.DMA,
    ],
)
def _sc_loss(m_hbm, centers_hbm, ctx_hbm, z_hbm, rtab_hbm, part_hbm,
             *scratch):
    _sc_body(m_hbm, centers_hbm, ctx_hbm, z_hbm, rtab_hbm, part_hbm,
             *scratch)


def _out_body(lw_ref, et_ref, bc_ref, c_ref, out_ref, mt_s):
    i = pl.program_id(0)

    @pl.when(i == 0)
    def _():
        mt = lax.dot_general(lw_ref[...], et_ref[...],
                             (((1,), (1,)), ((), ())),
                             preferred_element_type=jnp.float32)
        mt_s[...] = mt + bc_ref[...]

    c = c_ref[0, 0, :]
    u = lax.broadcasted_iota(jnp.int32, (V, BBLK), 0)
    oh = (u == c[None, :]).astype(jnp.float32)
    pt = jnp.dot(mt_s[...], oh,
                 preferred_element_type=jnp.float32)
    out_ref[...] = jnp.broadcast_to(pt[None, :, :], (L, V, BBLK))


def _compute_out_t(lin_w, emb_table, lin_b, centers):
    bcol = lin_b.reshape(V, 1)
    c3 = centers.reshape(B // BBLK, 1, BBLK)
    return pl.pallas_call(
        _out_body,
        grid=(B // BBLK,),
        in_specs=[
            pl.BlockSpec((V, D), lambda i: (0, 0)),
            pl.BlockSpec((V, D), lambda i: (0, 0)),
            pl.BlockSpec((V, 1), lambda i: (0, 0)),
            pl.BlockSpec((1, 1, BBLK), lambda i: (i, 0, 0)),
        ],
        out_specs=pl.BlockSpec((L, V, BBLK), lambda i: (0, 0, i)),
        out_shape=jax.ShapeDtypeStruct((L, V, B), jnp.float32),
        scratch_shapes=[pltpu.VMEM((V, V), jnp.float32)],
    )(lin_w, emb_table, bcol, c3)


def kernel(centers, contexts, emb_table, lin_w, lin_b):
    centers = centers.astype(jnp.int32)
    m, z = _compute_m_z(emb_table, lin_w, lin_b)
    rtab = jnp.asarray(np.arange(K * L, dtype=np.int32) // L)
    (part,) = _sc_loss(
        m,
        centers,
        contexts.astype(jnp.int32).reshape(B * L),
        z.reshape(V),
        rtab,
    )
    xt = _compute_out_t(lin_w, emb_table, lin_b, centers)
    p_ctx = jnp.transpose(xt, (2, 0, 1))
    loss = jnp.sum(part) / jnp.float32(B * L)
    return p_ctx, loss

# --- scband reference (transcript-rebuilt; emitter-appended) ---
"""Pipeline reference for scband-skip-gram-90666759618875 (READ-ONLY COPY).

The authoritative reference and input builder live on the scoring server;
editing this copy changes nothing except your own understanding.
"""

import jax, jax.numpy as jnp
import numpy as np

VOCAB = 1000
EMB = 128
BATCH = 4096
CTX = 20

def setup_inputs(seed: int = 0) -> dict:
    key = jax.random.key(seed)
    k1, k2, k3, k4, k5 = jax.random.split(key, 5)
    centers = jax.random.randint(k1, (BATCH,), 0, VOCAB, dtype=jnp.int64 if jax.config.jax_enable_x64 else jnp.int32)
    contexts = jax.random.randint(k2, (BATCH, CTX), 0, VOCAB, dtype=jnp.int64 if jax.config.jax_enable_x64 else jnp.int32)
    emb_table = jax.random.normal(k3, (VOCAB, EMB), dtype=jnp.float32)
    # torch nn.Linear: weight (out_features, in_features), bias (out_features,)
    lin_w = jax.random.normal(k4, (VOCAB, EMB), dtype=jnp.float32) * (1.0 / np.sqrt(EMB))
    lin_b = jax.random.normal(k5, (VOCAB,), dtype=jnp.float32) * 0.01
    return {"centers": centers, "contexts": contexts, "emb_table": emb_table, "lin_w": lin_w, "lin_b": lin_b}

def reference(centers, contexts, emb_table, lin_w, lin_b):
    # e_ctr = self.embedding(centers)
    e_ctr = jnp.take(emb_table, centers, axis=0)            # (B, D)
    # p_ctx = self.linear(e_ctr)
    p = e_ctr @ lin_w.T + lin_b                              # (B, V)
    # p_ctx = p_ctx.unsqueeze(1).expand(-1, contexts.size(1), -1)
    p_ctx = jnp.broadcast_to(p[:, None, :], (p.shape[0], contexts.shape[1], p.shape[1]))  # (B, L, V)
    # CrossEntropyLoss with classes over the vocab dim (intended semantics):
    logp = jax.nn.log_softmax(p_ctx, axis=-1)                # (B, L, V)
    nll = -jnp.take_along_axis(logp, contexts[..., None], axis=-1)[..., 0]  # (B, L)
    loss = jnp.mean(nll)
    return p_ctx, loss

if __name__ == "__main__":
    import jax
    _d = setup_inputs()
    print(jax.jit(kernel)(*tuple(_d.values())))

</pallas_src>

<mosaic_0001>
#map = affine_map<(d0, d1) -> (0, 0)>
#map1 = affine_map<(d0, d1) -> (0)>
module attributes {stable_mosaic.version = 14 : i64} {
  func.func @_sc_loss(%arg0: i32, %arg1: i32, %arg2: memref<1000x1024xf32, #tpu.memory_space<hbm>>, %arg3: memref<4096xi32, #tpu.memory_space<hbm>>, %arg4: memref<81920xi32, #tpu.memory_space<hbm>>, %arg5: memref<1000xf32, #tpu.memory_space<hbm>>, %arg6: memref<640xi32, #tpu.memory_space<hbm>>, %arg7: memref<32x16xf32, #tpu.memory_space<hbm>>, %arg8: memref<128xi32, #tpu.memory_space<vmem>>, %arg9: memref<2560xi32, #tpu.memory_space<vmem>>, %arg10: memref<1000xf32, #tpu.memory_space<vmem>>, %arg11: memref<32xi32, #tpu.memory_space<vmem>>, %arg12: memref<640xi32, #tpu.memory_space<vmem>>, %arg13: memref<32x1024xf32, #tpu.memory_space<vmem>>, %arg14: memref<16xf32, #tpu.memory_space<vmem>>, %arg15: memref<16xf32, #tpu.memory_space<vmem>>, %arg16: memref<!tpu.dma_semaphore, #tpu.memory_space<semaphore_mem>>) attributes {dimension_semantics = [#tpu.dimension_semantics<core_parallel>, #tpu.dimension_semantics<subcore_parallel>], iteration_bounds = array<i64: 2, 16>, scalar_prefetch = 0 : i64, scratch_operands = 9 : i64, tpu.core_type = #tpu.core_type<sc_vector_subcore>, window_params = [{transform_indices = #map}, {transform_indices = #map1}, {transform_indices = #map1}, {transform_indices = #map1}, {transform_indices = #map1}, {transform_indices = #map}]} {
    %mul3A = arith.constant 2 : i32
    %mul3A_0 = arith.muli %arg1, %mul3A : i32
    %add3A = arith.addi %mul3A_0, %arg0 : i32
    %mul3A_1 = arith.constant 128 : i32
    %mul3A_2 = arith.muli %add3A, %mul3A_1 : i32
    "tpu.region"() ({
      %run_scoped3A = tpu.sem_alloc : memref<!tpu.dma_semaphore, #tpu.memory_space<semaphore_mem>>
      %dma_start3A_1736 = tpu.memref_slice %arg3[%mul3A_2] : memref<4096xi32, #tpu.memory_space<hbm>> -> memref<128xi32, #tpu.memory_space<hbm>>
      %dma_start3A_1737 = tpu.memref_slice %arg3[%mul3A_2] : memref<4096xi32, #tpu.memory_space<hbm>> -> memref<128xi32, #tpu.memory_space<hbm>>
      tpu.enqueue_dma source(%dma_start3A_1737 : memref<128xi32, #tpu.memory_space<hbm>>) target(%arg8 : memref<128xi32, #tpu.memory_space<vmem>>) target_semaphore(%run_scoped3A : memref<!tpu.dma_semaphore, #tpu.memory_space<semaphore_mem>>)
      %dma_wait3A_1738 = tpu.memref_slice %arg3[%mul3A_2] : memref<4096xi32, #tpu.memory_space<hbm>> -> memref<128xi32, #tpu.memory_space<hbm>>
      %dma_wait3A_1739 = tpu.memref_slice %arg3[%mul3A_2] : memref<4096xi32, #tpu.memory_space<hbm>> -> memref<128xi32, #tpu.memory_space<hbm>>
      tpu.wait_dma2 semaphore(%run_scoped3A : memref<!tpu.dma_semaphore, #tpu.memory_space<semaphore_mem>>) src(%dma_wait3A_1739 : memref<128xi32, #tpu.memory_space<hbm>>) dst(%arg8 : memref<128xi32, #tpu.memory_space<vmem>>)
      tpu.yield
    }) : () -> ()
    %mul3A_3 = arith.constant 20 : i32
    %mul3A_4 = arith.muli %mul3A_2, %mul3A_3 : i32
    "tpu.region"() ({
      %run_scoped3A = tpu.sem_alloc : memref<!tpu.dma_semaphore, #tpu.memory_space<semaphore_mem>>
      %dma_start3A_1736 = tpu.memref_slice %arg4[%mul3A_4] : memref<81920xi32, #tpu.memory_space<hbm>> -> memref<2560xi32, #tpu.memory_space<hbm>>
      %dma_start3A_1737 = tpu.memref_slice %arg4[%mul3A_4] : memref<81920xi32, #tpu.memory_space<hbm>> -> memref<2560xi32, #tpu.memory_space<hbm>>
      tpu.enqueue_dma source(%dma_start3A_1737 : memref<2560xi32, #tpu.memory_space<hbm>>) target(%arg9 : memref<2560xi32, #tpu.memory_space<vmem>>) target_semaphore(%run_scoped3A : memref<!tpu.dma_semaphore, #tpu.memory_space<semaphore_mem>>)
      %dma_wait3A_1738 = tpu.memref_slice %arg4[%mul3A_4] : memref<81920xi32, #tpu.memory_space<hbm>> -> memref<2560xi32, #tpu.memory_space<hbm>>
      %dma_wait3A_1739 = tpu.memref_slice %arg4[%mul3A_4] : memref<81920xi32, #tpu.memory_space<hbm>> -> memref<2560xi32, #tpu.memory_space<hbm>>
      tpu.wait_dma2 semaphore(%run_scoped3A : memref<!tpu.dma_semaphore, #tpu.memory_space<semaphore_mem>>) src(%dma_wait3A_1739 : memref<2560xi32, #tpu.memory_space<hbm>>) dst(%arg9 : memref<2560xi32, #tpu.memory_space<vmem>>)
      tpu.yield
    }) : () -> ()
    "tpu.region"() ({
      %run_scoped3A = tpu.sem_alloc : memref<!tpu.dma_semaphore, #tpu.memory_space<semaphore_mem>>
      %dma_start3A_1736 = arith.constant 0 : i32
      %dma_start3A_1737 = tpu.memref_slice %arg5[%dma_start3A_1736] : memref<1000xf32, #tpu.memory_space<hbm>> -> memref<1000xf32, #tpu.memory_space<hbm>>
      %dma_start3A_1738 = arith.constant 0 : i32
      %dma_start3A_1739 = tpu.memref_slice %arg5[%dma_start3A_1738] : memref<1000xf32, #tpu.memory_space<hbm>> -> memref<1000xf32, #tpu.memory_space<hbm>>
      tpu.enqueue_dma source(%dma_start3A_1739 : memref<1000xf32, #tpu.memory_space<hbm>>) target(%arg10 : memref<1000xf32, #tpu.memory_space<vmem>>) target_semaphore(%run_scoped3A : memref<!tpu.dma_semaphore, #tpu.memory_space<semaphore_mem>>)
      %dma_wait3A_1740 = arith.constant 0 : i32
      %dma_wait3A_1741 = tpu.memref_slice %arg5[%dma_wait3A_1740] : memref<1000xf32, #tpu.memory_space<hbm>> -> memref<1000xf32, #tpu.memory_space<hbm>>
      %dma_wait3A_1742 = arith.constant 0 : i32
      %dma_wait3A_1743 = tpu.memref_slice %arg5[%dma_wait3A_1742] : memref<1000xf32, #tpu.memory_space<hbm>> -> memref<1000xf32, #tpu.memory_space<hbm>>
      tpu.wait_dma2 semaphore(%run_scoped3A : memref<!tpu.dma_semaphore, #tpu.memory_space<semaphore_mem>>) src(%dma_wait3A_1743 : memref<1000xf32, #tpu.memory_space<hbm>>) dst(%arg10 : memref<1000xf32, #tpu.memory_space<vmem>>)
      tpu.yield
    }) : () -> ()
    "tpu.region"() ({
      %run_scoped3A = tpu.sem_alloc : memref<!tpu.dma_semaphore, #tpu.memory_space<semaphore_mem>>
      %dma_start3A_1736 = arith.constant 0 : i32
      %dma_start3A_1737 = tpu.memref_slice %arg6[%dma_start3A_1736] : memref<640xi32, #tpu.memory_space<hbm>> -> memref<640xi32, #tpu.memory_space<hbm>>
      %dma_start3A_1738 = arith.constant 0 : i32
      %dma_start3A_1739 = tpu.memref_slice %arg6[%dma_start3A_1738] : memref<640xi32, #tpu.memory_space<hbm>> -> memref<640xi32, #tpu.memory_space<hbm>>
      tpu.enqueue_dma source(%dma_start3A_1739 : memref<640xi32, #tpu.memory_space<hbm>>) target(%arg12 : memref<640xi32, #tpu.memory_space<vmem>>) target_semaphore(%run_scoped3A : memref<!tpu.dma_semaphore, #tpu.memory_space<semaphore_mem>>)
      %dma_wait3A_1740 = arith.constant 0 : i32
      %dma_wait3A_1741 = tpu.memref_slice %arg6[%dma_wait3A_1740] : memref<640xi32, #tpu.memory_space<hbm>> -> memref<640xi32, #tpu.memory_space<hbm>>
      %dma_wait3A_1742 = arith.constant 0 : i32
      %dma_wait3A_1743 = tpu.memref_slice %arg6[%dma_wait3A_1742] : memref<640xi32, #tpu.memory_space<hbm>> -> memref<640xi32, #tpu.memory_space<hbm>>
      tpu.wait_dma2 semaphore(%run_scoped3A : memref<!tpu.dma_semaphore, #tpu.memory_space<semaphore_mem>>) src(%dma_wait3A_1743 : memref<640xi32, #tpu.memory_space<hbm>>) dst(%arg12 : memref<640xi32, #tpu.memory_space<vmem>>)
      tpu.yield
    }) : () -> ()
    %broadcast_in_dim3A = arith.constant 0.000000e+00 : f32
    %broadcast_in_dim3A_5 = vector.broadcast %broadcast_in_dim3A : f32 to vector<16xf32>
    %swap3A = arith.constant 0 : index
    %swap3A_6 = tpu.vector_load %arg14[%swap3A] {strides = array<i32>} : memref<16xf32, #tpu.memory_space<vmem>>, vector<16xf32>,
    tpu.vector_store %arg14[%swap3A], %broadcast_in_dim3A_5 {strides = array<i32>} : memref<16xf32, #tpu.memory_space<vmem>>, vector<16xf32>,
    %broadcast_in_dim3A_7 = arith.constant 0.000000e+00 : f32
    %broadcast_in_dim3A_8 = vector.broadcast %broadcast_in_dim3A_7 : f32 to vector<16xf32>
    %swap3A_9 = arith.constant 0 : index
    %swap3A_10 = tpu.vector_load %arg15[%swap3A_9] {strides = array<i32>} : memref<16xf32, #tpu.memory_space<vmem>>, vector<16xf32>,
    tpu.vector_store %arg15[%swap3A_9], %broadcast_in_dim3A_8 {strides = array<i32>} : memref<16xf32, #tpu.memory_space<vmem>>, vector<16xf32>,
    %get3A = arith.constant 0 : index
    %get3A_11 = tpu.vector_load %arg8[%get3A] {strides = array<i32>} : memref<128xi32, #tpu.memory_space<vmem>>, vector<16xi32>,
    %swap3A_12 = arith.constant 0 : index
    %swap3A_13 = tpu.vector_load %arg11[%swap3A_12] {strides = array<i32>} : memref<32xi32, #tpu.memory_space<vmem>>, vector<16xi32>,
    tpu.vector_store %arg11[%swap3A_12], %get3A_11 {strides = array<i32>} : memref<32xi32, #tpu.memory_space<vmem>>, vector<16xi32>,
    %get3A_14 = arith.constant 16 : index
    %get3A_15 = tpu.vector_load %arg8[%get3A_14] {strides = array<i32>} : memref<128xi32, #tpu.memory_space<vmem>>, vector<16xi32>,
    %swap3A_16 = arith.constant 16 : index
    %swap3A_17 = tpu.vector_load %arg11[%swap3A_16] {strides = array<i32>} : memref<32xi32, #tpu.memory_space<vmem>>, vector<16xi32>,
    tpu.vector_store %arg11[%swap3A_16], %get3A_15 {strides = array<i32>} : memref<32xi32, #tpu.memory_space<vmem>>, vector<16xi32>,
    %dma_start3A = arith.constant 0 : i32
    %dma_start3A_18 = arith.constant 0 : i32
    %dma_start3A_19 = tpu.memref_slice %arg2[%dma_start3A, %dma_start3A_18] : memref<1000x1024xf32, #tpu.memory_space<hbm>> -> memref<1000x1024xf32, #tpu.memory_space<hbm>>
    tpu.enqueue_indirect_dma source(%dma_start3A_19 : memref<1000x1024xf32, #tpu.memory_space<hbm>>) target(%arg13 : memref<32x1024xf32, #tpu.memory_space<vmem>>) offsets(%arg11 : memref<32xi32, #tpu.memory_space<vmem>>) semaphore(%arg16 : memref<!tpu.dma_semaphore, #tpu.memory_space<semaphore_mem>>)
    %dma_wait3A = arith.constant 0 : i32
    %dma_wait3A_20 = arith.constant 0 : i32
    %dma_wait3A_21 = tpu.memref_slice %arg2[%dma_wait3A, %dma_wait3A_20] : memref<1000x1024xf32, #tpu.memory_space<hbm>> -> memref<1000x1024xf32, #tpu.memory_space<hbm>>
    tpu.wait_indirect_dma semaphore(%arg16 : memref<!tpu.dma_semaphore, #tpu.memory_space<semaphore_mem>>) src(%dma_wait3A_21 : memref<1000x1024xf32, #tpu.memory_space<hbm>>) dst(%arg13 : memref<32x1024xf32, #tpu.memory_space<vmem>>)
    %get3A_22 = arith.constant 0 : index
    %get3A_23 = tpu.vector_load %arg12[%get3A_22] {strides = array<i32>} : memref<640xi32, #tpu.memory_space<vmem>>, vector<16xi32>,
    %get3A_24 = arith.constant 0 : index
    %get3A_25 = tpu.vector_load %arg9[%get3A_24] {strides = array<i32>} : memref<2560xi32, #tpu.memory_space<vmem>>, vector<16xi32>,
    %get3A_26 = arith.constant 0 : index
    %get3A_27 = tpu.vector_load %arg15[%get3A_26] {strides = array<i32>} : memref<16xf32, #tpu.memory_space<vmem>>, vector<16xf32>,
    %gather3A = tpu.vector_load_idx %arg13[%get3A_23, %get3A_25] : memref<32x1024xf32, #tpu.memory_space<vmem>>[vector<16xi32>, vector<16xi32>], vector<16xf32>,
    %add3A_28 = arith.addf %get3A_27, %gather3A : vector<16xf32>
    %swap3A_29 = arith.constant 0 : index
    %swap3A_30 = tpu.vector_load %arg15[%swap3A_29] {strides = array<i32>} : memref<16xf32, #tpu.memory_space<vmem>>, vector<16xf32>,
    tpu.vector_store %arg15[%swap3A_29], %add3A_28 {strides = array<i32>} : memref<16xf32, #tpu.memory_space<vmem>>, vector<16xf32>,
    %get3A_31 = arith.constant 16 : index
    %get3A_32 = tpu.vector_load %arg12[%get3A_31] {strides = array<i32>} : memref<640xi32, #tpu.memory_space<vmem>>, vector<16xi32>,
    %get3A_33 = arith.constant 16 : index
    %get3A_34 = tpu.vector_load %arg9[%get3A_33] {strides = array<i32>} : memref<2560xi32, #tpu.memory_space<vmem>>, vector<16xi32>,
    %get3A_35 = arith.constant 0 : index
    %get3A_36 = tpu.vector_load %arg15[%get3A_35] {strides = array<i32>} : memref<16xf32, #tpu.memory_space<vmem>>, vector<16xf32>,
    %gather3A_37 = tpu.vector_load_idx %arg13[%get3A_32, %get3A_34] : memref<32x1024xf32, #tpu.memory_space<vmem>>[vector<16xi32>, vector<16xi32>], vector<16xf32>,
    %add3A_38 = arith.addf %get3A_36, %gather3A_37 : vector<16xf32>
    %swap3A_39 = arith.constant 0 : index
    %swap3A_40 = tpu.vector_load %arg15[%swap3A_39] {strides = array<i32>} : memref<16xf32, #tpu.memory_space<vmem>>, vector<16xf32>,
    tpu.vector_store %arg15[%swap3A_39], %add3A_38 {strides = array<i32>} : memref<16xf32, #tpu.memory_space<vmem>>, vector<16xf32>,
    %get3A_41 = arith.constant 32 : index
    %get3A_42 = tpu.vector_load %arg12[%get3A_41] {strides = array<i32>} : memref<640xi32, #tpu.memory_space<vmem>>, vector<16xi32>,
    %get3A_43 = arith.constant 32 : index
    %get3A_44 = tpu.vector_load %arg9[%get3A_43] {strides = array<i32>} : memref<2560xi32, #tpu.memory_space<vmem>>, vector<16xi32>,
    %get3A_45 = arith.constant 0 : index
    %get3A_46 = tpu.vector_load %arg15[%get3A_45] {strides = array<i32>} : memref<16xf32, #tpu.memory_space<vmem>>, vector<16xf32>,
    %gather3A_47 = tpu.vector_load_idx %arg13[%get3A_42, %get3A_44] : memref<32x1024xf32, #tpu.memory_space<vmem>>[vector<16xi32>, vector<16xi32>], vector<16xf32>,
    %add3A_48 = arith.addf %get3A_46, %gather3A_47 : vector<16xf32>
    %swap3A_49 = arith.constant 0 : index
    %swap3A_50 = tpu.vector_load %arg15[%swap3A_49] {strides = array<i32>} : memref<16xf32, #tpu.memory_space<vmem>>, vector<16xf32>,
    tpu.vector_store %arg15[%swap3A_49], %add3A_48 {strides = array<i32>} : memref<16xf32, #tpu.memory_space<vmem>>, vector<16xf32>,
    %get3A_51 = arith.constant 48 : index
    %get3A_52 = tpu.vector_load %arg12[%get3A_51] {strides = array<i32>} : memref<640xi32, #tpu.memory_space<vmem>>, vector<16xi32>,
    %get3A_53 = arith.constant 48 : index
    %get3A_54 = tpu.vector_load %arg9[%get3A_53] {strides = array<i32>} : memref<2560xi32, #tpu.memory_space<vmem>>, vector<16xi32>,
    %get3A_55 = arith.constant 0 : index
    %get3A_56 = tpu.vector_load %arg15[%get3A_55] {strides = array<i32>} : memref<16xf32, #tpu.memory_space<vmem>>, vector<16xf32>,
    %gather3A_57 = tpu.vector_load_idx %arg13[%get3A_52, %get3A_54] : memref<32x1024xf32, #tpu.memory_space<vmem>>[vector<16xi32>, vector<16xi32>], vector<16xf32>,
    %add3A_58 = arith.addf %get3A_56, %gather3A_57 : vector<16xf32>
    %swap3A_59 = arith.constant 0 : index
    %swap3A_60 = tpu.vector_load %arg15[%swap3A_59] {strides = array<i32>} : memref<16xf32, #tpu.memory_space<vmem>>, vector<16xf32>,
    tpu.vector_store %arg15[%swap3A_59], %add3A_58 {strides = array<i32>} : memref<16xf32, #tpu.memory_space<vmem>>, vector<16xf32>,
    %get3A_61 = arith.constant 64 : index
    %get3A_62 = tpu.vector_load %arg12[%get3A_61] {strides = array<i32>} : memref<640xi32, #tpu.memory_space<vmem>>, vector<16xi32>,
    %get3A_63 = arith.constant 64 : index
    %get3A_64 = tpu.vector_load %arg9[%get3A_63] {strides = array<i32>} : memref<2560xi32, #tpu.memory_space<vmem>>, vector<16xi32>,
    %get3A_65 = arith.constant 0 : index
    %get3A_66 = tpu.vector_load %arg15[%get3A_65] {strides = array<i32>} : memref<16xf32, #tpu.memory_space<vmem>>, vector<16xf32>,
    %gather3A_67 = tpu.vector_load_idx %arg13[%get3A_62, %get3A_64] : memref<32x1024xf32, #tpu.memory_space<vmem>>[vector<16xi32>, vector<16xi32>], vector<16xf32>,
    %add3A_68 = arith.addf %get3A_66, %gather3A_67 : vector<16xf32>
    %swap3A_69 = arith.constant 0 : index
    %swap3A_70 = tpu.vector_load %arg15[%swap3A_69] {strides = array<i32>} : memref<16xf32, #tpu.memory_space<vmem>>, vector<16xf32>,
    tpu.vector_store %arg15[%swap3A_69], %add3A_68 {strides = array<i32>} : memref<16xf32, #tpu.memory_space<vmem>>, vector<16xf32>,
    %get3A_71 = arith.constant 80 : index
    %get3A_72 = tpu.vector_load %arg12[%get3A_71] {strides = array<i32>} : memref<640xi32, #tpu.memory_space<vmem>>, vector<16xi32>,
    %get3A_73 = arith.constant 80 : index
    %get3A_74 = tpu.vector_load %arg9[%get3A_73] {strides = array<i32>} : memref<2560xi32, #tpu.memory_space<vmem>>, vector<16xi32>,
    %get3A_75 = arith.constant 0 : index
    %get3A_76 = tpu.vector_load %arg15[%get3A_75] {strides = array<i32>} : memref<16xf32, #tpu.memory_space<vmem>>, vector<16xf32>,
    %gather3A_77 = tpu.vector_load_idx %arg13[%get3A_72, %get3A_74] : memref<32x1024xf32, #tpu.memory_space<vmem>>[vector<16xi32>, vector<16xi32>], vector<16xf32>,
    %add3A_78 = arith.addf %get3A_76, %gather3A_77 : vector<16xf32>
    %swap3A_79 = arith.constant 0 : index
    %swap3A_80 = tpu.vector_load %arg15[%swap3A_79] {strides = array<i32>} : memref<16xf32, #tpu.memory_space<vmem>>, vector<16xf32>,
    tpu.vector_store %arg15[%swap3A_79], %add3A_78 {strides = array<i32>} : memref<16xf32, #tpu.memory_space<vmem>>, vector<16xf32>,
    %get3A_81 = arith.constant 96 : index
    %get3A_82 = tpu.vector_load %arg12[%get3A_81] {strides = array<i32>} : memref<640xi32, #tpu.memory_space<vmem>>, vector<16xi32>,
    %get3A_83 = arith.constant 96 : index
    %get3A_84 = tpu.vector_load %arg9[%get3A_83] {strides = array<i32>} : memref<2560xi32, #tpu.memory_space<vmem>>, vector<16xi32>,
    %get3A_85 = arith.constant 0 : index
    %get3A_86 = tpu.vector_load %arg15[%get3A_85] {strides = array<i32>} : memref<16xf32, #tpu.memory_space<vmem>>, vector<16xf32>,
    %gather3A_87 = tpu.vector_load_idx %arg13[%get3A_82, %get3A_84] : memref<32x1024xf32, #tpu.memory_space<vmem>>[vector<16xi32>, vector<16xi32>], vector<16xf32>,
    %add3A_88 = arith.addf %get3A_86, %gather3A_87 : vector<16xf32>
    %swap3A_89 = arith.constant 0 : index
    %swap3A_90 = tpu.vector_load %arg15[%swap3A_89] {strides = array<i32>} : memref<16xf32, #tpu.memory_space<vmem>>, vector<16xf32>,
    tpu.vector_store %arg15[%swap3A_89], %add3A_88 {strides = array<i32>} : memref<16xf32, #tpu.memory_space<vmem>>, vector<16xf32>,
    %get3A_91 = arith.constant 112 : index
    %get3A_92 = tpu.vector_load %arg12[%get3A_91] {strides = array<i32>} : memref<640xi32, #tpu.memory_space<vmem>>, vector<16xi32>,
    %get3A_93 = arith.constant 112 : index
    %get3A_94 = tpu.vector_load %arg9[%get3A_93] {strides = array<i32>} : memref<2560xi32, #tpu.memory_space<vmem>>, vector<16xi32>,
    %get3A_95 = arith.constant 0 : index
    %get3A_96 = tpu.vector_load %arg15[%get3A_95] {strides = array<i32>} : memref<16xf32, #tpu.memory_space<vmem>>, vector<16xf32>,
    %gather3A_97 = tpu.vector_load_idx %arg13[%get3A_92, %get3A_94] : memref<32x1024xf32, #tpu.memory_space<vmem>>[vector<16xi32>, vector<16xi32>], vector<16xf32>,
    %add3A_98 = arith.addf %get3A_96, %gather3A_97 : vector<16xf32>
    %swap3A_99 = arith.constant 0 : index
    %swap3A_100 = tpu.vector_load %arg15[%swap3A_99] {strides = array<i32>} : memref<16xf32, #tpu.memory_space<vmem>>, vector<16xf32>,
    tpu.vector_store %arg15[%swap3A_99], %add3A_98 {strides = array<i32>} : memref<16xf32, #tpu.memory_space<vmem>>, vector<16xf32>,
    %get3A_101 = arith.constant 128 : index
    %get3A_102 = tpu.vector_load %arg12[%get3A_101] {strides = array<i32>} : memref<640xi32, #tpu.memory_space<vmem>>, vector<16xi32>,
    %get3A_103 = arith.constant 128 : index
    %get3A_104 = tpu.vector_load %arg9[%get3A_103] {strides = array<i32>} : memref<2560xi32, #tpu.memory_space<vmem>>, vector<16xi32>,
    %get3A_105 = arith.constant 0 : index
    %get3A_106 = tpu.vector_load %arg15[%get3A_105] {strides = array<i32>} : memref<16xf32, #tpu.memory_space<vmem>>, vector<16xf32>,
    %gather3A_107 = tpu.vector_load_idx %arg13[%get3A_102, %get3A_104] : memref<32x1024xf32, #tpu.memory_space<vmem>>[vector<16xi32>, vector<16xi32>], vector<16xf32>,
    %add3A_108 = arith.addf %get3A_106, %gather3A_107 : vector<16xf32>
    %swap3A_109 = arith.constant 0 : index
    %swap3A_110 = tpu.vector_load %arg15[%swap3A_109] {strides = array<i32>} : memref<16xf32, #tpu.memory_space<vmem>>, vector<16xf32>,
    tpu.vector_store %arg15[%swap3A_109], %add3A_108 {strides = array<i32>} : memref<16xf32, #tpu.memory_space<vmem>>, vector<16xf32>,
    %get3A_111 = arith.constant 144 : index
    %get3A_112 = tpu.vector_load %arg12[%get3A_111] {strides = array<i32>} : memref<640xi32, #tpu.memory_space<vmem>>, vector<16xi32>,
    %get3A_113 = arith.constant 144 : index
    %get3A_114 = tpu.vector_load %arg9[%get3A_113] {strides = array<i32>} : memref<2560xi32, #tpu.memory_space<vmem>>, vector<16xi32>,
    %get3A_115 = arith.constant 0 : index
    %get3A_116 = tpu.vector_load %arg15[%get3A_115] {strides = array<i32>} : memref<16xf32, #tpu.memory_space<vmem>>, vector<16xf32>,
    %gather3A_117 = tpu.vector_load_idx %arg13[%get3A_112, %get3A_114] : memref<32x1024xf32, #tpu.memory_space<vmem>>[vector<16xi32>, vector<16xi32>], vector<16xf32>,
    %add3A_118 = arith.addf %get3A_116, %gather3A_117 : vector<16xf32>
    %swap3A_119 = arith.constant 0 : index
    %swap3A_120 = tpu.vector_load %arg15[%swap3A_119] {strides = array<i32>} : memref<16xf32, #tpu.memory_space<vmem>>, vector<16xf32>,
    tpu.vector_store %arg15[%swap3A_119], %add3A_118 {strides = array<i32>} : memref<16xf32, #tpu.memory_space<vmem>>, vector<16xf32>,
    %get3A_121 = arith.constant 160 : index
    %get3A_122 = tpu.vector_load %arg12[%get3A_121] {strides = array<i32>} : memref<640xi32, #tpu.memory_space<vmem>>, vector<16xi32>,
    %get3A_123 = arith.constant 160 : index
    %get3A_124 = tpu.vector_load %arg9[%get3A_123] {strides = array<i32>} : memref<2560xi32, #tpu.memory_space<vmem>>, vector<16xi32>,
    %get3A_125 = arith.constant 0 : index
    %get3A_126 = tpu.vector_load %arg15[%get3A_125] {strides = array<i32>} : memref<16xf32, #tpu.memory_space<vmem>>, vector<16xf32>,
    %gather3A_127 = tpu.vector_load_idx %arg13[%get3A_122, %get3A_124] : memref<32x1024xf32, #tpu.memory_space<vmem>>[vector<16xi32>, vector<16xi32>], vector<16xf32>,
    %add3A_128 = arith.addf %get3A_126, %gather3A_127 : vector<16xf32>
    %swap3A_129 = arith.constant 0 : index
    %swap3A_130 = tpu.vector_load %arg15[%swap3A_129] {strides = array<i32>} : memref<16xf32, #tpu.memory_space<vmem>>, vector<16xf32>,
    tpu.vector_store %arg15[%swap3A_129], %add3A_128 {strides = array<i32>} : memref<16xf32, #tpu.memory_space<vmem>>, vector<16xf32>,
    %get3A_131 = arith.constant 176 : index
    %get3A_132 = tpu.vector_load %arg12[%get3A_131] {strides = array<i32>} : memref<640xi32, #tpu.memory_space<vmem>>, vector<16xi32>,
    %get3A_133 = arith.constant 176 : index
    %get3A_134 = tpu.vector_load %arg9[%get3A_133] {strides = array<i32>} : memref<2560xi32, #tpu.memory_space<vmem>>, vector<16xi32>,
    %get3A_135 = arith.constant 0 : index
    %get3A_136 = tpu.vector_load %arg15[%get3A_135] {strides = array<i32>} : memref<16xf32, #tpu.memory_space<vmem>>, vector<16xf32>,
    %gather3A_137 = tpu.vector_load_idx %arg13[%get3A_132, %get3A_134] : memref<32x1024xf32, #tpu.memory_space<vmem>>[vector<16xi32>, vector<16xi32>], vector<16xf32>,
    %add3A_138 = arith.addf %get3A_136, %gather3A_137 : vector<16xf32>
    %swap3A_139 = arith.constant 0 : index
    %swap3A_140 = tpu.vector_load %arg15[%swap3A_139] {strides = array<i32>} : memref<16xf32, #tpu.memory_space<vmem>>, vector<16xf32>,
    tpu.vector_store %arg15[%swap3A_139], %add3A_138 {strides = array<i32>} : memref<16xf32, #tpu.memory_space<vmem>>, vector<16xf32>,
    %get3A_141 = arith.constant 192 : index
    %get3A_142 = tpu.vector_load %arg12[%get3A_141] {strides = array<i32>} : memref<640xi32, #tpu.memory_space<vmem>>, vector<16xi32>,
    %get3A_143 = arith.constant 192 : index
    %get3A_144 = tpu.vector_load %arg9[%get3A_143] {strides = array<i32>} : memref<2560xi32, #tpu.memory_space<vmem>>, vector<16xi32>,
    %get3A_145 = arith.constant 0 : index
    %get3A_146 = tpu.vector_load %arg15[%get3A_145] {strides = array<i32>} : memref<16xf32, #tpu.memory_space<vmem>>, vector<16xf32>,
    %gather3A_147 = tpu.vector_load_idx %arg13[%get3A_142, %get3A_144] : memref<32x1024xf32, #tpu.memory_space<vmem>>[vector<16xi32>, vector<16xi32>], vector<16xf32>,
    %add3A_148 = arith.addf %get3A_146, %gather3A_147 : vector<16xf32>
    %swap3A_149 = arith.constant 0 : index
    %swap3A_150 = tpu.vector_load %arg15[%swap3A_149] {strides = array<i32>} : memref<16xf32, #tpu.memory_space<vmem>>, vector<16xf32>,
    tpu.vector_store %arg15[%swap3A_149], %add3A_148 {strides = array<i32>} : memref<16xf32, #tpu.memory_space<vmem>>, vector<16xf32>,
    %get3A_151 = arith.constant 208 : index
    %get3A_152 = tpu.vector_load %arg12[%get3A_151] {strides = array<i32>} : memref<640xi32, #tpu.memory_space<vmem>>, vector<16xi32>,
    %get3A_153 = arith.constant 208 : index
    %get3A_154 = tpu.vector_load %arg9[%get3A_153] {strides = array<i32>} : memref<2560xi32, #tpu.memory_space<vmem>>, vector<16xi32>,
    %get3A_155 = arith.constant 0 : index
    %get3A_156 = tpu.vector_load %arg15[%get3A_155] {strides = array<i32>} : memref<16xf32, #tpu.memory_space<vmem>>, vector<16xf32>,
    %gather3A_157 = tpu.vector_load_idx %arg13[%get3A_152, %get3A_154] : memref<32x1024xf32, #tpu.memory_space<vmem>>[vector<16xi32>, vector<16xi32>], vector<16xf32>,
    %add3A_158 = arith.addf %get3A_156, %gather3A_157 : vector<16xf32>
    %swap3A_159 = arith.constant 0 : index
    %swap3A_160 = tpu.vector_load %arg15[%swap3A_159] {strides = array<i32>} : memref<16xf32, #tpu.memory_space<vmem>>, vector<16xf32>,
    tpu.vector_store %arg15[%swap3A_159], %add3A_158 {strides = array<i32>} : memref<16xf32, #tpu.memory_space<vmem>>, vector<16xf32>,
    %get3A_161 = arith.constant 224 : index
    %get3A_162 = tpu.vector_load %arg12[%get3A_161] {strides = array<i32>} : memref<640xi32, #tpu.memory_space<vmem>>, vector<16xi32>,
    %get3A_163 = arith.constant 224 : index
    %get3A_164 = tpu.vector_load %arg9[%get3A_163] {strides = array<i32>} : memref<2560xi32, #tpu.memory_space<vmem>>, vector<16xi32>,
    %get3A_165 = arith.constant 0 : index
    %get3A_166 = tpu.vector_load %arg15[%get3A_165] {strides = array<i32>} : memref<16xf32, #tpu.memory_space<vmem>>, vector<16xf32>,
    %gather3A_167 = tpu.vector_load_idx %arg13[%get3A_162, %get3A_164] : memref<32x1024xf32, #tpu.memory_space<vmem>>[vector<16xi32>, vector<16xi32>], vector<16xf32>,
    %add3A_168 = arith.addf %get3A_166, %gather3A_167 : vector<16xf32>
    %swap3A_169 = arith.constant 0 : index
    %swap3A_170 = tpu.vector_load %arg15[%swap3A_169] {strides = array<i32>} : memref<16xf32, #tpu.memory_space<vmem>>, vector<16xf32>,
    tpu.vector_store %arg15[%swap3A_169], %add3A_168 {strides = array<i32>} : memref<16xf32, #tpu.memory_space<vmem>>, vector<16xf32>,
    %get3A_171 = arith.constant 240 : index
    %get3A_172 = tpu.vector_load %arg12[%get3A_171] {strides = array<i32>} : memref<640xi32, #tpu.memory_space<vmem>>, vector<16xi32>,
    %get3A_173 = arith.constant 240 : index
    %get3A_174 = tpu.vector_load %arg9[%get3A_173] {strides = array<i32>} : memref<2560xi32, #tpu.memory_space<vmem>>, vector<16xi32>,
    %get3A_175 = arith.constant 0 : index
    %get3A_176 = tpu.vector_load %arg15[%get3A_175] {strides = array<i32>} : memref<16xf32, #tpu.memory_space<vmem>>, vector<16xf32>,
    %gather3A_177 = tpu.vector_load_idx %arg13[%get3A_172, %get3A_174] : memref<32x1024xf32, #tpu.memory_space<vmem>>[vector<16xi32>, vector<16xi32>], vector<16xf32>,
    %add3A_178 = arith.addf %get3A_176, %gather3A_177 : vector<16xf32>
    %swap3A_179 = arith.constant 0 : index
    %swap3A_180 = tpu.vector_load %arg15[%swap3A_179] {strides = array<i32>} : memref<16xf32, #tpu.memory_space<vmem>>, vector<16xf32>,
    tpu.vector_store %arg15[%swap3A_179], %add3A_178 {strides = array<i32>} : memref<16xf32, #tpu.memory_space<vmem>>, vector<16xf32>,
    %get3A_181 = arith.constant 256 : index
    %get3A_182 = tpu.vector_load %arg12[%get3A_181] {strides = array<i32>} : memref<640xi32, #tpu.memory_space<vmem>>, vector<16xi32>,
    %get3A_183 = arith.constant 256 : index
    %get3A_184 = tpu.vector_load %arg9[%get3A_183] {strides = array<i32>} : memref<2560xi32, #tpu.memory_space<vmem>>, vector<16xi32>,
    %get3A_185 = arith.constant 0 : index
    %get3A_186 = tpu.vector_load %arg15[%get3A_185] {strides = array<i32>} : memref<16xf32, #tpu.memory_space<vmem>>, vector<16xf32>,
    %gather3A_187 = tpu.vector_load_idx %arg13[%get3A_182, %get3A_184] : memref<32x1024xf32, #tpu.memory_space<vmem>>[vector<16xi32>, vector<16xi32>], vector<16xf32>,
    %add3A_188 = arith.addf %get3A_186, %gather3A_187 : vector<16xf32>
    %swap3A_189 = arith.constant 0 : index
    %swap3A_190 = tpu.vector_load %arg15[%swap3A_189] {strides = array<i32>} : memref<16xf32, #tpu.memory_space<vmem>>, vector<16xf32>,
    tpu.vector_store %arg15[%swap3A_189], %add3A_188 {strides = array<i32>} : memref<16xf32, #tpu.memory_space<vmem>>, vector<16xf32>,
    %get3A_191 = arith.constant 272 : index
    %get3A_192 = tpu.vector_load %arg12[%get3A_191] {strides = array<i32>} : memref<640xi32, #tpu.memory_space<vmem>>, vector<16xi32>,
    %get3A_193 = arith.constant 272 : index
    %get3A_194 = tpu.vector_load %arg9[%get3A_193] {strides = array<i32>} : memref<2560xi32, #tpu.memory_space<vmem>>, vector<16xi32>,
    %get3A_195 = arith.constant 0 : index
    %get3A_196 = tpu.vector_load %arg15[%get3A_195] {strides = array<i32>} : memref<16xf32, #tpu.memory_space<vmem>>, vector<16xf32>,
    %gather3A_197 = tpu.vector_load_idx %arg13[%get3A_192, %get3A_194] : memref<32x1024xf32, #tpu.memory_space<vmem>>[vector<16xi32>, vector<16xi32>], vector<16xf32>,
    %add3A_198 = arith.addf %get3A_196, %gather3A_197 : vector<16xf32>
    %swap3A_199 = arith.constant 0 : index
    %swap3A_200 = tpu.vector_load %arg15[%swap3A_199] {strides = array<i32>} : memref<16xf32, #tpu.memory_space<vmem>>, vector<16xf32>,
    tpu.vector_store %arg15[%swap3A_199], %add3A_198 {strides = array<i32>} : memref<16xf32, #tpu.memory_space<vmem>>, vector<16xf32>,
    %get3A_201 = arith.constant 288 : index
    %get3A_202 = tpu.vector_load %arg12[%get3A_201] {strides = array<i32>} : memref<640xi32, #tpu.memory_space<vmem>>, vector<16xi32>,
    %get3A_203 = arith.constant 288 : index
    %get3A_204 = tpu.vector_load %arg9[%get3A_203] {strides = array<i32>} : memref<2560xi32, #tpu.memory_space<vmem>>, vector<16xi32>,
    %get3A_205 = arith.constant 0 : index
    %get3A_206 = tpu.vector_load %arg15[%get3A_205] {strides = array<i32>} : memref<16xf32, #tpu.memory_space<vmem>>, vector<16xf32>,
    %gather3A_207 = tpu.vector_load_idx %arg13[%get3A_202, %get3A_204] : memref<32x1024xf32, #tpu.memory_space<vmem>>[vector<16xi32>, vector<16xi32>], vector<16xf32>,
    %add3A_208 = arith.addf %get3A_206, %gather3A_207 : vector<16xf32>
    %swap3A_209 = arith.constant 0 : index
    %swap3A_210 = tpu.vector_load %arg15[%swap3A_209] {strides = array<i32>} : memref<16xf32, #tpu.memory_space<vmem>>, vector<16xf32>,
    tpu.vector_store %arg15[%swap3A_209], %add3A_208 {strides = array<i32>} : memref<16xf32, #tpu.memory_space<vmem>>, vector<16xf32>,
    %get3A_211 = arith.constant 304 : index
    %get3A_212 = tpu.vector_load %arg12[%get3A_211] {strides = array<i32>} : memref<640xi32, #tpu.memory_space<vmem>>, vector<16xi32>,
    %get3A_213 = arith.constant 304 : index
    %get3A_214 = tpu.vector_load %arg9[%get3A_213] {strides = array<i32>} : memref<2560xi32, #tpu.memory_space<vmem>>, vector<16xi32>,
    %get3A_215 = arith.constant 0 : index
    %get3A_216 = tpu.vector_load %arg15[%get3A_215] {strides = array<i32>} : memref<16xf32, #tpu.memory_space<vmem>>, vector<16xf32>,
    %gather3A_217 = tpu.vector_load_idx %arg13[%get3A_212, %get3A_214] : memref<32x1024xf32, #tpu.memory_space<vmem>>[vector<16xi32>, vector<16xi32>], vector<16xf32>,
    %add3A_218 = arith.addf %get3A_216, %gather3A_217 : vector<16xf32>
    %swap3A_219 = arith.constant 0 : index
    %swap3A_220 = tpu.vector_load %arg15[%swap3A_219] {strides = array<i32>} : memref<16xf32, #tpu.memory_space<vmem>>, vector<16xf32>,
    tpu.vector_store %arg15[%swap3A_219], %add3A_218 {strides = array<i32>} : memref<16xf32, #tpu.memory_space<vmem>>, vector<16xf32>,
    %get3A_221 = arith.constant 320 : index
    %get3A_222 = tpu.vector_load %arg12[%get3A_221] {strides = array<i32>} : memref<640xi32, #tpu.memory_space<vmem>>, vector<16xi32>,
    %get3A_223 = arith.constant 320 : index
    %get3A_224 = tpu.vector_load %arg9[%get3A_223] {strides = array<i32>} : memref<2560xi32, #tpu.memory_space<vmem>>, vector<16xi32>,
    %get3A_225 = arith.constant 0 : index
    %get3A_226 = tpu.vector_load %arg15[%get3A_225] {strides = array<i32>} : memref<16xf32, #tpu.memory_space<vmem>>, vector<16xf32>,
    %gather3A_227 = tpu.vector_load_idx %arg13[%get3A_222, %get3A_224] : memref<32x1024xf32, #tpu.memory_space<vmem>>[vector<16xi32>, vector<16xi32>], vector<16xf32>,
    %add3A_228 = arith.addf %get3A_226, %gather3A_227 : vector<16xf32>
    %swap3A_229 = arith.constant 0 : index
    %swap3A_230 = tpu.vector_load %arg15[%swap3A_229] {strides = array<i32>} : memref<16xf32, #tpu.memory_space<vmem>>, vector<16xf32>,
    tpu.vector_store %arg15[%swap3A_229], %add3A_228 {strides = array<i32>} : memref<16xf32, #tpu.memory_space<vmem>>, vector<16xf32>,
    %get3A_231 = arith.constant 336 : index
    %get3A_232 = tpu.vector_load %arg12[%get3A_231] {strides = array<i32>} : memref<640xi32, #tpu.memory_space<vmem>>, vector<16xi32>,
    %get3A_233 = arith.constant 336 : index
    %get3A_234 = tpu.vector_load %arg9[%get3A_233] {strides = array<i32>} : memref<2560xi32, #tpu.memory_space<vmem>>, vector<16xi32>,
    %get3A_235 = arith.constant 0 : index
    %get3A_236 = tpu.vector_load %arg15[%get3A_235] {strides = array<i32>} : memref<16xf32, #tpu.memory_space<vmem>>, vector<16xf32>,
    %gather3A_237 = tpu.vector_load_idx %arg13[%get3A_232, %get3A_234] : memref<32x1024xf32, #tpu.memory_space<vmem>>[vector<16xi32>, vector<16xi32>], vector<16xf32>,
    %add3A_238 = arith.addf %get3A_236, %gather3A_237 : vector<16xf32>
    %swap3A_239 = arith.constant 0 : index
    %swap3A_240 = tpu.vector_load %arg15[%swap3A_239] {strides = array<i32>} : memref<16xf32, #tpu.memory_space<vmem>>, vector<16xf32>,
    tpu.vector_store %arg15[%swap3A_239], %add3A_238 {strides = array<i32>} : memref<16xf32, #tpu.memory_space<vmem>>, vector<16xf32>,
    %get3A_241 = arith.constant 352 : index
    %get3A_242 = tpu.vector_load %arg12[%get3A_241] {strides = array<i32>} : memref<640xi32, #tpu.memory_space<vmem>>, vector<16xi32>,
    %get3A_243 = arith.constant 352 : index
    %get3A_244 = tpu.vector_load %arg9[%get3A_243] {strides = array<i32>} : memref<2560xi32, #tpu.memory_space<vmem>>, vector<16xi32>,
    %get3A_245 = arith.constant 0 : index
    %get3A_246 = tpu.vector_load %arg15[%get3A_245] {strides = array<i32>} : memref<16xf32, #tpu.memory_space<vmem>>, vector<16xf32>,
    %gather3A_247 = tpu.vector_load_idx %arg13[%get3A_242, %get3A_244] : memref<32x1024xf32, #tpu.memory_space<vmem>>[vector<16xi32>, vector<16xi32>], vector<16xf32>,
    %add3A_248 = arith.addf %get3A_246, %gather3A_247 : vector<16xf32>
    %swap3A_249 = arith.constant 0 : index
    %swap3A_250 = tpu.vector_load %arg15[%swap3A_249] {strides = array<i32>} : memref<16xf32, #tpu.memory_space<vmem>>, vector<16xf32>,
    tpu.vector_store %arg15[%swap3A_249], %add3A_248 {strides = array<i32>} : memref<16xf32, #tpu.memory_space<vmem>>, vector<16xf32>,
    %get3A_251 = arith.constant 368 : index
    %get3A_252 = tpu.vector_load %arg12[%get3A_251] {strides = array<i32>} : memref<640xi32, #tpu.memory_space<vmem>>, vector<16xi32>,
    %get3A_253 = arith.constant 368 : index
    %get3A_254 = tpu.vector_load %arg9[%get3A_253] {strides = array<i32>} : memref<2560xi32, #tpu.memory_space<vmem>>, vector<16xi32>,
    %get3A_255 = arith.constant 0 : index
    %get3A_256 = tpu.vector_load %arg15[%get3A_255] {strides = array<i32>} : memref<16xf32, #tpu.memory_space<vmem>>, vector<16xf32>,
    %gather3A_257 = tpu.vector_load_idx %arg13[%get3A_252, %get3A_254] : memref<32x1024xf32, #tpu.memory_space<vmem>>[vector<16xi32>, vector<16xi32>], vector<16xf32>,
    %add3A_258 = arith.addf %get3A_256, %gather3A_257 : vector<16xf32>
    %swap3A_259 = arith.constant 0 : index
    %swap3A_260 = tpu.vector_load %arg15[%swap3A_259] {strides = array<i32>} : memref<16xf32, #tpu.memory_space<vmem>>, vector<16xf32>,
    tpu.vector_store %arg15[%swap3A_259], %add3A_258 {strides = array<i32>} : memref<16xf32, #tpu.memory_space<vmem>>, vector<16xf32>,
    %get3A_261 = arith.constant 384 : index
    %get3A_262 = tpu.vector_load %arg12[%get3A_261] {strides = array<i32>} : memref<640xi32, #tpu.memory_space<vmem>>, vector<16xi32>,
    %get3A_263 = arith.constant 384 : index
    %get3A_264 = tpu.vector_load %arg9[%get3A_263] {strides = array<i32>} : memref<2560xi32, #tpu.memory_space<vmem>>, vector<16xi32>,
    %get3A_265 = arith.constant 0 : index
    %get3A_266 = tpu.vector_load %arg15[%get3A_265] {strides = array<i32>} : memref<16xf32, #tpu.memory_space<vmem>>, vector<16xf32>,
    %gather3A_267 = tpu.vector_load_idx %arg13[%get3A_262, %get3A_264] : memref<32x1024xf32, #tpu.memory_space<vmem>>[vector<16xi32>, vector<16xi32>], vector<16xf32>,
    %add3A_268 = arith.addf %get3A_266, %gather3A_267 : vector<16xf32>
    %swap3A_269 = arith.constant 0 : index
    %swap3A_270 = tpu.vector_load %arg15[%swap3A_269] {strides = array<i32>} : memref<16xf32, #tpu.memory_space<vmem>>, vector<16xf32>,
    tpu.vector_store %arg15[%swap3A_269], %add3A_268 {strides = array<i32>} : memref<16xf32, #tpu.memory_space<vmem>>, vector<16xf32>,
    %get3A_271 = arith.constant 400 : index
    %get3A_272 = tpu.vector_load %arg12[%get3A_271] {strides = array<i32>} : memref<640xi32, #tpu.memory_space<vmem>>, vector<16xi32>,
    %get3A_273 = arith.constant 400 : index
    %get3A_274 = tpu.vector_load %arg9[%get3A_273] {strides = array<i32>} : memref<2560xi32, #tpu.memory_space<vmem>>, vector<16xi32>,
    %get3A_275 = arith.constant 0 : index
    %get3A_276 = tpu.vector_load %arg15[%get3A_275] {strides = array<i32>} : memref<16xf32, #tpu.memory_space<vmem>>, vector<16xf32>,
    %gather3A_277 = tpu.vector_load_idx %arg13[%get3A_272, %get3A_274] : memref<32x1024xf32, #tpu.memory_space<vmem>>[vector<16xi32>, vector<16xi32>], vector<16xf32>,
    %add3A_278 = arith.addf %get3A_276, %gather3A_277 : vector<16xf32>
    %swap3A_279 = arith.constant 0 : index
    %swap3A_280 = tpu.vector_load %arg15[%swap3A_279] {strides = array<i32>} : memref<16xf32, #tpu.memory_space<vmem>>, vector<16xf32>,
    tpu.vector_store %arg15[%swap3A_279], %add3A_278 {strides = array<i32>} : memref<16xf32, #tpu.memory_space<vmem>>, vector<16xf32>,
    %get3A_281 = arith.constant 416 : index
    %get3A_282 = tpu.vector_load %arg12[%get3A_281] {strides = array<i32>} : memref<640xi32, #tpu.memory_space<vmem>>, vector<16xi32>,
    %get3A_283 = arith.constant 416 : index
    %get3A_284 = tpu.vector_load %arg9[%get3A_283] {strides = array<i32>} : memref<2560xi32, #tpu.memory_space<vmem>>, vector<16xi32>,
    %get3A_285 = arith.constant 0 : index
    %get3A_286 = tpu.vector_load %arg15[%get3A_285] {strides = array<i32>} : memref<16xf32, #tpu.memory_space<vmem>>, vector<16xf32>,
    %gather3A_287 = tpu.vector_load_idx %arg13[%get3A_282, %get3A_284] : memref<32x1024xf32, #tpu.memory_space<vmem>>[vector<16xi32>, vector<16xi32>], vector<16xf32>,
    %add3A_288 = arith.addf %get3A_286, %gather3A_287 : vector<16xf32>
    %swap3A_289 = arith.constant 0 : index
    %swap3A_290 = tpu.vector_load %arg15[%swap3A_289] {strides = array<i32>} : memref<16xf32, #tpu.memory_space<vmem>>, vector<16xf32>,
    tpu.vector_store %arg15[%swap3A_289], %add3A_288 {strides = array<i32>} : memref<16xf32, #tpu.memory_space<vmem>>, vector<16xf32>,
    %get3A_291 = arith.constant 432 : index
    %get3A_292 = tpu.vector_load %arg12[%get3A_291] {strides = array<i32>} : memref<640xi32, #tpu.memory_space<vmem>>, vector<16xi32>,
    %get3A_293 = arith.constant 432 : index
    %get3A_294 = tpu.vector_load %arg9[%get3A_293] {strides = array<i32>} : memref<2560xi32, #tpu.memory_space<vmem>>, vector<16xi32>,
    %get3A_295 = arith.constant 0 : index
    %get3A_296 = tpu.vector_load %arg15[%get3A_295] {strides = array<i32>} : memref<16xf32, #tpu.memory_space<vmem>>, vector<16xf32>,
    %gather3A_297 = tpu.vector_load_idx %arg13[%get3A_292, %get3A_294] : memref<32x1024xf32, #tpu.memory_space<vmem>>[vector<16xi32>, vector<16xi32>], vector<16xf32>,
    %add3A_298 = arith.addf %get3A_296, %gather3A_297 : vector<16xf32>
    %swap3A_299 = arith.constant 0 : index
    %swap3A_300 = tpu.vector_load %arg15[%swap3A_299] {strides = array<i32>} : memref<16xf32, #tpu.memory_space<vmem>>, vector<16xf32>,
    tpu.vector_store %arg15[%swap3A_299], %add3A_298 {strides = array<i32>} : memref<16xf32, #tpu.memory_space<vmem>>, vector<16xf32>,
    %get3A_301 = arith.constant 448 : index
    %get3A_302 = tpu.vector_load %arg12[%get3A_301] {strides = array<i32>} : memref<640xi32, #tpu.memory_space<vmem>>, vector<16xi32>,
    %get3A_303 = arith.constant 448 : index
    %get3A_304 = tpu.vector_load %arg9[%get3A_303] {strides = array<i32>} : memref<2560xi32, #tpu.memory_space<vmem>>, vector<16xi32>,
    %get3A_305 = arith.constant 0 : index
    %get3A_306 = tpu.vector_load %arg15[%get3A_305] {strides = array<i32>} : memref<16xf32, #tpu.memory_space<vmem>>, vector<16xf32>,
    %gather3A_307 = tpu.vector_load_idx %arg13[%get3A_302, %get3A_304] : memref<32x1024xf32, #tpu.memory_space<vmem>>[vector<16xi32>, vector<16xi32>], vector<16xf32>,
    %add3A_308 = arith.addf %get3A_306, %gather3A_307 : vector<16xf32>
    %swap3A_309 = arith.constant 0 : index
    %swap3A_310 = tpu.vector_load %arg15[%swap3A_309] {strides = array<i32>} : memref<16xf32, #tpu.memory_space<vmem>>, vector<16xf32>,
    tpu.vector_store %arg15[%swap3A_309], %add3A_308 {strides = array<i32>} : memref<16xf32, #tpu.memory_space<vmem>>, vector<16xf32>,
    %get3A_311 = arith.constant 464 : index
    %get3A_312 = tpu.vector_load %arg12[%get3A_311] {strides = array<i32>} : memref<640xi32, #tpu.memory_space<vmem>>, vector<16xi32>,
    %get3A_313 = arith.constant 464 : index
    %get3A_314 = tpu.vector_load %arg9[%get3A_313] {strides = array<i32>} : memref<2560xi32, #tpu.memory_space<vmem>>, vector<16xi32>,
    %get3A_315 = arith.constant 0 : index
    %get3A_316 = tpu.vector_load %arg15[%get3A_315] {strides = array<i32>} : memref<16xf32, #tpu.memory_space<vmem>>, vector<16xf32>,
    %gather3A_317 = tpu.vector_load_idx %arg13[%get3A_312, %get3A_314] : memref<32x1024xf32, #tpu.memory_space<vmem>>[vector<16xi32>, vector<16xi32>], vector<16xf32>,
    %add3A_318 = arith.addf %get3A_316, %gather3A_317 : vector<16xf32>
    %swap3A_319 = arith.constant 0 : index
    %swap3A_320 = tpu.vector_load %arg15[%swap3A_319] {strides = array<i32>} : memref<16xf32, #tpu.memory_space<vmem>>, vector<16xf32>,
    tpu.vector_store %arg15[%swap3A_319], %add3A_318 {strides = array<i32>} : memref<16xf32, #tpu.memory_space<vmem>>, vector<16xf32>,
    %get3A_321 = arith.constant 480 : index
    %get3A_322 = tpu.vector_load %arg12[%get3A_321] {strides = array<i32>} : memref<640xi32, #tpu.memory_space<vmem>>, vector<16xi32>,
    %get3A_323 = arith.constant 480 : index
    %get3A_324 = tpu.vector_load %arg9[%get3A_323] {strides = array<i32>} : memref<2560xi32, #tpu.memory_space<vmem>>, vector<16xi32>,
    %get3A_325 = arith.constant 0 : index
    %get3A_326 = tpu.vector_load %arg15[%get3A_325] {strides = array<i32>} : memref<16xf32, #tpu.memory_space<vmem>>, vector<16xf32>,
    %gather3A_327 = tpu.vector_load_idx %arg13[%get3A_322, %get3A_324] : memref<32x1024xf32, #tpu.memory_space<vmem>>[vector<16xi32>, vector<16xi32>], vector<16xf32>,
    %add3A_328 = arith.addf %get3A_326, %gather3A_327 : vector<16xf32>
    %swap3A_329 = arith.constant 0 : index
    %swap3A_330 = tpu.vector_load %arg15[%swap3A_329] {strides = array<i32>} : memref<16xf32, #tpu.memory_space<vmem>>, vector<16xf32>,
    tpu.vector_store %arg15[%swap3A_329], %add3A_328 {strides = array<i32>} : memref<16xf32, #tpu.memory_space<vmem>>, vector<16xf32>,
    %get3A_331 = arith.constant 496 : index
    %get3A_332 = tpu.vector_load %arg12[%get3A_331] {strides = array<i32>} : memref<640xi32, #tpu.memory_space<vmem>>, vector<16xi32>,
    %get3A_333 = arith.constant 496 : index
    %get3A_334 = tpu.vector_load %arg9[%get3A_333] {strides = array<i32>} : memref<2560xi32, #tpu.memory_space<vmem>>, vector<16xi32>,
    %get3A_335 = arith.constant 0 : index
    %get3A_336 = tpu.vector_load %arg15[%get3A_335] {strides = array<i32>} : memref<16xf32, #tpu.memory_space<vmem>>, vector<16xf32>,
    %gather3A_337 = tpu.vector_load_idx %arg13[%get3A_332, %get3A_334] : memref<32x1024xf32, #tpu.memory_space<vmem>>[vector<16xi32>, vector<16xi32>], vector<16xf32>,
    %add3A_338 = arith.addf %get3A_336, %gather3A_337 : vector<16xf32>
    %swap3A_339 = arith.constant 0 : index
    %swap3A_340 = tpu.vector_load %arg15[%swap3A_339] {strides = array<i32>} : memref<16xf32, #tpu.memory_space<vmem>>, vector<16xf32>,
    tpu.vector_store %arg15[%swap3A_339], %add3A_338 {strides = array<i32>} : memref<16xf32, #tpu.memory_space<vmem>>, vector<16xf32>,
    %get3A_341 = arith.constant 512 : index
    %get3A_342 = tpu.vector_load %arg12[%get3A_341] {strides = array<i32>} : memref<640xi32, #tpu.memory_space<vmem>>, vector<16xi32>,
    %get3A_343 = arith.constant 512 : index
    %get3A_344 = tpu.vector_load %arg9[%get3A_343] {strides = array<i32>} : memref<2560xi32, #tpu.memory_space<vmem>>, vector<16xi32>,
    %get3A_345 = arith.constant 0 : index
    %get3A_346 = tpu.vector_load %arg15[%get3A_345] {strides = array<i32>} : memref<16xf32, #tpu.memory_space<vmem>>, vector<16xf32>,
    %gather3A_347 = tpu.vector_load_idx %arg13[%get3A_342, %get3A_344] : memref<32x1024xf32, #tpu.memory_space<vmem>>[vector<16xi32>, vector<16xi32>], vector<16xf32>,
    %add3A_348 = arith.addf %get3A_346, %gather3A_347 : vector<16xf32>
    %swap3A_349 = arith.constant 0 : index
    %swap3A_350 = tpu.vector_load %arg15[%swap3A_349] {strides = array<i32>} : memref<16xf32, #tpu.memory_space<vmem>>, vector<16xf32>,
    tpu.vector_store %arg15[%swap3A_349], %add3A_348 {strides = array<i32>} : memref<16xf32, #tpu.memory_space<vmem>>, vector<16xf32>,
    %get3A_351 = arith.constant 528 : index
    %get3A_352 = tpu.vector_load %arg12[%get3A_351] {strides = array<i32>} : memref<640xi32, #tpu.memory_space<vmem>>, vector<16xi32>,
    %get3A_353 = arith.constant 528 : index
    %get3A_354 = tpu.vector_load %arg9[%get3A_353] {strides = array<i32>} : memref<2560xi32, #tpu.memory_space<vmem>>, vector<16xi32>,
    %get3A_355 = arith.constant 0 : index
    %get3A_356 = tpu.vector_load %arg15[%get3A_355] {strides = array<i32>} : memref<16xf32, #tpu.memory_space<vmem>>, vector<16xf32>,
    %gather3A_357 = tpu.vector_load_idx %arg13[%get3A_352, %get3A_354] : memref<32x1024xf32, #tpu.memory_space<vmem>>[vector<16xi32>, vector<16xi32>], vector<16xf32>,
    %add3A_358 = arith.addf %get3A_356, %gather3A_357 : vector<16xf32>
    %swap3A_359 = arith.constant 0 : index
    %swap3A_360 = tpu.vector_load %arg15[%swap3A_359] {strides = array<i32>} : memref<16xf32, #tpu.memory_space<vmem>>, vector<16xf32>,
    tpu.vector_store %arg15[%swap3A_359], %add3A_358 {strides = array<i32>} : memref<16xf32, #tpu.memory_space<vmem>>, vector<16xf32>,
    %get3A_361 = arith.constant 544 : index
    %get3A_362 = tpu.vector_load %arg12[%get3A_361] {strides = array<i32>} : memref<640xi32, #tpu.memory_space<vmem>>, vector<16xi32>,
    %get3A_363 = arith.constant 544 : index
    %get3A_364 = tpu.vector_load %arg9[%get3A_363] {strides = array<i32>} : memref<2560xi32, #tpu.memory_space<vmem>>, vector<16xi32>,
    %get3A_365 = arith.constant 0 : index
    %get3A_366 = tpu.vector_load %arg15[%get3A_365] {strides = array<i32>} : memref<16xf32, #tpu.memory_space<vmem>>, vector<16xf32>,
    %gather3A_367 = tpu.vector_load_idx %arg13[%get3A_362, %get3A_364] : memref<32x1024xf32, #tpu.memory_space<vmem>>[vector<16xi32>, vector<16xi32>], vector<16xf32>,
    %add3A_368 = arith.addf %get3A_366, %gather3A_367 : vector<16xf32>
    %swap3A_369 = arith.constant 0 : index
    %swap3A_370 = tpu.vector_load %arg15[%swap3A_369] {strides = array<i32>} : memref<16xf32, #tpu.memory_space<vmem>>, vector<16xf32>,
    tpu.vector_store %arg15[%swap3A_369], %add3A_368 {strides = array<i32>} : memref<16xf32, #tpu.memory_space<vmem>>, vector<16xf32>,
    %get3A_371 = arith.constant 560 : index
    %get3A_372 = tpu.vector_load %arg12[%get3A_371] {strides = array<i32>} : memref<640xi32, #tpu.memory_space<vmem>>, vector<16xi32>,
    %get3A_373 = arith.constant 560 : index
    %get3A_374 = tpu.vector_load %arg9[%get3A_373] {strides = array<i32>} : memref<2560xi32, #tpu.memory_space<vmem>>, vector<16xi32>,
    %get3A_375 = arith.constant 0 : index
    %get3A_376 = tpu.vector_load %arg15[%get3A_375] {strides = array<i32>} : memref<16xf32, #tpu.memory_space<vmem>>, vector<16xf32>,
    %gather3A_377 = tpu.vector_load_idx %arg13[%get3A_372, %get3A_374] : memref<32x1024xf32, #tpu.memory_space<vmem>>[vector<16xi32>, vector<16xi32>], vector<16xf32>,
    %add3A_378 = arith.addf %get3A_376, %gather3A_377 : vector<16xf32>
    %swap3A_379 = arith.constant 0 : index
    %swap3A_380 = tpu.vector_load %arg15[%swap3A_379] {strides = array<i32>} : memref<16xf32, #tpu.memory_space<vmem>>, vector<16xf32>,
    tpu.vector_store %arg15[%swap3A_379], %add3A_378 {strides = array<i32>} : memref<16xf32, #tpu.memory_space<vmem>>, vector<16xf32>,
    %get3A_381 = arith.constant 576 : index
    %get3A_382 = tpu.vector_load %arg12[%get3A_381] {strides = array<i32>} : memref<640xi32, #tpu.memory_space<vmem>>, vector<16xi32>,
    %get3A_383 = arith.constant 576 : index
    %get3A_384 = tpu.vector_load %arg9[%get3A_383] {strides = array<i32>} : memref<2560xi32, #tpu.memory_space<vmem>>, vector<16xi32>,
    %get3A_385 = arith.constant 0 : index
    %get3A_386 = tpu.vector_load %arg15[%get3A_385] {strides = array<i32>} : memref<16xf32, #tpu.memory_space<vmem>>, vector<16xf32>,
    %gather3A_387 = tpu.vector_load_idx %arg13[%get3A_382, %get3A_384] : memref<32x1024xf32, #tpu.memory_space<vmem>>[vector<16xi32>, vector<16xi32>], vector<16xf32>,
    %add3A_388 = arith.addf %get3A_386, %gather3A_387 : vector<16xf32>
    %swap3A_389 = arith.constant 0 : index
    %swap3A_390 = tpu.vector_load %arg15[%swap3A_389] {strides = array<i32>} : memref<16xf32, #tpu.memory_space<vmem>>, vector<16xf32>,
    tpu.vector_store %arg15[%swap3A_389], %add3A_388 {strides = array<i32>} : memref<16xf32, #tpu.memory_space<vmem>>, vector<16xf32>,
    %get3A_391 = arith.constant 592 : index
    %get3A_392 = tpu.vector_load %arg12[%get3A_391] {strides = array<i32>} : memref<640xi32, #tpu.memory_space<vmem>>, vector<16xi32>,
    %get3A_393 = arith.constant 592 : index
    %get3A_394 = tpu.vector_load %arg9[%get3A_393] {strides = array<i32>} : memref<2560xi32, #tpu.memory_space<vmem>>, vector<16xi32>,
    %get3A_395 = arith.constant 0 : index
    %get3A_396 = tpu.vector_load %arg15[%get3A_395] {strides = array<i32>} : memref<16xf32, #tpu.memory_space<vmem>>, vector<16xf32>,
    %gather3A_397 = tpu.vector_load_idx %arg13[%get3A_392, %get3A_394] : memref<32x1024xf32, #tpu.memory_space<vmem>>[vector<16xi32>, vector<16xi32>], vector<16xf32>,
    %add3A_398 = arith.addf %get3A_396, %gather3A_397 : vector<16xf32>
    %swap3A_399 = arith.constant 0 : index
    %swap3A_400 = tpu.vector_load %arg15[%swap3A_399] {strides = array<i32>} : memref<16xf32, #tpu.memory_space<vmem>>, vector<16xf32>,
    tpu.vector_store %arg15[%swap3A_399], %add3A_398 {strides = array<i32>} : memref<16xf32, #tpu.memory_space<vmem>>, vector<16xf32>,
    %get3A_401 = arith.constant 608 : index
    %get3A_402 = tpu.vector_load %arg12[%get3A_401] {strides = array<i32>} : memref<640xi32, #tpu.memory_space<vmem>>, vector<16xi32>,
    %get3A_403 = arith.constant 608 : index
    %get3A_404 = tpu.vector_load %arg9[%get3A_403] {strides = array<i32>} : memref<2560xi32, #tpu.memory_space<vmem>>, vector<16xi32>,
    %get3A_405 = arith.constant 0 : index
    %get3A_406 = tpu.vector_load %arg15[%get3A_405] {strides = array<i32>} : memref<16xf32, #tpu.memory_space<vmem>>, vector<16xf32>,
    %gather3A_407 = tpu.vector_load_idx %arg13[%get3A_402, %get3A_404] : memref<32x1024xf32, #tpu.memory_space<vmem>>[vector<16xi32>, vector<16xi32>], vector<16xf32>,
    %add3A_408 = arith.addf %get3A_406, %gather3A_407 : vector<16xf32>
    %swap3A_409 = arith.constant 0 : index
    %swap3A_410 = tpu.vector_load %arg15[%swap3A_409] {strides = array<i32>} : memref<16xf32, #tpu.memory_space<vmem>>, vector<16xf32>,
    tpu.vector_store %arg15[%swap3A_409], %add3A_408 {strides = array<i32>} : memref<16xf32, #tpu.memory_space<vmem>>, vector<16xf32>,
    %get3A_411 = arith.constant 624 : index
    %get3A_412 = tpu.vector_load %arg12[%get3A_411] {strides = array<i32>} : memref<640xi32, #tpu.memory_space<vmem>>, vector<16xi32>,
    %get3A_413 = arith.constant 624 : index
    %get3A_414 = tpu.vector_load %arg9[%get3A_413] {strides = array<i32>} : memref<2560xi32, #tpu.memory_space<vmem>>, vector<16xi32>,
    %get3A_415 = arith.constant 0 : index
    %get3A_416 = tpu.vector_load %arg15[%get3A_415] {strides = array<i32>} : memref<16xf32, #tpu.memory_space<vmem>>, vector<16xf32>,
    %gather3A_417 = tpu.vector_load_idx %arg13[%get3A_412, %get3A_414] : memref<32x1024xf32, #tpu.memory_space<vmem>>[vector<16xi32>, vector<16xi32>], vector<16xf32>,
    %add3A_418 = arith.addf %get3A_416, %gather3A_417 : vector<16xf32>
    %swap3A_419 = arith.constant 0 : index
    %swap3A_420 = tpu.vector_load %arg15[%swap3A_419] {strides = array<i32>} : memref<16xf32, #tpu.memory_space<vmem>>, vector<16xf32>,
    tpu.vector_store %arg15[%swap3A_419], %add3A_418 {strides = array<i32>} : memref<16xf32, #tpu.memory_space<vmem>>, vector<16xf32>,
    %get3A_421 = arith.constant 32 : index
    %get3A_422 = tpu.vector_load %arg8[%get3A_421] {strides = array<i32>} : memref<128xi32, #tpu.memory_space<vmem>>, vector<16xi32>,
    %swap3A_423 = arith.constant 0 : index
    %swap3A_424 = tpu.vector_load %arg11[%swap3A_423] {strides = array<i32>} : memref<32xi32, #tpu.memory_space<vmem>>, vector<16xi32>,
    tpu.vector_store %arg11[%swap3A_423], %get3A_422 {strides = array<i32>} : memref<32xi32, #tpu.memory_space<vmem>>, vector<16xi32>,
    %get3A_425 = arith.constant 48 : index
    %get3A_426 = tpu.vector_load %arg8[%get3A_425] {strides = array<i32>} : memref<128xi32, #tpu.memory_space<vmem>>, vector<16xi32>,
    %swap3A_427 = arith.constant 16 : index
    %swap3A_428 = tpu.vector_load %arg11[%swap3A_427] {strides = array<i32>} : memref<32xi32, #tpu.memory_space<vmem>>, vector<16xi32>,
    tpu.vector_store %arg11[%swap3A_427], %get3A_426 {strides = array<i32>} : memref<32xi32, #tpu.memory_space<vmem>>, vector<16xi32>,
    %dma_start3A_429 = arith.constant 0 : i32
    %dma_start3A_430 = arith.constant 0 : i32
    %dma_start3A_431 = tpu.memref_slice %arg2[%dma_start3A_429, %dma_start3A_430] : memref<1000x1024xf32, #tpu.memory_space<hbm>> -> memref<1000x1024xf32, #tpu.memory_space<hbm>>
    tpu.enqueue_indirect_dma source(%dma_start3A_431 : memref<1000x1024xf32, #tpu.memory_space<hbm>>) target(%arg13 : memref<32x1024xf32, #tpu.memory_space<vmem>>) offsets(%arg11 : memref<32xi32, #tpu.memory_space<vmem>>) semaphore(%arg16 : memref<!tpu.dma_semaphore, #tpu.memory_space<semaphore_mem>>)
    %dma_wait3A_432 = arith.constant 0 : i32
    %dma_wait3A_433 = arith.constant 0 : i32
    %dma_wait3A_434 = tpu.memref_slice %arg2[%dma_wait3A_432, %dma_wait3A_433] : memref<1000x1024xf32, #tpu.memory_space<hbm>> -> memref<1000x1024xf32, #tpu.memory_space<hbm>>
    tpu.wait_indirect_dma semaphore(%arg16 : memref<!tpu.dma_semaphore, #tpu.memory_space<semaphore_mem>>) src(%dma_wait3A_434 : memref<1000x1024xf32, #tpu.memory_space<hbm>>) dst(%arg13 : memref<32x1024xf32, #tpu.memory_space<vmem>>)
    %get3A_435 = arith.constant 0 : index
    %get3A_436 = tpu.vector_load %arg12[%get3A_435] {strides = array<i32>} : memref<640xi32, #tpu.memory_space<vmem>>, vector<16xi32>,
    %get3A_437 = arith.constant 640 : index
    %get3A_438 = tpu.vector_load %arg9[%get3A_437] {strides = array<i32>} : memref<2560xi32, #tpu.memory_space<vmem>>, vector<16xi32>,
    %get3A_439 = arith.constant 0 : index
    %get3A_440 = tpu.vector_load %arg15[%get3A_439] {strides = array<i32>} : memref<16xf32, #tpu.memory_space<vmem>>, vector<16xf32>,
    %gather3A_441 = tpu.vector_load_idx %arg13[%get3A_436, %get3A_438] : memref<32x1024xf32, #tpu.memory_space<vmem>>[vector<16xi32>, vector<16xi32>], vector<16xf32>,
    %add3A_442 = arith.addf %get3A_440, %gather3A_441 : vector<16xf32>
    %swap3A_443 = arith.constant 0 : index
    %swap3A_444 = tpu.vector_load %arg15[%swap3A_443] {strides = array<i32>} : memref<16xf32, #tpu.memory_space<vmem>>, vector<16xf32>,
    tpu.vector_store %arg15[%swap3A_443], %add3A_442 {strides = array<i32>} : memref<16xf32, #tpu.memory_space<vmem>>, vector<16xf32>,
    %get3A_445 = arith.constant 16 : index
    %get3A_446 = tpu.vector_load %arg12[%get3A_445] {strides = array<i32>} : memref<640xi32, #tpu.memory_space<vmem>>, vector<16xi32>,
    %get3A_447 = arith.constant 656 : index
    %get3A_448 = tpu.vector_load %arg9[%get3A_447] {strides = array<i32>} : memref<2560xi32, #tpu.memory_space<vmem>>, vector<16xi32>,
    %get3A_449 = arith.constant 0 : index
    %get3A_450 = tpu.vector_load %arg15[%get3A_449] {strides = array<i32>} : memref<16xf32, #tpu.memory_space<vmem>>, vector<16xf32>,
    %gather3A_451 = tpu.vector_load_idx %arg13[%get3A_446, %get3A_448] : memref<32x1024xf32, #tpu.memory_space<vmem>>[vector<16xi32>, vector<16xi32>], vector<16xf32>,
    %add3A_452 = arith.addf %get3A_450, %gather3A_451 : vector<16xf32>
    %swap3A_453 = arith.constant 0 : index
    %swap3A_454 = tpu.vector_load %arg15[%swap3A_453] {strides = array<i32>} : memref<16xf32, #tpu.memory_space<vmem>>, vector<16xf32>,
    tpu.vector_store %arg15[%swap3A_453], %add3A_452 {strides = array<i32>} : memref<16xf32, #tpu.memory_space<vmem>>, vector<16xf32>,
    %get3A_455 = arith.constant 32 : index
    %get3A_456 = tpu.vector_load %arg12[%get3A_455] {strides = array<i32>} : memref<640xi32, #tpu.memory_space<vmem>>, vector<16xi32>,
    %get3A_457 = arith.constant 672 : index
    %get3A_458 = tpu.vector_load %arg9[%get3A_457] {strides = array<i32>} : memref<2560xi32, #tpu.memory_space<vmem>>, vector<16xi32>,
    %get3A_459 = arith.constant 0 : index
    %get3A_460 = tpu.vector_load %arg15[%get3A_459] {strides = array<i32>} : memref<16xf32, #tpu.memory_space<vmem>>, vector<16xf32>,
    %gather3A_461 = tpu.vector_load_idx %arg13[%get3A_456, %get3A_458] : memref<32x1024xf32, #tpu.memory_space<vmem>>[vector<16xi32>, vector<16xi32>], vector<16xf32>,
    %add3A_462 = arith.addf %get3A_460, %gather3A_461 : vector<16xf32>
    %swap3A_463 = arith.constant 0 : index
    %swap3A_464 = tpu.vector_load %arg15[%swap3A_463] {strides = array<i32>} : memref<16xf32, #tpu.memory_space<vmem>>, vector<16xf32>,
    tpu.vector_store %arg15[%swap3A_463], %add3A_462 {strides = array<i32>} : memref<16xf32, #tpu.memory_space<vmem>>, vector<16xf32>,
    %get3A_465 = arith.constant 48 : index
    %get3A_466 = tpu.vector_load %arg12[%get3A_465] {strides = array<i32>} : memref<640xi32, #tpu.memory_space<vmem>>, vector<16xi32>,
    %get3A_467 = arith.constant 688 : index
    %get3A_468 = tpu.vector_load %arg9[%get3A_467] {strides = array<i32>} : memref<2560xi32, #tpu.memory_space<vmem>>, vector<16xi32>,
    %get3A_469 = arith.constant 0 : index
    %get3A_470 = tpu.vector_load %arg15[%get3A_469] {strides = array<i32>} : memref<16xf32, #tpu.memory_space<vmem>>, vector<16xf32>,
    %gather3A_471 = tpu.vector_load_idx %arg13[%get3A_466, %get3A_468] : memref<32x1024xf32, #tpu.memory_space<vmem>>[vector<16xi32>, vector<16xi32>], vector<16xf32>,
    %add3A_472 = arith.addf %get3A_470, %gather3A_471 : vector<16xf32>
    %swap3A_473 = arith.constant 0 : index
    %swap3A_474 = tpu.vector_load %arg15[%swap3A_473] {strides = array<i32>} : memref<16xf32, #tpu.memory_space<vmem>>, vector<16xf32>,
    tpu.vector_store %arg15[%swap3A_473], %add3A_472 {strides = array<i32>} : memref<16xf32, #tpu.memory_space<vmem>>, vector<16xf32>,
    %get3A_475 = arith.constant 64 : index
    %get3A_476 = tpu.vector_load %arg12[%get3A_475] {strides = array<i32>} : memref<640xi32, #tpu.memory_space<vmem>>, vector<16xi32>,
    %get3A_477 = arith.constant 704 : index
    %get3A_478 = tpu.vector_load %arg9[%get3A_477] {strides = array<i32>} : memref<2560xi32, #tpu.memory_space<vmem>>, vector<16xi32>,
    %get3A_479 = arith.constant 0 : index
    %get3A_480 = tpu.vector_load %arg15[%get3A_479] {strides = array<i32>} : memref<16xf32, #tpu.memory_space<vmem>>, vector<16xf32>,
    %gather3A_481 = tpu.vector_load_idx %arg13[%get3A_476, %get3A_478] : memref<32x1024xf32, #tpu.memory_space<vmem>>[vector<16xi32>, vector<16xi32>], vector<16xf32>,
    %add3A_482 = arith.addf %get3A_480, %gather3A_481 : vector<16xf32>
    %swap3A_483 = arith.constant 0 : index
    %swap3A_484 = tpu.vector_load %arg15[%swap3A_483] {strides = array<i32>} : memref<16xf32, #tpu.memory_space<vmem>>, vector<16xf32>,
    tpu.vector_store %arg15[%swap3A_483], %add3A_482 {strides = array<i32>} : memref<16xf32, #tpu.memory_space<vmem>>, vector<16xf32>,
    %get3A_485 = arith.constant 80 : index
    %get3A_486 = tpu.vector_load %arg12[%get3A_485] {strides = array<i32>} : memref<640xi32, #tpu.memory_space<vmem>>, vector<16xi32>,
    %get3A_487 = arith.constant 720 : index
    %get3A_488 = tpu.vector_load %arg9[%get3A_487] {strides = array<i32>} : memref<2560xi32, #tpu.memory_space<vmem>>, vector<16xi32>,
    %get3A_489 = arith.constant 0 : index
    %get3A_490 = tpu.vector_load %arg15[%get3A_489] {strides = array<i32>} : memref<16xf32, #tpu.memory_space<vmem>>, vector<16xf32>,
    %gather3A_491 = tpu.vector_load_idx %arg13[%get3A_486, %get3A_488] : memref<32x1024xf32, #tpu.memory_space<vmem>>[vector<16xi32>, vector<16xi32>], vector<16xf32>,
    %add3A_492 = arith.addf %get3A_490, %gather3A_491 : vector<16xf32>
    %swap3A_493 = arith.constant 0 : index
    %swap3A_494 = tpu.vector_load %arg15[%swap3A_493] {strides = array<i32>} : memref<16xf32, #tpu.memory_space<vmem>>, vector<16xf32>,
    tpu.vector_store %arg15[%swap3A_493], %add3A_492 {strides = array<i32>} : memref<16xf32, #tpu.memory_space<vmem>>, vector<16xf32>,
    %get3A_495 = arith.constant 96 : index
    %get3A_496 = tpu.vector_load %arg12[%get3A_495] {strides = array<i32>} : memref<640xi32, #tpu.memory_space<vmem>>, vector<16xi32>,
    %get3A_497 = arith.constant 736 : index
    %get3A_498 = tpu.vector_load %arg9[%get3A_497] {strides = array<i32>} : memref<2560xi32, #tpu.memory_space<vmem>>, vector<16xi32>,
    %get3A_499 = arith.constant 0 : index
    %get3A_500 = tpu.vector_load %arg15[%get3A_499] {strides = array<i32>} : memref<16xf32, #tpu.memory_space<vmem>>, vector<16xf32>,
    %gather3A_501 = tpu.vector_load_idx %arg13[%get3A_496, %get3A_498] : memref<32x1024xf32, #tpu.memory_space<vmem>>[vector<16xi32>, vector<16xi32>], vector<16xf32>,
    %add3A_502 = arith.addf %get3A_500, %gather3A_501 : vector<16xf32>
    %swap3A_503 = arith.constant 0 : index
    %swap3A_504 = tpu.vector_load %arg15[%swap3A_503] {strides = array<i32>} : memref<16xf32, #tpu.memory_space<vmem>>, vector<16xf32>,
    tpu.vector_store %arg15[%swap3A_503], %add3A_502 {strides = array<i32>} : memref<16xf32, #tpu.memory_space<vmem>>, vector<16xf32>,
    %get3A_505 = arith.constant 112 : index
    %get3A_506 = tpu.vector_load %arg12[%get3A_505] {strides = array<i32>} : memref<640xi32, #tpu.memory_space<vmem>>, vector<16xi32>,
    %get3A_507 = arith.constant 752 : index
    %get3A_508 = tpu.vector_load %arg9[%get3A_507] {strides = array<i32>} : memref<2560xi32, #tpu.memory_space<vmem>>, vector<16xi32>,
    %get3A_509 = arith.constant 0 : index
    %get3A_510 = tpu.vector_load %arg15[%get3A_509] {strides = array<i32>} : memref<16xf32, #tpu.memory_space<vmem>>, vector<16xf32>,
    %gather3A_511 = tpu.vector_load_idx %arg13[%get3A_506, %get3A_508] : memref<32x1024xf32, #tpu.memory_space<vmem>>[vector<16xi32>, vector<16xi32>], vector<16xf32>,
    %add3A_512 = arith.addf %get3A_510, %gather3A_511 : vector<16xf32>
    %swap3A_513 = arith.constant 0 : index
    %swap3A_514 = tpu.vector_load %arg15[%swap3A_513] {strides = array<i32>} : memref<16xf32, #tpu.memory_space<vmem>>, vector<16xf32>,
    tpu.vector_store %arg15[%swap3A_513], %add3A_512 {strides = array<i32>} : memref<16xf32, #tpu.memory_space<vmem>>, vector<16xf32>,
    %get3A_515 = arith.constant 128 : index
    %get3A_516 = tpu.vector_load %arg12[%get3A_515] {strides = array<i32>} : memref<640xi32, #tpu.memory_space<vmem>>, vector<16xi32>,
    %get3A_517 = arith.constant 768 : index
    %get3A_518 = tpu.vector_load %arg9[%get3A_517] {strides = array<i32>} : memref<2560xi32, #tpu.memory_space<vmem>>, vector<16xi32>,
    %get3A_519 = arith.constant 0 : index
    %get3A_520 = tpu.vector_load %arg15[%get3A_519] {strides = array<i32>} : memref<16xf32, #tpu.memory_space<vmem>>, vector<16xf32>,
    %gather3A_521 = tpu.vector_load_idx %arg13[%get3A_516, %get3A_518] : memref<32x1024xf32, #tpu.memory_space<vmem>>[vector<16xi32>, vector<16xi32>], vector<16xf32>,
    %add3A_522 = arith.addf %get3A_520, %gather3A_521 : vector<16xf32>
    %swap3A_523 = arith.constant 0 : index
    %swap3A_524 = tpu.vector_load %arg15[%swap3A_523] {strides = array<i32>} : memref<16xf32, #tpu.memory_space<vmem>>, vector<16xf32>,
    tpu.vector_store %arg15[%swap3A_523], %add3A_522 {strides = array<i32>} : memref<16xf32, #tpu.memory_space<vmem>>, vector<16xf32>,
    %get3A_525 = arith.constant 144 : index
    %get3A_526 = tpu.vector_load %arg12[%get3A_525] {strides = array<i32>} : memref<640xi32, #tpu.memory_space<vmem>>, vector<16xi32>,
    %get3A_527 = arith.constant 784 : index
    %get3A_528 = tpu.vector_load %arg9[%get3A_527] {strides = array<i32>} : memref<2560xi32, #tpu.memory_space<vmem>>, vector<16xi32>,
    %get3A_529 = arith.constant 0 : index
    %get3A_530 = tpu.vector_load %arg15[%get3A_529] {strides = array<i32>} : memref<16xf32, #tpu.memory_space<vmem>>, vector<16xf32>,
    %gather3A_531 = tpu.vector_load_idx %arg13[%get3A_526, %get3A_528] : memref<32x1024xf32, #tpu.memory_space<vmem>>[vector<16xi32>, vector<16xi32>], vector<16xf32>,
    %add3A_532 = arith.addf %get3A_530, %gather3A_531 : vector<16xf32>
    %swap3A_533 = arith.constant 0 : index
    %swap3A_534 = tpu.vector_load %arg15[%swap3A_533] {strides = array<i32>} : memref<16xf32, #tpu.memory_space<vmem>>, vector<16xf32>,
    tpu.vector_store %arg15[%swap3A_533], %add3A_532 {strides = array<i32>} : memref<16xf32, #tpu.memory_space<vmem>>, vector<16xf32>,
    %get3A_535 = arith.constant 160 : index
    %get3A_536 = tpu.vector_load %arg12[%get3A_535] {strides = array<i32>} : memref<640xi32, #tpu.memory_space<vmem>>, vector<16xi32>,
    %get3A_537 = arith.constant 800 : index
    %get3A_538 = tpu.vector_load %arg9[%get3A_537] {strides = array<i32>} : memref<2560xi32, #tpu.memory_space<vmem>>, vector<16xi32>,
    %get3A_539 = arith.constant 0 : index
    %get3A_540 = tpu.vector_load %arg15[%get3A_539] {strides = array<i32>} : memref<16xf32, #tpu.memory_space<vmem>>, vector<16xf32>,
    %gather3A_541 = tpu.vector_load_idx %arg13[%get3A_536, %get3A_538] : memref<32x1024xf32, #tpu.memory_space<vmem>>[vector<16xi32>, vector<16xi32>], vector<16xf32>,
    %add3A_542 = arith.addf %get3A_540, %gather3A_541 : vector<16xf32>
    %swap3A_543 = arith.constant 0 : index
    %swap3A_544 = tpu.vector_load %arg15[%swap3A_543] {strides = array<i32>} : memref<16xf32, #tpu.memory_space<vmem>>, vector<16xf32>,
    tpu.vector_store %arg15[%swap3A_543], %add3A_542 {strides = array<i32>} : memref<16xf32, #tpu.memory_space<vmem>>, vector<16xf32>,
    %get3A_545 = arith.constant 176 : index
    %get3A_546 = tpu.vector_load %arg12[%get3A_545] {strides = array<i32>} : memref<640xi32, #tpu.memory_space<vmem>>, vector<16xi32>,
    %get3A_547 = arith.constant 816 : index
    %get3A_548 = tpu.vector_load %arg9[%get3A_547] {strides = array<i32>} : memref<2560xi32, #tpu.memory_space<vmem>>, vector<16xi32>,
    %get3A_549 = arith.constant 0 : index
    %get3A_550 = tpu.vector_load %arg15[%get3A_549] {strides = array<i32>} : memref<16xf32, #tpu.memory_space<vmem>>, vector<16xf32>,
    %gather3A_551 = tpu.vector_load_idx %arg13[%get3A_546, %get3A_548] : memref<32x1024xf32, #tpu.memory_space<vmem>>[vector<16xi32>, vector<16xi32>], vector<16xf32>,
    %add3A_552 = arith.addf %get3A_550, %gather3A_551 : vector<16xf32>
    %swap3A_553 = arith.constant 0 : index
    %swap3A_554 = tpu.vector_load %arg15[%swap3A_553] {strides = array<i32>} : memref<16xf32, #tpu.memory_space<vmem>>, vector<16xf32>,
    tpu.vector_store %arg15[%swap3A_553], %add3A_552 {strides = array<i32>} : memref<16xf32, #tpu.memory_space<vmem>>, vector<16xf32>,
    %get3A_555 = arith.constant 192 : index
    %get3A_556 = tpu.vector_load %arg12[%get3A_555] {strides = array<i32>} : memref<640xi32, #tpu.memory_space<vmem>>, vector<16xi32>,
    %get3A_557 = arith.constant 832 : index
    %get3A_558 = tpu.vector_load %arg9[%get3A_557] {strides = array<i32>} : memref<2560xi32, #tpu.memory_space<vmem>>, vector<16xi32>,
    %get3A_559 = arith.constant 0 : index
    %get3A_560 = tpu.vector_load %arg15[%get3A_559] {strides = array<i32>} : memref<16xf32, #tpu.memory_space<vmem>>, vector<16xf32>,
    %gather3A_561 = tpu.vector_load_idx %arg13[%get3A_556, %get3A_558] : memref<32x1024xf32, #tpu.memory_space<vmem>>[vector<16xi32>, vector<16xi32>], vector<16xf32>,
    %add3A_562 = arith.addf %get3A_560, %gather3A_561 : vector<16xf32>
    %swap3A_563 = arith.constant 0 : index
    %swap3A_564 = tpu.vector_load %arg15[%swap3A_563] {strides = array<i32>} : memref<16xf32, #tpu.memory_space<vmem>>, vector<16xf32>,
    tpu.vector_store %arg15[%swap3A_563], %add3A_562 {strides = array<i32>} : memref<16xf32, #tpu.memory_space<vmem>>, vector<16xf32>,
    %get3A_565 = arith.constant 208 : index
    %get3A_566 = tpu.vector_load %arg12[%get3A_565] {strides = array<i32>} : memref<640xi32, #tpu.memory_space<vmem>>, vector<16xi32>,
    %get3A_567 = arith.constant 848 : index
    %get3A_568 = tpu.vector_load %arg9[%get3A_567] {strides = array<i32>} : memref<2560xi32, #tpu.memory_space<vmem>>, vector<16xi32>,
    %get3A_569 = arith.constant 0 : index
    %get3A_570 = tpu.vector_load %arg15[%get3A_569] {strides = array<i32>} : memref<16xf32, #tpu.memory_space<vmem>>, vector<16xf32>,
    %gather3A_571 = tpu.vector_load_idx %arg13[%get3A_566, %get3A_568] : memref<32x1024xf32, #tpu.memory_space<vmem>>[vector<16xi32>, vector<16xi32>], vector<16xf32>,
    %add3A_572 = arith.addf %get3A_570, %gather3A_571 : vector<16xf32>
    %swap3A_573 = arith.constant 0 : index
    %swap3A_574 = tpu.vector_load %arg15[%swap3A_573] {strides = array<i32>} : memref<16xf32, #tpu.memory_space<vmem>>, vector<16xf32>,
    tpu.vector_store %arg15[%swap3A_573], %add3A_572 {strides = array<i32>} : memref<16xf32, #tpu.memory_space<vmem>>, vector<16xf32>,
    %get3A_575 = arith.constant 224 : index
    %get3A_576 = tpu.vector_load %arg12[%get3A_575] {strides = array<i32>} : memref<640xi32, #tpu.memory_space<vmem>>, vector<16xi32>,
    %get3A_577 = arith.constant 864 : index
    %get3A_578 = tpu.vector_load %arg9[%get3A_577] {strides = array<i32>} : memref<2560xi32, #tpu.memory_space<vmem>>, vector<16xi32>,
    %get3A_579 = arith.constant 0 : index
    %get3A_580 = tpu.vector_load %arg15[%get3A_579] {strides = array<i32>} : memref<16xf32, #tpu.memory_space<vmem>>, vector<16xf32>,
    %gather3A_581 = tpu.vector_load_idx %arg13[%get3A_576, %get3A_578] : memref<32x1024xf32, #tpu.memory_space<vmem>>[vector<16xi32>, vector<16xi32>], vector<16xf32>,
    %add3A_582 = arith.addf %get3A_580, %gather3A_581 : vector<16xf32>
    %swap3A_583 = arith.constant 0 : index
    %swap3A_584 = tpu.vector_load %arg15[%swap3A_583] {strides = array<i32>} : memref<16xf32, #tpu.memory_space<vmem>>, vector<16xf32>,
    tpu.vector_store %arg15[%swap3A_583], %add3A_582 {strides = array<i32>} : memref<16xf32, #tpu.memory_space<vmem>>, vector<16xf32>,
    %get3A_585 = arith.constant 240 : index
    %get3A_586 = tpu.vector_load %arg12[%get3A_585] {strides = array<i32>} : memref<640xi32, #tpu.memory_space<vmem>>, vector<16xi32>,
    %get3A_587 = arith.constant 880 : index
    %get3A_588 = tpu.vector_load %arg9[%get3A_587] {strides = array<i32>} : memref<2560xi32, #tpu.memory_space<vmem>>, vector<16xi32>,
    %get3A_589 = arith.constant 0 : index
    %get3A_590 = tpu.vector_load %arg15[%get3A_589] {strides = array<i32>} : memref<16xf32, #tpu.memory_space<vmem>>, vector<16xf32>,
    %gather3A_591 = tpu.vector_load_idx %arg13[%get3A_586, %get3A_588] : memref<32x1024xf32, #tpu.memory_space<vmem>>[vector<16xi32>, vector<16xi32>], vector<16xf32>,
    %add3A_592 = arith.addf %get3A_590, %gather3A_591 : vector<16xf32>
    %swap3A_593 = arith.constant 0 : index
    %swap3A_594 = tpu.vector_load %arg15[%swap3A_593] {strides = array<i32>} : memref<16xf32, #tpu.memory_space<vmem>>, vector<16xf32>,
    tpu.vector_store %arg15[%swap3A_593], %add3A_592 {strides = array<i32>} : memref<16xf32, #tpu.memory_space<vmem>>, vector<16xf32>,
    %get3A_595 = arith.constant 256 : index
    %get3A_596 = tpu.vector_load %arg12[%get3A_595] {strides = array<i32>} : memref<640xi32, #tpu.memory_space<vmem>>, vector<16xi32>,
    %get3A_597 = arith.constant 896 : index
    %get3A_598 = tpu.vector_load %arg9[%get3A_597] {strides = array<i32>} : memref<2560xi32, #tpu.memory_space<vmem>>, vector<16xi32>,
    %get3A_599 = arith.constant 0 : index
    %get3A_600 = tpu.vector_load %arg15[%get3A_599] {strides = array<i32>} : memref<16xf32, #tpu.memory_space<vmem>>, vector<16xf32>,
    %gather3A_601 = tpu.vector_load_idx %arg13[%get3A_596, %get3A_598] : memref<32x1024xf32, #tpu.memory_space<vmem>>[vector<16xi32>, vector<16xi32>], vector<16xf32>,
    %add3A_602 = arith.addf %get3A_600, %gather3A_601 : vector<16xf32>
    %swap3A_603 = arith.constant 0 : index
    %swap3A_604 = tpu.vector_load %arg15[%swap3A_603] {strides = array<i32>} : memref<16xf32, #tpu.memory_space<vmem>>, vector<16xf32>,
    tpu.vector_store %arg15[%swap3A_603], %add3A_602 {strides = array<i32>} : memref<16xf32, #tpu.memory_space<vmem>>, vector<16xf32>,
    %get3A_605 = arith.constant 272 : index
    %get3A_606 = tpu.vector_load %arg12[%get3A_605] {strides = array<i32>} : memref<640xi32, #tpu.memory_space<vmem>>, vector<16xi32>,
    %get3A_607 = arith.constant 912 : index
    %get3A_608 = tpu.vector_load %arg9[%get3A_607] {strides = array<i32>} : memref<2560xi32, #tpu.memory_space<vmem>>, vector<16xi32>,
    %get3A_609 = arith.constant 0 : index
    %get3A_610 = tpu.vector_load %arg15[%get3A_609] {strides = array<i32>} : memref<16xf32, #tpu.memory_space<vmem>>, vector<16xf32>,
    %gather3A_611 = tpu.vector_load_idx %arg13[%get3A_606, %get3A_608] : memref<32x1024xf32, #tpu.memory_space<vmem>>[vector<16xi32>, vector<16xi32>], vector<16xf32>,
    %add3A_612 = arith.addf %get3A_610, %gather3A_611 : vector<16xf32>
    %swap3A_613 = arith.constant 0 : index
    %swap3A_614 = tpu.vector_load %arg15[%swap3A_613] {strides = array<i32>} : memref<16xf32, #tpu.memory_space<vmem>>, vector<16xf32>,
    tpu.vector_store %arg15[%swap3A_613], %add3A_612 {strides = array<i32>} : memref<16xf32, #tpu.memory_space<vmem>>, vector<16xf32>,
    %get3A_615 = arith.constant 288 : index
    %get3A_616 = tpu.vector_load %arg12[%get3A_615] {strides = array<i32>} : memref<640xi32, #tpu.memory_space<vmem>>, vector<16xi32>,
    %get3A_617 = arith.constant 928 : index
    %get3A_618 = tpu.vector_load %arg9[%get3A_617] {strides = array<i32>} : memref<2560xi32, #tpu.memory_space<vmem>>, vector<16xi32>,
    %get3A_619 = arith.constant 0 : index
    %get3A_620 = tpu.vector_load %arg15[%get3A_619] {strides = array<i32>} : memref<16xf32, #tpu.memory_space<vmem>>, vector<16xf32>,
    %gather3A_621 = tpu.vector_load_idx %arg13[%get3A_616, %get3A_618] : memref<32x1024xf32, #tpu.memory_space<vmem>>[vector<16xi32>, vector<16xi32>], vector<16xf32>,
    %add3A_622 = arith.addf %get3A_620, %gather3A_621 : vector<16xf32>
    %swap3A_623 = arith.constant 0 : index
    %swap3A_624 = tpu.vector_load %arg15[%swap3A_623] {strides = array<i32>} : memref<16xf32, #tpu.memory_space<vmem>>, vector<16xf32>,
    tpu.vector_store %arg15[%swap3A_623], %add3A_622 {strides = array<i32>} : memref<16xf32, #tpu.memory_space<vmem>>, vector<16xf32>,
    %get3A_625 = arith.constant 304 : index
    %get3A_626 = tpu.vector_load %arg12[%get3A_625] {strides = array<i32>} : memref<640xi32, #tpu.memory_space<vmem>>, vector<16xi32>,
    %get3A_627 = arith.constant 944 : index
    %get3A_628 = tpu.vector_load %arg9[%get3A_627] {strides = array<i32>} : memref<2560xi32, #tpu.memory_space<vmem>>, vector<16xi32>,
    %get3A_629 = arith.constant 0 : index
    %get3A_630 = tpu.vector_load %arg15[%get3A_629] {strides = array<i32>} : memref<16xf32, #tpu.memory_space<vmem>>, vector<16xf32>,
    %gather3A_631 = tpu.vector_load_idx %arg13[%get3A_626, %get3A_628] : memref<32x1024xf32, #tpu.memory_space<vmem>>[vector<16xi32>, vector<16xi32>], vector<16xf32>,
    %add3A_632 = arith.addf %get3A_630, %gather3A_631 : vector<16xf32>
    %swap3A_633 = arith.constant 0 : index
    %swap3A_634 = tpu.vector_load %arg15[%swap3A_633] {strides = array<i32>} : memref<16xf32, #tpu.memory_space<vmem>>, vector<16xf32>,
    tpu.vector_store %arg15[%swap3A_633], %add3A_632 {strides = array<i32>} : memref<16xf32, #tpu.memory_space<vmem>>, vector<16xf32>,
    %get3A_635 = arith.constant 320 : index
    %get3A_636 = tpu.vector_load %arg12[%get3A_635] {strides = array<i32>} : memref<640xi32, #tpu.memory_space<vmem>>, vector<16xi32>,
    %get3A_637 = arith.constant 960 : index
    %get3A_638 = tpu.vector_load %arg9[%get3A_637] {strides = array<i32>} : memref<2560xi32, #tpu.memory_space<vmem>>, vector<16xi32>,
    %get3A_639 = arith.constant 0 : index
    %get3A_640 = tpu.vector_load %arg15[%get3A_639] {strides = array<i32>} : memref<16xf32, #tpu.memory_space<vmem>>, vector<16xf32>,
    %gather3A_641 = tpu.vector_load_idx %arg13[%get3A_636, %get3A_638] : memref<32x1024xf32, #tpu.memory_space<vmem>>[vector<16xi32>, vector<16xi32>], vector<16xf32>,
    %add3A_642 = arith.addf %get3A_640, %gather3A_641 : vector<16xf32>
    %swap3A_643 = arith.constant 0 : index
    %swap3A_644 = tpu.vector_load %arg15[%swap3A_643] {strides = array<i32>} : memref<16xf32, #tpu.memory_space<vmem>>, vector<16xf32>,
    tpu.vector_store %arg15[%swap3A_643], %add3A_642 {strides = array<i32>} : memref<16xf32, #tpu.memory_space<vmem>>, vector<16xf32>,
    %get3A_645 = arith.constant 336 : index
    %get3A_646 = tpu.vector_load %arg12[%get3A_645] {strides = array<i32>} : memref<640xi32, #tpu.memory_space<vmem>>, vector<16xi32>,
    %get3A_647 = arith.constant 976 : index
    %get3A_648 = tpu.vector_load %arg9[%get3A_647] {strides = array<i32>} : memref<2560xi32, #tpu.memory_space<vmem>>, vector<16xi32>,
    %get3A_649 = arith.constant 0 : index
    %get3A_650 = tpu.vector_load %arg15[%get3A_649] {strides = array<i32>} : memref<16xf32, #tpu.memory_space<vmem>>, vector<16xf32>,
    %gather3A_651 = tpu.vector_load_idx %arg13[%get3A_646, %get3A_648] : memref<32x1024xf32, #tpu.memory_space<vmem>>[vector<16xi32>, vector<16xi32>], vector<16xf32>,
    %add3A_652 = arith.addf %get3A_650, %gather3A_651 : vector<16xf32>
    %swap3A_653 = arith.constant 0 : index
    %swap3A_654 = tpu.vector_load %arg15[%swap3A_653] {strides = array<i32>} : memref<16xf32, #tpu.memory_space<vmem>>, vector<16xf32>,
    tpu.vector_store %arg15[%swap3A_653], %add3A_652 {strides = array<i32>} : memref<16xf32, #tpu.memory_space<vmem>>, vector<16xf32>,
    %get3A_655 = arith.constant 352 : index
    %get3A_656 = tpu.vector_load %arg12[%get3A_655] {strides = array<i32>} : memref<640xi32, #tpu.memory_space<vmem>>, vector<16xi32>,
    %get3A_657 = arith.constant 992 : index
    %get3A_658 = tpu.vector_load %arg9[%get3A_657] {strides = array<i32>} : memref<2560xi32, #tpu.memory_space<vmem>>, vector<16xi32>,
    %get3A_659 = arith.constant 0 : index
    %get3A_660 = tpu.vector_load %arg15[%get3A_659] {strides = array<i32>} : memref<16xf32, #tpu.memory_space<vmem>>, vector<16xf32>,
    %gather3A_661 = tpu.vector_load_idx %arg13[%get3A_656, %get3A_658] : memref<32x1024xf32, #tpu.memory_space<vmem>>[vector<16xi32>, vector<16xi32>], vector<16xf32>,
    %add3A_662 = arith.addf %get3A_660, %gather3A_661 : vector<16xf32>
    %swap3A_663 = arith.constant 0 : index
    %swap3A_664 = tpu.vector_load %arg15[%swap3A_663] {strides = array<i32>} : memref<16xf32, #tpu.memory_space<vmem>>, vector<16xf32>,
    tpu.vector_store %arg15[%swap3A_663], %add3A_662 {strides = array<i32>} : memref<16xf32, #tpu.memory_space<vmem>>, vector<16xf32>,
    %get3A_665 = arith.constant 368 : index
    %get3A_666 = tpu.vector_load %arg12[%get3A_665] {strides = array<i32>} : memref<640xi32, #tpu.memory_space<vmem>>, vector<16xi32>,
    %get3A_667 = arith.constant 1008 : index
    %get3A_668 = tpu.vector_load %arg9[%get3A_667] {strides = array<i32>} : memref<2560xi32, #tpu.memory_space<vmem>>, vector<16xi32>,
    %get3A_669 = arith.constant 0 : index
    %get3A_670 = tpu.vector_load %arg15[%get3A_669] {strides = array<i32>} : memref<16xf32, #tpu.memory_space<vmem>>, vector<16xf32>,
    %gather3A_671 = tpu.vector_load_idx %arg13[%get3A_666, %get3A_668] : memref<32x1024xf32, #tpu.memory_space<vmem>>[vector<16xi32>, vector<16xi32>], vector<16xf32>,
    %add3A_672 = arith.addf %get3A_670, %gather3A_671 : vector<16xf32>
    %swap3A_673 = arith.constant 0 : index
    %swap3A_674 = tpu.vector_load %arg15[%swap3A_673] {strides = array<i32>} : memref<16xf32, #tpu.memory_space<vmem>>, vector<16xf32>,
    tpu.vector_store %arg15[%swap3A_673], %add3A_672 {strides = array<i32>} : memref<16xf32, #tpu.memory_space<vmem>>, vector<16xf32>,
    %get3A_675 = arith.constant 384 : index
    %get3A_676 = tpu.vector_load %arg12[%get3A_675] {strides = array<i32>} : memref<640xi32, #tpu.memory_space<vmem>>, vector<16xi32>,
    %get3A_677 = arith.constant 1024 : index
    %get3A_678 = tpu.vector_load %arg9[%get3A_677] {strides = array<i32>} : memref<2560xi32, #tpu.memory_space<vmem>>, vector<16xi32>,
    %get3A_679 = arith.constant 0 : index
    %get3A_680 = tpu.vector_load %arg15[%get3A_679] {strides = array<i32>} : memref<16xf32, #tpu.memory_space<vmem>>, vector<16xf32>,
    %gather3A_681 = tpu.vector_load_idx %arg13[%get3A_676, %get3A_678] : memref<32x1024xf32, #tpu.memory_space<vmem>>[vector<16xi32>, vector<16xi32>], vector<16xf32>,
    %add3A_682 = arith.addf %get3A_680, %gather3A_681 : vector<16xf32>
    %swap3A_683 = arith.constant 0 : index
    %swap3A_684 = tpu.vector_load %arg15[%swap3A_683] {strides = array<i32>} : memref<16xf32, #tpu.memory_space<vmem>>, vector<16xf32>,
    tpu.vector_store %arg15[%swap3A_683], %add3A_682 {strides = array<i32>} : memref<16xf32, #tpu.memory_space<vmem>>, vector<16xf32>,
    %get3A_685 = arith.constant 400 : index
    %get3A_686 = tpu.vector_load %arg12[%get3A_685] {strides = array<i32>} : memref<640xi32, #tpu.memory_space<vmem>>, vector<16xi32>,
    %get3A_687 = arith.constant 1040 : index
    %get3A_688 = tpu.vector_load %arg9[%get3A_687] {strides = array<i32>} : memref<2560xi32, #tpu.memory_space<vmem>>, vector<16xi32>,
    %get3A_689 = arith.constant 0 : index
    %get3A_690 = tpu.vector_load %arg15[%get3A_689] {strides = array<i32>} : memref<16xf32, #tpu.memory_space<vmem>>, vector<16xf32>,
    %gather3A_691 = tpu.vector_load_idx %arg13[%get3A_686, %get3A_688] : memref<32x1024xf32, #tpu.memory_space<vmem>>[vector<16xi32>, vector<16xi32>], vector<16xf32>,
    %add3A_692 = arith.addf %get3A_690, %gather3A_691 : vector<16xf32>
    %swap3A_693 = arith.constant 0 : index
    %swap3A_694 = tpu.vector_load %arg15[%swap3A_693] {strides = array<i32>} : memref<16xf32, #tpu.memory_space<vmem>>, vector<16xf32>,
    tpu.vector_store %arg15[%swap3A_693], %add3A_692 {strides = array<i32>} : memref<16xf32, #tpu.memory_space<vmem>>, vector<16xf32>,
    %get3A_695 = arith.constant 416 : index
    %get3A_696 = tpu.vector_load %arg12[%get3A_695] {strides = array<i32>} : memref<640xi32, #tpu.memory_space<vmem>>, vector<16xi32>,
    %get3A_697 = arith.constant 1056 : index
    %get3A_698 = tpu.vector_load %arg9[%get3A_697] {strides = array<i32>} : memref<2560xi32, #tpu.memory_space<vmem>>, vector<16xi32>,
    %get3A_699 = arith.constant 0 : index
    %get3A_700 = tpu.vector_load %arg15[%get3A_699] {strides = array<i32>} : memref<16xf32, #tpu.memory_space<vmem>>, vector<16xf32>,
    %gather3A_701 = tpu.vector_load_idx %arg13[%get3A_696, %get3A_698] : memref<32x1024xf32, #tpu.memory_space<vmem>>[vector<16xi32>, vector<16xi32>], vector<16xf32>,
    %add3A_702 = arith.addf %get3A_700, %gather3A_701 : vector<16xf32>
    %swap3A_703 = arith.constant 0 : index
    %swap3A_704 = tpu.vector_load %arg15[%swap3A_703] {strides = array<i32>} : memref<16xf32, #tpu.memory_space<vmem>>, vector<16xf32>,
    tpu.vector_store %arg15[%swap3A_703], %add3A_702 {strides = array<i32>} : memref<16xf32, #tpu.memory_space<vmem>>, vector<16xf32>,
    %get3A_705 = arith.constant 432 : index
    %get3A_706 = tpu.vector_load %arg12[%get3A_705] {strides = array<i32>} : memref<640xi32, #tpu.memory_space<vmem>>, vector<16xi32>,
    %get3A_707 = arith.constant 1072 : index
    %get3A_708 = tpu.vector_load %arg9[%get3A_707] {strides = array<i32>} : memref<2560xi32, #tpu.memory_space<vmem>>, vector<16xi32>,
    %get3A_709 = arith.constant 0 : index
    %get3A_710 = tpu.vector_load %arg15[%get3A_709] {strides = array<i32>} : memref<16xf32, #tpu.memory_space<vmem>>, vector<16xf32>,
    %gather3A_711 = tpu.vector_load_idx %arg13[%get3A_706, %get3A_708] : memref<32x1024xf32, #tpu.memory_space<vmem>>[vector<16xi32>, vector<16xi32>], vector<16xf32>,
    %add3A_712 = arith.addf %get3A_710, %gather3A_711 : vector<16xf32>
    %swap3A_713 = arith.constant 0 : index
    %swap3A_714 = tpu.vector_load %arg15[%swap3A_713] {strides = array<i32>} : memref<16xf32, #tpu.memory_space<vmem>>, vector<16xf32>,
    tpu.vector_store %arg15[%swap3A_713], %add3A_712 {strides = array<i32>} : memref<16xf32, #tpu.memory_space<vmem>>, vector<16xf32>,
    %get3A_715 = arith.constant 448 : index
    %get3A_716 = tpu.vector_load %arg12[%get3A_715] {strides = array<i32>} : memref<640xi32, #tpu.memory_space<vmem>>, vector<16xi32>,
    %get3A_717 = arith.constant 1088 : index
    %get3A_718 = tpu.vector_load %arg9[%get3A_717] {strides = array<i32>} : memref<2560xi32, #tpu.memory_space<vmem>>, vector<16xi32>,
    %get3A_719 = arith.constant 0 : index
    %get3A_720 = tpu.vector_load %arg15[%get3A_719] {strides = array<i32>} : memref<16xf32, #tpu.memory_space<vmem>>, vector<16xf32>,
    %gather3A_721 = tpu.vector_load_idx %arg13[%get3A_716, %get3A_718] : memref<32x1024xf32, #tpu.memory_space<vmem>>[vector<16xi32>, vector<16xi32>], vector<16xf32>,
    %add3A_722 = arith.addf %get3A_720, %gather3A_721 : vector<16xf32>
    %swap3A_723 = arith.constant 0 : index
    %swap3A_724 = tpu.vector_load %arg15[%swap3A_723] {strides = array<i32>} : memref<16xf32, #tpu.memory_space<vmem>>, vector<16xf32>,
    tpu.vector_store %arg15[%swap3A_723], %add3A_722 {strides = array<i32>} : memref<16xf32, #tpu.memory_space<vmem>>, vector<16xf32>,
    %get3A_725 = arith.constant 464 : index
    %get3A_726 = tpu.vector_load %arg12[%get3A_725] {strides = array<i32>} : memref<640xi32, #tpu.memory_space<vmem>>, vector<16xi32>,
    %get3A_727 = arith.constant 1104 : index
    %get3A_728 = tpu.vector_load %arg9[%get3A_727] {strides = array<i32>} : memref<2560xi32, #tpu.memory_space<vmem>>, vector<16xi32>,
    %get3A_729 = arith.constant 0 : index
    %get3A_730 = tpu.vector_load %arg15[%get3A_729] {strides = array<i32>} : memref<16xf32, #tpu.memory_space<vmem>>, vector<16xf32>,
    %gather3A_731 = tpu.vector_load_idx %arg13[%get3A_726, %get3A_728] : memref<32x1024xf32, #tpu.memory_space<vmem>>[vector<16xi32>, vector<16xi32>], vector<16xf32>,
    %add3A_732 = arith.addf %get3A_730, %gather3A_731 : vector<16xf32>
    %swap3A_733 = arith.constant 0 : index
    %swap3A_734 = tpu.vector_load %arg15[%swap3A_733] {strides = array<i32>} : memref<16xf32, #tpu.memory_space<vmem>>, vector<16xf32>,
    tpu.vector_store %arg15[%swap3A_733], %add3A_732 {strides = array<i32>} : memref<16xf32, #tpu.memory_space<vmem>>, vector<16xf32>,
    %get3A_735 = arith.constant 480 : index
    %get3A_736 = tpu.vector_load %arg12[%get3A_735] {strides = array<i32>} : memref<640xi32, #tpu.memory_space<vmem>>, vector<16xi32>,
    %get3A_737 = arith.constant 1120 : index
    %get3A_738 = tpu.vector_load %arg9[%get3A_737] {strides = array<i32>} : memref<2560xi32, #tpu.memory_space<vmem>>, vector<16xi32>,
    %get3A_739 = arith.constant 0 : index
    %get3A_740 = tpu.vector_load %arg15[%get3A_739] {strides = array<i32>} : memref<16xf32, #tpu.memory_space<vmem>>, vector<16xf32>,
    %gather3A_741 = tpu.vector_load_idx %arg13[%get3A_736, %get3A_738] : memref<32x1024xf32, #tpu.memory_space<vmem>>[vector<16xi32>, vector<16xi32>], vector<16xf32>,
    %add3A_742 = arith.addf %get3A_740, %gather3A_741 : vector<16xf32>
    %swap3A_743 = arith.constant 0 : index
    %swap3A_744 = tpu.vector_load %arg15[%swap3A_743] {strides = array<i32>} : memref<16xf32, #tpu.memory_space<vmem>>, vector<16xf32>,
    tpu.vector_store %arg15[%swap3A_743], %add3A_742 {strides = array<i32>} : memref<16xf32, #tpu.memory_space<vmem>>, vector<16xf32>,
    %get3A_745 = arith.constant 496 : index
    %get3A_746 = tpu.vector_load %arg12[%get3A_745] {strides = array<i32>} : memref<640xi32, #tpu.memory_space<vmem>>, vector<16xi32>,
    %get3A_747 = arith.constant 1136 : index
    %get3A_748 = tpu.vector_load %arg9[%get3A_747] {strides = array<i32>} : memref<2560xi32, #tpu.memory_space<vmem>>, vector<16xi32>,
    %get3A_749 = arith.constant 0 : index
    %get3A_750 = tpu.vector_load %arg15[%get3A_749] {strides = array<i32>} : memref<16xf32, #tpu.memory_space<vmem>>, vector<16xf32>,
    %gather3A_751 = tpu.vector_load_idx %arg13[%get3A_746, %get3A_748] : memref<32x1024xf32, #tpu.memory_space<vmem>>[vector<16xi32>, vector<16xi32>], vector<16xf32>,
    %add3A_752 = arith.addf %get3A_750, %gather3A_751 : vector<16xf32>
    %swap3A_753 = arith.constant 0 : index
    %swap3A_754 = tpu.vector_load %arg15[%swap3A_753] {strides = array<i32>} : memref<16xf32, #tpu.memory_space<vmem>>, vector<16xf32>,
    tpu.vector_store %arg15[%swap3A_753], %add3A_752 {strides = array<i32>} : memref<16xf32, #tpu.memory_space<vmem>>, vector<16xf32>,
    %get3A_755 = arith.constant 512 : index
    %get3A_756 = tpu.vector_load %arg12[%get3A_755] {strides = array<i32>} : memref<640xi32, #tpu.memory_space<vmem>>, vector<16xi32>,
    %get3A_757 = arith.constant 1152 : index
    %get3A_758 = tpu.vector_load %arg9[%get3A_757] {strides = array<i32>} : memref<2560xi32, #tpu.memory_space<vmem>>, vector<16xi32>,
    %get3A_759 = arith.constant 0 : index
    %get3A_760 = tpu.vector_load %arg15[%get3A_759] {strides = array<i32>} : memref<16xf32, #tpu.memory_space<vmem>>, vector<16xf32>,
    %gather3A_761 = tpu.vector_load_idx %arg13[%get3A_756, %get3A_758] : memref<32x1024xf32, #tpu.memory_space<vmem>>[vector<16xi32>, vector<16xi32>], vector<16xf32>,
    %add3A_762 = arith.addf %get3A_760, %gather3A_761 : vector<16xf32>
    %swap3A_763 = arith.constant 0 : index
    %swap3A_764 = tpu.vector_load %arg15[%swap3A_763] {strides = array<i32>} : memref<16xf32, #tpu.memory_space<vmem>>, vector<16xf32>,
    tpu.vector_store %arg15[%swap3A_763], %add3A_762 {strides = array<i32>} : memref<16xf32, #tpu.memory_space<vmem>>, vector<16xf32>,
    %get3A_765 = arith.constant 528 : index
    %get3A_766 = tpu.vector_load %arg12[%get3A_765] {strides = array<i32>} : memref<640xi32, #tpu.memory_space<vmem>>, vector<16xi32>,
    %get3A_767 = arith.constant 1168 : index
    %get3A_768 = tpu.vector_load %arg9[%get3A_767] {strides = array<i32>} : memref<2560xi32, #tpu.memory_space<vmem>>, vector<16xi32>,
    %get3A_769 = arith.constant 0 : index
    %get3A_770 = tpu.vector_load %arg15[%get3A_769] {strides = array<i32>} : memref<16xf32, #tpu.memory_space<vmem>>, vector<16xf32>,
    %gather3A_771 = tpu.vector_load_idx %arg13[%get3A_766, %get3A_768] : memref<32x1024xf32, #tpu.memory_space<vmem>>[vector<16xi32>, vector<16xi32>], vector<16xf32>,
    %add3A_772 = arith.addf %get3A_770, %gather3A_771 : vector<16xf32>
    %swap3A_773 = arith.constant 0 : index
    %swap3A_774 = tpu.vector_load %arg15[%swap3A_773] {strides = array<i32>} : memref<16xf32, #tpu.memory_space<vmem>>, vector<16xf32>,
    tpu.vector_store %arg15[%swap3A_773], %add3A_772 {strides = array<i32>} : memref<16xf32, #tpu.memory_space<vmem>>, vector<16xf32>,
    %get3A_775 = arith.constant 544 : index
    %get3A_776 = tpu.vector_load %arg12[%get3A_775] {strides = array<i32>} : memref<640xi32, #tpu.memory_space<vmem>>, vector<16xi32>,
    %get3A_777 = arith.constant 1184 : index
    %get3A_778 = tpu.vector_load %arg9[%get3A_777] {strides = array<i32>} : memref<2560xi32, #tpu.memory_space<vmem>>, vector<16xi32>,
    %get3A_779 = arith.constant 0 : index
    %get3A_780 = tpu.vector_load %arg15[%get3A_779] {strides = array<i32>} : memref<16xf32, #tpu.memory_space<vmem>>, vector<16xf32>,
    %gather3A_781 = tpu.vector_load_idx %arg13[%get3A_776, %get3A_778] : memref<32x1024xf32, #tpu.memory_space<vmem>>[vector<16xi32>, vector<16xi32>], vector<16xf32>,
    %add3A_782 = arith.addf %get3A_780, %gather3A_781 : vector<16xf32>
    %swap3A_783 = arith.constant 0 : index
    %swap3A_784 = tpu.vector_load %arg15[%swap3A_783] {strides = array<i32>} : memref<16xf32, #tpu.memory_space<vmem>>, vector<16xf32>,
    tpu.vector_store %arg15[%swap3A_783], %add3A_782 {strides = array<i32>} : memref<16xf32, #tpu.memory_space<vmem>>, vector<16xf32>,
    %get3A_785 = arith.constant 560 : index
    %get3A_786 = tpu.vector_load %arg12[%get3A_785] {strides = array<i32>} : memref<640xi32, #tpu.memory_space<vmem>>, vector<16xi32>,
    %get3A_787 = arith.constant 1200 : index
    %get3A_788 = tpu.vector_load %arg9[%get3A_787] {strides = array<i32>} : memref<2560xi32, #tpu.memory_space<vmem>>, vector<16xi32>,
    %get3A_789 = arith.constant 0 : index
    %get3A_790 = tpu.vector_load %arg15[%get3A_789] {strides = array<i32>} : memref<16xf32, #tpu.memory_space<vmem>>, vector<16xf32>,
    %gather3A_791 = tpu.vector_load_idx %arg13[%get3A_786, %get3A_788] : memref<32x1024xf32, #tpu.memory_space<vmem>>[vector<16xi32>, vector<16xi32>], vector<16xf32>,
    %add3A_792 = arith.addf %get3A_790, %gather3A_791 : vector<16xf32>
    %swap3A_793 = arith.constant 0 : index
    %swap3A_794 = tpu.vector_load %arg15[%swap3A_793] {strides = array<i32>} : memref<16xf32, #tpu.memory_space<vmem>>, vector<16xf32>,
    tpu.vector_store %arg15[%swap3A_793], %add3A_792 {strides = array<i32>} : memref<16xf32, #tpu.memory_space<vmem>>, vector<16xf32>,
    %get3A_795 = arith.constant 576 : index
    %get3A_796 = tpu.vector_load %arg12[%get3A_795] {strides = array<i32>} : memref<640xi32, #tpu.memory_space<vmem>>, vector<16xi32>,
    %get3A_797 = arith.constant 1216 : index
    %get3A_798 = tpu.vector_load %arg9[%get3A_797] {strides = array<i32>} : memref<2560xi32, #tpu.memory_space<vmem>>, vector<16xi32>,
    %get3A_799 = arith.constant 0 : index
    %get3A_800 = tpu.vector_load %arg15[%get3A_799] {strides = array<i32>} : memref<16xf32, #tpu.memory_space<vmem>>, vector<16xf32>,
    %gather3A_801 = tpu.vector_load_idx %arg13[%get3A_796, %get3A_798] : memref<32x1024xf32, #tpu.memory_space<vmem>>[vector<16xi32>, vector<16xi32>], vector<16xf32>,
    %add3A_802 = arith.addf %get3A_800, %gather3A_801 : vector<16xf32>
    %swap3A_803 = arith.constant 0 : index
    %swap3A_804 = tpu.vector_load %arg15[%swap3A_803] {strides = array<i32>} : memref<16xf32, #tpu.memory_space<vmem>>, vector<16xf32>,
    tpu.vector_store %arg15[%swap3A_803], %add3A_802 {strides = array<i32>} : memref<16xf32, #tpu.memory_space<vmem>>, vector<16xf32>,
    %get3A_805 = arith.constant 592 : index
    %get3A_806 = tpu.vector_load %arg12[%get3A_805] {strides = array<i32>} : memref<640xi32, #tpu.memory_space<vmem>>, vector<16xi32>,
    %get3A_807 = arith.constant 1232 : index
    %get3A_808 = tpu.vector_load %arg9[%get3A_807] {strides = array<i32>} : memref<2560xi32, #tpu.memory_space<vmem>>, vector<16xi32>,
    %get3A_809 = arith.constant 0 : index
    %get3A_810 = tpu.vector_load %arg15[%get3A_809] {strides = array<i32>} : memref<16xf32, #tpu.memory_space<vmem>>, vector<16xf32>,
    %gather3A_811 = tpu.vector_load_idx %arg13[%get3A_806, %get3A_808] : memref<32x1024xf32, #tpu.memory_space<vmem>>[vector<16xi32>, vector<16xi32>], vector<16xf32>,
    %add3A_812 = arith.addf %get3A_810, %gather3A_811 : vector<16xf32>
    %swap3A_813 = arith.constant 0 : index
    %swap3A_814 = tpu.vector_load %arg15[%swap3A_813] {strides = array<i32>} : memref<16xf32, #tpu.memory_space<vmem>>, vector<16xf32>,
    tpu.vector_store %arg15[%swap3A_813], %add3A_812 {strides = array<i32>} : memref<16xf32, #tpu.memory_space<vmem>>, vector<16xf32>,
    %get3A_815 = arith.constant 608 : index
    %get3A_816 = tpu.vector_load %arg12[%get3A_815] {strides = array<i32>} : memref<640xi32, #tpu.memory_space<vmem>>, vector<16xi32>,
    %get3A_817 = arith.constant 1248 : index
    %get3A_818 = tpu.vector_load %arg9[%get3A_817] {strides = array<i32>} : memref<2560xi32, #tpu.memory_space<vmem>>, vector<16xi32>,
    %get3A_819 = arith.constant 0 : index
    %get3A_820 = tpu.vector_load %arg15[%get3A_819] {strides = array<i32>} : memref<16xf32, #tpu.memory_space<vmem>>, vector<16xf32>,
    %gather3A_821 = tpu.vector_load_idx %arg13[%get3A_816, %get3A_818] : memref<32x1024xf32, #tpu.memory_space<vmem>>[vector<16xi32>, vector<16xi32>], vector<16xf32>,
    %add3A_822 = arith.addf %get3A_820, %gather3A_821 : vector<16xf32>
    %swap3A_823 = arith.constant 0 : index
    %swap3A_824 = tpu.vector_load %arg15[%swap3A_823] {strides = array<i32>} : memref<16xf32, #tpu.memory_space<vmem>>, vector<16xf32>,
    tpu.vector_store %arg15[%swap3A_823], %add3A_822 {strides = array<i32>} : memref<16xf32, #tpu.memory_space<vmem>>, vector<16xf32>,
    %get3A_825 = arith.constant 624 : index
    %get3A_826 = tpu.vector_load %arg12[%get3A_825] {strides = array<i32>} : memref<640xi32, #tpu.memory_space<vmem>>, vector<16xi32>,
    %get3A_827 = arith.constant 1264 : index
    %get3A_828 = tpu.vector_load %arg9[%get3A_827] {strides = array<i32>} : memref<2560xi32, #tpu.memory_space<vmem>>, vector<16xi32>,
    %get3A_829 = arith.constant 0 : index
    %get3A_830 = tpu.vector_load %arg15[%get3A_829] {strides = array<i32>} : memref<16xf32, #tpu.memory_space<vmem>>, vector<16xf32>,
    %gather3A_831 = tpu.vector_load_idx %arg13[%get3A_826, %get3A_828] : memref<32x1024xf32, #tpu.memory_space<vmem>>[vector<16xi32>, vector<16xi32>], vector<16xf32>,
    %add3A_832 = arith.addf %get3A_830, %gather3A_831 : vector<16xf32>
    %swap3A_833 = arith.constant 0 : index
    %swap3A_834 = tpu.vector_load %arg15[%swap3A_833] {strides = array<i32>} : memref<16xf32, #tpu.memory_space<vmem>>, vector<16xf32>,
    tpu.vector_store %arg15[%swap3A_833], %add3A_832 {strides = array<i32>} : memref<16xf32, #tpu.memory_space<vmem>>, vector<16xf32>,
    %get3A_835 = arith.constant 64 : index
    %get3A_836 = tpu.vector_load %arg8[%get3A_835] {strides = array<i32>} : memref<128xi32, #tpu.memory_space<vmem>>, vector<16xi32>,
    %swap3A_837 = arith.constant 0 : index
    %swap3A_838 = tpu.vector_load %arg11[%swap3A_837] {strides = array<i32>} : memref<32xi32, #tpu.memory_space<vmem>>, vector<16xi32>,
    tpu.vector_store %arg11[%swap3A_837], %get3A_836 {strides = array<i32>} : memref<32xi32, #tpu.memory_space<vmem>>, vector<16xi32>,
    %get3A_839 = arith.constant 80 : index
    %get3A_840 = tpu.vector_load %arg8[%get3A_839] {strides = array<i32>} : memref<128xi32, #tpu.memory_space<vmem>>, vector<16xi32>,
    %swap3A_841 = arith.constant 16 : index
    %swap3A_842 = tpu.vector_load %arg11[%swap3A_841] {strides = array<i32>} : memref<32xi32, #tpu.memory_space<vmem>>, vector<16xi32>,
    tpu.vector_store %arg11[%swap3A_841], %get3A_840 {strides = array<i32>} : memref<32xi32, #tpu.memory_space<vmem>>, vector<16xi32>,
    %dma_start3A_843 = arith.constant 0 : i32
    %dma_start3A_844 = arith.constant 0 : i32
    %dma_start3A_845 = tpu.memref_slice %arg2[%dma_start3A_843, %dma_start3A_844] : memref<1000x1024xf32, #tpu.memory_space<hbm>> -> memref<1000x1024xf32, #tpu.memory_space<hbm>>
    tpu.enqueue_indirect_dma source(%dma_start3A_845 : memref<1000x1024xf32, #tpu.memory_space<hbm>>) target(%arg13 : memref<32x1024xf32, #tpu.memory_space<vmem>>) offsets(%arg11 : memref<32xi32, #tpu.memory_space<vmem>>) semaphore(%arg16 : memref<!tpu.dma_semaphore, #tpu.memory_space<semaphore_mem>>)
    %dma_wait3A_846 = arith.constant 0 : i32
    %dma_wait3A_847 = arith.constant 0 : i32
    %dma_wait3A_848 = tpu.memref_slice %arg2[%dma_wait3A_846, %dma_wait3A_847] : memref<1000x1024xf32, #tpu.memory_space<hbm>> -> memref<1000x1024xf32, #tpu.memory_space<hbm>>
    tpu.wait_indirect_dma semaphore(%arg16 : memref<!tpu.dma_semaphore, #tpu.memory_space<semaphore_mem>>) src(%dma_wait3A_848 : memref<1000x1024xf32, #tpu.memory_space<hbm>>) dst(%arg13 : memref<32x1024xf32, #tpu.memory_space<vmem>>)
    %get3A_849 = arith.constant 0 : index
    %get3A_850 = tpu.vector_load %arg12[%get3A_849] {strides = array<i32>} : memref<640xi32, #tpu.memory_space<vmem>>, vector<16xi32>,
    %get3A_851 = arith.constant 1280 : index
    %get3A_852 = tpu.vector_load %arg9[%get3A_851] {strides = array<i32>} : memref<2560xi32, #tpu.memory_space<vmem>>, vector<16xi32>,
    %get3A_853 = arith.constant 0 : index
    %get3A_854 = tpu.vector_load %arg15[%get3A_853] {strides = array<i32>} : memref<16xf32, #tpu.memory_space<vmem>>, vector<16xf32>,
    %gather3A_855 = tpu.vector_load_idx %arg13[%get3A_850, %get3A_852] : memref<32x1024xf32, #tpu.memory_space<vmem>>[vector<16xi32>, vector<16xi32>], vector<16xf32>,
    %add3A_856 = arith.addf %get3A_854, %gather3A_855 : vector<16xf32>
    %swap3A_857 = arith.constant 0 : index
    %swap3A_858 = tpu.vector_load %arg15[%swap3A_857] {strides = array<i32>} : memref<16xf32, #tpu.memory_space<vmem>>, vector<16xf32>,
    tpu.vector_store %arg15[%swap3A_857], %add3A_856 {strides = array<i32>} : memref<16xf32, #tpu.memory_space<vmem>>, vector<16xf32>,
    %get3A_859 = arith.constant 16 : index
    %get3A_860 = tpu.vector_load %arg12[%get3A_859] {strides = array<i32>} : memref<640xi32, #tpu.memory_space<vmem>>, vector<16xi32>,
    %get3A_861 = arith.constant 1296 : index
    %get3A_862 = tpu.vector_load %arg9[%get3A_861] {strides = array<i32>} : memref<2560xi32, #tpu.memory_space<vmem>>, vector<16xi32>,
    %get3A_863 = arith.constant 0 : index
    %get3A_864 = tpu.vector_load %arg15[%get3A_863] {strides = array<i32>} : memref<16xf32, #tpu.memory_space<vmem>>, vector<16xf32>,
    %gather3A_865 = tpu.vector_load_idx %arg13[%get3A_860, %get3A_862] : memref<32x1024xf32, #tpu.memory_space<vmem>>[vector<16xi32>, vector<16xi32>], vector<16xf32>,
    %add3A_866 = arith.addf %get3A_864, %gather3A_865 : vector<16xf32>
    %swap3A_867 = arith.constant 0 : index
    %swap3A_868 = tpu.vector_load %arg15[%swap3A_867] {strides = array<i32>} : memref<16xf32, #tpu.memory_space<vmem>>, vector<16xf32>,
    tpu.vector_store %arg15[%swap3A_867], %add3A_866 {strides = array<i32>} : memref<16xf32, #tpu.memory_space<vmem>>, vector<16xf32>,
    %get3A_869 = arith.constant 32 : index
    %get3A_870 = tpu.vector_load %arg12[%get3A_869] {strides = array<i32>} : memref<640xi32, #tpu.memory_space<vmem>>, vector<16xi32>,
    %get3A_871 = arith.constant 1312 : index
    %get3A_872 = tpu.vector_load %arg9[%get3A_871] {strides = array<i32>} : memref<2560xi32, #tpu.memory_space<vmem>>, vector<16xi32>,
    %get3A_873 = arith.constant 0 : index
    %get3A_874 = tpu.vector_load %arg15[%get3A_873] {strides = array<i32>} : memref<16xf32, #tpu.memory_space<vmem>>, vector<16xf32>,
    %gather3A_875 = tpu.vector_load_idx %arg13[%get3A_870, %get3A_872] : memref<32x1024xf32, #tpu.memory_space<vmem>>[vector<16xi32>, vector<16xi32>], vector<16xf32>,
    %add3A_876 = arith.addf %get3A_874, %gather3A_875 : vector<16xf32>
    %swap3A_877 = arith.constant 0 : index
    %swap3A_878 = tpu.vector_load %arg15[%swap3A_877] {strides = array<i32>} : memref<16xf32, #tpu.memory_space<vmem>>, vector<16xf32>,
    tpu.vector_store %arg15[%swap3A_877], %add3A_876 {strides = array<i32>} : memref<16xf32, #tpu.memory_space<vmem>>, vector<16xf32>,
    %get3A_879 = arith.constant 48 : index
    %get3A_880 = tpu.vector_load %arg12[%get3A_879] {strides = array<i32>} : memref<640xi32, #tpu.memory_space<vmem>>, vector<16xi32>,
    %get3A_881 = arith.constant 1328 : index
    %get3A_882 = tpu.vector_load %arg9[%get3A_881] {strides = array<i32>} : memref<2560xi32, #tpu.memory_space<vmem>>, vector<16xi32>,
    %get3A_883 = arith.constant 0 : index
    %get3A_884 = tpu.vector_load %arg15[%get3A_883] {strides = array<i32>} : memref<16xf32, #tpu.memory_space<vmem>>, vector<16xf32>,
    %gather3A_885 = tpu.vector_load_idx %arg13[%get3A_880, %get3A_882] : memref<32x1024xf32, #tpu.memory_space<vmem>>[vector<16xi32>, vector<16xi32>], vector<16xf32>,
    %add3A_886 = arith.addf %get3A_884, %gather3A_885 : vector<16xf32>
    %swap3A_887 = arith.constant 0 : index
    %swap3A_888 = tpu.vector_load %arg15[%swap3A_887] {strides = array<i32>} : memref<16xf32, #tpu.memory_space<vmem>>, vector<16xf32>,
    tpu.vector_store %arg15[%swap3A_887], %add3A_886 {strides = array<i32>} : memref<16xf32, #tpu.memory_space<vmem>>, vector<16xf32>,
    %get3A_889 = arith.constant 64 : index
    %get3A_890 = tpu.vector_load %arg12[%get3A_889] {strides = array<i32>} : memref<640xi32, #tpu.memory_space<vmem>>, vector<16xi32>,
    %get3A_891 = arith.constant 1344 : index
    %get3A_892 = tpu.vector_load %arg9[%get3A_891] {strides = array<i32>} : memref<2560xi32, #tpu.memory_space<vmem>>, vector<16xi32>,
    %get3A_893 = arith.constant 0 : index
    %get3A_894 = tpu.vector_load %arg15[%get3A_893] {strides = array<i32>} : memref<16xf32, #tpu.memory_space<vmem>>, vector<16xf32>,
    %gather3A_895 = tpu.vector_load_idx %arg13[%get3A_890, %get3A_892] : memref<32x1024xf32, #tpu.memory_space<vmem>>[vector<16xi32>, vector<16xi32>], vector<16xf32>,
    %add3A_896 = arith.addf %get3A_894, %gather3A_895 : vector<16xf32>
    %swap3A_897 = arith.constant 0 : index
    %swap3A_898 = tpu.vector_load %arg15[%swap3A_897] {strides = array<i32>} : memref<16xf32, #tpu.memory_space<vmem>>, vector<16xf32>,
    tpu.vector_store %arg15[%swap3A_897], %add3A_896 {strides = array<i32>} : memref<16xf32, #tpu.memory_space<vmem>>, vector<16xf32>,
    %get3A_899 = arith.constant 80 : index
    %get3A_900 = tpu.vector_load %arg12[%get3A_899] {strides = array<i32>} : memref<640xi32, #tpu.memory_space<vmem>>, vector<16xi32>,
    %get3A_901 = arith.constant 1360 : index
    %get3A_902 = tpu.vector_load %arg9[%get3A_901] {strides = array<i32>} : memref<2560xi32, #tpu.memory_space<vmem>>, vector<16xi32>,
    %get3A_903 = arith.constant 0 : index
    %get3A_904 = tpu.vector_load %arg15[%get3A_903] {strides = array<i32>} : memref<16xf32, #tpu.memory_space<vmem>>, vector<16xf32>,
    %gather3A_905 = tpu.vector_load_idx %arg13[%get3A_900, %get3A_902] : memref<32x1024xf32, #tpu.memory_space<vmem>>[vector<16xi32>, vector<16xi32>], vector<16xf32>,
    %add3A_906 = arith.addf %get3A_904, %gather3A_905 : vector<16xf32>
    %swap3A_907 = arith.constant 0 : index
    %swap3A_908 = tpu.vector_load %arg15[%swap3A_907] {strides = array<i32>} : memref<16xf32, #tpu.memory_space<vmem>>, vector<16xf32>,
    tpu.vector_store %arg15[%swap3A_907], %add3A_906 {strides = array<i32>} : memref<16xf32, #tpu.memory_space<vmem>>, vector<16xf32>,
    %get3A_909 = arith.constant 96 : index
    %get3A_910 = tpu.vector_load %arg12[%get3A_909] {strides = array<i32>} : memref<640xi32, #tpu.memory_space<vmem>>, vector<16xi32>,
    %get3A_911 = arith.constant 1376 : index
    %get3A_912 = tpu.vector_load %arg9[%get3A_911] {strides = array<i32>} : memref<2560xi32, #tpu.memory_space<vmem>>, vector<16xi32>,
    %get3A_913 = arith.constant 0 : index
    %get3A_914 = tpu.vector_load %arg15[%get3A_913] {strides = array<i32>} : memref<16xf32, #tpu.memory_space<vmem>>, vector<16xf32>,
    %gather3A_915 = tpu.vector_load_idx %arg13[%get3A_910, %get3A_912] : memref<32x1024xf32, #tpu.memory_space<vmem>>[vector<16xi32>, vector<16xi32>], vector<16xf32>,
    %add3A_916 = arith.addf %get3A_914, %gather3A_915 : vector<16xf32>
    %swap3A_917 = arith.constant 0 : index
    %swap3A_918 = tpu.vector_load %arg15[%swap3A_917] {strides = array<i32>} : memref<16xf32, #tpu.memory_space<vmem>>, vector<16xf32>,
    tpu.vector_store %arg15[%swap3A_917], %add3A_916 {strides = array<i32>} : memref<16xf32, #tpu.memory_space<vmem>>, vector<16xf32>,
    %get3A_919 = arith.constant 112 : index
    %get3A_920 = tpu.vector_load %arg12[%get3A_919] {strides = array<i32>} : memref<640xi32, #tpu.memory_space<vmem>>, vector<16xi32>,
    %get3A_921 = arith.constant 1392 : index
    %get3A_922 = tpu.vector_load %arg9[%get3A_921] {strides = array<i32>} : memref<2560xi32, #tpu.memory_space<vmem>>, vector<16xi32>,
    %get3A_923 = arith.constant 0 : index
    %get3A_924 = tpu.vector_load %arg15[%get3A_923] {strides = array<i32>} : memref<16xf32, #tpu.memory_space<vmem>>, vector<16xf32>,
    %gather3A_925 = tpu.vector_load_idx %arg13[%get3A_920, %get3A_922] : memref<32x1024xf32, #tpu.memory_space<vmem>>[vector<16xi32>, vector<16xi32>], vector<16xf32>,
    %add3A_926 = arith.addf %get3A_924, %gather3A_925 : vector<16xf32>
    %swap3A_927 = arith.constant 0 : index
    %swap3A_928 = tpu.vector_load %arg15[%swap3A_927] {strides = array<i32>} : memref<16xf32, #tpu.memory_space<vmem>>, vector<16xf32>,
    tpu.vector_store %arg15[%swap3A_927], %add3A_926 {strides = array<i32>} : memref<16xf32, #tpu.memory_space<vmem>>, vector<16xf32>,
    %get3A_929 = arith.constant 128 : index
    %get3A_930 = tpu.vector_load %arg12[%get3A_929] {strides = array<i32>} : memref<640xi32, #tpu.memory_space<vmem>>, vector<16xi32>,
    %get3A_931 = arith.constant 1408 : index
    %get3A_932 = tpu.vector_load %arg9[%get3A_931] {strides = array<i32>} : memref<2560xi32, #tpu.memory_space<vmem>>, vector<16xi32>,
    %get3A_933 = arith.constant 0 : index
    %get3A_934 = tpu.vector_load %arg15[%get3A_933] {strides = array<i32>} : memref<16xf32, #tpu.memory_space<vmem>>, vector<16xf32>,
    %gather3A_935 = tpu.vector_load_idx %arg13[%get3A_930, %get3A_932] : memref<32x1024xf32, #tpu.memory_space<vmem>>[vector<16xi32>, vector<16xi32>], vector<16xf32>,
    %add3A_936 = arith.addf %get3A_934, %gather3A_935 : vector<16xf32>
    %swap3A_937 = arith.constant 0 : index
    %swap3A_938 = tpu.vector_load %arg15[%swap3A_937] {strides = array<i32>} : memref<16xf32, #tpu.memory_space<vmem>>, vector<16xf32>,
    tpu.vector_store %arg15[%swap3A_937], %add3A_936 {strides = array<i32>} : memref<16xf32, #tpu.memory_space<vmem>>, vector<16xf32>,
    %get3A_939 = arith.constant 144 : index
    %get3A_940 = tpu.vector_load %arg12[%get3A_939] {strides = array<i32>} : memref<640xi32, #tpu.memory_space<vmem>>, vector<16xi32>,
    %get3A_941 = arith.constant 1424 : index
    %get3A_942 = tpu.vector_load %arg9[%get3A_941] {strides = array<i32>} : memref<2560xi32, #tpu.memory_space<vmem>>, vector<16xi32>,
    %get3A_943 = arith.constant 0 : index
    %get3A_944 = tpu.vector_load %arg15[%get3A_943] {strides = array<i32>} : memref<16xf32, #tpu.memory_space<vmem>>, vector<16xf32>,
    %gather3A_945 = tpu.vector_load_idx %arg13[%get3A_940, %get3A_942] : memref<32x1024xf32, #tpu.memory_space<vmem>>[vector<16xi32>, vector<16xi32>], vector<16xf32>,
    %add3A_946 = arith.addf %get3A_944, %gather3A_945 : vector<16xf32>
    %swap3A_947 = arith.constant 0 : index
    %swap3A_948 = tpu.vector_load %arg15[%swap3A_947] {strides = array<i32>} : memref<16xf32, #tpu.memory_space<vmem>>, vector<16xf32>,
    tpu.vector_store %arg15[%swap3A_947], %add3A_946 {strides = array<i32>} : memref<16xf32, #tpu.memory_space<vmem>>, vector<16xf32>,
    %get3A_949 = arith.constant 160 : index
    %get3A_950 = tpu.vector_load %arg12[%get3A_949] {strides = array<i32>} : memref<640xi32, #tpu.memory_space<vmem>>, vector<16xi32>,
    %get3A_951 = arith.constant 1440 : index
    %get3A_952 = tpu.vector_load %arg9[%get3A_951] {strides = array<i32>} : memref<2560xi32, #tpu.memory_space<vmem>>, vector<16xi32>,
    %get3A_953 = arith.constant 0 : index
    %get3A_954 = tpu.vector_load %arg15[%get3A_953] {strides = array<i32>} : memref<16xf32, #tpu.memory_space<vmem>>, vector<16xf32>,
    %gather3A_955 = tpu.vector_load_idx %arg13[%get3A_950, %get3A_952] : memref<32x1024xf32, #tpu.memory_space<vmem>>[vector<16xi32>, vector<16xi32>], vector<16xf32>,
    %add3A_956 = arith.addf %get3A_954, %gather3A_955 : vector<16xf32>
    %swap3A_957 = arith.constant 0 : index
    %swap3A_958 = tpu.vector_load %arg15[%swap3A_957] {strides = array<i32>} : memref<16xf32, #tpu.memory_space<vmem>>, vector<16xf32>,
    tpu.vector_store %arg15[%swap3A_957], %add3A_956 {strides = array<i32>} : memref<16xf32, #tpu.memory_space<vmem>>, vector<16xf32>,
    %get3A_959 = arith.constant 176 : index
    %get3A_960 = tpu.vector_load %arg12[%get3A_959] {strides = array<i32>} : memref<640xi32, #tpu.memory_space<vmem>>, vector<16xi32>,
    %get3A_961 = arith.constant 1456 : index
    %get3A_962 = tpu.vector_load %arg9[%get3A_961] {strides = array<i32>} : memref<2560xi32, #tpu.memory_space<vmem>>, vector<16xi32>,
    %get3A_963 = arith.constant 0 : index
    %get3A_964 = tpu.vector_load %arg15[%get3A_963] {strides = array<i32>} : memref<16xf32, #tpu.memory_space<vmem>>, vector<16xf32>,
    %gather3A_965 = tpu.vector_load_idx %arg13[%get3A_960, %get3A_962] : memref<32x1024xf32, #tpu.memory_space<vmem>>[vector<16xi32>, vector<16xi32>], vector<16xf32>,
    %add3A_966 = arith.addf %get3A_964, %gather3A_965 : vector<16xf32>
    %swap3A_967 = arith.constant 0 : index
    %swap3A_968 = tpu.vector_load %arg15[%swap3A_967] {strides = array<i32>} : memref<16xf32, #tpu.memory_space<vmem>>, vector<16xf32>,
    tpu.vector_store %arg15[%swap3A_967], %add3A_966 {strides = array<i32>} : memref<16xf32, #tpu.memory_space<vmem>>, vector<16xf32>,
    %get3A_969 = arith.constant 192 : index
    %get3A_970 = tpu.vector_load %arg12[%get3A_969] {strides = array<i32>} : memref<640xi32, #tpu.memory_space<vmem>>, vector<16xi32>,
    %get3A_971 = arith.constant 1472 : index
    %get3A_972 = tpu.vector_load %arg9[%get3A_971] {strides = array<i32>} : memref<2560xi32, #tpu.memory_space<vmem>>, vector<16xi32>,
    %get3A_973 = arith.constant 0 : index
    %get3A_974 = tpu.vector_load %arg15[%get3A_973] {strides = array<i32>} : memref<16xf32, #tpu.memory_space<vmem>>, vector<16xf32>,
    %gather3A_975 = tpu.vector_load_idx %arg13[%get3A_970, %get3A_972] : memref<32x1024xf32, #tpu.memory_space<vmem>>[vector<16xi32>, vector<16xi32>], vector<16xf32>,
    %add3A_976 = arith.addf %get3A_974, %gather3A_975 : vector<16xf32>
    %swap3A_977 = arith.constant 0 : index
    %swap3A_978 = tpu.vector_load %arg15[%swap3A_977] {strides = array<i32>} : memref<16xf32, #tpu.memory_space<vmem>>, vector<16xf32>,
    tpu.vector_store %arg15[%swap3A_977], %add3A_976 {strides = array<i32>} : memref<16xf32, #tpu.memory_space<vmem>>, vector<16xf32>,
    %get3A_979 = arith.constant 208 : index
    %get3A_980 = tpu.vector_load %arg12[%get3A_979] {strides = array<i32>} : memref<640xi32, #tpu.memory_space<vmem>>, vector<16xi32>,
    %get3A_981 = arith.constant 1488 : index
    %get3A_982 = tpu.vector_load %arg9[%get3A_981] {strides = array<i32>} : memref<2560xi32, #tpu.memory_space<vmem>>, vector<16xi32>,
    %get3A_983 = arith.constant 0 : index
    %get3A_984 = tpu.vector_load %arg15[%get3A_983] {strides = array<i32>} : memref<16xf32, #tpu.memory_space<vmem>>, vector<16xf32>,
    %gather3A_985 = tpu.vector_load_idx %arg13[%get3A_980, %get3A_982] : memref<32x1024xf32, #tpu.memory_space<vmem>>[vector<16xi32>, vector<16xi32>], vector<16xf32>,
    %add3A_986 = arith.addf %get3A_984, %gather3A_985 : vector<16xf32>
    %swap3A_987 = arith.constant 0 : index
    %swap3A_988 = tpu.vector_load %arg15[%swap3A_987] {strides = array<i32>} : memref<16xf32, #tpu.memory_space<vmem>>, vector<16xf32>,
    tpu.vector_store %arg15[%swap3A_987], %add3A_986 {strides = array<i32>} : memref<16xf32, #tpu.memory_space<vmem>>, vector<16xf32>,
    %get3A_989 = arith.constant 224 : index
    %get3A_990 = tpu.vector_load %arg12[%get3A_989] {strides = array<i32>} : memref<640xi32, #tpu.memory_space<vmem>>, vector<16xi32>,
    %get3A_991 = arith.constant 1504 : index
    %get3A_992 = tpu.vector_load %arg9[%get3A_991] {strides = array<i32>} : memref<2560xi32, #tpu.memory_space<vmem>>, vector<16xi32>,
    %get3A_993 = arith.constant 0 : index
    %get3A_994 = tpu.vector_load %arg15[%get3A_993] {strides = array<i32>} : memref<16xf32, #tpu.memory_space<vmem>>, vector<16xf32>,
    %gather3A_995 = tpu.vector_load_idx %arg13[%get3A_990, %get3A_992] : memref<32x1024xf32, #tpu.memory_space<vmem>>[vector<16xi32>, vector<16xi32>], vector<16xf32>,
    %add3A_996 = arith.addf %get3A_994, %gather3A_995 : vector<16xf32>
    %swap3A_997 = arith.constant 0 : index
    %swap3A_998 = tpu.vector_load %arg15[%swap3A_997] {strides = array<i32>} : memref<16xf32, #tpu.memory_space<vmem>>, vector<16xf32>,
    tpu.vector_store %arg15[%swap3A_997], %add3A_996 {strides = array<i32>} : memref<16xf32, #tpu.memory_space<vmem>>, vector<16xf32>,
    %get3A_999 = arith.constant 240 : index
    %get3A_1000 = tpu.vector_load %arg12[%get3A_999] {strides = array<i32>} : memref<640xi32, #tpu.memory_space<vmem>>, vector<16xi32>,
    %get3A_1001 = arith.constant 1520 : index
    %get3A_1002 = tpu.vector_load %arg9[%get3A_1001] {strides = array<i32>} : memref<2560xi32, #tpu.memory_space<vmem>>, vector<16xi32>,
    %get3A_1003 = arith.constant 0 : index
    %get3A_1004 = tpu.vector_load %arg15[%get3A_1003] {strides = array<i32>} : memref<16xf32, #tpu.memory_space<vmem>>, vector<16xf32>,
    %gather3A_1005 = tpu.vector_load_idx %arg13[%get3A_1000, %get3A_1002] : memref<32x1024xf32, #tpu.memory_space<vmem>>[vector<16xi32>, vector<16xi32>], vector<16xf32>,
    %add3A_1006 = arith.addf %get3A_1004, %gather3A_1005 : vector<16xf32>
    %swap3A_1007 = arith.constant 0 : index
    %swap3A_1008 = tpu.vector_load %arg15[%swap3A_1007] {strides = array<i32>} : memref<16xf32, #tpu.memory_space<vmem>>, vector<16xf32>,
    tpu.vector_store %arg15[%swap3A_1007], %add3A_1006 {strides = array<i32>} : memref<16xf32, #tpu.memory_space<vmem>>, vector<16xf32>,
    %get3A_1009 = arith.constant 256 : index
    %get3A_1010 = tpu.vector_load %arg12[%get3A_1009] {strides = array<i32>} : memref<640xi32, #tpu.memory_space<vmem>>, vector<16xi32>,
    %get3A_1011 = arith.constant 1536 : index
    %get3A_1012 = tpu.vector_load %arg9[%get3A_1011] {strides = array<i32>} : memref<2560xi32, #tpu.memory_space<vmem>>, vector<16xi32>,
    %get3A_1013 = arith.constant 0 : index
    %get3A_1014 = tpu.vector_load %arg15[%get3A_1013] {strides = array<i32>} : memref<16xf32, #tpu.memory_space<vmem>>, vector<16xf32>,
    %gather3A_1015 = tpu.vector_load_idx %arg13[%get3A_1010, %get3A_1012] : memref<32x1024xf32, #tpu.memory_space<vmem>>[vector<16xi32>, vector<16xi32>], vector<16xf32>,
    %add3A_1016 = arith.addf %get3A_1014, %gather3A_1015 : vector<16xf32>
    %swap3A_1017 = arith.constant 0 : index
    %swap3A_1018 = tpu.vector_load %arg15[%swap3A_1017] {strides = array<i32>} : memref<16xf32, #tpu.memory_space<vmem>>, vector<16xf32>,
    tpu.vector_store %arg15[%swap3A_1017], %add3A_1016 {strides = array<i32>} : memref<16xf32, #tpu.memory_space<vmem>>, vector<16xf32>,
    %get3A_1019 = arith.constant 272 : index
    %get3A_1020 = tpu.vector_load %arg12[%get3A_1019] {strides = array<i32>} : memref<640xi32, #tpu.memory_space<vmem>>, vector<16xi32>,
    %get3A_1021 = arith.constant 1552 : index
    %get3A_1022 = tpu.vector_load %arg9[%get3A_1021] {strides = array<i32>} : memref<2560xi32, #tpu.memory_space<vmem>>, vector<16xi32>,
    %get3A_1023 = arith.constant 0 : index
    %get3A_1024 = tpu.vector_load %arg15[%get3A_1023] {strides = array<i32>} : memref<16xf32, #tpu.memory_space<vmem>>, vector<16xf32>,
    %gather3A_1025 = tpu.vector_load_idx %arg13[%get3A_1020, %get3A_1022] : memref<32x1024xf32, #tpu.memory_space<vmem>>[vector<16xi32>, vector<16xi32>], vector<16xf32>,
    %add3A_1026 = arith.addf %get3A_1024, %gather3A_1025 : vector<16xf32>
    %swap3A_1027 = arith.constant 0 : index
    %swap3A_1028 = tpu.vector_load %arg15[%swap3A_1027] {strides = array<i32>} : memref<16xf32, #tpu.memory_space<vmem>>, vector<16xf32>,
    tpu.vector_store %arg15[%swap3A_1027], %add3A_1026 {strides = array<i32>} : memref<16xf32, #tpu.memory_space<vmem>>, vector<16xf32>,
    %get3A_1029 = arith.constant 288 : index
    %get3A_1030 = tpu.vector_load %arg12[%get3A_1029] {strides = array<i32>} : memref<640xi32, #tpu.memory_space<vmem>>, vector<16xi32>,
    %get3A_1031 = arith.constant 1568 : index
    %get3A_1032 = tpu.vector_load %arg9[%get3A_1031] {strides = array<i32>} : memref<2560xi32, #tpu.memory_space<vmem>>, vector<16xi32>,
    %get3A_1033 = arith.constant 0 : index
    %get3A_1034 = tpu.vector_load %arg15[%get3A_1033] {strides = array<i32>} : memref<16xf32, #tpu.memory_space<vmem>>, vector<16xf32>,
    %gather3A_1035 = tpu.vector_load_idx %arg13[%get3A_1030, %get3A_1032] : memref<32x1024xf32, #tpu.memory_space<vmem>>[vector<16xi32>, vector<16xi32>], vector<16xf32>,
    %add3A_1036 = arith.addf %get3A_1034, %gather3A_1035 : vector<16xf32>
    %swap3A_1037 = arith.constant 0 : index
    %swap3A_1038 = tpu.vector_load %arg15[%swap3A_1037] {strides = array<i32>} : memref<16xf32, #tpu.memory_space<vmem>>, vector<16xf32>,
    tpu.vector_store %arg15[%swap3A_1037], %add3A_1036 {strides = array<i32>} : memref<16xf32, #tpu.memory_space<vmem>>, vector<16xf32>,
    %get3A_1039 = arith.constant 304 : index
    %get3A_1040 = tpu.vector_load %arg12[%get3A_1039] {strides = array<i32>} : memref<640xi32, #tpu.memory_space<vmem>>, vector<16xi32>,
    %get3A_1041 = arith.constant 1584 : index
    %get3A_1042 = tpu.vector_load %arg9[%get3A_1041] {strides = array<i32>} : memref<2560xi32, #tpu.memory_space<vmem>>, vector<16xi32>,
    %get3A_1043 = arith.constant 0 : index
    %get3A_1044 = tpu.vector_load %arg15[%get3A_1043] {strides = array<i32>} : memref<16xf32, #tpu.memory_space<vmem>>, vector<16xf32>,
    %gather3A_1045 = tpu.vector_load_idx %arg13[%get3A_1040, %get3A_1042] : memref<32x1024xf32, #tpu.memory_space<vmem>>[vector<16xi32>, vector<16xi32>], vector<16xf32>,
    %add3A_1046 = arith.addf %get3A_1044, %gather3A_1045 : vector<16xf32>
    %swap3A_1047 = arith.constant 0 : index
    %swap3A_1048 = tpu.vector_load %arg15[%swap3A_1047] {strides = array<i32>} : memref<16xf32, #tpu.memory_space<vmem>>, vector<16xf32>,
    tpu.vector_store %arg15[%swap3A_1047], %add3A_1046 {strides = array<i32>} : memref<16xf32, #tpu.memory_space<vmem>>, vector<16xf32>,
    %get3A_1049 = arith.constant 320 : index
    %get3A_1050 = tpu.vector_load %arg12[%get3A_1049] {strides = array<i32>} : memref<640xi32, #tpu.memory_space<vmem>>, vector<16xi32>,
    %get3A_1051 = arith.constant 1600 : index
    %get3A_1052 = tpu.vector_load %arg9[%get3A_1051] {strides = array<i32>} : memref<2560xi32, #tpu.memory_space<vmem>>, vector<16xi32>,
    %get3A_1053 = arith.constant 0 : index
    %get3A_1054 = tpu.vector_load %arg15[%get3A_1053] {strides = array<i32>} : memref<16xf32, #tpu.memory_space<vmem>>, vector<16xf32>,
    %gather3A_1055 = tpu.vector_load_idx %arg13[%get3A_1050, %get3A_1052] : memref<32x1024xf32, #tpu.memory_space<vmem>>[vector<16xi32>, vector<16xi32>], vector<16xf32>,
    %add3A_1056 = arith.addf %get3A_1054, %gather3A_1055 : vector<16xf32>
    %swap3A_1057 = arith.constant 0 : index
    %swap3A_1058 = tpu.vector_load %arg15[%swap3A_1057] {strides = array<i32>} : memref<16xf32, #tpu.memory_space<vmem>>, vector<16xf32>,
    tpu.vector_store %arg15[%swap3A_1057], %add3A_1056 {strides = array<i32>} : memref<16xf32, #tpu.memory_space<vmem>>, vector<16xf32>,
    %get3A_1059 = arith.constant 336 : index
    %get3A_1060 = tpu.vector_load %arg12[%get3A_1059] {strides = array<i32>} : memref<640xi32, #tpu.memory_space<vmem>>, vector<16xi32>,
    %get3A_1061 = arith.constant 1616 : index
    %get3A_1062 = tpu.vector_load %arg9[%get3A_1061] {strides = array<i32>} : memref<2560xi32, #tpu.memory_space<vmem>>, vector<16xi32>,
    %get3A_1063 = arith.constant 0 : index
    %get3A_1064 = tpu.vector_load %arg15[%get3A_1063] {strides = array<i32>} : memref<16xf32, #tpu.memory_space<vmem>>, vector<16xf32>,
    %gather3A_1065 = tpu.vector_load_idx %arg13[%get3A_1060, %get3A_1062] : memref<32x1024xf32, #tpu.memory_space<vmem>>[vector<16xi32>, vector<16xi32>], vector<16xf32>,
    %add3A_1066 = arith.addf %get3A_1064, %gather3A_1065 : vector<16xf32>
    %swap3A_1067 = arith.constant 0 : index
    %swap3A_1068 = tpu.vector_load %arg15[%swap3A_1067] {strides = array<i32>} : memref<16xf32, #tpu.memory_space<vmem>>, vector<16xf32>,
    tpu.vector_store %arg15[%swap3A_1067], %add3A_1066 {strides = array<i32>} : memref<16xf32, #tpu.memory_space<vmem>>, vector<16xf32>,
    %get3A_1069 = arith.constant 352 : index
    %get3A_1070 = tpu.vector_load %arg12[%get3A_1069] {strides = array<i32>} : memref<640xi32, #tpu.memory_space<vmem>>, vector<16xi32>,
    %get3A_1071 = arith.constant 1632 : index
    %get3A_1072 = tpu.vector_load %arg9[%get3A_1071] {strides = array<i32>} : memref<2560xi32, #tpu.memory_space<vmem>>, vector<16xi32>,
    %get3A_1073 = arith.constant 0 : index
    %get3A_1074 = tpu.vector_load %arg15[%get3A_1073] {strides = array<i32>} : memref<16xf32, #tpu.memory_space<vmem>>, vector<16xf32>,
    %gather3A_1075 = tpu.vector_load_idx %arg13[%get3A_1070, %get3A_1072] : memref<32x1024xf32, #tpu.memory_space<vmem>>[vector<16xi32>, vector<16xi32>], vector<16xf32>,
    %add3A_1076 = arith.addf %get3A_1074, %gather3A_1075 : vector<16xf32>
    %swap3A_1077 = arith.constant 0 : index
    %swap3A_1078 = tpu.vector_load %arg15[%swap3A_1077] {strides = array<i32>} : memref<16xf32, #tpu.memory_space<vmem>>, vector<16xf32>,
    tpu.vector_store %arg15[%swap3A_1077], %add3A_1076 {strides = array<i32>} : memref<16xf32, #tpu.memory_space<vmem>>, vector<16xf32>,
    %get3A_1079 = arith.constant 368 : index
    %get3A_1080 = tpu.vector_load %arg12[%get3A_1079] {strides = array<i32>} : memref<640xi32, #tpu.memory_space<vmem>>, vector<16xi32>,
    %get3A_1081 = arith.constant 1648 : index
    %get3A_1082 = tpu.vector_load %arg9[%get3A_1081] {strides = array<i32>} : memref<2560xi32, #tpu.memory_space<vmem>>, vector<16xi32>,
    %get3A_1083 = arith.constant 0 : index
    %get3A_1084 = tpu.vector_load %arg15[%get3A_1083] {strides = array<i32>} : memref<16xf32, #tpu.memory_space<vmem>>, vector<16xf32>,
    %gather3A_1085 = tpu.vector_load_idx %arg13[%get3A_1080, %get3A_1082] : memref<32x1024xf32, #tpu.memory_space<vmem>>[vector<16xi32>, vector<16xi32>], vector<16xf32>,
    %add3A_1086 = arith.addf %get3A_1084, %gather3A_1085 : vector<16xf32>
    %swap3A_1087 = arith.constant 0 : index
    %swap3A_1088 = tpu.vector_load %arg15[%swap3A_1087] {strides = array<i32>} : memref<16xf32, #tpu.memory_space<vmem>>, vector<16xf32>,
    tpu.vector_store %arg15[%swap3A_1087], %add3A_1086 {strides = array<i32>} : memref<16xf32, #tpu.memory_space<vmem>>, vector<16xf32>,
    %get3A_1089 = arith.constant 384 : index
    %get3A_1090 = tpu.vector_load %arg12[%get3A_1089] {strides = array<i32>} : memref<640xi32, #tpu.memory_space<vmem>>, vector<16xi32>,
    %get3A_1091 = arith.constant 1664 : index
    %get3A_1092 = tpu.vector_load %arg9[%get3A_1091] {strides = array<i32>} : memref<2560xi32, #tpu.memory_space<vmem>>, vector<16xi32>,
    %get3A_1093 = arith.constant 0 : index
    %get3A_1094 = tpu.vector_load %arg15[%get3A_1093] {strides = array<i32>} : memref<16xf32, #tpu.memory_space<vmem>>, vector<16xf32>,
    %gather3A_1095 = tpu.vector_load_idx %arg13[%get3A_1090, %get3A_1092] : memref<32x1024xf32, #tpu.memory_space<vmem>>[vector<16xi32>, vector<16xi32>], vector<16xf32>,
    %add3A_1096 = arith.addf %get3A_1094, %gather3A_1095 : vector<16xf32>
    %swap3A_1097 = arith.constant 0 : index
    %swap3A_1098 = tpu.vector_load %arg15[%swap3A_1097] {strides = array<i32>} : memref<16xf32, #tpu.memory_space<vmem>>, vector<16xf32>,
    tpu.vector_store %arg15[%swap3A_1097], %add3A_1096 {strides = array<i32>} : memref<16xf32, #tpu.memory_space<vmem>>, vector<16xf32>,
    %get3A_1099 = arith.constant 400 : index
    %get3A_1100 = tpu.vector_load %arg12[%get3A_1099] {strides = array<i32>} : memref<640xi32, #tpu.memory_space<vmem>>, vector<16xi32>,
    %get3A_1101 = arith.constant 1680 : index
    %get3A_1102 = tpu.vector_load %arg9[%get3A_1101] {strides = array<i32>} : memref<2560xi32, #tpu.memory_space<vmem>>, vector<16xi32>,
    %get3A_1103 = arith.constant 0 : index
    %get3A_1104 = tpu.vector_load %arg15[%get3A_1103] {strides = array<i32>} : memref<16xf32, #tpu.memory_space<vmem>>, vector<16xf32>,
    %gather3A_1105 = tpu.vector_load_idx %arg13[%get3A_1100, %get3A_1102] : memref<32x1024xf32, #tpu.memory_space<vmem>>[vector<16xi32>, vector<16xi32>], vector<16xf32>,
    %add3A_1106 = arith.addf %get3A_1104, %gather3A_1105 : vector<16xf32>
    %swap3A_1107 = arith.constant 0 : index
    %swap3A_1108 = tpu.vector_load %arg15[%swap3A_1107] {strides = array<i32>} : memref<16xf32, #tpu.memory_space<vmem>>, vector<16xf32>,
    tpu.vector_store %arg15[%swap3A_1107], %add3A_1106 {strides = array<i32>} : memref<16xf32, #tpu.memory_space<vmem>>, vector<16xf32>,
    %get3A_1109 = arith.constant 416 : index
    %get3A_1110 = tpu.vector_load %arg12[%get3A_1109] {strides = array<i32>} : memref<640xi32, #tpu.memory_space<vmem>>, vector<16xi32>,
    %get3A_1111 = arith.constant 1696 : index
    %get3A_1112 = tpu.vector_load %arg9[%get3A_1111] {strides = array<i32>} : memref<2560xi32, #tpu.memory_space<vmem>>, vector<16xi32>,
    %get3A_1113 = arith.constant 0 : index
    %get3A_1114 = tpu.vector_load %arg15[%get3A_1113] {strides = array<i32>} : memref<16xf32, #tpu.memory_space<vmem>>, vector<16xf32>,
    %gather3A_1115 = tpu.vector_load_idx %arg13[%get3A_1110, %get3A_1112] : memref<32x1024xf32, #tpu.memory_space<vmem>>[vector<16xi32>, vector<16xi32>], vector<16xf32>,
    %add3A_1116 = arith.addf %get3A_1114, %gather3A_1115 : vector<16xf32>
    %swap3A_1117 = arith.constant 0 : index
    %swap3A_1118 = tpu.vector_load %arg15[%swap3A_1117] {strides = array<i32>} : memref<16xf32, #tpu.memory_space<vmem>>, vector<16xf32>,
    tpu.vector_store %arg15[%swap3A_1117], %add3A_1116 {strides = array<i32>} : memref<16xf32, #tpu.memory_space<vmem>>, vector<16xf32>,
    %get3A_1119 = arith.constant 432 : index
    %get3A_1120 = tpu.vector_load %arg12[%get3A_1119] {strides = array<i32>} : memref<640xi32, #tpu.memory_space<vmem>>, vector<16xi32>,
    %get3A_1121 = arith.constant 1712 : index
    %get3A_1122 = tpu.vector_load %arg9[%get3A_1121] {strides = array<i32>} : memref<2560xi32, #tpu.memory_space<vmem>>, vector<16xi32>,
    %get3A_1123 = arith.constant 0 : index
    %get3A_1124 = tpu.vector_load %arg15[%get3A_1123] {strides = array<i32>} : memref<16xf32, #tpu.memory_space<vmem>>, vector<16xf32>,
    %gather3A_1125 = tpu.vector_load_idx %arg13[%get3A_1120, %get3A_1122] : memref<32x1024xf32, #tpu.memory_space<vmem>>[vector<16xi32>, vector<16xi32>], vector<16xf32>,
    %add3A_1126 = arith.addf %get3A_1124, %gather3A_1125 : vector<16xf32>
    %swap3A_1127 = arith.constant 0 : index
    %swap3A_1128 = tpu.vector_load %arg15[%swap3A_1127] {strides = array<i32>} : memref<16xf32, #tpu.memory_space<vmem>>, vector<16xf32>,
    tpu.vector_store %arg15[%swap3A_1127], %add3A_1126 {strides = array<i32>} : memref<16xf32, #tpu.memory_space<vmem>>, vector<16xf32>,
    %get3A_1129 = arith.constant 448 : index
    %get3A_1130 = tpu.vector_load %arg12[%get3A_1129] {strides = array<i32>} : memref<640xi32, #tpu.memory_space<vmem>>, vector<16xi32>,
    %get3A_1131 = arith.constant 1728 : index
    %get3A_1132 = tpu.vector_load %arg9[%get3A_1131] {strides = array<i32>} : memref<2560xi32, #tpu.memory_space<vmem>>, vector<16xi32>,
    %get3A_1133 = arith.constant 0 : index
    %get3A_1134 = tpu.vector_load %arg15[%get3A_1133] {strides = array<i32>} : memref<16xf32, #tpu.memory_space<vmem>>, vector<16xf32>,
    %gather3A_1135 = tpu.vector_load_idx %arg13[%get3A_1130, %get3A_1132] : memref<32x1024xf32, #tpu.memory_space<vmem>>[vector<16xi32>, vector<16xi32>], vector<16xf32>,
    %add3A_1136 = arith.addf %get3A_1134, %gather3A_1135 : vector<16xf32>
    %swap3A_1137 = arith.constant 0 : index
    %swap3A_1138 = tpu.vector_load %arg15[%swap3A_1137] {strides = array<i32>} : memref<16xf32, #tpu.memory_space<vmem>>, vector<16xf32>,
    tpu.vector_store %arg15[%swap3A_1137], %add3A_1136 {strides = array<i32>} : memref<16xf32, #tpu.memory_space<vmem>>, vector<16xf32>,
    %get3A_1139 = arith.constant 464 : index
    %get3A_1140 = tpu.vector_load %arg12[%get3A_1139] {strides = array<i32>} : memref<640xi32, #tpu.memory_space<vmem>>, vector<16xi32>,
    %get3A_1141 = arith.constant 1744 : index
    %get3A_1142 = tpu.vector_load %arg9[%get3A_1141] {strides = array<i32>} : memref<2560xi32, #tpu.memory_space<vmem>>, vector<16xi32>,
    %get3A_1143 = arith.constant 0 : index
    %get3A_1144 = tpu.vector_load %arg15[%get3A_1143] {strides = array<i32>} : memref<16xf32, #tpu.memory_space<vmem>>, vector<16xf32>,
    %gather3A_1145 = tpu.vector_load_idx %arg13[%get3A_1140, %get3A_1142] : memref<32x1024xf32, #tpu.memory_space<vmem>>[vector<16xi32>, vector<16xi32>], vector<16xf32>,
    %add3A_1146 = arith.addf %get3A_1144, %gather3A_1145 : vector<16xf32>
    %swap3A_1147 = arith.constant 0 : index
    %swap3A_1148 = tpu.vector_load %arg15[%swap3A_1147] {strides = array<i32>} : memref<16xf32, #tpu.memory_space<vmem>>, vector<16xf32>,
    tpu.vector_store %arg15[%swap3A_1147], %add3A_1146 {strides = array<i32>} : memref<16xf32, #tpu.memory_space<vmem>>, vector<16xf32>,
    %get3A_1149 = arith.constant 480 : index
    %get3A_1150 = tpu.vector_load %arg12[%get3A_1149] {strides = array<i32>} : memref<640xi32, #tpu.memory_space<vmem>>, vector<16xi32>,
    %get3A_1151 = arith.constant 1760 : index
    %get3A_1152 = tpu.vector_load %arg9[%get3A_1151] {strides = array<i32>} : memref<2560xi32, #tpu.memory_space<vmem>>, vector<16xi32>,
    %get3A_1153 = arith.constant 0 : index
    %get3A_1154 = tpu.vector_load %arg15[%get3A_1153] {strides = array<i32>} : memref<16xf32, #tpu.memory_space<vmem>>, vector<16xf32>,
    %gather3A_1155 = tpu.vector_load_idx %arg13[%get3A_1150, %get3A_1152] : memref<32x1024xf32, #tpu.memory_space<vmem>>[vector<16xi32>, vector<16xi32>], vector<16xf32>,
    %add3A_1156 = arith.addf %get3A_1154, %gather3A_1155 : vector<16xf32>
    %swap3A_1157 = arith.constant 0 : index
    %swap3A_1158 = tpu.vector_load %arg15[%swap3A_1157] {strides = array<i32>} : memref<16xf32, #tpu.memory_space<vmem>>, vector<16xf32>,
    tpu.vector_store %arg15[%swap3A_1157], %add3A_1156 {strides = array<i32>} : memref<16xf32, #tpu.memory_space<vmem>>, vector<16xf32>,
    %get3A_1159 = arith.constant 496 : index
    %get3A_1160 = tpu.vector_load %arg12[%get3A_1159] {strides = array<i32>} : memref<640xi32, #tpu.memory_space<vmem>>, vector<16xi32>,
    %get3A_1161 = arith.constant 1776 : index
    %get3A_1162 = tpu.vector_load %arg9[%get3A_1161] {strides = array<i32>} : memref<2560xi32, #tpu.memory_space<vmem>>, vector<16xi32>,
    %get3A_1163 = arith.constant 0 : index
    %get3A_1164 = tpu.vector_load %arg15[%get3A_1163] {strides = array<i32>} : memref<16xf32, #tpu.memory_space<vmem>>, vector<16xf32>,
    %gather3A_1165 = tpu.vector_load_idx %arg13[%get3A_1160, %get3A_1162] : memref<32x1024xf32, #tpu.memory_space<vmem>>[vector<16xi32>, vector<16xi32>], vector<16xf32>,
    %add3A_1166 = arith.addf %get3A_1164, %gather3A_1165 : vector<16xf32>
    %swap3A_1167 = arith.constant 0 : index
    %swap3A_1168 = tpu.vector_load %arg15[%swap3A_1167] {strides = array<i32>} : memref<16xf32, #tpu.memory_space<vmem>>, vector<16xf32>,
    tpu.vector_store %arg15[%swap3A_1167], %add3A_1166 {strides = array<i32>} : memref<16xf32, #tpu.memory_space<vmem>>, vector<16xf32>,
    %get3A_1169 = arith.constant 512 : index
    %get3A_1170 = tpu.vector_load %arg12[%get3A_1169] {strides = array<i32>} : memref<640xi32, #tpu.memory_space<vmem>>, vector<16xi32>,
    %get3A_1171 = arith.constant 1792 : index
    %get3A_1172 = tpu.vector_load %arg9[%get3A_1171] {strides = array<i32>} : memref<2560xi32, #tpu.memory_space<vmem>>, vector<16xi32>,
    %get3A_1173 = arith.constant 0 : index
    %get3A_1174 = tpu.vector_load %arg15[%get3A_1173] {strides = array<i32>} : memref<16xf32, #tpu.memory_space<vmem>>, vector<16xf32>,
    %gather3A_1175 = tpu.vector_load_idx %arg13[%get3A_1170, %get3A_1172] : memref<32x1024xf32, #tpu.memory_space<vmem>>[vector<16xi32>, vector<16xi32>], vector<16xf32>,
    %add3A_1176 = arith.addf %get3A_1174, %gather3A_1175 : vector<16xf32>
    %swap3A_1177 = arith.constant 0 : index
    %swap3A_1178 = tpu.vector_load %arg15[%swap3A_1177] {strides = array<i32>} : memref<16xf32, #tpu.memory_space<vmem>>, vector<16xf32>,
    tpu.vector_store %arg15[%swap3A_1177], %add3A_1176 {strides = array<i32>} : memref<16xf32, #tpu.memory_space<vmem>>, vector<16xf32>,
    %get3A_1179 = arith.constant 528 : index
    %get3A_1180 = tpu.vector_load %arg12[%get3A_1179] {strides = array<i32>} : memref<640xi32, #tpu.memory_space<vmem>>, vector<16xi32>,
    %get3A_1181 = arith.constant 1808 : index
    %get3A_1182 = tpu.vector_load %arg9[%get3A_1181] {strides = array<i32>} : memref<2560xi32, #tpu.memory_space<vmem>>, vector<16xi32>,
    %get3A_1183 = arith.constant 0 : index
    %get3A_1184 = tpu.vector_load %arg15[%get3A_1183] {strides = array<i32>} : memref<16xf32, #tpu.memory_space<vmem>>, vector<16xf32>,
    %gather3A_1185 = tpu.vector_load_idx %arg13[%get3A_1180, %get3A_1182] : memref<32x1024xf32, #tpu.memory_space<vmem>>[vector<16xi32>, vector<16xi32>], vector<16xf32>,
    %add3A_1186 = arith.addf %get3A_1184, %gather3A_1185 : vector<16xf32>
    %swap3A_1187 = arith.constant 0 : index
    %swap3A_1188 = tpu.vector_load %arg15[%swap3A_1187] {strides = array<i32>} : memref<16xf32, #tpu.memory_space<vmem>>, vector<16xf32>,
    tpu.vector_store %arg15[%swap3A_1187], %add3A_1186 {strides = array<i32>} : memref<16xf32, #tpu.memory_space<vmem>>, vector<16xf32>,
    %get3A_1189 = arith.constant 544 : index
    %get3A_1190 = tpu.vector_load %arg12[%get3A_1189] {strides = array<i32>} : memref<640xi32, #tpu.memory_space<vmem>>, vector<16xi32>,
    %get3A_1191 = arith.constant 1824 : index
    %get3A_1192 = tpu.vector_load %arg9[%get3A_1191] {strides = array<i32>} : memref<2560xi32, #tpu.memory_space<vmem>>, vector<16xi32>,
    %get3A_1193 = arith.constant 0 : index
    %get3A_1194 = tpu.vector_load %arg15[%get3A_1193] {strides = array<i32>} : memref<16xf32, #tpu.memory_space<vmem>>, vector<16xf32>,
    %gather3A_1195 = tpu.vector_load_idx %arg13[%get3A_1190, %get3A_1192] : memref<32x1024xf32, #tpu.memory_space<vmem>>[vector<16xi32>, vector<16xi32>], vector<16xf32>,
    %add3A_1196 = arith.addf %get3A_1194, %gather3A_1195 : vector<16xf32>
    %swap3A_1197 = arith.constant 0 : index
    %swap3A_1198 = tpu.vector_load %arg15[%swap3A_1197] {strides = array<i32>} : memref<16xf32, #tpu.memory_space<vmem>>, vector<16xf32>,
    tpu.vector_store %arg15[%swap3A_1197], %add3A_1196 {strides = array<i32>} : memref<16xf32, #tpu.memory_space<vmem>>, vector<16xf32>,
    %get3A_1199 = arith.constant 560 : index
    %get3A_1200 = tpu.vector_load %arg12[%get3A_1199] {strides = array<i32>} : memref<640xi32, #tpu.memory_space<vmem>>, vector<16xi32>,
    %get3A_1201 = arith.constant 1840 : index
    %get3A_1202 = tpu.vector_load %arg9[%get3A_1201] {strides = array<i32>} : memref<2560xi32, #tpu.memory_space<vmem>>, vector<16xi32>,
    %get3A_1203 = arith.constant 0 : index
    %get3A_1204 = tpu.vector_load %arg15[%get3A_1203] {strides = array<i32>} : memref<16xf32, #tpu.memory_space<vmem>>, vector<16xf32>,
    %gather3A_1205 = tpu.vector_load_idx %arg13[%get3A_1200, %get3A_1202] : memref<32x1024xf32, #tpu.memory_space<vmem>>[vector<16xi32>, vector<16xi32>], vector<16xf32>,
    %add3A_1206 = arith.addf %get3A_1204, %gather3A_1205 : vector<16xf32>
    %swap3A_1207 = arith.constant 0 : index
    %swap3A_1208 = tpu.vector_load %arg15[%swap3A_1207] {strides = array<i32>} : memref<16xf32, #tpu.memory_space<vmem>>, vector<16xf32>,
    tpu.vector_store %arg15[%swap3A_1207], %add3A_1206 {strides = array<i32>} : memref<16xf32, #tpu.memory_space<vmem>>, vector<16xf32>,
    %get3A_1209 = arith.constant 576 : index
    %get3A_1210 = tpu.vector_load %arg12[%get3A_1209] {strides = array<i32>} : memref<640xi32, #tpu.memory_space<vmem>>, vector<16xi32>,
    %get3A_1211 = arith.constant 1856 : index
    %get3A_1212 = tpu.vector_load %arg9[%get3A_1211] {strides = array<i32>} : memref<2560xi32, #tpu.memory_space<vmem>>, vector<16xi32>,
    %get3A_1213 = arith.constant 0 : index
    %get3A_1214 = tpu.vector_load %arg15[%get3A_1213] {strides = array<i32>} : memref<16xf32, #tpu.memory_space<vmem>>, vector<16xf32>,
    %gather3A_1215 = tpu.vector_load_idx %arg13[%get3A_1210, %get3A_1212] : memref<32x1024xf32, #tpu.memory_space<vmem>>[vector<16xi32>, vector<16xi32>], vector<16xf32>,
    %add3A_1216 = arith.addf %get3A_1214, %gather3A_1215 : vector<16xf32>
    %swap3A_1217 = arith.constant 0 : index
    %swap3A_1218 = tpu.vector_load %arg15[%swap3A_1217] {strides = array<i32>} : memref<16xf32, #tpu.memory_space<vmem>>, vector<16xf32>,
    tpu.vector_store %arg15[%swap3A_1217], %add3A_1216 {strides = array<i32>} : memref<16xf32, #tpu.memory_space<vmem>>, vector<16xf32>,
    %get3A_1219 = arith.constant 592 : index
    %get3A_1220 = tpu.vector_load %arg12[%get3A_1219] {strides = array<i32>} : memref<640xi32, #tpu.memory_space<vmem>>, vector<16xi32>,
    %get3A_1221 = arith.constant 1872 : index
    %get3A_1222 = tpu.vector_load %arg9[%get3A_1221] {strides = array<i32>} : memref<2560xi32, #tpu.memory_space<vmem>>, vector<16xi32>,
    %get3A_1223 = arith.constant 0 : index
    %get3A_1224 = tpu.vector_load %arg15[%get3A_1223] {strides = array<i32>} : memref<16xf32, #tpu.memory_space<vmem>>, vector<16xf32>,
    %gather3A_1225 = tpu.vector_load_idx %arg13[%get3A_1220, %get3A_1222] : memref<32x1024xf32, #tpu.memory_space<vmem>>[vector<16xi32>, vector<16xi32>], vector<16xf32>,
    %add3A_1226 = arith.addf %get3A_1224, %gather3A_1225 : vector<16xf32>
    %swap3A_1227 = arith.constant 0 : index
    %swap3A_1228 = tpu.vector_load %arg15[%swap3A_1227] {strides = array<i32>} : memref<16xf32, #tpu.memory_space<vmem>>, vector<16xf32>,
    tpu.vector_store %arg15[%swap3A_1227], %add3A_1226 {strides = array<i32>} : memref<16xf32, #tpu.memory_space<vmem>>, vector<16xf32>,
    %get3A_1229 = arith.constant 608 : index
    %get3A_1230 = tpu.vector_load %arg12[%get3A_1229] {strides = array<i32>} : memref<640xi32, #tpu.memory_space<vmem>>, vector<16xi32>,
    %get3A_1231 = arith.constant 1888 : index
    %get3A_1232 = tpu.vector_load %arg9[%get3A_1231] {strides = array<i32>} : memref<2560xi32, #tpu.memory_space<vmem>>, vector<16xi32>,
    %get3A_1233 = arith.constant 0 : index
    %get3A_1234 = tpu.vector_load %arg15[%get3A_1233] {strides = array<i32>} : memref<16xf32, #tpu.memory_space<vmem>>, vector<16xf32>,
    %gather3A_1235 = tpu.vector_load_idx %arg13[%get3A_1230, %get3A_1232] : memref<32x1024xf32, #tpu.memory_space<vmem>>[vector<16xi32>, vector<16xi32>], vector<16xf32>,
    %add3A_1236 = arith.addf %get3A_1234, %gather3A_1235 : vector<16xf32>
    %swap3A_1237 = arith.constant 0 : index
    %swap3A_1238 = tpu.vector_load %arg15[%swap3A_1237] {strides = array<i32>} : memref<16xf32, #tpu.memory_space<vmem>>, vector<16xf32>,
    tpu.vector_store %arg15[%swap3A_1237], %add3A_1236 {strides = array<i32>} : memref<16xf32, #tpu.memory_space<vmem>>, vector<16xf32>,
    %get3A_1239 = arith.constant 624 : index
    %get3A_1240 = tpu.vector_load %arg12[%get3A_1239] {strides = array<i32>} : memref<640xi32, #tpu.memory_space<vmem>>, vector<16xi32>,
    %get3A_1241 = arith.constant 1904 : index
    %get3A_1242 = tpu.vector_load %arg9[%get3A_1241] {strides = array<i32>} : memref<2560xi32, #tpu.memory_space<vmem>>, vector<16xi32>,
    %get3A_1243 = arith.constant 0 : index
    %get3A_1244 = tpu.vector_load %arg15[%get3A_1243] {strides = array<i32>} : memref<16xf32, #tpu.memory_space<vmem>>, vector<16xf32>,
    %gather3A_1245 = tpu.vector_load_idx %arg13[%get3A_1240, %get3A_1242] : memref<32x1024xf32, #tpu.memory_space<vmem>>[vector<16xi32>, vector<16xi32>], vector<16xf32>,
    %add3A_1246 = arith.addf %get3A_1244, %gather3A_1245 : vector<16xf32>
    %swap3A_1247 = arith.constant 0 : index
    %swap3A_1248 = tpu.vector_load %arg15[%swap3A_1247] {strides = array<i32>} : memref<16xf32, #tpu.memory_space<vmem>>, vector<16xf32>,
    tpu.vector_store %arg15[%swap3A_1247], %add3A_1246 {strides = array<i32>} : memref<16xf32, #tpu.memory_space<vmem>>, vector<16xf32>,
    %get3A_1249 = arith.constant 96 : index
    %get3A_1250 = tpu.vector_load %arg8[%get3A_1249] {strides = array<i32>} : memref<128xi32, #tpu.memory_space<vmem>>, vector<16xi32>,
    %swap3A_1251 = arith.constant 0 : index
    %swap3A_1252 = tpu.vector_load %arg11[%swap3A_1251] {strides = array<i32>} : memref<32xi32, #tpu.memory_space<vmem>>, vector<16xi32>,
    tpu.vector_store %arg11[%swap3A_1251], %get3A_1250 {strides = array<i32>} : memref<32xi32, #tpu.memory_space<vmem>>, vector<16xi32>,
    %get3A_1253 = arith.constant 112 : index
    %get3A_1254 = tpu.vector_load %arg8[%get3A_1253] {strides = array<i32>} : memref<128xi32, #tpu.memory_space<vmem>>, vector<16xi32>,
    %swap3A_1255 = arith.constant 16 : index
    %swap3A_1256 = tpu.vector_load %arg11[%swap3A_1255] {strides = array<i32>} : memref<32xi32, #tpu.memory_space<vmem>>, vector<16xi32>,
    tpu.vector_store %arg11[%swap3A_1255], %get3A_1254 {strides = array<i32>} : memref<32xi32, #tpu.memory_space<vmem>>, vector<16xi32>,
    %dma_start3A_1257 = arith.constant 0 : i32
    %dma_start3A_1258 = arith.constant 0 : i32
    %dma_start3A_1259 = tpu.memref_slice %arg2[%dma_start3A_1257, %dma_start3A_1258] : memref<1000x1024xf32, #tpu.memory_space<hbm>> -> memref<1000x1024xf32, #tpu.memory_space<hbm>>
    tpu.enqueue_indirect_dma source(%dma_start3A_1259 : memref<1000x1024xf32, #tpu.memory_space<hbm>>) target(%arg13 : memref<32x1024xf32, #tpu.memory_space<vmem>>) offsets(%arg11 : memref<32xi32, #tpu.memory_space<vmem>>) semaphore(%arg16 : memref<!tpu.dma_semaphore, #tpu.memory_space<semaphore_mem>>)
    %dma_wait3A_1260 = arith.constant 0 : i32
    %dma_wait3A_1261 = arith.constant 0 : i32
    %dma_wait3A_1262 = tpu.memref_slice %arg2[%dma_wait3A_1260, %dma_wait3A_1261] : memref<1000x1024xf32, #tpu.memory_space<hbm>> -> memref<1000x1024xf32, #tpu.memory_space<hbm>>
    tpu.wait_indirect_dma semaphore(%arg16 : memref<!tpu.dma_semaphore, #tpu.memory_space<semaphore_mem>>) src(%dma_wait3A_1262 : memref<1000x1024xf32, #tpu.memory_space<hbm>>) dst(%arg13 : memref<32x1024xf32, #tpu.memory_space<vmem>>)
    %get3A_1263 = arith.constant 0 : index
    %get3A_1264 = tpu.vector_load %arg12[%get3A_1263] {strides = array<i32>} : memref<640xi32, #tpu.memory_space<vmem>>, vector<16xi32>,
    %get3A_1265 = arith.constant 1920 : index
    %get3A_1266 = tpu.vector_load %arg9[%get3A_1265] {strides = array<i32>} : memref<2560xi32, #tpu.memory_space<vmem>>, vector<16xi32>,
    %get3A_1267 = arith.constant 0 : index
    %get3A_1268 = tpu.vector_load %arg15[%get3A_1267] {strides = array<i32>} : memref<16xf32, #tpu.memory_space<vmem>>, vector<16xf32>,
    %gather3A_1269 = tpu.vector_load_idx %arg13[%get3A_1264, %get3A_1266] : memref<32x1024xf32, #tpu.memory_space<vmem>>[vector<16xi32>, vector<16xi32>], vector<16xf32>,
    %add3A_1270 = arith.addf %get3A_1268, %gather3A_1269 : vector<16xf32>
    %swap3A_1271 = arith.constant 0 : index
    %swap3A_1272 = tpu.vector_load %arg15[%swap3A_1271] {strides = array<i32>} : memref<16xf32, #tpu.memory_space<vmem>>, vector<16xf32>,
    tpu.vector_store %arg15[%swap3A_1271], %add3A_1270 {strides = array<i32>} : memref<16xf32, #tpu.memory_space<vmem>>, vector<16xf32>,
    %get3A_1273 = arith.constant 16 : index
    %get3A_1274 = tpu.vector_load %arg12[%get3A_1273] {strides = array<i32>} : memref<640xi32, #tpu.memory_space<vmem>>, vector<16xi32>,
    %get3A_1275 = arith.constant 1936 : index
    %get3A_1276 = tpu.vector_load %arg9[%get3A_1275] {strides = array<i32>} : memref<2560xi32, #tpu.memory_space<vmem>>, vector<16xi32>,
    %get3A_1277 = arith.constant 0 : index
    %get3A_1278 = tpu.vector_load %arg15[%get3A_1277] {strides = array<i32>} : memref<16xf32, #tpu.memory_space<vmem>>, vector<16xf32>,
    %gather3A_1279 = tpu.vector_load_idx %arg13[%get3A_1274, %get3A_1276] : memref<32x1024xf32, #tpu.memory_space<vmem>>[vector<16xi32>, vector<16xi32>], vector<16xf32>,
    %add3A_1280 = arith.addf %get3A_1278, %gather3A_1279 : vector<16xf32>
    %swap3A_1281 = arith.constant 0 : index
    %swap3A_1282 = tpu.vector_load %arg15[%swap3A_1281] {strides = array<i32>} : memref<16xf32, #tpu.memory_space<vmem>>, vector<16xf32>,
    tpu.vector_store %arg15[%swap3A_1281], %add3A_1280 {strides = array<i32>} : memref<16xf32, #tpu.memory_space<vmem>>, vector<16xf32>,
    %get3A_1283 = arith.constant 32 : index
    %get3A_1284 = tpu.vector_load %arg12[%get3A_1283] {strides = array<i32>} : memref<640xi32, #tpu.memory_space<vmem>>, vector<16xi32>,
    %get3A_1285 = arith.constant 1952 : index
    %get3A_1286 = tpu.vector_load %arg9[%get3A_1285] {strides = array<i32>} : memref<2560xi32, #tpu.memory_space<vmem>>, vector<16xi32>,
    %get3A_1287 = arith.constant 0 : index
    %get3A_1288 = tpu.vector_load %arg15[%get3A_1287] {strides = array<i32>} : memref<16xf32, #tpu.memory_space<vmem>>, vector<16xf32>,
    %gather3A_1289 = tpu.vector_load_idx %arg13[%get3A_1284, %get3A_1286] : memref<32x1024xf32, #tpu.memory_space<vmem>>[vector<16xi32>, vector<16xi32>], vector<16xf32>,
    %add3A_1290 = arith.addf %get3A_1288, %gather3A_1289 : vector<16xf32>
    %swap3A_1291 = arith.constant 0 : index
    %swap3A_1292 = tpu.vector_load %arg15[%swap3A_1291] {strides = array<i32>} : memref<16xf32, #tpu.memory_space<vmem>>, vector<16xf32>,
    tpu.vector_store %arg15[%swap3A_1291], %add3A_1290 {strides = array<i32>} : memref<16xf32, #tpu.memory_space<vmem>>, vector<16xf32>,
    %get3A_1293 = arith.constant 48 : index
    %get3A_1294 = tpu.vector_load %arg12[%get3A_1293] {strides = array<i32>} : memref<640xi32, #tpu.memory_space<vmem>>, vector<16xi32>,
    %get3A_1295 = arith.constant 1968 : index
    %get3A_1296 = tpu.vector_load %arg9[%get3A_1295] {strides = array<i32>} : memref<2560xi32, #tpu.memory_space<vmem>>, vector<16xi32>,
    %get3A_1297 = arith.constant 0 : index
    %get3A_1298 = tpu.vector_load %arg15[%get3A_1297] {strides = array<i32>} : memref<16xf32, #tpu.memory_space<vmem>>, vector<16xf32>,
    %gather3A_1299 = tpu.vector_load_idx %arg13[%get3A_1294, %get3A_1296] : memref<32x1024xf32, #tpu.memory_space<vmem>>[vector<16xi32>, vector<16xi32>], vector<16xf32>,
    %add3A_1300 = arith.addf %get3A_1298, %gather3A_1299 : vector<16xf32>
    %swap3A_1301 = arith.constant 0 : index
    %swap3A_1302 = tpu.vector_load %arg15[%swap3A_1301] {strides = array<i32>} : memref<16xf32, #tpu.memory_space<vmem>>, vector<16xf32>,
    tpu.vector_store %arg15[%swap3A_1301], %add3A_1300 {strides = array<i32>} : memref<16xf32, #tpu.memory_space<vmem>>, vector<16xf32>,
    %get3A_1303 = arith.constant 64 : index
    %get3A_1304 = tpu.vector_load %arg12[%get3A_1303] {strides = array<i32>} : memref<640xi32, #tpu.memory_space<vmem>>, vector<16xi32>,
    %get3A_1305 = arith.constant 1984 : index
    %get3A_1306 = tpu.vector_load %arg9[%get3A_1305] {strides = array<i32>} : memref<2560xi32, #tpu.memory_space<vmem>>, vector<16xi32>,
    %get3A_1307 = arith.constant 0 : index
    %get3A_1308 = tpu.vector_load %arg15[%get3A_1307] {strides = array<i32>} : memref<16xf32, #tpu.memory_space<vmem>>, vector<16xf32>,
    %gather3A_1309 = tpu.vector_load_idx %arg13[%get3A_1304, %get3A_1306] : memref<32x1024xf32, #tpu.memory_space<vmem>>[vector<16xi32>, vector<16xi32>], vector<16xf32>,
    %add3A_1310 = arith.addf %get3A_1308, %gather3A_1309 : vector<16xf32>
    %swap3A_1311 = arith.constant 0 : index
    %swap3A_1312 = tpu.vector_load %arg15[%swap3A_1311] {strides = array<i32>} : memref<16xf32, #tpu.memory_space<vmem>>, vector<16xf32>,
    tpu.vector_store %arg15[%swap3A_1311], %add3A_1310 {strides = array<i32>} : memref<16xf32, #tpu.memory_space<vmem>>, vector<16xf32>,
    %get3A_1313 = arith.constant 80 : index
    %get3A_1314 = tpu.vector_load %arg12[%get3A_1313] {strides = array<i32>} : memref<640xi32, #tpu.memory_space<vmem>>, vector<16xi32>,
    %get3A_1315 = arith.constant 2000 : index
    %get3A_1316 = tpu.vector_load %arg9[%get3A_1315] {strides = array<i32>} : memref<2560xi32, #tpu.memory_space<vmem>>, vector<16xi32>,
    %get3A_1317 = arith.constant 0 : index
    %get3A_1318 = tpu.vector_load %arg15[%get3A_1317] {strides = array<i32>} : memref<16xf32, #tpu.memory_space<vmem>>, vector<16xf32>,
    %gather3A_1319 = tpu.vector_load_idx %arg13[%get3A_1314, %get3A_1316] : memref<32x1024xf32, #tpu.memory_space<vmem>>[vector<16xi32>, vector<16xi32>], vector<16xf32>,
    %add3A_1320 = arith.addf %get3A_1318, %gather3A_1319 : vector<16xf32>
    %swap3A_1321 = arith.constant 0 : index
    %swap3A_1322 = tpu.vector_load %arg15[%swap3A_1321] {strides = array<i32>} : memref<16xf32, #tpu.memory_space<vmem>>, vector<16xf32>,
    tpu.vector_store %arg15[%swap3A_1321], %add3A_1320 {strides = array<i32>} : memref<16xf32, #tpu.memory_space<vmem>>, vector<16xf32>,
    %get3A_1323 = arith.constant 96 : index
    %get3A_1324 = tpu.vector_load %arg12[%get3A_1323] {strides = array<i32>} : memref<640xi32, #tpu.memory_space<vmem>>, vector<16xi32>,
    %get3A_1325 = arith.constant 2016 : index
    %get3A_1326 = tpu.vector_load %arg9[%get3A_1325] {strides = array<i32>} : memref<2560xi32, #tpu.memory_space<vmem>>, vector<16xi32>,
    %get3A_1327 = arith.constant 0 : index
    %get3A_1328 = tpu.vector_load %arg15[%get3A_1327] {strides = array<i32>} : memref<16xf32, #tpu.memory_space<vmem>>, vector<16xf32>,
    %gather3A_1329 = tpu.vector_load_idx %arg13[%get3A_1324, %get3A_1326] : memref<32x1024xf32, #tpu.memory_space<vmem>>[vector<16xi32>, vector<16xi32>], vector<16xf32>,
    %add3A_1330 = arith.addf %get3A_1328, %gather3A_1329 : vector<16xf32>
    %swap3A_1331 = arith.constant 0 : index
    %swap3A_1332 = tpu.vector_load %arg15[%swap3A_1331] {strides = array<i32>} : memref<16xf32, #tpu.memory_space<vmem>>, vector<16xf32>,
    tpu.vector_store %arg15[%swap3A_1331], %add3A_1330 {strides = array<i32>} : memref<16xf32, #tpu.memory_space<vmem>>, vector<16xf32>,
    %get3A_1333 = arith.constant 112 : index
    %get3A_1334 = tpu.vector_load %arg12[%get3A_1333] {strides = array<i32>} : memref<640xi32, #tpu.memory_space<vmem>>, vector<16xi32>,
    %get3A_1335 = arith.constant 2032 : index
    %get3A_1336 = tpu.vector_load %arg9[%get3A_1335] {strides = array<i32>} : memref<2560xi32, #tpu.memory_space<vmem>>, vector<16xi32>,
    %get3A_1337 = arith.constant 0 : index
    %get3A_1338 = tpu.vector_load %arg15[%get3A_1337] {strides = array<i32>} : memref<16xf32, #tpu.memory_space<vmem>>, vector<16xf32>,
    %gather3A_1339 = tpu.vector_load_idx %arg13[%get3A_1334, %get3A_1336] : memref<32x1024xf32, #tpu.memory_space<vmem>>[vector<16xi32>, vector<16xi32>], vector<16xf32>,
    %add3A_1340 = arith.addf %get3A_1338, %gather3A_1339 : vector<16xf32>
    %swap3A_1341 = arith.constant 0 : index
    %swap3A_1342 = tpu.vector_load %arg15[%swap3A_1341] {strides = array<i32>} : memref<16xf32, #tpu.memory_space<vmem>>, vector<16xf32>,
    tpu.vector_store %arg15[%swap3A_1341], %add3A_1340 {strides = array<i32>} : memref<16xf32, #tpu.memory_space<vmem>>, vector<16xf32>,
    %get3A_1343 = arith.constant 128 : index
    %get3A_1344 = tpu.vector_load %arg12[%get3A_1343] {strides = array<i32>} : memref<640xi32, #tpu.memory_space<vmem>>, vector<16xi32>,
    %get3A_1345 = arith.constant 2048 : index
    %get3A_1346 = tpu.vector_load %arg9[%get3A_1345] {strides = array<i32>} : memref<2560xi32, #tpu.memory_space<vmem>>, vector<16xi32>,
    %get3A_1347 = arith.constant 0 : index
    %get3A_1348 = tpu.vector_load %arg15[%get3A_1347] {strides = array<i32>} : memref<16xf32, #tpu.memory_space<vmem>>, vector<16xf32>,
    %gather3A_1349 = tpu.vector_load_idx %arg13[%get3A_1344, %get3A_1346] : memref<32x1024xf32, #tpu.memory_space<vmem>>[vector<16xi32>, vector<16xi32>], vector<16xf32>,
    %add3A_1350 = arith.addf %get3A_1348, %gather3A_1349 : vector<16xf32>
    %swap3A_1351 = arith.constant 0 : index
    %swap3A_1352 = tpu.vector_load %arg15[%swap3A_1351] {strides = array<i32>} : memref<16xf32, #tpu.memory_space<vmem>>, vector<16xf32>,
    tpu.vector_store %arg15[%swap3A_1351], %add3A_1350 {strides = array<i32>} : memref<16xf32, #tpu.memory_space<vmem>>, vector<16xf32>,
    %get3A_1353 = arith.constant 144 : index
    %get3A_1354 = tpu.vector_load %arg12[%get3A_1353] {strides = array<i32>} : memref<640xi32, #tpu.memory_space<vmem>>, vector<16xi32>,
    %get3A_1355 = arith.constant 2064 : index
    %get3A_1356 = tpu.vector_load %arg9[%get3A_1355] {strides = array<i32>} : memref<2560xi32, #tpu.memory_space<vmem>>, vector<16xi32>,
    %get3A_1357 = arith.constant 0 : index
    %get3A_1358 = tpu.vector_load %arg15[%get3A_1357] {strides = array<i32>} : memref<16xf32, #tpu.memory_space<vmem>>, vector<16xf32>,
    %gather3A_1359 = tpu.vector_load_idx %arg13[%get3A_1354, %get3A_1356] : memref<32x1024xf32, #tpu.memory_space<vmem>>[vector<16xi32>, vector<16xi32>], vector<16xf32>,
    %add3A_1360 = arith.addf %get3A_1358, %gather3A_1359 : vector<16xf32>
    %swap3A_1361 = arith.constant 0 : index
    %swap3A_1362 = tpu.vector_load %arg15[%swap3A_1361] {strides = array<i32>} : memref<16xf32, #tpu.memory_space<vmem>>, vector<16xf32>,
    tpu.vector_store %arg15[%swap3A_1361], %add3A_1360 {strides = array<i32>} : memref<16xf32, #tpu.memory_space<vmem>>, vector<16xf32>,
    %get3A_1363 = arith.constant 160 : index
    %get3A_1364 = tpu.vector_load %arg12[%get3A_1363] {strides = array<i32>} : memref<640xi32, #tpu.memory_space<vmem>>, vector<16xi32>,
    %get3A_1365 = arith.constant 2080 : index
    %get3A_1366 = tpu.vector_load %arg9[%get3A_1365] {strides = array<i32>} : memref<2560xi32, #tpu.memory_space<vmem>>, vector<16xi32>,
    %get3A_1367 = arith.constant 0 : index
    %get3A_1368 = tpu.vector_load %arg15[%get3A_1367] {strides = array<i32>} : memref<16xf32, #tpu.memory_space<vmem>>, vector<16xf32>,
    %gather3A_1369 = tpu.vector_load_idx %arg13[%get3A_1364, %get3A_1366] : memref<32x1024xf32, #tpu.memory_space<vmem>>[vector<16xi32>, vector<16xi32>], vector<16xf32>,
    %add3A_1370 = arith.addf %get3A_1368, %gather3A_1369 : vector<16xf32>
    %swap3A_1371 = arith.constant 0 : index
    %swap3A_1372 = tpu.vector_load %arg15[%swap3A_1371] {strides = array<i32>} : memref<16xf32, #tpu.memory_space<vmem>>, vector<16xf32>,
    tpu.vector_store %arg15[%swap3A_1371], %add3A_1370 {strides = array<i32>} : memref<16xf32, #tpu.memory_space<vmem>>, vector<16xf32>,
    %get3A_1373 = arith.constant 176 : index
    %get3A_1374 = tpu.vector_load %arg12[%get3A_1373] {strides = array<i32>} : memref<640xi32, #tpu.memory_space<vmem>>, vector<16xi32>,
    %get3A_1375 = arith.constant 2096 : index
    %get3A_1376 = tpu.vector_load %arg9[%get3A_1375] {strides = array<i32>} : memref<2560xi32, #tpu.memory_space<vmem>>, vector<16xi32>,
    %get3A_1377 = arith.constant 0 : index
    %get3A_1378 = tpu.vector_load %arg15[%get3A_1377] {strides = array<i32>} : memref<16xf32, #tpu.memory_space<vmem>>, vector<16xf32>,
    %gather3A_1379 = tpu.vector_load_idx %arg13[%get3A_1374, %get3A_1376] : memref<32x1024xf32, #tpu.memory_space<vmem>>[vector<16xi32>, vector<16xi32>], vector<16xf32>,
    %add3A_1380 = arith.addf %get3A_1378, %gather3A_1379 : vector<16xf32>
    %swap3A_1381 = arith.constant 0 : index
    %swap3A_1382 = tpu.vector_load %arg15[%swap3A_1381] {strides = array<i32>} : memref<16xf32, #tpu.memory_space<vmem>>, vector<16xf32>,
    tpu.vector_store %arg15[%swap3A_1381], %add3A_1380 {strides = array<i32>} : memref<16xf32, #tpu.memory_space<vmem>>, vector<16xf32>,
    %get3A_1383 = arith.constant 192 : index
    %get3A_1384 = tpu.vector_load %arg12[%get3A_1383] {strides = array<i32>} : memref<640xi32, #tpu.memory_space<vmem>>, vector<16xi32>,
    %get3A_1385 = arith.constant 2112 : index
    %get3A_1386 = tpu.vector_load %arg9[%get3A_1385] {strides = array<i32>} : memref<2560xi32, #tpu.memory_space<vmem>>, vector<16xi32>,
    %get3A_1387 = arith.constant 0 : index
    %get3A_1388 = tpu.vector_load %arg15[%get3A_1387] {strides = array<i32>} : memref<16xf32, #tpu.memory_space<vmem>>, vector<16xf32>,
    %gather3A_1389 = tpu.vector_load_idx %arg13[%get3A_1384, %get3A_1386] : memref<32x1024xf32, #tpu.memory_space<vmem>>[vector<16xi32>, vector<16xi32>], vector<16xf32>,
    %add3A_1390 = arith.addf %get3A_1388, %gather3A_1389 : vector<16xf32>
    %swap3A_1391 = arith.constant 0 : index
    %swap3A_1392 = tpu.vector_load %arg15[%swap3A_1391] {strides = array<i32>} : memref<16xf32, #tpu.memory_space<vmem>>, vector<16xf32>,
    tpu.vector_store %arg15[%swap3A_1391], %add3A_1390 {strides = array<i32>} : memref<16xf32, #tpu.memory_space<vmem>>, vector<16xf32>,
    %get3A_1393 = arith.constant 208 : index
    %get3A_1394 = tpu.vector_load %arg12[%get3A_1393] {strides = array<i32>} : memref<640xi32, #tpu.memory_space<vmem>>, vector<16xi32>,
    %get3A_1395 = arith.constant 2128 : index
    %get3A_1396 = tpu.vector_load %arg9[%get3A_1395] {strides = array<i32>} : memref<2560xi32, #tpu.memory_space<vmem>>, vector<16xi32>,
    %get3A_1397 = arith.constant 0 : index
    %get3A_1398 = tpu.vector_load %arg15[%get3A_1397] {strides = array<i32>} : memref<16xf32, #tpu.memory_space<vmem>>, vector<16xf32>,
    %gather3A_1399 = tpu.vector_load_idx %arg13[%get3A_1394, %get3A_1396] : memref<32x1024xf32, #tpu.memory_space<vmem>>[vector<16xi32>, vector<16xi32>], vector<16xf32>,
    %add3A_1400 = arith.addf %get3A_1398, %gather3A_1399 : vector<16xf32>
    %swap3A_1401 = arith.constant 0 : index
    %swap3A_1402 = tpu.vector_load %arg15[%swap3A_1401] {strides = array<i32>} : memref<16xf32, #tpu.memory_space<vmem>>, vector<16xf32>,
    tpu.vector_store %arg15[%swap3A_1401], %add3A_1400 {strides = array<i32>} : memref<16xf32, #tpu.memory_space<vmem>>, vector<16xf32>,
    %get3A_1403 = arith.constant 224 : index
    %get3A_1404 = tpu.vector_load %arg12[%get3A_1403] {strides = array<i32>} : memref<640xi32, #tpu.memory_space<vmem>>, vector<16xi32>,
    %get3A_1405 = arith.constant 2144 : index
    %get3A_1406 = tpu.vector_load %arg9[%get3A_1405] {strides = array<i32>} : memref<2560xi32, #tpu.memory_space<vmem>>, vector<16xi32>,
    %get3A_1407 = arith.constant 0 : index
    %get3A_1408 = tpu.vector_load %arg15[%get3A_1407] {strides = array<i32>} : memref<16xf32, #tpu.memory_space<vmem>>, vector<16xf32>,
    %gather3A_1409 = tpu.vector_load_idx %arg13[%get3A_1404, %get3A_1406] : memref<32x1024xf32, #tpu.memory_space<vmem>>[vector<16xi32>, vector<16xi32>], vector<16xf32>,
    %add3A_1410 = arith.addf %get3A_1408, %gather3A_1409 : vector<16xf32>
    %swap3A_1411 = arith.constant 0 : index
    %swap3A_1412 = tpu.vector_load %arg15[%swap3A_1411] {strides = array<i32>} : memref<16xf32, #tpu.memory_space<vmem>>, vector<16xf32>,
    tpu.vector_store %arg15[%swap3A_1411], %add3A_1410 {strides = array<i32>} : memref<16xf32, #tpu.memory_space<vmem>>, vector<16xf32>,
    %get3A_1413 = arith.constant 240 : index
    %get3A_1414 = tpu.vector_load %arg12[%get3A_1413] {strides = array<i32>} : memref<640xi32, #tpu.memory_space<vmem>>, vector<16xi32>,
    %get3A_1415 = arith.constant 2160 : index
    %get3A_1416 = tpu.vector_load %arg9[%get3A_1415] {strides = array<i32>} : memref<2560xi32, #tpu.memory_space<vmem>>, vector<16xi32>,
    %get3A_1417 = arith.constant 0 : index
    %get3A_1418 = tpu.vector_load %arg15[%get3A_1417] {strides = array<i32>} : memref<16xf32, #tpu.memory_space<vmem>>, vector<16xf32>,
    %gather3A_1419 = tpu.vector_load_idx %arg13[%get3A_1414, %get3A_1416] : memref<32x1024xf32, #tpu.memory_space<vmem>>[vector<16xi32>, vector<16xi32>], vector<16xf32>,
    %add3A_1420 = arith.addf %get3A_1418, %gather3A_1419 : vector<16xf32>
    %swap3A_1421 = arith.constant 0 : index
    %swap3A_1422 = tpu.vector_load %arg15[%swap3A_1421] {strides = array<i32>} : memref<16xf32, #tpu.memory_space<vmem>>, vector<16xf32>,
    tpu.vector_store %arg15[%swap3A_1421], %add3A_1420 {strides = array<i32>} : memref<16xf32, #tpu.memory_space<vmem>>, vector<16xf32>,
    %get3A_1423 = arith.constant 256 : index
    %get3A_1424 = tpu.vector_load %arg12[%get3A_1423] {strides = array<i32>} : memref<640xi32, #tpu.memory_space<vmem>>, vector<16xi32>,
    %get3A_1425 = arith.constant 2176 : index
    %get3A_1426 = tpu.vector_load %arg9[%get3A_1425] {strides = array<i32>} : memref<2560xi32, #tpu.memory_space<vmem>>, vector<16xi32>,
    %get3A_1427 = arith.constant 0 : index
    %get3A_1428 = tpu.vector_load %arg15[%get3A_1427] {strides = array<i32>} : memref<16xf32, #tpu.memory_space<vmem>>, vector<16xf32>,
    %gather3A_1429 = tpu.vector_load_idx %arg13[%get3A_1424, %get3A_1426] : memref<32x1024xf32, #tpu.memory_space<vmem>>[vector<16xi32>, vector<16xi32>], vector<16xf32>,
    %add3A_1430 = arith.addf %get3A_1428, %gather3A_1429 : vector<16xf32>
    %swap3A_1431 = arith.constant 0 : index
    %swap3A_1432 = tpu.vector_load %arg15[%swap3A_1431] {strides = array<i32>} : memref<16xf32, #tpu.memory_space<vmem>>, vector<16xf32>,
    tpu.vector_store %arg15[%swap3A_1431], %add3A_1430 {strides = array<i32>} : memref<16xf32, #tpu.memory_space<vmem>>, vector<16xf32>,
    %get3A_1433 = arith.constant 272 : index
    %get3A_1434 = tpu.vector_load %arg12[%get3A_1433] {strides = array<i32>} : memref<640xi32, #tpu.memory_space<vmem>>, vector<16xi32>,
    %get3A_1435 = arith.constant 2192 : index
    %get3A_1436 = tpu.vector_load %arg9[%get3A_1435] {strides = array<i32>} : memref<2560xi32, #tpu.memory_space<vmem>>, vector<16xi32>,
    %get3A_1437 = arith.constant 0 : index
    %get3A_1438 = tpu.vector_load %arg15[%get3A_1437] {strides = array<i32>} : memref<16xf32, #tpu.memory_space<vmem>>, vector<16xf32>,
    %gather3A_1439 = tpu.vector_load_idx %arg13[%get3A_1434, %get3A_1436] : memref<32x1024xf32, #tpu.memory_space<vmem>>[vector<16xi32>, vector<16xi32>], vector<16xf32>,
    %add3A_1440 = arith.addf %get3A_1438, %gather3A_1439 : vector<16xf32>
    %swap3A_1441 = arith.constant 0 : index
    %swap3A_1442 = tpu.vector_load %arg15[%swap3A_1441] {strides = array<i32>} : memref<16xf32, #tpu.memory_space<vmem>>, vector<16xf32>,
    tpu.vector_store %arg15[%swap3A_1441], %add3A_1440 {strides = array<i32>} : memref<16xf32, #tpu.memory_space<vmem>>, vector<16xf32>,
    %get3A_1443 = arith.constant 288 : index
    %get3A_1444 = tpu.vector_load %arg12[%get3A_1443] {strides = array<i32>} : memref<640xi32, #tpu.memory_space<vmem>>, vector<16xi32>,
    %get3A_1445 = arith.constant 2208 : index
    %get3A_1446 = tpu.vector_load %arg9[%get3A_1445] {strides = array<i32>} : memref<2560xi32, #tpu.memory_space<vmem>>, vector<16xi32>,
    %get3A_1447 = arith.constant 0 : index
    %get3A_1448 = tpu.vector_load %arg15[%get3A_1447] {strides = array<i32>} : memref<16xf32, #tpu.memory_space<vmem>>, vector<16xf32>,
    %gather3A_1449 = tpu.vector_load_idx %arg13[%get3A_1444, %get3A_1446] : memref<32x1024xf32, #tpu.memory_space<vmem>>[vector<16xi32>, vector<16xi32>], vector<16xf32>,
    %add3A_1450 = arith.addf %get3A_1448, %gather3A_1449 : vector<16xf32>
    %swap3A_1451 = arith.constant 0 : index
    %swap3A_1452 = tpu.vector_load %arg15[%swap3A_1451] {strides = array<i32>} : memref<16xf32, #tpu.memory_space<vmem>>, vector<16xf32>,
    tpu.vector_store %arg15[%swap3A_1451], %add3A_1450 {strides = array<i32>} : memref<16xf32, #tpu.memory_space<vmem>>, vector<16xf32>,
    %get3A_1453 = arith.constant 304 : index
    %get3A_1454 = tpu.vector_load %arg12[%get3A_1453] {strides = array<i32>} : memref<640xi32, #tpu.memory_space<vmem>>, vector<16xi32>,
    %get3A_1455 = arith.constant 2224 : index
    %get3A_1456 = tpu.vector_load %arg9[%get3A_1455] {strides = array<i32>} : memref<2560xi32, #tpu.memory_space<vmem>>, vector<16xi32>,
    %get3A_1457 = arith.constant 0 : index
    %get3A_1458 = tpu.vector_load %arg15[%get3A_1457] {strides = array<i32>} : memref<16xf32, #tpu.memory_space<vmem>>, vector<16xf32>,
    %gather3A_1459 = tpu.vector_load_idx %arg13[%get3A_1454, %get3A_1456] : memref<32x1024xf32, #tpu.memory_space<vmem>>[vector<16xi32>, vector<16xi32>], vector<16xf32>,
    %add3A_1460 = arith.addf %get3A_1458, %gather3A_1459 : vector<16xf32>
    %swap3A_1461 = arith.constant 0 : index
    %swap3A_1462 = tpu.vector_load %arg15[%swap3A_1461] {strides = array<i32>} : memref<16xf32, #tpu.memory_space<vmem>>, vector<16xf32>,
    tpu.vector_store %arg15[%swap3A_1461], %add3A_1460 {strides = array<i32>} : memref<16xf32, #tpu.memory_space<vmem>>, vector<16xf32>,
    %get3A_1463 = arith.constant 320 : index
    %get3A_1464 = tpu.vector_load %arg12[%get3A_1463] {strides = array<i32>} : memref<640xi32, #tpu.memory_space<vmem>>, vector<16xi32>,
    %get3A_1465 = arith.constant 2240 : index
    %get3A_1466 = tpu.vector_load %arg9[%get3A_1465] {strides = array<i32>} : memref<2560xi32, #tpu.memory_space<vmem>>, vector<16xi32>,
    %get3A_1467 = arith.constant 0 : index
    %get3A_1468 = tpu.vector_load %arg15[%get3A_1467] {strides = array<i32>} : memref<16xf32, #tpu.memory_space<vmem>>, vector<16xf32>,
    %gather3A_1469 = tpu.vector_load_idx %arg13[%get3A_1464, %get3A_1466] : memref<32x1024xf32, #tpu.memory_space<vmem>>[vector<16xi32>, vector<16xi32>], vector<16xf32>,
    %add3A_1470 = arith.addf %get3A_1468, %gather3A_1469 : vector<16xf32>
    %swap3A_1471 = arith.constant 0 : index
    %swap3A_1472 = tpu.vector_load %arg15[%swap3A_1471] {strides = array<i32>} : memref<16xf32, #tpu.memory_space<vmem>>, vector<16xf32>,
    tpu.vector_store %arg15[%swap3A_1471], %add3A_1470 {strides = array<i32>} : memref<16xf32, #tpu.memory_space<vmem>>, vector<16xf32>,
    %get3A_1473 = arith.constant 336 : index
    %get3A_1474 = tpu.vector_load %arg12[%get3A_1473] {strides = array<i32>} : memref<640xi32, #tpu.memory_space<vmem>>, vector<16xi32>,
    %get3A_1475 = arith.constant 2256 : index
    %get3A_1476 = tpu.vector_load %arg9[%get3A_1475] {strides = array<i32>} : memref<2560xi32, #tpu.memory_space<vmem>>, vector<16xi32>,
    %get3A_1477 = arith.constant 0 : index
    %get3A_1478 = tpu.vector_load %arg15[%get3A_1477] {strides = array<i32>} : memref<16xf32, #tpu.memory_space<vmem>>, vector<16xf32>,
    %gather3A_1479 = tpu.vector_load_idx %arg13[%get3A_1474, %get3A_1476] : memref<32x1024xf32, #tpu.memory_space<vmem>>[vector<16xi32>, vector<16xi32>], vector<16xf32>,
    %add3A_1480 = arith.addf %get3A_1478, %gather3A_1479 : vector<16xf32>
    %swap3A_1481 = arith.constant 0 : index
    %swap3A_1482 = tpu.vector_load %arg15[%swap3A_1481] {strides = array<i32>} : memref<16xf32, #tpu.memory_space<vmem>>, vector<16xf32>,
    tpu.vector_store %arg15[%swap3A_1481], %add3A_1480 {strides = array<i32>} : memref<16xf32, #tpu.memory_space<vmem>>, vector<16xf32>,
    %get3A_1483 = arith.constant 352 : index
    %get3A_1484 = tpu.vector_load %arg12[%get3A_1483] {strides = array<i32>} : memref<640xi32, #tpu.memory_space<vmem>>, vector<16xi32>,
    %get3A_1485 = arith.constant 2272 : index
    %get3A_1486 = tpu.vector_load %arg9[%get3A_1485] {strides = array<i32>} : memref<2560xi32, #tpu.memory_space<vmem>>, vector<16xi32>,
    %get3A_1487 = arith.constant 0 : index
    %get3A_1488 = tpu.vector_load %arg15[%get3A_1487] {strides = array<i32>} : memref<16xf32, #tpu.memory_space<vmem>>, vector<16xf32>,
    %gather3A_1489 = tpu.vector_load_idx %arg13[%get3A_1484, %get3A_1486] : memref<32x1024xf32, #tpu.memory_space<vmem>>[vector<16xi32>, vector<16xi32>], vector<16xf32>,
    %add3A_1490 = arith.addf %get3A_1488, %gather3A_1489 : vector<16xf32>
    %swap3A_1491 = arith.constant 0 : index
    %swap3A_1492 = tpu.vector_load %arg15[%swap3A_1491] {strides = array<i32>} : memref<16xf32, #tpu.memory_space<vmem>>, vector<16xf32>,
    tpu.vector_store %arg15[%swap3A_1491], %add3A_1490 {strides = array<i32>} : memref<16xf32, #tpu.memory_space<vmem>>, vector<16xf32>,
    %get3A_1493 = arith.constant 368 : index
    %get3A_1494 = tpu.vector_load %arg12[%get3A_1493] {strides = array<i32>} : memref<640xi32, #tpu.memory_space<vmem>>, vector<16xi32>,
    %get3A_1495 = arith.constant 2288 : index
    %get3A_1496 = tpu.vector_load %arg9[%get3A_1495] {strides = array<i32>} : memref<2560xi32, #tpu.memory_space<vmem>>, vector<16xi32>,
    %get3A_1497 = arith.constant 0 : index
    %get3A_1498 = tpu.vector_load %arg15[%get3A_1497] {strides = array<i32>} : memref<16xf32, #tpu.memory_space<vmem>>, vector<16xf32>,
    %gather3A_1499 = tpu.vector_load_idx %arg13[%get3A_1494, %get3A_1496] : memref<32x1024xf32, #tpu.memory_space<vmem>>[vector<16xi32>, vector<16xi32>], vector<16xf32>,
    %add3A_1500 = arith.addf %get3A_1498, %gather3A_1499 : vector<16xf32>
    %swap3A_1501 = arith.constant 0 : index
    %swap3A_1502 = tpu.vector_load %arg15[%swap3A_1501] {strides = array<i32>} : memref<16xf32, #tpu.memory_space<vmem>>, vector<16xf32>,
    tpu.vector_store %arg15[%swap3A_1501], %add3A_1500 {strides = array<i32>} : memref<16xf32, #tpu.memory_space<vmem>>, vector<16xf32>,
    %get3A_1503 = arith.constant 384 : index
    %get3A_1504 = tpu.vector_load %arg12[%get3A_1503] {strides = array<i32>} : memref<640xi32, #tpu.memory_space<vmem>>, vector<16xi32>,
    %get3A_1505 = arith.constant 2304 : index
    %get3A_1506 = tpu.vector_load %arg9[%get3A_1505] {strides = array<i32>} : memref<2560xi32, #tpu.memory_space<vmem>>, vector<16xi32>,
    %get3A_1507 = arith.constant 0 : index
    %get3A_1508 = tpu.vector_load %arg15[%get3A_1507] {strides = array<i32>} : memref<16xf32, #tpu.memory_space<vmem>>, vector<16xf32>,
    %gather3A_1509 = tpu.vector_load_idx %arg13[%get3A_1504, %get3A_1506] : memref<32x1024xf32, #tpu.memory_space<vmem>>[vector<16xi32>, vector<16xi32>], vector<16xf32>,
    %add3A_1510 = arith.addf %get3A_1508, %gather3A_1509 : vector<16xf32>
    %swap3A_1511 = arith.constant 0 : index
    %swap3A_1512 = tpu.vector_load %arg15[%swap3A_1511] {strides = array<i32>} : memref<16xf32, #tpu.memory_space<vmem>>, vector<16xf32>,
    tpu.vector_store %arg15[%swap3A_1511], %add3A_1510 {strides = array<i32>} : memref<16xf32, #tpu.memory_space<vmem>>, vector<16xf32>,
    %get3A_1513 = arith.constant 400 : index
    %get3A_1514 = tpu.vector_load %arg12[%get3A_1513] {strides = array<i32>} : memref<640xi32, #tpu.memory_space<vmem>>, vector<16xi32>,
    %get3A_1515 = arith.constant 2320 : index
    %get3A_1516 = tpu.vector_load %arg9[%get3A_1515] {strides = array<i32>} : memref<2560xi32, #tpu.memory_space<vmem>>, vector<16xi32>,
    %get3A_1517 = arith.constant 0 : index
    %get3A_1518 = tpu.vector_load %arg15[%get3A_1517] {strides = array<i32>} : memref<16xf32, #tpu.memory_space<vmem>>, vector<16xf32>,
    %gather3A_1519 = tpu.vector_load_idx %arg13[%get3A_1514, %get3A_1516] : memref<32x1024xf32, #tpu.memory_space<vmem>>[vector<16xi32>, vector<16xi32>], vector<16xf32>,
    %add3A_1520 = arith.addf %get3A_1518, %gather3A_1519 : vector<16xf32>
    %swap3A_1521 = arith.constant 0 : index
    %swap3A_1522 = tpu.vector_load %arg15[%swap3A_1521] {strides = array<i32>} : memref<16xf32, #tpu.memory_space<vmem>>, vector<16xf32>,
    tpu.vector_store %arg15[%swap3A_1521], %add3A_1520 {strides = array<i32>} : memref<16xf32, #tpu.memory_space<vmem>>, vector<16xf32>,
    %get3A_1523 = arith.constant 416 : index
    %get3A_1524 = tpu.vector_load %arg12[%get3A_1523] {strides = array<i32>} : memref<640xi32, #tpu.memory_space<vmem>>, vector<16xi32>,
    %get3A_1525 = arith.constant 2336 : index
    %get3A_1526 = tpu.vector_load %arg9[%get3A_1525] {strides = array<i32>} : memref<2560xi32, #tpu.memory_space<vmem>>, vector<16xi32>,
    %get3A_1527 = arith.constant 0 : index
    %get3A_1528 = tpu.vector_load %arg15[%get3A_1527] {strides = array<i32>} : memref<16xf32, #tpu.memory_space<vmem>>, vector<16xf32>,
    %gather3A_1529 = tpu.vector_load_idx %arg13[%get3A_1524, %get3A_1526] : memref<32x1024xf32, #tpu.memory_space<vmem>>[vector<16xi32>, vector<16xi32>], vector<16xf32>,
    %add3A_1530 = arith.addf %get3A_1528, %gather3A_1529 : vector<16xf32>
    %swap3A_1531 = arith.constant 0 : index
    %swap3A_1532 = tpu.vector_load %arg15[%swap3A_1531] {strides = array<i32>} : memref<16xf32, #tpu.memory_space<vmem>>, vector<16xf32>,
    tpu.vector_store %arg15[%swap3A_1531], %add3A_1530 {strides = array<i32>} : memref<16xf32, #tpu.memory_space<vmem>>, vector<16xf32>,
    %get3A_1533 = arith.constant 432 : index
    %get3A_1534 = tpu.vector_load %arg12[%get3A_1533] {strides = array<i32>} : memref<640xi32, #tpu.memory_space<vmem>>, vector<16xi32>,
    %get3A_1535 = arith.constant 2352 : index
    %get3A_1536 = tpu.vector_load %arg9[%get3A_1535] {strides = array<i32>} : memref<2560xi32, #tpu.memory_space<vmem>>, vector<16xi32>,
    %get3A_1537 = arith.constant 0 : index
    %get3A_1538 = tpu.vector_load %arg15[%get3A_1537] {strides = array<i32>} : memref<16xf32, #tpu.memory_space<vmem>>, vector<16xf32>,
    %gather3A_1539 = tpu.vector_load_idx %arg13[%get3A_1534, %get3A_1536] : memref<32x1024xf32, #tpu.memory_space<vmem>>[vector<16xi32>, vector<16xi32>], vector<16xf32>,
    %add3A_1540 = arith.addf %get3A_1538, %gather3A_1539 : vector<16xf32>
    %swap3A_1541 = arith.constant 0 : index
    %swap3A_1542 = tpu.vector_load %arg15[%swap3A_1541] {strides = array<i32>} : memref<16xf32, #tpu.memory_space<vmem>>, vector<16xf32>,
    tpu.vector_store %arg15[%swap3A_1541], %add3A_1540 {strides = array<i32>} : memref<16xf32, #tpu.memory_space<vmem>>, vector<16xf32>,
    %get3A_1543 = arith.constant 448 : index
    %get3A_1544 = tpu.vector_load %arg12[%get3A_1543] {strides = array<i32>} : memref<640xi32, #tpu.memory_space<vmem>>, vector<16xi32>,
    %get3A_1545 = arith.constant 2368 : index
    %get3A_1546 = tpu.vector_load %arg9[%get3A_1545] {strides = array<i32>} : memref<2560xi32, #tpu.memory_space<vmem>>, vector<16xi32>,
    %get3A_1547 = arith.constant 0 : index
    %get3A_1548 = tpu.vector_load %arg15[%get3A_1547] {strides = array<i32>} : memref<16xf32, #tpu.memory_space<vmem>>, vector<16xf32>,
    %gather3A_1549 = tpu.vector_load_idx %arg13[%get3A_1544, %get3A_1546] : memref<32x1024xf32, #tpu.memory_space<vmem>>[vector<16xi32>, vector<16xi32>], vector<16xf32>,
    %add3A_1550 = arith.addf %get3A_1548, %gather3A_1549 : vector<16xf32>
    %swap3A_1551 = arith.constant 0 : index
    %swap3A_1552 = tpu.vector_load %arg15[%swap3A_1551] {strides = array<i32>} : memref<16xf32, #tpu.memory_space<vmem>>, vector<16xf32>,
    tpu.vector_store %arg15[%swap3A_1551], %add3A_1550 {strides = array<i32>} : memref<16xf32, #tpu.memory_space<vmem>>, vector<16xf32>,
    %get3A_1553 = arith.constant 464 : index
    %get3A_1554 = tpu.vector_load %arg12[%get3A_1553] {strides = array<i32>} : memref<640xi32, #tpu.memory_space<vmem>>, vector<16xi32>,
    %get3A_1555 = arith.constant 2384 : index
    %get3A_1556 = tpu.vector_load %arg9[%get3A_1555] {strides = array<i32>} : memref<2560xi32, #tpu.memory_space<vmem>>, vector<16xi32>,
    %get3A_1557 = arith.constant 0 : index
    %get3A_1558 = tpu.vector_load %arg15[%get3A_1557] {strides = array<i32>} : memref<16xf32, #tpu.memory_space<vmem>>, vector<16xf32>,
    %gather3A_1559 = tpu.vector_load_idx %arg13[%get3A_1554, %get3A_1556] : memref<32x1024xf32, #tpu.memory_space<vmem>>[vector<16xi32>, vector<16xi32>], vector<16xf32>,
    %add3A_1560 = arith.addf %get3A_1558, %gather3A_1559 : vector<16xf32>
    %swap3A_1561 = arith.constant 0 : index
    %swap3A_1562 = tpu.vector_load %arg15[%swap3A_1561] {strides = array<i32>} : memref<16xf32, #tpu.memory_space<vmem>>, vector<16xf32>,
    tpu.vector_store %arg15[%swap3A_1561], %add3A_1560 {strides = array<i32>} : memref<16xf32, #tpu.memory_space<vmem>>, vector<16xf32>,
    %get3A_1563 = arith.constant 480 : index
    %get3A_1564 = tpu.vector_load %arg12[%get3A_1563] {strides = array<i32>} : memref<640xi32, #tpu.memory_space<vmem>>, vector<16xi32>,
    %get3A_1565 = arith.constant 2400 : index
    %get3A_1566 = tpu.vector_load %arg9[%get3A_1565] {strides = array<i32>} : memref<2560xi32, #tpu.memory_space<vmem>>, vector<16xi32>,
    %get3A_1567 = arith.constant 0 : index
    %get3A_1568 = tpu.vector_load %arg15[%get3A_1567] {strides = array<i32>} : memref<16xf32, #tpu.memory_space<vmem>>, vector<16xf32>,
    %gather3A_1569 = tpu.vector_load_idx %arg13[%get3A_1564, %get3A_1566] : memref<32x1024xf32, #tpu.memory_space<vmem>>[vector<16xi32>, vector<16xi32>], vector<16xf32>,
    %add3A_1570 = arith.addf %get3A_1568, %gather3A_1569 : vector<16xf32>
    %swap3A_1571 = arith.constant 0 : index
    %swap3A_1572 = tpu.vector_load %arg15[%swap3A_1571] {strides = array<i32>} : memref<16xf32, #tpu.memory_space<vmem>>, vector<16xf32>,
    tpu.vector_store %arg15[%swap3A_1571], %add3A_1570 {strides = array<i32>} : memref<16xf32, #tpu.memory_space<vmem>>, vector<16xf32>,
    %get3A_1573 = arith.constant 496 : index
    %get3A_1574 = tpu.vector_load %arg12[%get3A_1573] {strides = array<i32>} : memref<640xi32, #tpu.memory_space<vmem>>, vector<16xi32>,
    %get3A_1575 = arith.constant 2416 : index
    %get3A_1576 = tpu.vector_load %arg9[%get3A_1575] {strides = array<i32>} : memref<2560xi32, #tpu.memory_space<vmem>>, vector<16xi32>,
    %get3A_1577 = arith.constant 0 : index
    %get3A_1578 = tpu.vector_load %arg15[%get3A_1577] {strides = array<i32>} : memref<16xf32, #tpu.memory_space<vmem>>, vector<16xf32>,
    %gather3A_1579 = tpu.vector_load_idx %arg13[%get3A_1574, %get3A_1576] : memref<32x1024xf32, #tpu.memory_space<vmem>>[vector<16xi32>, vector<16xi32>], vector<16xf32>,
    %add3A_1580 = arith.addf %get3A_1578, %gather3A_1579 : vector<16xf32>
    %swap3A_1581 = arith.constant 0 : index
    %swap3A_1582 = tpu.vector_load %arg15[%swap3A_1581] {strides = array<i32>} : memref<16xf32, #tpu.memory_space<vmem>>, vector<16xf32>,
    tpu.vector_store %arg15[%swap3A_1581], %add3A_1580 {strides = array<i32>} : memref<16xf32, #tpu.memory_space<vmem>>, vector<16xf32>,
    %get3A_1583 = arith.constant 512 : index
    %get3A_1584 = tpu.vector_load %arg12[%get3A_1583] {strides = array<i32>} : memref<640xi32, #tpu.memory_space<vmem>>, vector<16xi32>,
    %get3A_1585 = arith.constant 2432 : index
    %get3A_1586 = tpu.vector_load %arg9[%get3A_1585] {strides = array<i32>} : memref<2560xi32, #tpu.memory_space<vmem>>, vector<16xi32>,
    %get3A_1587 = arith.constant 0 : index
    %get3A_1588 = tpu.vector_load %arg15[%get3A_1587] {strides = array<i32>} : memref<16xf32, #tpu.memory_space<vmem>>, vector<16xf32>,
    %gather3A_1589 = tpu.vector_load_idx %arg13[%get3A_1584, %get3A_1586] : memref<32x1024xf32, #tpu.memory_space<vmem>>[vector<16xi32>, vector<16xi32>], vector<16xf32>,
    %add3A_1590 = arith.addf %get3A_1588, %gather3A_1589 : vector<16xf32>
    %swap3A_1591 = arith.constant 0 : index
    %swap3A_1592 = tpu.vector_load %arg15[%swap3A_1591] {strides = array<i32>} : memref<16xf32, #tpu.memory_space<vmem>>, vector<16xf32>,
    tpu.vector_store %arg15[%swap3A_1591], %add3A_1590 {strides = array<i32>} : memref<16xf32, #tpu.memory_space<vmem>>, vector<16xf32>,
    %get3A_1593 = arith.constant 528 : index
    %get3A_1594 = tpu.vector_load %arg12[%get3A_1593] {strides = array<i32>} : memref<640xi32, #tpu.memory_space<vmem>>, vector<16xi32>,
    %get3A_1595 = arith.constant 2448 : index
    %get3A_1596 = tpu.vector_load %arg9[%get3A_1595] {strides = array<i32>} : memref<2560xi32, #tpu.memory_space<vmem>>, vector<16xi32>,
    %get3A_1597 = arith.constant 0 : index
    %get3A_1598 = tpu.vector_load %arg15[%get3A_1597] {strides = array<i32>} : memref<16xf32, #tpu.memory_space<vmem>>, vector<16xf32>,
    %gather3A_1599 = tpu.vector_load_idx %arg13[%get3A_1594, %get3A_1596] : memref<32x1024xf32, #tpu.memory_space<vmem>>[vector<16xi32>, vector<16xi32>], vector<16xf32>,
    %add3A_1600 = arith.addf %get3A_1598, %gather3A_1599 : vector<16xf32>
    %swap3A_1601 = arith.constant 0 : index
    %swap3A_1602 = tpu.vector_load %arg15[%swap3A_1601] {strides = array<i32>} : memref<16xf32, #tpu.memory_space<vmem>>, vector<16xf32>,
    tpu.vector_store %arg15[%swap3A_1601], %add3A_1600 {strides = array<i32>} : memref<16xf32, #tpu.memory_space<vmem>>, vector<16xf32>,
    %get3A_1603 = arith.constant 544 : index
    %get3A_1604 = tpu.vector_load %arg12[%get3A_1603] {strides = array<i32>} : memref<640xi32, #tpu.memory_space<vmem>>, vector<16xi32>,
    %get3A_1605 = arith.constant 2464 : index
    %get3A_1606 = tpu.vector_load %arg9[%get3A_1605] {strides = array<i32>} : memref<2560xi32, #tpu.memory_space<vmem>>, vector<16xi32>,
    %get3A_1607 = arith.constant 0 : index
    %get3A_1608 = tpu.vector_load %arg15[%get3A_1607] {strides = array<i32>} : memref<16xf32, #tpu.memory_space<vmem>>, vector<16xf32>,
    %gather3A_1609 = tpu.vector_load_idx %arg13[%get3A_1604, %get3A_1606] : memref<32x1024xf32, #tpu.memory_space<vmem>>[vector<16xi32>, vector<16xi32>], vector<16xf32>,
    %add3A_1610 = arith.addf %get3A_1608, %gather3A_1609 : vector<16xf32>
    %swap3A_1611 = arith.constant 0 : index
    %swap3A_1612 = tpu.vector_load %arg15[%swap3A_1611] {strides = array<i32>} : memref<16xf32, #tpu.memory_space<vmem>>, vector<16xf32>,
    tpu.vector_store %arg15[%swap3A_1611], %add3A_1610 {strides = array<i32>} : memref<16xf32, #tpu.memory_space<vmem>>, vector<16xf32>,
    %get3A_1613 = arith.constant 560 : index
    %get3A_1614 = tpu.vector_load %arg12[%get3A_1613] {strides = array<i32>} : memref<640xi32, #tpu.memory_space<vmem>>, vector<16xi32>,
    %get3A_1615 = arith.constant 2480 : index
    %get3A_1616 = tpu.vector_load %arg9[%get3A_1615] {strides = array<i32>} : memref<2560xi32, #tpu.memory_space<vmem>>, vector<16xi32>,
    %get3A_1617 = arith.constant 0 : index
    %get3A_1618 = tpu.vector_load %arg15[%get3A_1617] {strides = array<i32>} : memref<16xf32, #tpu.memory_space<vmem>>, vector<16xf32>,
    %gather3A_1619 = tpu.vector_load_idx %arg13[%get3A_1614, %get3A_1616] : memref<32x1024xf32, #tpu.memory_space<vmem>>[vector<16xi32>, vector<16xi32>], vector<16xf32>,
    %add3A_1620 = arith.addf %get3A_1618, %gather3A_1619 : vector<16xf32>
    %swap3A_1621 = arith.constant 0 : index
    %swap3A_1622 = tpu.vector_load %arg15[%swap3A_1621] {strides = array<i32>} : memref<16xf32, #tpu.memory_space<vmem>>, vector<16xf32>,
    tpu.vector_store %arg15[%swap3A_1621], %add3A_1620 {strides = array<i32>} : memref<16xf32, #tpu.memory_space<vmem>>, vector<16xf32>,
    %get3A_1623 = arith.constant 576 : index
    %get3A_1624 = tpu.vector_load %arg12[%get3A_1623] {strides = array<i32>} : memref<640xi32, #tpu.memory_space<vmem>>, vector<16xi32>,
    %get3A_1625 = arith.constant 2496 : index
    %get3A_1626 = tpu.vector_load %arg9[%get3A_1625] {strides = array<i32>} : memref<2560xi32, #tpu.memory_space<vmem>>, vector<16xi32>,
    %get3A_1627 = arith.constant 0 : index
    %get3A_1628 = tpu.vector_load %arg15[%get3A_1627] {strides = array<i32>} : memref<16xf32, #tpu.memory_space<vmem>>, vector<16xf32>,
    %gather3A_1629 = tpu.vector_load_idx %arg13[%get3A_1624, %get3A_1626] : memref<32x1024xf32, #tpu.memory_space<vmem>>[vector<16xi32>, vector<16xi32>], vector<16xf32>,
    %add3A_1630 = arith.addf %get3A_1628, %gather3A_1629 : vector<16xf32>
    %swap3A_1631 = arith.constant 0 : index
    %swap3A_1632 = tpu.vector_load %arg15[%swap3A_1631] {strides = array<i32>} : memref<16xf32, #tpu.memory_space<vmem>>, vector<16xf32>,
    tpu.vector_store %arg15[%swap3A_1631], %add3A_1630 {strides = array<i32>} : memref<16xf32, #tpu.memory_space<vmem>>, vector<16xf32>,
    %get3A_1633 = arith.constant 592 : index
    %get3A_1634 = tpu.vector_load %arg12[%get3A_1633] {strides = array<i32>} : memref<640xi32, #tpu.memory_space<vmem>>, vector<16xi32>,
    %get3A_1635 = arith.constant 2512 : index
    %get3A_1636 = tpu.vector_load %arg9[%get3A_1635] {strides = array<i32>} : memref<2560xi32, #tpu.memory_space<vmem>>, vector<16xi32>,
    %get3A_1637 = arith.constant 0 : index
    %get3A_1638 = tpu.vector_load %arg15[%get3A_1637] {strides = array<i32>} : memref<16xf32, #tpu.memory_space<vmem>>, vector<16xf32>,
    %gather3A_1639 = tpu.vector_load_idx %arg13[%get3A_1634, %get3A_1636] : memref<32x1024xf32, #tpu.memory_space<vmem>>[vector<16xi32>, vector<16xi32>], vector<16xf32>,
    %add3A_1640 = arith.addf %get3A_1638, %gather3A_1639 : vector<16xf32>
    %swap3A_1641 = arith.constant 0 : index
    %swap3A_1642 = tpu.vector_load %arg15[%swap3A_1641] {strides = array<i32>} : memref<16xf32, #tpu.memory_space<vmem>>, vector<16xf32>,
    tpu.vector_store %arg15[%swap3A_1641], %add3A_1640 {strides = array<i32>} : memref<16xf32, #tpu.memory_space<vmem>>, vector<16xf32>,
    %get3A_1643 = arith.constant 608 : index
    %get3A_1644 = tpu.vector_load %arg12[%get3A_1643] {strides = array<i32>} : memref<640xi32, #tpu.memory_space<vmem>>, vector<16xi32>,
    %get3A_1645 = arith.constant 2528 : index
    %get3A_1646 = tpu.vector_load %arg9[%get3A_1645] {strides = array<i32>} : memref<2560xi32, #tpu.memory_space<vmem>>, vector<16xi32>,
    %get3A_1647 = arith.constant 0 : index
    %get3A_1648 = tpu.vector_load %arg15[%get3A_1647] {strides = array<i32>} : memref<16xf32, #tpu.memory_space<vmem>>, vector<16xf32>,
    %gather3A_1649 = tpu.vector_load_idx %arg13[%get3A_1644, %get3A_1646] : memref<32x1024xf32, #tpu.memory_space<vmem>>[vector<16xi32>, vector<16xi32>], vector<16xf32>,
    %add3A_1650 = arith.addf %get3A_1648, %gather3A_1649 : vector<16xf32>
    %swap3A_1651 = arith.constant 0 : index
    %swap3A_1652 = tpu.vector_load %arg15[%swap3A_1651] {strides = array<i32>} : memref<16xf32, #tpu.memory_space<vmem>>, vector<16xf32>,
    tpu.vector_store %arg15[%swap3A_1651], %add3A_1650 {strides = array<i32>} : memref<16xf32, #tpu.memory_space<vmem>>, vector<16xf32>,
    %get3A_1653 = arith.constant 624 : index
    %get3A_1654 = tpu.vector_load %arg12[%get3A_1653] {strides = array<i32>} : memref<640xi32, #tpu.memory_space<vmem>>, vector<16xi32>,
    %get3A_1655 = arith.constant 2544 : index
    %get3A_1656 = tpu.vector_load %arg9[%get3A_1655] {strides = array<i32>} : memref<2560xi32, #tpu.memory_space<vmem>>, vector<16xi32>,
    %get3A_1657 = arith.constant 0 : index
    %get3A_1658 = tpu.vector_load %arg15[%get3A_1657] {strides = array<i32>} : memref<16xf32, #tpu.memory_space<vmem>>, vector<16xf32>,
    %gather3A_1659 = tpu.vector_load_idx %arg13[%get3A_1654, %get3A_1656] : memref<32x1024xf32, #tpu.memory_space<vmem>>[vector<16xi32>, vector<16xi32>], vector<16xf32>,
    %add3A_1660 = arith.addf %get3A_1658, %gather3A_1659 : vector<16xf32>
    %swap3A_1661 = arith.constant 0 : index
    %swap3A_1662 = tpu.vector_load %arg15[%swap3A_1661] {strides = array<i32>} : memref<16xf32, #tpu.memory_space<vmem>>, vector<16xf32>,
    tpu.vector_store %arg15[%swap3A_1661], %add3A_1660 {strides = array<i32>} : memref<16xf32, #tpu.memory_space<vmem>>, vector<16xf32>,
    %get3A_1663 = arith.constant 0 : index
    %get3A_1664 = tpu.vector_load %arg14[%get3A_1663] {strides = array<i32>} : memref<16xf32, #tpu.memory_space<vmem>>, vector<16xf32>,
    %get3A_1665 = arith.constant 0 : index
    %get3A_1666 = tpu.vector_load %arg8[%get3A_1665] {strides = array<i32>} : memref<128xi32, #tpu.memory_space<vmem>>, vector<16xi32>,
    %gather3A_1667 = tpu.vector_load_idx %arg10[%get3A_1666] : memref<1000xf32, #tpu.memory_space<vmem>>[vector<16xi32>], vector<16xf32>,
    %add3A_1668 = arith.addf %get3A_1664, %gather3A_1667 : vector<16xf32>
    %swap3A_1669 = arith.constant 0 : index
    %swap3A_1670 = tpu.vector_load %arg14[%swap3A_1669] {strides = array<i32>} : memref<16xf32, #tpu.memory_space<vmem>>, vector<16xf32>,
    tpu.vector_store %arg14[%swap3A_1669], %add3A_1668 {strides = array<i32>} : memref<16xf32, #tpu.memory_space<vmem>>, vector<16xf32>,
    %get3A_1671 = arith.constant 0 : index
    %get3A_1672 = tpu.vector_load %arg14[%get3A_1671] {strides = array<i32>} : memref<16xf32, #tpu.memory_space<vmem>>, vector<16xf32>,
    %get3A_1673 = arith.constant 16 : index
    %get3A_1674 = tpu.vector_load %arg8[%get3A_1673] {strides = array<i32>} : memref<128xi32, #tpu.memory_space<vmem>>, vector<16xi32>,
    %gather3A_1675 = tpu.vector_load_idx %arg10[%get3A_1674] : memref<1000xf32, #tpu.memory_space<vmem>>[vector<16xi32>], vector<16xf32>,
    %add3A_1676 = arith.addf %get3A_1672, %gather3A_1675 : vector<16xf32>
    %swap3A_1677 = arith.constant 0 : index
    %swap3A_1678 = tpu.vector_load %arg14[%swap3A_1677] {strides = array<i32>} : memref<16xf32, #tpu.memory_space<vmem>>, vector<16xf32>,
    tpu.vector_store %arg14[%swap3A_1677], %add3A_1676 {strides = array<i32>} : memref<16xf32, #tpu.memory_space<vmem>>, vector<16xf32>,
    %get3A_1679 = arith.constant 0 : index
    %get3A_1680 = tpu.vector_load %arg14[%get3A_1679] {strides = array<i32>} : memref<16xf32, #tpu.memory_space<vmem>>, vector<16xf32>,
    %get3A_1681 = arith.constant 32 : index
    %get3A_1682 = tpu.vector_load %arg8[%get3A_1681] {strides = array<i32>} : memref<128xi32, #tpu.memory_space<vmem>>, vector<16xi32>,
    %gather3A_1683 = tpu.vector_load_idx %arg10[%get3A_1682] : memref<1000xf32, #tpu.memory_space<vmem>>[vector<16xi32>], vector<16xf32>,
    %add3A_1684 = arith.addf %get3A_1680, %gather3A_1683 : vector<16xf32>
    %swap3A_1685 = arith.constant 0 : index
    %swap3A_1686 = tpu.vector_load %arg14[%swap3A_1685] {strides = array<i32>} : memref<16xf32, #tpu.memory_space<vmem>>, vector<16xf32>,
    tpu.vector_store %arg14[%swap3A_1685], %add3A_1684 {strides = array<i32>} : memref<16xf32, #tpu.memory_space<vmem>>, vector<16xf32>,
    %get3A_1687 = arith.constant 0 : index
    %get3A_1688 = tpu.vector_load %arg14[%get3A_1687] {strides = array<i32>} : memref<16xf32, #tpu.memory_space<vmem>>, vector<16xf32>,
    %get3A_1689 = arith.constant 48 : index
    %get3A_1690 = tpu.vector_load %arg8[%get3A_1689] {strides = array<i32>} : memref<128xi32, #tpu.memory_space<vmem>>, vector<16xi32>,
    %gather3A_1691 = tpu.vector_load_idx %arg10[%get3A_1690] : memref<1000xf32, #tpu.memory_space<vmem>>[vector<16xi32>], vector<16xf32>,
    %add3A_1692 = arith.addf %get3A_1688, %gather3A_1691 : vector<16xf32>
    %swap3A_1693 = arith.constant 0 : index
    %swap3A_1694 = tpu.vector_load %arg14[%swap3A_1693] {strides = array<i32>} : memref<16xf32, #tpu.memory_space<vmem>>, vector<16xf32>,
    tpu.vector_store %arg14[%swap3A_1693], %add3A_1692 {strides = array<i32>} : memref<16xf32, #tpu.memory_space<vmem>>, vector<16xf32>,
    %get3A_1695 = arith.constant 0 : index
    %get3A_1696 = tpu.vector_load %arg14[%get3A_1695] {strides = array<i32>} : memref<16xf32, #tpu.memory_space<vmem>>, vector<16xf32>,
    %get3A_1697 = arith.constant 64 : index
    %get3A_1698 = tpu.vector_load %arg8[%get3A_1697] {strides = array<i32>} : memref<128xi32, #tpu.memory_space<vmem>>, vector<16xi32>,
    %gather3A_1699 = tpu.vector_load_idx %arg10[%get3A_1698] : memref<1000xf32, #tpu.memory_space<vmem>>[vector<16xi32>], vector<16xf32>,
    %add3A_1700 = arith.addf %get3A_1696, %gather3A_1699 : vector<16xf32>
    %swap3A_1701 = arith.constant 0 : index
    %swap3A_1702 = tpu.vector_load %arg14[%swap3A_1701] {strides = array<i32>} : memref<16xf32, #tpu.memory_space<vmem>>, vector<16xf32>,
    tpu.vector_store %arg14[%swap3A_1701], %add3A_1700 {strides = array<i32>} : memref<16xf32, #tpu.memory_space<vmem>>, vector<16xf32>,
    %get3A_1703 = arith.constant 0 : index
    %get3A_1704 = tpu.vector_load %arg14[%get3A_1703] {strides = array<i32>} : memref<16xf32, #tpu.memory_space<vmem>>, vector<16xf32>,
    %get3A_1705 = arith.constant 80 : index
    %get3A_1706 = tpu.vector_load %arg8[%get3A_1705] {strides = array<i32>} : memref<128xi32, #tpu.memory_space<vmem>>, vector<16xi32>,
    %gather3A_1707 = tpu.vector_load_idx %arg10[%get3A_1706] : memref<1000xf32, #tpu.memory_space<vmem>>[vector<16xi32>], vector<16xf32>,
    %add3A_1708 = arith.addf %get3A_1704, %gather3A_1707 : vector<16xf32>
    %swap3A_1709 = arith.constant 0 : index
    %swap3A_1710 = tpu.vector_load %arg14[%swap3A_1709] {strides = array<i32>} : memref<16xf32, #tpu.memory_space<vmem>>, vector<16xf32>,
    tpu.vector_store %arg14[%swap3A_1709], %add3A_1708 {strides = array<i32>} : memref<16xf32, #tpu.memory_space<vmem>>, vector<16xf32>,
    %get3A_1711 = arith.constant 0 : index
    %get3A_1712 = tpu.vector_load %arg14[%get3A_1711] {strides = array<i32>} : memref<16xf32, #tpu.memory_space<vmem>>, vector<16xf32>,
    %get3A_1713 = arith.constant 96 : index
    %get3A_1714 = tpu.vector_load %arg8[%get3A_1713] {strides = array<i32>} : memref<128xi32, #tpu.memory_space<vmem>>, vector<16xi32>,
    %gather3A_1715 = tpu.vector_load_idx %arg10[%get3A_1714] : memref<1000xf32, #tpu.memory_space<vmem>>[vector<16xi32>], vector<16xf32>,
    %add3A_1716 = arith.addf %get3A_1712, %gather3A_1715 : vector<16xf32>
    %swap3A_1717 = arith.constant 0 : index
    %swap3A_1718 = tpu.vector_load %arg14[%swap3A_1717] {strides = array<i32>} : memref<16xf32, #tpu.memory_space<vmem>>, vector<16xf32>,
    tpu.vector_store %arg14[%swap3A_1717], %add3A_1716 {strides = array<i32>} : memref<16xf32, #tpu.memory_space<vmem>>, vector<16xf32>,
    %get3A_1719 = arith.constant 0 : index
    %get3A_1720 = tpu.vector_load %arg14[%get3A_1719] {strides = array<i32>} : memref<16xf32, #tpu.memory_space<vmem>>, vector<16xf32>,
    %get3A_1721 = arith.constant 112 : index
    %get3A_1722 = tpu.vector_load %arg8[%get3A_1721] {strides = array<i32>} : memref<128xi32, #tpu.memory_space<vmem>>, vector<16xi32>,
    %gather3A_1723 = tpu.vector_load_idx %arg10[%get3A_1722] : memref<1000xf32, #tpu.memory_space<vmem>>[vector<16xi32>], vector<16xf32>,
    %add3A_1724 = arith.addf %get3A_1720, %gather3A_1723 : vector<16xf32>
    %swap3A_1725 = arith.constant 0 : index
    %swap3A_1726 = tpu.vector_load %arg14[%swap3A_1725] {strides = array<i32>} : memref<16xf32, #tpu.memory_space<vmem>>, vector<16xf32>,
    tpu.vector_store %arg14[%swap3A_1725], %add3A_1724 {strides = array<i32>} : memref<16xf32, #tpu.memory_space<vmem>>, vector<16xf32>,
    %get3A_1727 = arith.constant 0 : index
    %get3A_1728 = tpu.vector_load %arg14[%get3A_1727] {strides = array<i32>} : memref<16xf32, #tpu.memory_space<vmem>>, vector<16xf32>,
    %mul3A_1729 = arith.constant 2.000000e+01 : f32
    %mul3A_1730 = vector.broadcast %mul3A_1729 : f32 to vector<16xf32>
    %mul3A_1731 = arith.mulf %get3A_1728, %mul3A_1730 : vector<16xf32>
    %get3A_1732 = arith.constant 0 : index
    %get3A_1733 = tpu.vector_load %arg15[%get3A_1732] {strides = array<i32>} : memref<16xf32, #tpu.memory_space<vmem>>, vector<16xf32>,
    %sub3A = arith.subf %mul3A_1731, %get3A_1733 : vector<16xf32>
    %swap3A_1734 = arith.constant 0 : index
    %swap3A_1735 = tpu.vector_load %arg14[%swap3A_1734] {strides = array<i32>} : memref<16xf32, #tpu.memory_space<vmem>>, vector<16xf32>,
    tpu.vector_store %arg14[%swap3A_1734], %sub3A {strides = array<i32>} : memref<16xf32, #tpu.memory_space<vmem>>, vector<16xf32>,
    "tpu.region"() ({
      %run_scoped3A = tpu.sem_alloc : memref<!tpu.dma_semaphore, #tpu.memory_space<semaphore_mem>>
      %dma_start3A_1736 = arith.constant 0 : i32
      %dma_start3A_1737 = tpu.memref_slice %arg7[%add3A, %dma_start3A_1736] : memref<32x16xf32, #tpu.memory_space<hbm>> -> memref<1x16xf32, #tpu.memory_space<hbm>>
      %dma_start3A_1738 = tpu.memref_squeeze %dma_start3A_1737 : memref<1x16xf32, #tpu.memory_space<hbm>> -> memref<16xf32, #tpu.memory_space<hbm>>
      %dma_start3A_1739 = arith.constant 0 : i32
      %dma_start3A_1740 = tpu.memref_slice %arg7[%add3A, %dma_start3A_1739] : memref<32x16xf32, #tpu.memory_space<hbm>> -> memref<1x16xf32, #tpu.memory_space<hbm>>
      %dma_start3A_1741 = tpu.memref_squeeze %dma_start3A_1740 : memref<1x16xf32, #tpu.memory_space<hbm>> -> memref<16xf32, #tpu.memory_space<hbm>>
      tpu.enqueue_dma source(%arg14 : memref<16xf32, #tpu.memory_space<vmem>>) target(%dma_start3A_1741 : memref<16xf32, #tpu.memory_space<hbm>>) target_semaphore(%run_scoped3A : memref<!tpu.dma_semaphore, #tpu.memory_space<semaphore_mem>>)
      %dma_wait3A_1742 = arith.constant 0 : i32
      %dma_wait3A_1743 = tpu.memref_slice %arg7[%add3A, %dma_wait3A_1742] : memref<32x16xf32, #tpu.memory_space<hbm>> -> memref<1x16xf32, #tpu.memory_space<hbm>>
      %dma_wait3A_1744 = tpu.memref_squeeze %dma_wait3A_1743 : memref<1x16xf32, #tpu.memory_space<hbm>> -> memref<16xf32, #tpu.memory_space<hbm>>
      %dma_wait3A_1745 = arith.constant 0 : i32
      %dma_wait3A_1746 = tpu.memref_slice %arg7[%add3A, %dma_wait3A_1745] : memref<32x16xf32, #tpu.memory_space<hbm>> -> memref<1x16xf32, #tpu.memory_space<hbm>>
      %dma_wait3A_1747 = tpu.memref_squeeze %dma_wait3A_1746 : memref<1x16xf32, #tpu.memory_space<hbm>> -> memref<16xf32, #tpu.memory_space<hbm>>
      tpu.wait_dma2 semaphore(%run_scoped3A : memref<!tpu.dma_semaphore, #tpu.memory_space<semaphore_mem>>) src(%arg14 : memref<16xf32, #tpu.memory_space<vmem>>) dst(%dma_wait3A_1747 : memref<16xf32, #tpu.memory_space<hbm>>)
      tpu.yield
    }) : () -> ()
    return
  }
}

module attributes {stable_mosaic.version = 14 : i64} {
  func.func @_mz_body(%arg0: memref<1000x128xf32, #tpu.memory_space<vmem>>, %arg1: memref<1000x128xf32, #tpu.memory_space<vmem>>, %arg2: memref<1x1000xf32, #tpu.memory_space<vmem>>, %arg3: memref<1000x1024xf32, #tpu.memory_space<vmem>>, %arg4: memref<1000x1xf32, #tpu.memory_space<vmem>>) attributes {dimension_semantics = [], scalar_prefetch = 0 : i64, scratch_operands = 0 : i64, tpu.core_type = #tpu.core_type<tc>} {
    %get3A = arith.constant 0 : index
    %get3A_0 = arith.constant 0 : index
    %get3A_1 = vector.load %arg0[%get3A, %get3A_0] : memref<1000x128xf32, #tpu.memory_space<vmem>>, vector<1000x128xf32>
    %get3A_2 = arith.constant 0 : index
    %get3A_3 = arith.constant 0 : index
    %get3A_4 = vector.load %arg1[%get3A_2, %get3A_3] : memref<1000x128xf32, #tpu.memory_space<vmem>>, vector<1000x128xf32>
    %dot_general3A = arith.constant dense<0.000000e+00> : vector<1000x1000xf32>
    %dot_general3A_5 = tpu.matmul %get3A_1, %get3A_4, %dot_general3A {dimension_numbers = #tpu.dot_dimension_numbers<[1], [1], [0], [0], [0, 0, 1, 0], [], []>, transpose_lhs_hint = false} : vector<1000x128xf32>, vector<1000x128xf32>, vector<1000x1000xf32> -> vector<1000x1000xf32>
    %get3A_6 = arith.constant 0 : index
    %get3A_7 = arith.constant 0 : index
    %get3A_8 = vector.load %arg2[%get3A_6, %get3A_7] : memref<1x1000xf32, #tpu.memory_space<vmem>>, vector<1x1000xf32>
    %add3A = vector.broadcast %get3A_8 : vector<1x1000xf32> to vector<1000x1000xf32>
    %add3A_9 = arith.addf %dot_general3A_5, %add3A : vector<1000x1000xf32>
    %swap3A = arith.constant 0 : index
    %swap3A_10 = arith.constant 0 : index
    %swap3A_11 = vector.load %arg3[%swap3A, %swap3A_10] : memref<1000x1024xf32, #tpu.memory_space<vmem>>, vector<1000x1000xf32>
    tpu.vector_store %arg3[%swap3A, %swap3A_10], %add3A_9 {strides = array<i32>} : memref<1000x1024xf32, #tpu.memory_space<vmem>>, vector<1000x1000xf32>,
    %reduce_max3A = arith.constant dense<0xFF800000> : vector<1000xf32>
    %reduce_max3A_12 = vector.multi_reduction <maximumf>, %add3A_9, %reduce_max3A [1] : vector<1000x1000xf32> to vector<1000xf32>
    %broadcast_in_dim3A = vector.shape_cast %reduce_max3A_12 : vector<1000xf32> to vector<1000x1xf32>
    %sub3A = vector.broadcast %broadcast_in_dim3A : vector<1000x1xf32> to vector<1000x1000xf32>
    %sub3A_13 = arith.subf %add3A_9, %sub3A : vector<1000x1000xf32>
    %exp3A = math.exp %sub3A_13 : vector<1000x1000xf32>
    %reduce_sum3A = arith.constant dense<0.000000e+00> : vector<1000xf32>
    %reduce_sum3A_14 = vector.multi_reduction <add>, %exp3A, %reduce_sum3A [1] : vector<1000x1000xf32> to vector<1000xf32>
    %broadcast_in_dim3A_15 = vector.shape_cast %reduce_sum3A_14 : vector<1000xf32> to vector<1000x1xf32>
    %log3A = math.log %broadcast_in_dim3A_15 : vector<1000x1xf32>
    %add3A_16 = arith.addf %broadcast_in_dim3A, %log3A : vector<1000x1xf32>
    %swap3A_17 = arith.constant 0 : index
    %swap3A_18 = arith.constant 0 : index
    %swap3A_19 = vector.load %arg4[%swap3A_17, %swap3A_18] : memref<1000x1xf32, #tpu.memory_space<vmem>>, vector<1000x1xf32>
    tpu.vector_store %arg4[%swap3A_17, %swap3A_18], %add3A_16 {strides = array<i32>} : memref<1000x1xf32, #tpu.memory_space<vmem>>, vector<1000x1xf32>,
    return
  }
}

module attributes {stable_mosaic.version = 14 : i64} {
  func.func @_out_body(%arg0: i32, %arg1: memref<1000x128xf32, #tpu.memory_space<vmem>>, %arg2: memref<1000x128xf32, #tpu.memory_space<vmem>>, %arg3: memref<1000x1xf32, #tpu.memory_space<vmem>>, %arg4: memref<1x1x128xi32, #tpu.memory_space<vmem>>, %arg5: memref<20x1000x128xf32, #tpu.memory_space<vmem>>, %arg6: memref<1000x1000xf32, #tpu.memory_space<vmem>>) attributes {dimension_semantics = [#tpu.dimension_semantics<arbitrary>], iteration_bounds = array<i64: 32>, scalar_prefetch = 0 : i64, scratch_operands = 1 : i64, tpu.core_type = #tpu.core_type<tc>, window_params = [{pipeline_mode = #tpu.pipeline_mode<synchronous>, transform_indices = @transform_0, window_bounds = array<i64: 1000, 128>}, {pipeline_mode = #tpu.pipeline_mode<synchronous>, transform_indices = @transform_1, window_bounds = array<i64: 1000, 128>}, {pipeline_mode = #tpu.pipeline_mode<synchronous>, transform_indices = @transform_2, window_bounds = array<i64: 1000, 1>}, {transform_indices = @transform_3, window_bounds = array<i64: 1, 1, 128>}, {transform_indices = @transform_4, window_bounds = array<i64: 20, 1000, 128>}]} {
    %eq3A = arith.constant 0 : i32
    %eq3A_0 = arith.cmpi eq, %arg0, %eq3A : i32
    %convert_element_type3A = arith.extui %eq3A_0 : i1 to i32
    %cond3A = arith.constant 0 : i32
    %cond3A_1 = arith.cmpi ne, %convert_element_type3A, %cond3A : i32
    scf.if %cond3A_1 {
      %get3A_20 = arith.constant 0 : index
      %get3A_21 = arith.constant 0 : index
      %get3A_22 = vector.load %arg1[%get3A_20, %get3A_21] : memref<1000x128xf32, #tpu.memory_space<vmem>>, vector<1000x128xf32>
      %get3A_23 = arith.constant 0 : index
      %get3A_24 = arith.constant 0 : index
      %get3A_25 = vector.load %arg2[%get3A_23, %get3A_24] : memref<1000x128xf32, #tpu.memory_space<vmem>>, vector<1000x128xf32>
      %dot_general3A_26 = arith.constant dense<0.000000e+00> : vector<1000x1000xf32>
      %dot_general3A_27 = tpu.matmul %get3A_22, %get3A_25, %dot_general3A_26 {dimension_numbers = #tpu.dot_dimension_numbers<[1], [1], [0], [0], [0, 0, 1, 0], [], []>, transpose_lhs_hint = false} : vector<1000x128xf32>, vector<1000x128xf32>, vector<1000x1000xf32> -> vector<1000x1000xf32>
      %get3A_28 = arith.constant 0 : index
      %get3A_29 = arith.constant 0 : index
      %get3A_30 = vector.load %arg3[%get3A_28, %get3A_29] : memref<1000x1xf32, #tpu.memory_space<vmem>>, vector<1000x1xf32>
      %add3A = vector.broadcast %get3A_30 : vector<1000x1xf32> to vector<1000x1000xf32>
      %add3A_31 = arith.addf %dot_general3A_27, %add3A : vector<1000x1000xf32>
      %swap3A_32 = arith.constant 0 : index
      %swap3A_33 = arith.constant 0 : index
      %swap3A_34 = vector.load %arg6[%swap3A_32, %swap3A_33] : memref<1000x1000xf32, #tpu.memory_space<vmem>>, vector<1000x1000xf32>
      tpu.vector_store %arg6[%swap3A_32, %swap3A_33], %add3A_31 {strides = array<i32>} : memref<1000x1000xf32, #tpu.memory_space<vmem>>, vector<1000x1000xf32>,
    } else {
    }
    %get3A = arith.constant 0 : index
    %get3A_2 = arith.constant 0 : index
    %get3A_3 = arith.constant 0 : index
    %get3A_4 = vector.load %arg4[%get3A, %get3A_2, %get3A_3] : memref<1x1x128xi32, #tpu.memory_space<vmem>>, vector<1x1x128xi32>
    %get3A_5 = vector.shape_cast %get3A_4 : vector<1x1x128xi32> to vector<128xi32>
    %iota3A = tpu.iota {dimensions = array<i32: 0>} : vector<1000x128xi32>
    %broadcast_in_dim3A = vector.shape_cast %get3A_5 : vector<128xi32> to vector<1x128xi32>
    %eq3A_6 = vector.broadcast %broadcast_in_dim3A : vector<1x128xi32> to vector<1000x128xi32>
    %eq3A_7 = arith.cmpi eq, %iota3A, %eq3A_6 : vector<1000x128xi32>
    %convert_element_type3A_8 = arith.extui %eq3A_7 : vector<1000x128xi1> to vector<1000x128xi32>
    %convert_element_type3A_9 = arith.sitofp %convert_element_type3A_8 : vector<1000x128xi32> to vector<1000x128xf32>
    %get3A_10 = arith.constant 0 : index
    %get3A_11 = arith.constant 0 : index
    %get3A_12 = vector.load %arg6[%get3A_10, %get3A_11] : memref<1000x1000xf32, #tpu.memory_space<vmem>>, vector<1000x1000xf32>
    %dot_general3A = arith.constant dense<0.000000e+00> : vector<1000x128xf32>
    %dot_general3A_13 = tpu.matmul %get3A_12, %convert_element_type3A_9, %dot_general3A {dimension_numbers = #tpu.dot_dimension_numbers<[1], [0], [0], [1], [0, 0, 1, 1], [], []>, transpose_lhs_hint = false} : vector<1000x1000xf32>, vector<1000x128xf32>, vector<1000x128xf32> -> vector<1000x128xf32>
    %broadcast_in_dim3A_14 = vector.shape_cast %dot_general3A_13 : vector<1000x128xf32> to vector<1x1000x128xf32>
    %broadcast_in_dim3A_15 = vector.shape_cast %broadcast_in_dim3A_14 : vector<1x1000x128xf32> to vector<1x1000x128xf32>
    %broadcast_in_dim3A_16 = vector.broadcast %broadcast_in_dim3A_15 : vector<1x1000x128xf32> to vector<20x1000x128xf32>
    %swap3A = arith.constant 0 : index
    %swap3A_17 = arith.constant 0 : index
    %swap3A_18 = arith.constant 0 : index
    %swap3A_19 = vector.load %arg5[%swap3A, %swap3A_17, %swap3A_18] : memref<20x1000x128xf32, #tpu.memory_space<vmem>>, vector<20x1000x128xf32>
    tpu.vector_store %arg5[%swap3A, %swap3A_17, %swap3A_18], %broadcast_in_dim3A_16 {strides = array<i32>} : memref<20x1000x128xf32, #tpu.memory_space<vmem>>, vector<20x1000x128xf32>,
    return
  }
  func.func @transform_0(%arg0: i32) -> (i32, i32) {
    %c0_i32 = arith.constant 0 : i32
    %c0_i32_0 = arith.constant 0 : i32
    %c0_i32_1 = arith.constant 0 : i32
    return %c0_i32, %c0_i32_0 : i32, i32
  }
  func.func @transform_1(%arg0: i32) -> (i32, i32) {
    %c0_i32 = arith.constant 0 : i32
    %c0_i32_0 = arith.constant 0 : i32
    %c0_i32_1 = arith.constant 0 : i32
    return %c0_i32, %c0_i32_0 : i32, i32
  }
  func.func @transform_2(%arg0: i32) -> (i32, i32) {
    %c0_i32 = arith.constant 0 : i32
    %c0_i32_0 = arith.constant 0 : i32
    %c0_i32_1 = arith.constant 0 : i32
    return %c0_i32, %c0_i32_0 : i32, i32
  }
  func.func @transform_3(%arg0: i32) -> (i32, i32, i32) {
    %c0_i32 = arith.constant 0 : i32
    %c0_i32_0 = arith.constant 0 : i32
    %c0_i32_1 = arith.constant 0 : i32
    return %arg0, %c0_i32, %c0_i32_0 : i32, i32, i32
  }
  func.func @transform_4(%arg0: i32) -> (i32, i32, i32) {
    %c0_i32 = arith.constant 0 : i32
    %c0_i32_0 = arith.constant 0 : i32
    %c0_i32_1 = arith.constant 0 : i32
    return %c0_i32, %c0_i32_0, %arg0 : i32, i32, i32
  }
}

</mosaic_0001>

<sc_bundles>
// kernel: kernel.5.cloned.1.call-start
scs
__scs_entry_jumppad:
0x0: {  	(pc) =	sbr.rel $0x88, $3  }
0x1: {  	(tag) =	ssettag $0x0;
	lr =	simm.s32 $0x1  }
0x2: {  	[smem:$0x3F9C] =	sst lr;
	_ =	strace $0xD0000000  }
0x3: {  	_ = 	snop  }
0x4: {  	_ = 	snop  }
0x5: {  	_ = 	snop  }
0x6: {  	_ = 	snop  }
0x7: {  	_ = 	snop  }
__scs_overlays_trampoline_lowered:
0x8: {  	[smem:$0x3FAB] =	sst s0  }
0x9: {  	[smem:$0x3FAC] =	sst s1  }
0xa: {  	[smem:$0x3FAD] =	sst s2  }
0xb: {  	[smem:$0x3FAE] =	sst s3  }
0xc: {  	[smem:$0x3FAF] =	sst s4  }
0xd: {  	[smem:$0x3FB0] =	sst s5  }
0xe: {  	[smem:$0x3FB1] =	sst s6  }
0xf: {  	[smem:$0x3FB2] =	sst s7  }
0x10: {  	[smem:$0x3FB3] =	sst s8  }
0x11: {  	[smem:$0x3FB4] =	sst s9;
	s0 =	simm.s32 @!p0 $0x0  }
0x12: {  	s1 =	sld [smem:$0x3F9A];
	s0 =	simm.s32 @p0 $0x1  }
0x13: {  	[smem:$0x3FB5] =	sst s0;
	s0 =	simm.s32 @!p1 $0x0  }
0x14: {  	s2 =	sld [smem:$0x3F99];
	s0 =	simm.s32 @p1 $0x1  }
0x15: {  	[smem:$0x3FB6] =	sst s0;
	s0 =	simm.s32 @!p2 $0x0  }
0x16: {  	s3 =	sld [smem:$0x3FDB];
	s0 =	simm.s32 @p2 $0x1  }
0x17: {  	s4 =	simm.s32 $0x1BF5;
	[smem:$0x3FB8] =	sst s0  }
0x18: {  	s0 =	sld [smem:$0x3F9B];
	_ =	swait.ge [sflag:s4], $0x0  }
0x19: {  	s7 =	sld [smem:$0x3F9C]  }
0x1a: {  	s8 =	sadd.s32 $0xFFFFE003, lr  }
0x1b: {  	s9 =	sadd.s32 $0xFFFFFEF7, lr;
	s5 =	simm.s32 $0xFFFFFFFF;
	p2 =	slt.u32 s8, $0xFFFFF086  }
0x1c: {  	p1 =	slt.u32 s9, $0xF7A;
	s5 =	simm.s32 @!p2 $0x0  }
0x1d: {  	s5 =	simm.s32 @p1 $0x1;
	p0 =	seq.s32 s7, s2  }
0x1e: {  	s7 =	smul.u32 @!p0 $0xF7A, s2;
	p2 =	seq.s32 @!p0 s5, $0x0  }
0x1f: {  	s9 =	smul.u32 $0xF7A, s1;
	s8 =	simm.s32 @!p0 $0x1BF5;
	p2 =	por !p2, p0  }
0x20: {  	[sflag:s8] =	ssyncset.s32 @!p0 $0xFFFFF086;
	s6 =	sadd.s32 @!p0 s3, s7;
	s7 =	simm.s32 @!p0 $0x108  }
0x21: {  	s3 =	sadd.s32 s3, s9;
	s6 =	sadd.s32 @!p0 $0x88, s6;
	s7 =	simm.s32 @p2 $0x1082  }
0x22: {  	[simem:s7], [sflag:s8] =	dma.local @!p0 [hbm:s6], $0xF7A  }
0x23: {  	s9 =	sor.u32 $0xD0000000, s2;
	s6 =	simm.s32 $0x108;
	_ =	swait.ge @!p0 [sflag:s8], $0x0  }
0x24: {  	s3 =	sadd.s32 $0x88, s3;
	s6 =	simm.s32 @!p1 $0x1082;
	[sflag:s4] =	ssyncset.s32 $0xFFFFF086  }
0x25: {  	[simem:s6], [sflag:s4] =	dma.local [hbm:s3], $0xF7A  }
0x26: {  	[smem:$0x3F9C] =	sst s1;
	(tag) =	ssettag s2;
	_ =	strace s9  }
0x27: {  	s1 =	sld [smem:$0x3FAC]  }
0x28: {  	s2 =	sld [smem:$0x3FAD]  }
0x29: {  	s4 =	sld [smem:$0x3FAF]  }
0x2a: {  	p0 =	seq.s32 s5, $0x0;
	s5 =	sld [smem:$0x3FB0]  }
0x2b: {  	s6 =	sld [smem:$0x3FB1]  }
0x2c: {  	s7 =	sld [smem:$0x3FB2]  }
0x2d: {  	s3 =	simm.s32 $0x108;
	s8 =	sld [smem:$0x3FB3]  }
0x2e: {  	s3 =	simm.s32 @!p0 $0x1082;
	s9 =	sld [smem:$0x3FB4]  }
0x2f: {  	lr =	sadd.s32 s0, s3;
	s0 =	sld [smem:$0x3FAB]  }
0x30: {  	s3 =	sld [smem:$0x3FAE]  }
0x31: {  	[smem:$0x3FB7] =	sst s10  }
0x32: {  	s10 =	sld [smem:$0x3FB5];
	_ =	sdelay $0x3  }
0x33: {  	p0 =	seq.s32 s10, $0x1;
	s10 =	sld [smem:$0x3FB7];
	_ =	sdelay $0x3  }
0x34: {  	[smem:$0x3FB7] =	sst s10  }
0x35: {  	s10 =	sld [smem:$0x3FB6];
	_ =	sdelay $0x3  }
0x36: {  	p1 =	seq.s32 s10, $0x1;
	s10 =	sld [smem:$0x3FB7];
	_ =	sdelay $0x3  }
0x37: {  	[smem:$0x3FB7] =	sst s10  }
0x38: {  	s10 =	sld [smem:$0x3FB8]  }
0x39: {  	_ = 	snop;
	(pc) =	sbr.ind lr, $3  }
0x3a: {  	_ = 	snop  }
0x3b: {  	_ = 	snop  }
0x3c: {  	p2 =	seq.s32 s10, $0x1;
	s10 =	sld [smem:$0x3FB7]  }
0x3d: {  	_ =	shalt  }
0x3e: {  	_ =	shalt  }
0x3f: {  	_ =	shalt  }
0x40: {  	_ =	shalt  }
0x41: {  	_ =	shalt  }
0x42: {  	_ =	shalt  }
0x43: {  	_ =	shalt  }
0x44: {  	_ =	shalt  }
0x45: {  	_ =	shalt  }
0x46: {  	_ =	shalt  }
0x47: {  	_ =	shalt  }
0x48: {  	_ =	shalt  }
0x49: {  	_ =	shalt  }
0x4a: {  	_ =	shalt  }
0x4b: {  	_ =	shalt  }
0x4c: {  	_ =	shalt  }
0x4d: {  	_ =	shalt  }
0x4e: {  	_ =	shalt  }
0x4f: {  	_ =	shalt  }
0x50: {  	_ =	shalt  }
0x51: {  	_ =	shalt  }
0x52: {  	_ =	shalt  }
0x53: {  	_ =	shalt  }
0x54: {  	_ =	shalt  }
0x55: {  	_ =	shalt  }
0x56: {  	_ =	shalt  }
0x57: {  	_ =	shalt  }
0x58: {  	_ =	shalt  }
0x59: {  	_ =	shalt  }
0x5a: {  	_ =	shalt  }
0x5b: {  	_ =	shalt  }
0x5c: {  	_ =	shalt  }
0x5d: {  	_ =	shalt  }
0x5e: {  	_ =	shalt  }
0x5f: {  	_ =	shalt  }
0x60: {  	_ =	shalt  }
0x61: {  	_ =	shalt  }
0x62: {  	_ =	shalt  }
0x63: {  	_ =	shalt  }
0x64: {  	_ =	shalt  }
0x65: {  	_ =	shalt  }
0x66: {  	_ =	shalt  }
0x67: {  	_ =	shalt  }
0x68: {  	_ =	shalt  }
0x69: {  	_ =	shalt  }
0x6a: {  	_ =	shalt  }
0x6b: {  	_ =	shalt  }
0x6c: {  	_ =	shalt  }
0x6d: {  	_ =	shalt  }
0x6e: {  	_ =	shalt  }
0x6f: {  	_ =	shalt  }
0x70: {  	_ =	shalt  }
0x71: {  	_ =	shalt  }
0x72: {  	_ =	shalt  }
0x73: {  	_ =	shalt  }
0x74: {  	_ =	shalt  }
0x75: {  	_ =	shalt  }
0x76: {  	_ =	shalt  }
0x77: {  	_ =	shalt  }
0x78: {  	_ =	shalt  }
0x79: {  	_ =	shalt  }
0x7a: {  	_ =	shalt  }
0x7b: {  	_ =	shalt  }
0x7c: {  	_ =	shalt  }
0x7d: {  	_ =	shalt  }
0x7e: {  	_ =	shalt  }
0x7f: {  	_ =	shalt  }
0x80: {  	_ =	shalt  }
0x81: {  	_ =	shalt  }
0x82: {  	_ =	shalt  }
0x83: {  	_ =	shalt  }
0x84: {  	_ =	shalt  }
0x85: {  	_ =	shalt  }
0x86: {  	_ =	shalt  }
0x87: {  	_ =	shalt  }
.Lfunc_end0:
.L_simem_size_0:
called_computation_lowered:
.L_overlay_start_0:
0x88: {  	s2 =	sld [smem:$0x3FD9]  }
0x89: {  	s3 =	sld [smem:$0x3FFE];
	_ =	sdelay $0x1  }
0x8a: {  	s1 =	srdreg.scid  }
0x8b: {  	s0 =	sand.u32 $0x1, s1  }
0x8c: {  	s17 =	sshll.u32 s0, $0xA;
	s2 =	sadd.s32 s3, s2  }
0x8d: {  	s2 =	sadd.s32 s2, s17  }
0x8e: {  	[smem:$0x3FC3] =	sst s2  }
0x8f: {  	_ = 	snop  }
0x90: {  	s2 =	sld [smem:$0x3FC9];
	(tm) =	ssettm $0x1  }
0x91: {  	s18 =	sld [smem:$0x3FFB];
	_ =	sdelay $0x3  }
0x92: {  	_ =	strace s18  }
0x93: {  	s3 =	sld [smem:$0x3FFC];
	_ =	sdelay $0x3  }
0x94: {  	_ =	strace s3  }
0x95: {  	s3 =	sld [smem:$0x3FFD];
	_ =	sdelay $0x3  }
0x96: {  	_ =	strace s3  }
0x97: {  	_ =	strace $0x8FFFFFFF  }
0x98: {  	s19 =	sld [smem:$0x3FDB];
	_ =	sdelay $0x1  }
0x99: {  	s4 =	simm.s32 $_scs_section_size  }
0x9a: {  	s5 =	simm.s32 $_size__tile_overlayer_lowered;
	s6 =	simm.s32 $_tile_overlayer_lowered  }
0x9b: {  	s22 =	simm.s32 $0x1BFF;
	s21 =	sshll.u32 s6, $0x1;
	s3 =	sadd.s32 s4, s19  }
0x9c: {  	s7 =	simm.s32 $0x0;
	s20 =	sshll.u32 s5, $0x1;
	s5 =	sadd.s32 s21, s3  }
0x9d: {  	[timem:s7], [sflag:s22] =	dma.local [hbm:s5], s20  }
0x9e: {  	_ =	swait.ge [sflag:s22], s20  }
0x9f: {  	s4 =	ssub.s32 $0x0, s20;
	[sflag:s22] =	ssyncset.done $0x0  }
0xa0: {  	[sflag:s22] =	ssyncadd.s32 s4;
	_ =	sdelay $0x1  }
0xa1: {  	s23 =	simm.s32 $0x1B8B  }
0xa2: {  	_ =	swait.ge [sflag:s23], $0x1  }
0xa3: {  	[sflag:s23] =	ssyncset.done $0x0  }
0xa4: {  	s25 =	simm.s32 $0x1B8E;
	s24 =	sld [smem:$0x3FFE];
	[sflag:s23] =	ssyncadd.s32 $0xFFFFFFFF  }
0xa5: {  	s26 =	simm.s32 $execute0_lowered;
	[smem:$0x3FD2] =	sst s25  }
0xa6: {  	s5 =	sshll.u32 s26, $0x1;
	_ =	strace $0x80000046;
	[dreg:$0x1] =	wrdreg $0xFFFFFFFF  }
0xa7: {  	s28 =	simm.s32 $_size_execute0_lowered;
	s3 =	sadd.s32 s3, s5;
	[dreg:$0x0] =	wrdreg $0x0  }
0xa8: {  	s5 =	sshll.u32 s28, $0x1;
	[dreg:$0x2] =	wrdreg s3  }
0xa9: {  	[dreg:$0x3] =	wrdreg s5  }
0xaa: {  	[dreg:$0x4] =	wrdreg $0xC0  }
0xab: {  	_ =	task [dreg:s7], $0x5FFFF  }
0xac: {  	[dreg:$0x1] =	wrdreg $0xFFFFFFFF  }
0xad: {  	[dreg:$0x0] =	wrdreg $0x60  }
0xae: {  	[dreg:$0x2] =	wrdreg s24  }
0xaf: {  	[dreg:$0x3] =	wrdreg s2  }
0xb0: {  	[dreg:$0x4] =	wrdreg $0x9  }
0xb1: {  	_ =	task.clear_ibuf [dreg:s7], $0x5FFFF;
	_ =	strace $0x90000046  }
0xb2: {  	s29 =	simm.s32 $0x9;
	_ =	strace $0x80000048  }
0xb3: {  	_ =	swait.ge [sflag:s29], $0x1  }
0xb4: {  	[sflag:s29] =	ssyncadd.s32 $0xFFFFFFFF  }
0xb5: {  	_ =	strace $0x90000048  }
0xb6: {  	_ =	sfence  }
0xb7: {  	s30 =	sld [smem:$0x0];
	_ =	sdelay $0x2  }
0xb8: {  	s31 =	sshll.u32 s1, $0xD;
	s1 =	sshrl.u32 s1, $0x2  }
0xb9: {  	s3 =	sand.u32 $0x4000, s31;
	s1 =	sadd.s32 s1, s30  }
0xba: {  	s0 =	sor.u32 s3, s0;
	s1 =	sshll.u32 s1, $0x11  }
0xbb: {  	s0 =	sor.u32 s1, s0  }
0xbc: {  	s0 =	sadd.s32 $0x8F2B, s0  }
0xbd: {  	[sflag:s0] =	ssyncadd.remote.s32 $0x1  }
0xbe: {  	_ =	sfence.sel $0xFFFF  }
0xbf: {  	[dreg:$0x0] =	wrdreg $0xFFFFFFFF;
	(pc) =	sbr.abs _section_cstart, $3  }
0xc0: {  	[dreg:$0x1] =	wrdreg $0xFFFFFFFF  }
0xc1: {  	_ =	task.clear_ibuf [dreg:s7], $0x2FFFF;
	_ =	strace $0x9FFFFFFF  }
0xc2: {  	(tm) =	ssettm $0x7FFFFFFF  }
0xc3: {  	_ =	shalt  }
tec
execute0_lowered:
.L_overlay_start_1:
0x0: {  	(tag) =	ssettag $0x1  }
0x1: {  	s1 =	rddreg [dreg:$0x0];
	s2 =	srdreg.scid  }
0x2: {  	s0 =	stileid.u32;
	s4 =	rddreg [dreg:$0x1]  }
0x3: {  	s10 =	simm.s32 $0x2;
	s11 =	simm.s32 $0x80;
	s12 =	simm.s32 $0xA80  }
0x4: {  	s13 =	simm.s32 $0xF00;
	s14 =	simm.s32 $0x1180;
	s15 =	simm.s32 $0x1980  }
0x5: {  	s16 =	simm.s32 $0x2180;
	s17 =	simm.s32 $0x2980;
	s18 =	simm.s32 $0x3180  }
0x6: {  	s19 =	simm.s32 $0x3980;
	s20 =	simm.s32 $0x4180;
	s21 =	simm.s32 $0x4980  }
0x7: {  	s22 =	simm.s32 $0x5180;
	s23 =	simm.s32 $0x5980;
	s24 =	simm.s32 $0x6180  }
0x8: {  	s28 =	simm.s32 $0x7980;
	s29 =	simm.s32 $0x8180;
	s30 =	simm.s32 $0x8980  }
0x9: {  	s31 =	simm.s32 $0x1;
	s5 =	sand.u32 $0x1, s2;
	s3 =	sshll.u32 s0, $0x1  }
0xa: {  	s2 =	simm.s32 $0x0;
	s8 =	sadd.s32 $0x22400, s1;
	s25 =	sadd.s32 $0x22600, s1  }
0xb: {  	s6 =	sor.u32 s5, s3;
	[smem:$0x7FF] =	sst s2;
	s3 =	sadd.s32 $0x3000, s1  }
0xc: {  	s5 =	ssub.s32 $0x2, s5;
	_ =	strace $0x80000047;
	[dreg:$0x3] =	wrdreg s8  }
0xd: {  	s7 =	smul.u32 $0x140, s6;
	[dreg:$0x4] =	wrdreg s25;
	s6 =	sshll.u32 s6, $0x4  }
0xe: {  	s9 =	sshrl.u32 s5, $0x1;
	s25 =	simm.s32 $0x6980;
	s26 =	sadd.s32 s6, s1  }
0xf: {  	s4 =	sadd.s32 s4, s6;
	s9 =	ssub.s32 s5, s9;
	s5 =	sadd.s32 $0x3100, s1  }
0x10: {  	v3 =	vlaneseq.u32;
	s6 =	sadd.s32 $0x3200, s1;
	s7 =	sadd.s32 s7, s1;
	[dreg:$0x5] =	wrdreg s4  }
0x11: {  	v0 =	vimm.f32 $0.0e+00;
	vm0 =	vmmov $0xffff;
	v2 =	vshrl.u32 v3, $0x3;
	s8 =	sadd.s32 $0x22800, s26;
	s9 =	smax.u32 s9, $0x1;
	s26 =	simm.s32 $0x7180  }
0x12: {  	v1 =	vand.u32 $0x7, v3;
	v3 =	vor.u32 $0x8, v3;
	v2 =	vmul.u32 $0x8, v2;
	s4 =	sadd.s32 $0x800, s7;
	s7 =	sadd.s32 $0x3300, s1;
	s1 =	simm.s32 $0x9180  }
.LBB2_1:
0x13: {  	s0 =	rddreg [dreg:$0x5]  }
0x14: {  	[tilespmem:s2], [sflag:$0x2] =	stream.linear.gather [hbm4b:s0+s2], $0x80, $0x38;
	[tilespmem:$0x9280] =	vst v63  }
0x15: {  	_ =	swait.ge [sflag:s10], $0x80  }
0x16: {  	[sflag:s10] =	ssyncset.done $0x0  }
0x17: {  	[sflag:s10] =	ssyncadd.s32 $0xFFFFFF80  }
0x18: {  	[tilespmem:s11], [sflag:$0x2] =	stream.linear.gather [hbm4b:s4+s2], $0xA00, $0x38;
	[tilespmem:$0x9280] =	vst v63  }
0x19: {  	_ =	swait.ge [sflag:s10], $0xA00  }
0x1a: {  	[sflag:s10] =	ssyncset.done $0x0  }
0x1b: {  	s0 =	rddreg [dreg:$0x3];
	[sflag:s10] =	ssyncadd.s32 $0xFFFFF600  }
0x1c: {  	[tilespmem:s12], [sflag:$0x2] =	stream.linear.gather [hbm4b:s0+s2], $0x400, $0x38;
	[tilespmem:$0x9280] =	vst v63  }
0x1d: {  	_ =	swait.ge [sflag:s10], $0x400  }
0x1e: {  	[sflag:s10] =	ssyncset.done $0x0  }
0x1f: {  	s0 =	rddreg [dreg:$0x4];
	[sflag:s10] =	ssyncadd.s32 $0xFFFFFC00  }
0x20: {  	[tilespmem:s13], [sflag:$0x2] =	stream.linear.gather [hbm4b:s0+s2], $0x280, $0x38;
	[tilespmem:$0x9280] =	vst v63  }
0x21: {  	_ =	swait.ge [sflag:s10], $0x280  }
0x22: {  	[sflag:s10] =	ssyncset.done $0x0  }
0x23: {  	[sflag:s10] =	ssyncadd.s32 $0xFFFFFD80  }
0x24: {  	v4 =	vld [tilespmem:$0x0];
	_ =	sdelay $0x4  }
0x25: {  	v5 =	vshll.u32 v4, $0x3  }
0x26: {  	v6 =	vand.u32 $0x7, v4;
	v5 =	vand.u32 $0xFFFFFFC0, v5  }
0x27: {  	v5 =	vor.u32 v6, v5  }
0x28: {  	v6 =	vperm.xlane v5, v1  }
0x29: {  	v7 =	vld [tilespmem:$0x10]  }
0x2a: {  	v6 =	vadd.s32 v2, v6  }
0x2b: {  	[tilespmem:$0x9180] =	vst v0  }
0x2c: {  	[tilespmem:$0x9200] =	vst v0  }
0x2d: {  	[tilespmem:$0xE80] =	vst v4  }
0x2e: {  	[tilespmem:$0xE90] =	vst v7  }
0x2f: {  	[tilespmem:s14], [sflag:$0x1] =	stream.indirect_vreg.gather [hbm4b:s3+s2], $0x80, v6, vm0, $0xb8;
	[tilespmem:$0x9280] =	vst v63  }
0x30: {  	v4 =	vperm.xlane v5, v3  }
0x31: {  	[tilespmem:s15], [sflag:$0x1] =	stream.indirect_vreg.gather [hbm4b:s5+s2], $0x80, v6, vm0, $0xb8;
	[tilespmem:$0x9280] =	vst v63  }
0x32: {  	v4 =	vadd.s32 v2, v4  }
0x33: {  	[tilespmem:s16], [sflag:$0x1] =	stream.indirect_vreg.gather [hbm4b:s6+s2], $0x80, v6, vm0, $0xb8;
	[tilespmem:$0x9280] =	vst v63  }
0x34: {  	_ = 	snop  }
0x35: {  	[tilespmem:s17], [sflag:$0x1] =	stream.indirect_vreg.gather [hbm4b:s7+s2], $0x80, v6, vm0, $0xb8;
	[tilespmem:$0x9280] =	vst v63  }
0x36: {  	_ = 	snop  }
0x37: {  	[tilespmem:s18], [sflag:$0x1] =	stream.indirect_vreg.gather [hbm4b:s3+s2], $0x80, v4, vm0, $0xb8;
	[tilespmem:$0x9280] =	vst v63  }
0x38: {  	_ = 	snop  }
0x39: {  	[tilespmem:s19], [sflag:$0x1] =	stream.indirect_vreg.gather [hbm4b:s5+s2], $0x80, v4, vm0, $0xb8;
	[tilespmem:$0x9280] =	vst v63  }
0x3a: {  	_ = 	snop  }
0x3b: {  	[tilespmem:s20], [sflag:$0x1] =	stream.indirect_vreg.gather [hbm4b:s6+s2], $0x80, v4, vm0, $0xb8;
	[tilespmem:$0x9280] =	vst v63  }
0x3c: {  	_ = 	snop  }
0x3d: {  	[tilespmem:s21], [sflag:$0x1] =	stream.indirect_vreg.gather [hbm4b:s7+s2], $0x80, v4, vm0, $0xb8;
	[tilespmem:$0x9280] =	vst v63  }
0x3e: {  	v4 =	vld [tilespmem:$0xE90];
	_ =	sdelay $0x4  }
0x3f: {  	v5 =	vshll.u32 v4, $0x3  }
0x40: {  	v4 =	vand.u32 $0x7, v4;
	v5 =	vand.u32 $0xFFFFFFC0, v5  }
0x41: {  	v4 =	vor.u32 v4, v5  }
0x42: {  	v5 =	vperm.xlane v4, v1;
	_ =	sdelay $0x1  }
0x43: {  	v5 =	vadd.s32 v2, v5;
	_ =	sdelay $0x4  }
0x44: {  	[tilespmem:s22], [sflag:$0x1] =	stream.indirect_vreg.gather [hbm4b:s3+s2], $0x80, v5, vm0, $0xb8;
	[tilespmem:$0x9280] =	vst v63  }
0x45: {  	v4 =	vperm.xlane v4, v3  }
0x46: {  	[tilespmem:s23], [sflag:$0x1] =	stream.indirect_vreg.gather [hbm4b:s5+s2], $0x80, v5, vm0, $0xb8;
	[tilespmem:$0x9280] =	vst v63  }
0x47: {  	v4 =	vadd.s32 v2, v4  }
0x48: {  	[tilespmem:s24], [sflag:$0x1] =	stream.indirect_vreg.gather [hbm4b:s6+s2], $0x80, v5, vm0, $0xb8;
	[tilespmem:$0x9280] =	vst v63  }
0x49: {  	_ = 	snop  }
0x4a: {  	[tilespmem:s25], [sflag:$0x1] =	stream.indirect_vreg.gather [hbm4b:s7+s2], $0x80, v5, vm0, $0xb8;
	[tilespmem:$0x9280] =	vst v63  }
0x4b: {  	_ = 	snop  }
0x4c: {  	[tilespmem:s26], [sflag:$0x1] =	stream.indirect_vreg.gather [hbm4b:s3+s2], $0x80, v4, vm0, $0xb8;
	[tilespmem:$0x9280] =	vst v63  }
0x4d: {  	_ = 	snop  }
0x4e: {  	[tilespmem:s28], [sflag:$0x1] =	stream.indirect_vreg.gather [hbm4b:s5+s2], $0x80, v4, vm0, $0xb8;
	[tilespmem:$0x9280] =	vst v63  }
0x4f: {  	_ = 	snop  }
0x50: {  	[tilespmem:s29], [sflag:$0x1] =	stream.indirect_vreg.gather [hbm4b:s6+s2], $0x80, v4, vm0, $0xb8;
	[tilespmem:$0x9280] =	vst v63  }
0x51: {  	_ = 	snop  }
0x52: {  	[tilespmem:s30], [sflag:$0x1] =	stream.indirect_vreg.gather [hbm4b:s7+s2], $0x80, v4, vm0, $0xb8;
	[tilespmem:$0x9280] =	vst v63  }
0x53: {  	_ =	swait.ge [sflag:s31], $0x8000  }
0x54: {  	[sflag:s31] =	ssyncset.done $0x0  }
0x55: {  	[sflag:s31] =	ssyncadd.s32 $0xFFFF8000  }
0x56: {  	v4 =	vld [tilespmem:$0xF00]  }
0x57: {  	v5 =	vld [tilespmem:$0x80];
	_ =	sdelay $0x4  }
0x58: {  	v15 =	vshll.u32 v4, $0xA;
	v16 =	vshll.u32 v5, $0x3  }
0x59: {  	v4 =	vshll.u32 v4, $0x7;
	v6 =	vand.u32 $0xFFFFE000, v15;
	v7 =	vand.u32 $0xFFFFFC00, v16  }
0x5a: {  	v17 =	vld [tilespmem:$0xF10];
	v4 =	vand.u32 $0x380, v4;
	v6 =	vadd.s32 v6, v7  }
0x5b: {  	v18 =	vld [tilespmem:$0x90];
	v5 =	vand.u32 $0x7F, v5;
	v4 =	vor.u32 v4, v6  }
0x5c: {  	v4 =	vor.u32 v5, v4;
	_ =	sdelay $0x3  }
0x5d: {  	v8 =	vshll.u32 v17, $0xA;
	v9 =	vshll.u32 v18, $0x3;
	v5 =	vld [tilespmem:$0x9200]  }
0x5e: {  	v8 =	vand.u32 $0xFFFFE000, v8;
	v9 =	vand.u32 $0xFFFFFC00, v9;
	v7 =	vshll.u32 v17, $0x7;
	v4 =	vld.idx.msk [tilespmem:v4+s14+$0x0], $0xffff  }
0x5f: {  	v19 =	vld [tilespmem:$0xF20];
	v8 =	vadd.s32 v8, v9;
	v7 =	vand.u32 $0x380, v7  }
0x60: {  	v20 =	vld [tilespmem:$0xA0];
	v6 =	vand.u32 $0x7F, v18;
	v7 =	vor.u32 v7, v8  }
0x61: {  	v6 =	vor.u32 v6, v7;
	_ =	sdelay $0x1  }
0x62: {  	v4 =	vadd.f32 v4, v5;
	_ =	sdelay $0x1  }
0x63: {  	v21 =	vshll.u32 v20, $0x3;
	v5 =	vshll.u32 v19, $0xA;
	[tilespmem:$0x9200] =	vst v4  }
0x64: {  	v9 =	vshll.u32 v19, $0x7;
	v7 =	vand.u32 $0xFFFFFC00, v21;
	v5 =	vand.u32 $0xFFFFE000, v5;
	v6 =	vld.idx.msk [tilespmem:v6+s14+$0x0], $0xffff  }
0x65: {  	v23 =	vld [tilespmem:$0xF30];
	v22 =	vand.u32 $0x380, v9;
	v5 =	vadd.s32 v5, v7  }
0x66: {  	v24 =	vld [tilespmem:$0xB0];
	v8 =	vand.u32 $0x7F, v20;
	v5 =	vor.u32 v22, v5  }
0x67: {  	v5 =	vor.u32 v8, v5;
	_ =	sdelay $0x1  }
0x68: {  	v4 =	vadd.f32 v6, v4;
	_ =	sdelay $0x1  }
0x69: {  	v25 =	vshll.u32 v23, $0xA;
	v26 =	vshll.u32 v24, $0x3;
	[tilespmem:$0x9200] =	vst v4  }
0x6a: {  	v9 =	vshll.u32 v23, $0x7;
	v8 =	vand.u32 $0xFFFFFC00, v26;
	v6 =	vand.u32 $0xFFFFE000, v25;
	v5 =	vld.idx.msk [tilespmem:v5+s14+$0x0], $0xffff  }
0x6b: {  	v28 =	vld [tilespmem:$0xF40];
	v27 =	vand.u32 $0x380, v9;
	v6 =	vadd.s32 v6, v8  }
0x6c: {  	v29 =	vld [tilespmem:$0xC0];
	v7 =	vand.u32 $0x7F, v24;
	v6 =	vor.u32 v27, v6  }
0x6d: {  	v6 =	vor.u32 v7, v6;
	_ =	sdelay $0x1  }
0x6e: {  	v4 =	vadd.f32 v5, v4;
	_ =	sdelay $0x1  }
0x6f: {  	v30 =	vshll.u32 v29, $0x3;
	v5 =	vshll.u32 v28, $0xA;
	[tilespmem:$0x9200] =	vst v4  }
0x70: {  	v9 =	vshll.u32 v28, $0x7;
	v7 =	vand.u32 $0xFFFFFC00, v30;
	v5 =	vand.u32 $0xFFFFE000, v5;
	v6 =	vld.idx.msk [tilespmem:v6+s14+$0x0], $0xffff  }
0x71: {  	v32 =	vld [tilespmem:$0xF50];
	v31 =	vand.u32 $0x380, v9;
	v5 =	vadd.s32 v5, v7  }
0x72: {  	v33 =	vld [tilespmem:$0xD0];
	v8 =	vand.u32 $0x7F, v29;
	v5 =	vor.u32 v31, v5  }
0x73: {  	v5 =	vor.u32 v8, v5;
	_ =	sdelay $0x1  }
0x74: {  	v4 =	vadd.f32 v6, v4;
	_ =	sdelay $0x1  }
0x75: {  	v34 =	vshll.u32 v32, $0xA;
	v35 =	vshll.u32 v33, $0x3;
	[tilespmem:$0x9200] =	vst v4  }
0x76: {  	v9 =	vshll.u32 v32, $0x7;
	v8 =	vand.u32 $0xFFFFFC00, v35;
	v6 =	vand.u32 $0xFFFFE000, v34;
	v5 =	vld.idx.msk [tilespmem:v5+s14+$0x0], $0xffff  }
0x77: {  	v37 =	vld [tilespmem:$0xF60];
	v36 =	vand.u32 $0x380, v9;
	v6 =	vadd.s32 v6, v8  }
0x78: {  	v38 =	vld [tilespmem:$0xE0];
	v7 =	vand.u32 $0x7F, v33;
	v6 =	vor.u32 v36, v6  }
0x79: {  	v6 =	vor.u32 v7, v6;
	_ =	sdelay $0x1  }
0x7a: {  	v4 =	vadd.f32 v5, v4;
	_ =	sdelay $0x1  }
0x7b: {  	v39 =	vshll.u32 v38, $0x3;
	v5 =	vshll.u32 v37, $0xA;
	[tilespmem:$0x9200] =	vst v4  }
0x7c: {  	v9 =	vshll.u32 v37, $0x7;
	v7 =	vand.u32 $0xFFFFFC00, v39;
	v5 =	vand.u32 $0xFFFFE000, v5;
	v6 =	vld.idx.msk [tilespmem:v6+s14+$0x0], $0xffff  }
0x7d: {  	v41 =	vld [tilespmem:$0xF70];
	v40 =	vand.u32 $0x380, v9;
	v5 =	vadd.s32 v5, v7  }
0x7e: {  	v42 =	vld [tilespmem:$0xF0];
	v8 =	vand.u32 $0x7F, v38;
	v5 =	vor.u32 v40, v5  }
0x7f: {  	v5 =	vor.u32 v8, v5;
	_ =	sdelay $0x1  }
0x80: {  	v4 =	vadd.f32 v6, v4;
	_ =	sdelay $0x1  }
0x81: {  	v43 =	vshll.u32 v41, $0xA;
	v44 =	vshll.u32 v42, $0x3;
	[tilespmem:$0x9200] =	vst v4  }
0x82: {  	v9 =	vshll.u32 v41, $0x7;
	v8 =	vand.u32 $0xFFFFFC00, v44;
	v6 =	vand.u32 $0xFFFFE000, v43;
	v5 =	vld.idx.msk [tilespmem:v5+s14+$0x0], $0xffff  }
0x83: {  	v46 =	vld [tilespmem:$0xF80];
	v45 =	vand.u32 $0x380, v9;
	v6 =	vadd.s32 v6, v8  }
0x84: {  	v47 =	vld [tilespmem:$0x100];
	v7 =	vand.u32 $0x7F, v42;
	v6 =	vor.u32 v45, v6  }
0x85: {  	v6 =	vor.u32 v7, v6;
	_ =	sdelay $0x1  }
0x86: {  	v4 =	vadd.f32 v5, v4;
	_ =	sdelay $0x1  }
0x87: {  	v48 =	vshll.u32 v47, $0x3;
	v5 =	vshll.u32 v46, $0xA;
	[tilespmem:$0x9200] =	vst v4  }
0x88: {  	v9 =	vshll.u32 v46, $0x7;
	v7 =	vand.u32 $0xFFFFFC00, v48;
	v5 =	vand.u32 $0xFFFFE000, v5;
	v6 =	vld.idx.msk [tilespmem:v6+s14+$0x0], $0xffff  }
0x89: {  	v50 =	vld [tilespmem:$0xF90];
	v49 =	vand.u32 $0x380, v9;
	v5 =	vadd.s32 v5, v7  }
0x8a: {  	v51 =	vld [tilespmem:$0x110];
	v8 =	vand.u32 $0x7F, v47;
	v5 =	vor.u32 v49, v5  }
0x8b: {  	v5 =	vor.u32 v8, v5;
	_ =	sdelay $0x1  }
0x8c: {  	v4 =	vadd.f32 v6, v4;
	_ =	sdelay $0x1  }
0x8d: {  	v52 =	vshll.u32 v50, $0xA;
	v53 =	vshll.u32 v51, $0x3;
	[tilespmem:$0x9200] =	vst v4  }
0x8e: {  	v9 =	vshll.u32 v50, $0x7;
	v8 =	vand.u32 $0xFFFFFC00, v53;
	v6 =	vand.u32 $0xFFFFE000, v52;
	v5 =	vld.idx.msk [tilespmem:v5+s14+$0x0], $0xffff  }
0x8f: {  	v55 =	vld [tilespmem:$0xFA0];
	v54 =	vand.u32 $0x380, v9;
	v6 =	vadd.s32 v6, v8  }
0x90: {  	v56 =	vld [tilespmem:$0x120];
	v7 =	vand.u32 $0x7F, v51;
	v6 =	vor.u32 v54, v6  }
0x91: {  	v6 =	vor.u32 v7, v6;
	_ =	sdelay $0x1  }
0x92: {  	v4 =	vadd.f32 v5, v4;
	_ =	sdelay $0x1  }
0x93: {  	v57 =	vshll.u32 v56, $0x3;
	v5 =	vshll.u32 v55, $0xA;
	[tilespmem:$0x9200] =	vst v4  }
0x94: {  	v9 =	vshll.u32 v55, $0x7;
	v7 =	vand.u32 $0xFFFFFC00, v57;
	v5 =	vand.u32 $0xFFFFE000, v5;
	v6 =	vld.idx.msk [tilespmem:v6+s14+$0x0], $0xffff  }
0x95: {  	v59 =	vld [tilespmem:$0xFB0];
	v58 =	vand.u32 $0x380, v9;
	v5 =	vadd.s32 v5, v7  }
0x96: {  	v60 =	vld [tilespmem:$0x130];
	v8 =	vand.u32 $0x7F, v56;
	v5 =	vor.u32 v58, v5  }
0x97: {  	v5 =	vor.u32 v8, v5;
	_ =	sdelay $0x1  }
0x98: {  	v4 =	vadd.f32 v6, v4;
	_ =	sdelay $0x1  }
0x99: {  	v61 =	vshll.u32 v59, $0xA;
	v62 =	vshll.u32 v60, $0x3;
	[tilespmem:$0x9200] =	vst v4  }
0x9a: {  	v9 =	vshll.u32 v59, $0x7;
	v8 =	vand.u32 $0xFFFFFC00, v62;
	v6 =	vand.u32 $0xFFFFE000, v61;
	v5 =	vld.idx.msk [tilespmem:v5+s14+$0x0], $0xffff  }
0x9b: {  	v12 =	vld [tilespmem:$0xFC0];
	v63 =	vand.u32 $0x380, v9;
	v6 =	vadd.s32 v6, v8  }
0x9c: {  	v13 =	vld [tilespmem:$0x140];
	v7 =	vand.u32 $0x7F, v60;
	v6 =	vor.u32 v63, v6  }
0x9d: {  	v6 =	vor.u32 v7, v6;
	_ =	sdelay $0x1  }
0x9e: {  	v4 =	vadd.f32 v5, v4;
	_ =	sdelay $0x1  }
0x9f: {  	v14 =	vshll.u32 v13, $0x3;
	v5 =	vshll.u32 v12, $0xA;
	[tilespmem:$0x9200] =	vst v4  }
0xa0: {  	v9 =	vshll.u32 v12, $0x7;
	v7 =	vand.u32 $0xFFFFFC00, v14;
	v5 =	vand.u32 $0xFFFFE000, v5;
	v6 =	vld.idx.msk [tilespmem:v6+s14+$0x0], $0xffff  }
0xa1: {  	v16 =	vld [tilespmem:$0xFD0];
	v15 =	vand.u32 $0x380, v9;
	v5 =	vadd.s32 v5, v7  }
0xa2: {  	v17 =	vld [tilespmem:$0x150];
	v8 =	vand.u32 $0x7F, v13;
	v5 =	vor.u32 v15, v5  }
0xa3: {  	v5 =	vor.u32 v8, v5;
	_ =	sdelay $0x1  }
0xa4: {  	v4 =	vadd.f32 v6, v4;
	_ =	sdelay $0x1  }
0xa5: {  	v18 =	vshll.u32 v16, $0xA;
	v19 =	vshll.u32 v17, $0x3;
	[tilespmem:$0x9200] =	vst v4  }
0xa6: {  	v9 =	vshll.u32 v16, $0x7;
	v8 =	vand.u32 $0xFFFFFC00, v19;
	v6 =	vand.u32 $0xFFFFE000, v18;
	v5 =	vld.idx.msk [tilespmem:v5+s14+$0x0], $0xffff  }
0xa7: {  	v21 =	vld [tilespmem:$0xFE0];
	v20 =	vand.u32 $0x380, v9;
	v6 =	vadd.s32 v6, v8  }
0xa8: {  	v22 =	vld [tilespmem:$0x160];
	v7 =	vand.u32 $0x7F, v17;
	v6 =	vor.u32 v20, v6  }
0xa9: {  	v6 =	vor.u32 v7, v6;
	_ =	sdelay $0x1  }
0xaa: {  	v4 =	vadd.f32 v5, v4;
	_ =	sdelay $0x1  }
0xab: {  	v23 =	vshll.u32 v22, $0x3;
	v5 =	vshll.u32 v21, $0xA;
	[tilespmem:$0x9200] =	vst v4  }
0xac: {  	v9 =	vshll.u32 v21, $0x7;
	v7 =	vand.u32 $0xFFFFFC00, v23;
	v5 =	vand.u32 $0xFFFFE000, v5;
	v6 =	vld.idx.msk [tilespmem:v6+s14+$0x0], $0xffff  }
0xad: {  	v24 =	vand.u32 $0x380, v9;
	v26 =	vld [tilespmem:$0x170];
	v5 =	vadd.s32 v5, v7  }
0xae: {  	v25 =	vld [tilespmem:$0xFF0];
	v8 =	vand.u32 $0x7F, v22;
	v5 =	vor.u32 v24, v5  }
0xaf: {  	v5 =	vor.u32 v8, v5;
	_ =	sdelay $0x1  }
0xb0: {  	v4 =	vadd.f32 v6, v4;
	_ =	sdelay $0x1  }
0xb1: {  	v27 =	vshll.u32 v25, $0xA;
	v28 =	vshll.u32 v26, $0x3;
	[tilespmem:$0x9200] =	vst v4  }
0xb2: {  	v9 =	vshll.u32 v25, $0x7;
	v8 =	vand.u32 $0xFFFFFC00, v28;
	v6 =	vand.u32 $0xFFFFE000, v27;
	v5 =	vld.idx.msk [tilespmem:v5+s14+$0x0], $0xffff  }
0xb3: {  	v30 =	vld [tilespmem:$0x1000];
	v29 =	vand.u32 $0x380, v9;
	v6 =	vadd.s32 v6, v8  }
0xb4: {  	v31 =	vld [tilespmem:$0x180];
	v7 =	vand.u32 $0x7F, v26;
	v6 =	vor.u32 v29, v6  }
0xb5: {  	v6 =	vor.u32 v7, v6;
	_ =	sdelay $0x1  }
0xb6: {  	v4 =	vadd.f32 v5, v4;
	_ =	sdelay $0x1  }
0xb7: {  	v32 =	vshll.u32 v31, $0x3;
	v5 =	vshll.u32 v30, $0xA;
	[tilespmem:$0x9200] =	vst v4  }
0xb8: {  	v9 =	vshll.u32 v30, $0x7;
	v7 =	vand.u32 $0xFFFFFC00, v32;
	v5 =	vand.u32 $0xFFFFE000, v5;
	v6 =	vld.idx.msk [tilespmem:v6+s14+$0x0], $0xffff  }
0xb9: {  	v33 =	vand.u32 $0x380, v9;
	v35 =	vld [tilespmem:$0x190];
	v5 =	vadd.s32 v5, v7  }
0xba: {  	v34 =	vld [tilespmem:$0x1010];
	v8 =	vand.u32 $0x7F, v31;
	v5 =	vor.u32 v33, v5  }
0xbb: {  	v5 =	vor.u32 v8, v5;
	_ =	sdelay $0x1  }
0xbc: {  	v4 =	vadd.f32 v6, v4;
	_ =	sdelay $0x1  }
0xbd: {  	v36 =	vshll.u32 v34, $0xA;
	v37 =	vshll.u32 v35, $0x3;
	[tilespmem:$0x9200] =	vst v4  }
0xbe: {  	v9 =	vshll.u32 v34, $0x7;
	v8 =	vand.u32 $0xFFFFFC00, v37;
	v6 =	vand.u32 $0xFFFFE000, v36;
	v5 =	vld.idx.msk [tilespmem:v5+s14+$0x0], $0xffff  }
0xbf: {  	v39 =	vld [tilespmem:$0x1020];
	v38 =	vand.u32 $0x380, v9;
	v6 =	vadd.s32 v6, v8  }
0xc0: {  	v40 =	vld [tilespmem:$0x1A0];
	v7 =	vand.u32 $0x7F, v35;
	v6 =	vor.u32 v38, v6  }
0xc1: {  	v6 =	vor.u32 v7, v6;
	_ =	sdelay $0x1  }
0xc2: {  	v4 =	vadd.f32 v5, v4;
	_ =	sdelay $0x1  }
0xc3: {  	v41 =	vshll.u32 v40, $0x3;
	v5 =	vshll.u32 v39, $0xA;
	[tilespmem:$0x9200] =	vst v4  }
0xc4: {  	v9 =	vshll.u32 v39, $0x7;
	v7 =	vand.u32 $0xFFFFFC00, v41;
	v5 =	vand.u32 $0xFFFFE000, v5;
	v6 =	vld.idx.msk [tilespmem:v6+s14+$0x0], $0xffff  }
0xc5: {  	v42 =	vand.u32 $0x380, v9;
	v44 =	vld [tilespmem:$0x1B0];
	v5 =	vadd.s32 v5, v7  }
0xc6: {  	v43 =	vld [tilespmem:$0x1030];
	v8 =	vand.u32 $0x7F, v40;
	v5 =	vor.u32 v42, v5  }
0xc7: {  	v5 =	vor.u32 v8, v5;
	_ =	sdelay $0x1  }
0xc8: {  	v4 =	vadd.f32 v6, v4;
	_ =	sdelay $0x1  }
0xc9: {  	v45 =	vshll.u32 v43, $0xA;
	v46 =	vshll.u32 v44, $0x3;
	[tilespmem:$0x9200] =	vst v4  }
0xca: {  	v9 =	vshll.u32 v43, $0x7;
	v8 =	vand.u32 $0xFFFFFC00, v46;
	v6 =	vand.u32 $0xFFFFE000, v45;
	v5 =	vld.idx.msk [tilespmem:v5+s14+$0x0], $0xffff  }
0xcb: {  	v48 =	vld [tilespmem:$0x1040];
	v47 =	vand.u32 $0x380, v9;
	v6 =	vadd.s32 v6, v8  }
0xcc: {  	v49 =	vld [tilespmem:$0x1C0];
	v7 =	vand.u32 $0x7F, v44;
	v6 =	vor.u32 v47, v6  }
0xcd: {  	v6 =	vor.u32 v7, v6;
	_ =	sdelay $0x1  }
0xce: {  	v4 =	vadd.f32 v5, v4;
	_ =	sdelay $0x1  }
0xcf: {  	v50 =	vshll.u32 v49, $0x3;
	v5 =	vshll.u32 v48, $0xA;
	[tilespmem:$0x9200] =	vst v4  }
0xd0: {  	v9 =	vshll.u32 v48, $0x7;
	v7 =	vand.u32 $0xFFFFFC00, v50;
	v5 =	vand.u32 $0xFFFFE000, v5;
	v6 =	vld.idx.msk [tilespmem:v6+s14+$0x0], $0xffff  }
0xd1: {  	v51 =	vand.u32 $0x380, v9;
	v53 =	vld [tilespmem:$0x1D0];
	v5 =	vadd.s32 v5, v7  }
0xd2: {  	v52 =	vld [tilespmem:$0x1050];
	v8 =	vand.u32 $0x7F, v49;
	v5 =	vor.u32 v51, v5  }
0xd3: {  	v5 =	vor.u32 v8, v5;
	_ =	sdelay $0x1  }
0xd4: {  	v4 =	vadd.f32 v6, v4;
	_ =	sdelay $0x1  }
0xd5: {  	v54 =	vshll.u32 v52, $0xA;
	v55 =	vshll.u32 v53, $0x3;
	[tilespmem:$0x9200] =	vst v4  }
0xd6: {  	v9 =	vshll.u32 v52, $0x7;
	v8 =	vand.u32 $0xFFFFFC00, v55;
	v6 =	vand.u32 $0xFFFFE000, v54;
	v5 =	vld.idx.msk [tilespmem:v5+s14+$0x0], $0xffff  }
0xd7: {  	v57 =	vld [tilespmem:$0x1060];
	v56 =	vand.u32 $0x380, v9;
	v6 =	vadd.s32 v6, v8  }
0xd8: {  	v58 =	vld [tilespmem:$0x1E0];
	v7 =	vand.u32 $0x7F, v53;
	v6 =	vor.u32 v56, v6  }
0xd9: {  	v6 =	vor.u32 v7, v6;
	_ =	sdelay $0x1  }
0xda: {  	v4 =	vadd.f32 v5, v4;
	_ =	sdelay $0x1  }
0xdb: {  	v59 =	vshll.u32 v58, $0x3;
	v5 =	vshll.u32 v57, $0xA;
	[tilespmem:$0x9200] =	vst v4  }
0xdc: {  	v9 =	vshll.u32 v57, $0x7;
	v7 =	vand.u32 $0xFFFFFC00, v59;
	v5 =	vand.u32 $0xFFFFE000, v5;
	v6 =	vld.idx.msk [tilespmem:v6+s14+$0x0], $0xffff  }
0xdd: {  	v60 =	vand.u32 $0x380, v9;
	v62 =	vld [tilespmem:$0x1F0];
	v5 =	vadd.s32 v5, v7  }
0xde: {  	v61 =	vld [tilespmem:$0x1070];
	v8 =	vand.u32 $0x7F, v58;
	v5 =	vor.u32 v60, v5  }
0xdf: {  	v5 =	vor.u32 v8, v5;
	_ =	sdelay $0x1  }
0xe0: {  	v4 =	vadd.f32 v6, v4;
	_ =	sdelay $0x1  }
0xe1: {  	v63 =	vshll.u32 v61, $0xA;
	v12 =	vshll.u32 v62, $0x3;
	[tilespmem:$0x9200] =	vst v4  }
0xe2: {  	v9 =	vshll.u32 v61, $0x7;
	v8 =	vand.u32 $0xFFFFFC00, v12;
	v6 =	vand.u32 $0xFFFFE000, v63;
	v5 =	vld.idx.msk [tilespmem:v5+s14+$0x0], $0xffff  }
0xe3: {  	v14 =	vld [tilespmem:$0x1080];
	v13 =	vand.u32 $0x380, v9;
	v6 =	vadd.s32 v6, v8  }
0xe4: {  	v15 =	vld [tilespmem:$0x200];
	v7 =	vand.u32 $0x7F, v62;
	v6 =	vor.u32 v13, v6  }
0xe5: {  	v6 =	vor.u32 v7, v6;
	_ =	sdelay $0x1  }
0xe6: {  	v4 =	vadd.f32 v5, v4;
	_ =	sdelay $0x1  }
0xe7: {  	v16 =	vshll.u32 v15, $0x3;
	v5 =	vshll.u32 v14, $0xA;
	[tilespmem:$0x9200] =	vst v4  }
0xe8: {  	v9 =	vshll.u32 v14, $0x7;
	v7 =	vand.u32 $0xFFFFFC00, v16;
	v5 =	vand.u32 $0xFFFFE000, v5;
	v6 =	vld.idx.msk [tilespmem:v6+s14+$0x0], $0xffff  }
0xe9: {  	v17 =	vand.u32 $0x380, v9;
	v19 =	vld [tilespmem:$0x210];
	v5 =	vadd.s32 v5, v7  }
0xea: {  	v18 =	vld [tilespmem:$0x1090];
	v8 =	vand.u32 $0x7F, v15;
	v5 =	vor.u32 v17, v5  }
0xeb: {  	v5 =	vor.u32 v8, v5;
	_ =	sdelay $0x1  }
0xec: {  	v4 =	vadd.f32 v6, v4;
	_ =	sdelay $0x1  }
0xed: {  	v20 =	vshll.u32 v18, $0xA;
	v21 =	vshll.u32 v19, $0x3;
	[tilespmem:$0x9200] =	vst v4  }
0xee: {  	v9 =	vshll.u32 v18, $0x7;
	v8 =	vand.u32 $0xFFFFFC00, v21;
	v6 =	vand.u32 $0xFFFFE000, v20;
	v5 =	vld.idx.msk [tilespmem:v5+s14+$0x0], $0xffff  }
0xef: {  	v23 =	vld [tilespmem:$0x10A0];
	v22 =	vand.u32 $0x380, v9;
	v6 =	vadd.s32 v6, v8  }
0xf0: {  	v24 =	vld [tilespmem:$0x220];
	v7 =	vand.u32 $0x7F, v19;
	v6 =	vor.u32 v22, v6  }
0xf1: {  	v6 =	vor.u32 v7, v6;
	_ =	sdelay $0x1  }
0xf2: {  	v4 =	vadd.f32 v5, v4;
	_ =	sdelay $0x1  }
0xf3: {  	v25 =	vshll.u32 v24, $0x3;
	v5 =	vshll.u32 v23, $0xA;
	[tilespmem:$0x9200] =	vst v4  }
0xf4: {  	v9 =	vshll.u32 v23, $0x7;
	v7 =	vand.u32 $0xFFFFFC00, v25;
	v5 =	vand.u32 $0xFFFFE000, v5;
	v6 =	vld.idx.msk [tilespmem:v6+s14+$0x0], $0xffff  }
0xf5: {  	v26 =	vand.u32 $0x380, v9;
	v28 =	vld [tilespmem:$0x230];
	v5 =	vadd.s32 v5, v7  }
0xf6: {  	v27 =	vld [tilespmem:$0x10B0];
	v8 =	vand.u32 $0x7F, v24;
	v5 =	vor.u32 v26, v5  }
0xf7: {  	v5 =	vor.u32 v8, v5;
	_ =	sdelay $0x1  }
0xf8: {  	v4 =	vadd.f32 v6, v4;
	_ =	sdelay $0x1  }
0xf9: {  	v29 =	vshll.u32 v27, $0xA;
	v30 =	vshll.u32 v28, $0x3;
	[tilespmem:$0x9200] =	vst v4  }
0xfa: {  	v9 =	vshll.u32 v27, $0x7;
	v8 =	vand.u32 $0xFFFFFC00, v30;
	v6 =	vand.u32 $0xFFFFE000, v29;
	v5 =	vld.idx.msk [tilespmem:v5+s14+$0x0], $0xffff  }
0xfb: {  	v32 =	vld [tilespmem:$0x10C0];
	v31 =	vand.u32 $0x380, v9;
	v6 =	vadd.s32 v6, v8  }
0xfc: {  	v33 =	vld [tilespmem:$0x240];
	v7 =	vand.u32 $0x7F, v28;
	v6 =	vor.u32 v31, v6  }
0xfd: {  	v6 =	vor.u32 v7, v6;
	_ =	sdelay $0x1  }
0xfe: {  	v4 =	vadd.f32 v5, v4;
	_ =	sdelay $0x1  }
0xff: {  	v34 =	vshll.u32 v33, $0x3;
	v5 =	vshll.u32 v32, $0xA;
	[tilespmem:$0x9200] =	vst v4  }
0x100: {  	v9 =	vshll.u32 v32, $0x7;
	v7 =	vand.u32 $0xFFFFFC00, v34;
	v5 =	vand.u32 $0xFFFFE000, v5;
	v6 =	vld.idx.msk [tilespmem:v6+s14+$0x0], $0xffff  }
0x101: {  	v35 =	vand.u32 $0x380, v9;
	v37 =	vld [tilespmem:$0x250];
	v5 =	vadd.s32 v5, v7  }
0x102: {  	v36 =	vld [tilespmem:$0x10D0];
	v8 =	vand.u32 $0x7F, v33;
	v5 =	vor.u32 v35, v5  }
0x103: {  	v5 =	vor.u32 v8, v5;
	_ =	sdelay $0x1  }
0x104: {  	v4 =	vadd.f32 v6, v4;
	_ =	sdelay $0x1  }
0x105: {  	v38 =	vshll.u32 v36, $0xA;
	v39 =	vshll.u32 v37, $0x3;
	[tilespmem:$0x9200] =	vst v4  }
0x106: {  	v9 =	vshll.u32 v36, $0x7;
	v8 =	vand.u32 $0xFFFFFC00, v39;
	v6 =	vand.u32 $0xFFFFE000, v38;
	v5 =	vld.idx.msk [tilespmem:v5+s14+$0x0], $0xffff  }
0x107: {  	v41 =	vld [tilespmem:$0x10E0];
	v40 =	vand.u32 $0x380, v9;
	v6 =	vadd.s32 v6, v8  }
0x108: {  	v42 =	vld [tilespmem:$0x260];
	v7 =	vand.u32 $0x7F, v37;
	v6 =	vor.u32 v40, v6  }
0x109: {  	v6 =	vor.u32 v7, v6;
	_ =	sdelay $0x1  }
0x10a: {  	v4 =	vadd.f32 v5, v4;
	_ =	sdelay $0x1  }
0x10b: {  	v43 =	vshll.u32 v42, $0x3;
	v5 =	vshll.u32 v41, $0xA;
	[tilespmem:$0x9200] =	vst v4  }
0x10c: {  	v9 =	vshll.u32 v41, $0x7;
	v7 =	vand.u32 $0xFFFFFC00, v43;
	v5 =	vand.u32 $0xFFFFE000, v5;
	v6 =	vld.idx.msk [tilespmem:v6+s14+$0x0], $0xffff  }
0x10d: {  	v44 =	vand.u32 $0x380, v9;
	v46 =	vld [tilespmem:$0x270];
	v5 =	vadd.s32 v5, v7  }
0x10e: {  	v45 =	vld [tilespmem:$0x10F0];
	v8 =	vand.u32 $0x7F, v42;
	v5 =	vor.u32 v44, v5  }
0x10f: {  	v5 =	vor.u32 v8, v5;
	_ =	sdelay $0x1  }
0x110: {  	v4 =	vadd.f32 v6, v4;
	_ =	sdelay $0x1  }
0x111: {  	v47 =	vshll.u32 v45, $0xA;
	v48 =	vshll.u32 v46, $0x3;
	[tilespmem:$0x9200] =	vst v4  }
0x112: {  	v9 =	vshll.u32 v45, $0x7;
	v8 =	vand.u32 $0xFFFFFC00, v48;
	v6 =	vand.u32 $0xFFFFE000, v47;
	v5 =	vld.idx.msk [tilespmem:v5+s14+$0x0], $0xffff  }
0x113: {  	v50 =	vld [tilespmem:$0x1100];
	v49 =	vand.u32 $0x380, v9;
	v6 =	vadd.s32 v6, v8  }
0x114: {  	v51 =	vld [tilespmem:$0x280];
	v7 =	vand.u32 $0x7F, v46;
	v6 =	vor.u32 v49, v6  }
0x115: {  	v6 =	vor.u32 v7, v6;
	_ =	sdelay $0x1  }
0x116: {  	v4 =	vadd.f32 v5, v4;
	_ =	sdelay $0x1  }
0x117: {  	v52 =	vshll.u32 v51, $0x3;
	v5 =	vshll.u32 v50, $0xA;
	[tilespmem:$0x9200] =	vst v4  }
0x118: {  	v9 =	vshll.u32 v50, $0x7;
	v7 =	vand.u32 $0xFFFFFC00, v52;
	v5 =	vand.u32 $0xFFFFE000, v5;
	v6 =	vld.idx.msk [tilespmem:v6+s14+$0x0], $0xffff  }
0x119: {  	v53 =	vand.u32 $0x380, v9;
	v55 =	vld [tilespmem:$0x290];
	v5 =	vadd.s32 v5, v7  }
0x11a: {  	v54 =	vld [tilespmem:$0x1110];
	v8 =	vand.u32 $0x7F, v51;
	v5 =	vor.u32 v53, v5  }
0x11b: {  	v5 =	vor.u32 v8, v5;
	_ =	sdelay $0x1  }
0x11c: {  	v4 =	vadd.f32 v6, v4;
	_ =	sdelay $0x1  }
0x11d: {  	v56 =	vshll.u32 v54, $0xA;
	v57 =	vshll.u32 v55, $0x3;
	[tilespmem:$0x9200] =	vst v4  }
0x11e: {  	v9 =	vshll.u32 v54, $0x7;
	v8 =	vand.u32 $0xFFFFFC00, v57;
	v6 =	vand.u32 $0xFFFFE000, v56;
	v5 =	vld.idx.msk [tilespmem:v5+s14+$0x0], $0xffff  }
0x11f: {  	v59 =	vld [tilespmem:$0x1120];
	v58 =	vand.u32 $0x380, v9;
	v6 =	vadd.s32 v6, v8  }
0x120: {  	v60 =	vld [tilespmem:$0x2A0];
	v7 =	vand.u32 $0x7F, v55;
	v6 =	vor.u32 v58, v6  }
0x121: {  	v6 =	vor.u32 v7, v6;
	_ =	sdelay $0x1  }
0x122: {  	v4 =	vadd.f32 v5, v4;
	_ =	sdelay $0x1  }
0x123: {  	v61 =	vshll.u32 v60, $0x3;
	v5 =	vshll.u32 v59, $0xA;
	[tilespmem:$0x9200] =	vst v4  }
0x124: {  	v9 =	vshll.u32 v59, $0x7;
	v7 =	vand.u32 $0xFFFFFC00, v61;
	v5 =	vand.u32 $0xFFFFE000, v5;
	v6 =	vld.idx.msk [tilespmem:v6+s14+$0x0], $0xffff  }
0x125: {  	v62 =	vand.u32 $0x380, v9;
	v12 =	vld [tilespmem:$0x2B0];
	v5 =	vadd.s32 v5, v7  }
0x126: {  	v63 =	vld [tilespmem:$0x1130];
	v8 =	vand.u32 $0x7F, v60;
	v5 =	vor.u32 v62, v5  }
0x127: {  	v5 =	vor.u32 v8, v5;
	_ =	sdelay $0x1  }
0x128: {  	v4 =	vadd.f32 v6, v4;
	_ =	sdelay $0x1  }
0x129: {  	v13 =	vshll.u32 v63, $0xA;
	v14 =	vshll.u32 v12, $0x3;
	[tilespmem:$0x9200] =	vst v4  }
0x12a: {  	v9 =	vshll.u32 v63, $0x7;
	v8 =	vand.u32 $0xFFFFFC00, v14;
	v6 =	vand.u32 $0xFFFFE000, v13;
	v5 =	vld.idx.msk [tilespmem:v5+s14+$0x0], $0xffff  }
0x12b: {  	v16 =	vld [tilespmem:$0x1140];
	v15 =	vand.u32 $0x380, v9;
	v6 =	vadd.s32 v6, v8  }
0x12c: {  	v17 =	vld [tilespmem:$0x2C0];
	v7 =	vand.u32 $0x7F, v12;
	v6 =	vor.u32 v15, v6  }
0x12d: {  	v6 =	vor.u32 v7, v6;
	_ =	sdelay $0x1  }
0x12e: {  	v4 =	vadd.f32 v5, v4;
	_ =	sdelay $0x1  }
0x12f: {  	v18 =	vshll.u32 v17, $0x3;
	v5 =	vshll.u32 v16, $0xA;
	[tilespmem:$0x9200] =	vst v4  }
0x130: {  	v9 =	vshll.u32 v16, $0x7;
	v7 =	vand.u32 $0xFFFFFC00, v18;
	v5 =	vand.u32 $0xFFFFE000, v5;
	v6 =	vld.idx.msk [tilespmem:v6+s14+$0x0], $0xffff  }
0x131: {  	v19 =	vand.u32 $0x380, v9;
	v21 =	vld [tilespmem:$0x2D0];
	v5 =	vadd.s32 v5, v7  }
0x132: {  	v20 =	vld [tilespmem:$0x1150];
	v8 =	vand.u32 $0x7F, v17;
	v5 =	vor.u32 v19, v5  }
0x133: {  	v5 =	vor.u32 v8, v5;
	_ =	sdelay $0x1  }
0x134: {  	v4 =	vadd.f32 v6, v4;
	_ =	sdelay $0x1  }
0x135: {  	v22 =	vshll.u32 v20, $0xA;
	v23 =	vshll.u32 v21, $0x3;
	[tilespmem:$0x9200] =	vst v4  }
0x136: {  	v9 =	vshll.u32 v20, $0x7;
	v8 =	vand.u32 $0xFFFFFC00, v23;
	v6 =	vand.u32 $0xFFFFE000, v22;
	v5 =	vld.idx.msk [tilespmem:v5+s14+$0x0], $0xffff  }
0x137: {  	v25 =	vld [tilespmem:$0x1160];
	v24 =	vand.u32 $0x380, v9;
	v6 =	vadd.s32 v6, v8  }
0x138: {  	v26 =	vld [tilespmem:$0x2E0];
	v7 =	vand.u32 $0x7F, v21;
	v6 =	vor.u32 v24, v6  }
0x139: {  	v6 =	vor.u32 v7, v6;
	_ =	sdelay $0x1  }
0x13a: {  	v4 =	vadd.f32 v5, v4;
	_ =	sdelay $0x1  }
0x13b: {  	v27 =	vshll.u32 v26, $0x3;
	v5 =	vshll.u32 v25, $0xA;
	[tilespmem:$0x9200] =	vst v4  }
0x13c: {  	v9 =	vshll.u32 v25, $0x7;
	v7 =	vand.u32 $0xFFFFFC00, v27;
	v5 =	vand.u32 $0xFFFFE000, v5;
	v6 =	vld.idx.msk [tilespmem:v6+s14+$0x0], $0xffff  }
0x13d: {  	v28 =	vand.u32 $0x380, v9;
	v30 =	vld [tilespmem:$0x2F0];
	v5 =	vadd.s32 v5, v7  }
0x13e: {  	v29 =	vld [tilespmem:$0x1170];
	v8 =	vand.u32 $0x7F, v26;
	v5 =	vor.u32 v28, v5  }
0x13f: {  	v5 =	vor.u32 v8, v5;
	_ =	sdelay $0x1  }
0x140: {  	v4 =	vadd.f32 v6, v4;
	_ =	sdelay $0x1  }
0x141: {  	v31 =	vshll.u32 v29, $0xA;
	v32 =	vshll.u32 v30, $0x3;
	[tilespmem:$0x9200] =	vst v4  }
0x142: {  	v9 =	vshll.u32 v29, $0x7;
	v8 =	vand.u32 $0xFFFFFC00, v32;
	v6 =	vand.u32 $0xFFFFE000, v31;
	v5 =	vld.idx.msk [tilespmem:v5+s14+$0x0], $0xffff  }
0x143: {  	v33 =	vand.u32 $0x380, v9;
	v6 =	vadd.s32 v6, v8  }
0x144: {  	v7 =	vand.u32 $0x7F, v30;
	v6 =	vor.u32 v33, v6  }
0x145: {  	v34 =	vld [tilespmem:$0x20];
	v6 =	vor.u32 v7, v6;
	_ =	sdelay $0x1  }
0x146: {  	v4 =	vadd.f32 v5, v4;
	_ =	sdelay $0x1  }
0x147: {  	[tilespmem:$0x9200] =	vst v4  }
0x148: {  	v35 =	vshll.u32 v34, $0x3;
	v5 =	vld.idx.msk [tilespmem:v6+s14+$0x0], $0xffff  }
0x149: {  	v36 =	vand.u32 $0x7, v34;
	v6 =	vand.u32 $0xFFFFFFC0, v35  }
0x14a: {  	v6 =	vor.u32 v36, v6  }
0x14b: {  	v37 =	vld [tilespmem:$0x30];
	v8 =	vperm.xlane v6, v1;
	_ =	sdelay $0x1  }
0x14c: {  	v4 =	vadd.f32 v5, v4;
	v5 =	vadd.s32 v2, v8;
	_ =	sdelay $0x1  }
0x14d: {  	[tilespmem:$0xE80] =	vst v34  }
0x14e: {  	[tilespmem:$0xE90] =	vst v37  }
0x14f: {  	[tilespmem:$0x9200] =	vst v4  }
0x150: {  	[tilespmem:s14], [sflag:$0x1] =	stream.indirect_vreg.gather [hbm4b:s3+s2], $0x80, v5, vm0, $0xb8;
	[tilespmem:$0x9280] =	vst v63  }
0x151: {  	v4 =	vperm.xlane v6, v3  }
0x152: {  	[tilespmem:s15], [sflag:$0x1] =	stream.indirect_vreg.gather [hbm4b:s5+s2], $0x80, v5, vm0, $0xb8;
	[tilespmem:$0x9280] =	vst v63  }
0x153: {  	v4 =	vadd.s32 v2, v4  }
0x154: {  	[tilespmem:s16], [sflag:$0x1] =	stream.indirect_vreg.gather [hbm4b:s6+s2], $0x80, v5, vm0, $0xb8;
	[tilespmem:$0x9280] =	vst v63  }
0x155: {  	_ = 	snop  }
0x156: {  	[tilespmem:s17], [sflag:$0x1] =	stream.indirect_vreg.gather [hbm4b:s7+s2], $0x80, v5, vm0, $0xb8;
	[tilespmem:$0x9280] =	vst v63  }
0x157: {  	_ = 	snop  }
0x158: {  	[tilespmem:s18], [sflag:$0x1] =	stream.indirect_vreg.gather [hbm4b:s3+s2], $0x80, v4, vm0, $0xb8;
	[tilespmem:$0x9280] =	vst v63  }
0x159: {  	_ = 	snop  }
0x15a: {  	[tilespmem:s19], [sflag:$0x1] =	stream.indirect_vreg.gather [hbm4b:s5+s2], $0x80, v4, vm0, $0xb8;
	[tilespmem:$0x9280] =	vst v63  }
0x15b: {  	_ = 	snop  }
0x15c: {  	[tilespmem:s20], [sflag:$0x1] =	stream.indirect_vreg.gather [hbm4b:s6+s2], $0x80, v4, vm0, $0xb8;
	[tilespmem:$0x9280] =	vst v63  }
0x15d: {  	_ = 	snop  }
0x15e: {  	[tilespmem:s21], [sflag:$0x1] =	stream.indirect_vreg.gather [hbm4b:s7+s2], $0x80, v4, vm0, $0xb8;
	[tilespmem:$0x9280] =	vst v63  }
0x15f: {  	v4 =	vld [tilespmem:$0xE90];
	_ =	sdelay $0x4  }
0x160: {  	v5 =	vshll.u32 v4, $0x3  }
0x161: {  	v4 =	vand.u32 $0x7, v4;
	v5 =	vand.u32 $0xFFFFFFC0, v5  }
0x162: {  	v4 =	vor.u32 v4, v5  }
0x163: {  	v5 =	vperm.xlane v4, v1;
	_ =	sdelay $0x1  }
0x164: {  	v5 =	vadd.s32 v2, v5;
	_ =	sdelay $0x4  }
0x165: {  	[tilespmem:s22], [sflag:$0x1] =	stream.indirect_vreg.gather [hbm4b:s3+s2], $0x80, v5, vm0, $0xb8;
	[tilespmem:$0x9280] =	vst v63  }
0x166: {  	v4 =	vperm.xlane v4, v3  }
0x167: {  	[tilespmem:s23], [sflag:$0x1] =	stream.indirect_vreg.gather [hbm4b:s5+s2], $0x80, v5, vm0, $0xb8;
	[tilespmem:$0x9280] =	vst v63  }
0x168: {  	v4 =	vadd.s32 v2, v4  }
0x169: {  	[tilespmem:s24], [sflag:$0x1] =	stream.indirect_vreg.gather [hbm4b:s6+s2], $0x80, v5, vm0, $0xb8;
	[tilespmem:$0x9280] =	vst v63  }
0x16a: {  	_ = 	snop  }
0x16b: {  	[tilespmem:s25], [sflag:$0x1] =	stream.indirect_vreg.gather [hbm4b:s7+s2], $0x80, v5, vm0, $0xb8;
	[tilespmem:$0x9280] =	vst v63  }
0x16c: {  	_ = 	snop  }
0x16d: {  	[tilespmem:s26], [sflag:$0x1] =	stream.indirect_vreg.gather [hbm4b:s3+s2], $0x80, v4, vm0, $0xb8;
	[tilespmem:$0x9280] =	vst v63  }
0x16e: {  	_ = 	snop  }
0x16f: {  	[tilespmem:s28], [sflag:$0x1] =	stream.indirect_vreg.gather [hbm4b:s5+s2], $0x80, v4, vm0, $0xb8;
	[tilespmem:$0x9280] =	vst v63  }
0x170: {  	_ = 	snop  }
0x171: {  	[tilespmem:s29], [sflag:$0x1] =	stream.indirect_vreg.gather [hbm4b:s6+s2], $0x80, v4, vm0, $0xb8;
	[tilespmem:$0x9280] =	vst v63  }
0x172: {  	_ = 	snop  }
0x173: {  	[tilespmem:s30], [sflag:$0x1] =	stream.indirect_vreg.gather [hbm4b:s7+s2], $0x80, v4, vm0, $0xb8;
	[tilespmem:$0x9280] =	vst v63  }
0x174: {  	_ =	swait.ge [sflag:s31], $0x8000  }
0x175: {  	[sflag:s31] =	ssyncset.done $0x0  }
0x176: {  	[sflag:s31] =	ssyncadd.s32 $0xFFFF8000  }
0x177: {  	v4 =	vld [tilespmem:$0xF00]  }
0x178: {  	v5 =	vld [tilespmem:$0x300];
	_ =	sdelay $0x4  }
0x179: {  	v38 =	vshll.u32 v4, $0xA;
	v39 =	vshll.u32 v5, $0x3  }
0x17a: {  	v4 =	vshll.u32 v4, $0x7;
	v6 =	vand.u32 $0xFFFFE000, v38;
	v7 =	vand.u32 $0xFFFFFC00, v39  }
0x17b: {  	v40 =	vld [tilespmem:$0xF10];
	v4 =	vand.u32 $0x380, v4;
	v6 =	vadd.s32 v6, v7  }
0x17c: {  	v41 =	vld [tilespmem:$0x310];
	v5 =	vand.u32 $0x7F, v5;
	v4 =	vor.u32 v4, v6  }
0x17d: {  	v4 =	vor.u32 v5, v4;
	_ =	sdelay $0x3  }
0x17e: {  	v42 =	vshll.u32 v40, $0xA;
	v43 =	vshll.u32 v41, $0x3;
	v5 =	vld [tilespmem:$0x9200]  }
0x17f: {  	v8 =	vand.u32 $0xFFFFE000, v42;
	v9 =	vand.u32 $0xFFFFFC00, v43;
	v7 =	vshll.u32 v40, $0x7;
	v4 =	vld.idx.msk [tilespmem:v4+s14+$0x0], $0xffff  }
0x180: {  	v44 =	vld [tilespmem:$0xF20];
	v8 =	vadd.s32 v8, v9;
	v7 =	vand.u32 $0x380, v7  }
0x181: {  	v45 =	vld [tilespmem:$0x320];
	v6 =	vand.u32 $0x7F, v41;
	v7 =	vor.u32 v7, v8  }
0x182: {  	v6 =	vor.u32 v6, v7;
	_ =	sdelay $0x1  }
0x183: {  	v4 =	vadd.f32 v4, v5;
	_ =	sdelay $0x1  }
0x184: {  	v46 =	vshll.u32 v45, $0x3;
	v5 =	vshll.u32 v44, $0xA;
	[tilespmem:$0x9200] =	vst v4  }
0x185: {  	v9 =	vshll.u32 v44, $0x7;
	v7 =	vand.u32 $0xFFFFFC00, v46;
	v5 =	vand.u32 $0xFFFFE000, v5;
	v6 =	vld.idx.msk [tilespmem:v6+s14+$0x0], $0xffff  }
0x186: {  	v48 =	vld [tilespmem:$0xF30];
	v47 =	vand.u32 $0x380, v9;
	v5 =	vadd.s32 v5, v7  }
0x187: {  	v49 =	vld [tilespmem:$0x330];
	v8 =	vand.u32 $0x7F, v45;
	v5 =	vor.u32 v47, v5  }
0x188: {  	v5 =	vor.u32 v8, v5;
	_ =	sdelay $0x1  }
0x189: {  	v4 =	vadd.f32 v6, v4;
	_ =	sdelay $0x1  }
0x18a: {  	v50 =	vshll.u32 v48, $0xA;
	v51 =	vshll.u32 v49, $0x3;
	[tilespmem:$0x9200] =	vst v4  }
0x18b: {  	v9 =	vshll.u32 v48, $0x7;
	v8 =	vand.u32 $0xFFFFFC00, v51;
	v6 =	vand.u32 $0xFFFFE000, v50;
	v5 =	vld.idx.msk [tilespmem:v5+s14+$0x0], $0xffff  }
0x18c: {  	v53 =	vld [tilespmem:$0xF40];
	v52 =	vand.u32 $0x380, v9;
	v6 =	vadd.s32 v6, v8  }
0x18d: {  	v54 =	vld [tilespmem:$0x340];
	v7 =	vand.u32 $0x7F, v49;
	v6 =	vor.u32 v52, v6  }
0x18e: {  	v6 =	vor.u32 v7, v6;
	_ =	sdelay $0x1  }
0x18f: {  	v4 =	vadd.f32 v5, v4;
	_ =	sdelay $0x1  }
0x190: {  	v55 =	vshll.u32 v54, $0x3;
	v5 =	vshll.u32 v53, $0xA;
	[tilespmem:$0x9200] =	vst v4  }
0x191: {  	v9 =	vshll.u32 v53, $0x7;
	v7 =	vand.u32 $0xFFFFFC00, v55;
	v5 =	vand.u32 $0xFFFFE000, v5;
	v6 =	vld.idx.msk [tilespmem:v6+s14+$0x0], $0xffff  }
0x192: {  	v57 =	vld [tilespmem:$0xF50];
	v56 =	vand.u32 $0x380, v9;
	v5 =	vadd.s32 v5, v7  }
0x193: {  	v58 =	vld [tilespmem:$0x350];
	v8 =	vand.u32 $0x7F, v54;
	v5 =	vor.u32 v56, v5  }
0x194: {  	v5 =	vor.u32 v8, v5;
	_ =	sdelay $0x1  }
0x195: {  	v4 =	vadd.f32 v6, v4;
	_ =	sdelay $0x1  }
0x196: {  	v59 =	vshll.u32 v57, $0xA;
	v60 =	vshll.u32 v58, $0x3;
	[tilespmem:$0x9200] =	vst v4  }
0x197: {  	v9 =	vshll.u32 v57, $0x7;
	v8 =	vand.u32 $0xFFFFFC00, v60;
	v6 =	vand.u32 $0xFFFFE000, v59;
	v5 =	vld.idx.msk [tilespmem:v5+s14+$0x0], $0xffff  }
0x198: {  	v62 =	vld [tilespmem:$0xF60];
	v61 =	vand.u32 $0x380, v9;
	v6 =	vadd.s32 v6, v8  }
0x199: {  	v63 =	vld [tilespmem:$0x360];
	v7 =	vand.u32 $0x7F, v58;
	v6 =	vor.u32 v61, v6  }
0x19a: {  	v6 =	vor.u32 v7, v6;
	_ =	sdelay $0x1  }
0x19b: {  	v4 =	vadd.f32 v5, v4;
	_ =	sdelay $0x1  }
0x19c: {  	v11 =	vshll.u32 v63, $0x3;
	v5 =	vshll.u32 v62, $0xA;
	[tilespmem:$0x9200] =	vst v4  }
0x19d: {  	v9 =	vshll.u32 v62, $0x7;
	v7 =	vand.u32 $0xFFFFFC00, v11;
	v5 =	vand.u32 $0xFFFFE000, v5;
	v6 =	vld.idx.msk [tilespmem:v6+s14+$0x0], $0xffff  }
0x19e: {  	v13 =	vld [tilespmem:$0xF70];
	v12 =	vand.u32 $0x380, v9;
	v5 =	vadd.s32 v5, v7  }
0x19f: {  	v14 =	vld [tilespmem:$0x370];
	v8 =	vand.u32 $0x7F, v63;
	v5 =	vor.u32 v12, v5  }
0x1a0: {  	v5 =	vor.u32 v8, v5;
	_ =	sdelay $0x1  }
0x1a1: {  	v4 =	vadd.f32 v6, v4;
	_ =	sdelay $0x1  }
0x1a2: {  	v15 =	vshll.u32 v13, $0xA;
	v16 =	vshll.u32 v14, $0x3;
	[tilespmem:$0x9200] =	vst v4  }
0x1a3: {  	v9 =	vshll.u32 v13, $0x7;
	v8 =	vand.u32 $0xFFFFFC00, v16;
	v6 =	vand.u32 $0xFFFFE000, v15;
	v5 =	vld.idx.msk [tilespmem:v5+s14+$0x0], $0xffff  }
0x1a4: {  	v18 =	vld [tilespmem:$0xF80];
	v17 =	vand.u32 $0x380, v9;
	v6 =	vadd.s32 v6, v8  }
0x1a5: {  	v19 =	vld [tilespmem:$0x380];
	v7 =	vand.u32 $0x7F, v14;
	v6 =	vor.u32 v17, v6  }
0x1a6: {  	v6 =	vor.u32 v7, v6;
	_ =	sdelay $0x1  }
0x1a7: {  	v4 =	vadd.f32 v5, v4;
	_ =	sdelay $0x1  }
0x1a8: {  	v20 =	vshll.u32 v19, $0x3;
	v5 =	vshll.u32 v18, $0xA;
	[tilespmem:$0x9200] =	vst v4  }
0x1a9: {  	v9 =	vshll.u32 v18, $0x7;
	v7 =	vand.u32 $0xFFFFFC00, v20;
	v5 =	vand.u32 $0xFFFFE000, v5;
	v6 =	vld.idx.msk [tilespmem:v6+s14+$0x0], $0xffff  }
0x1aa: {  	v22 =	vld [tilespmem:$0xF90];
	v21 =	vand.u32 $0x380, v9;
	v5 =	vadd.s32 v5, v7  }
0x1ab: {  	v23 =	vld [tilespmem:$0x390];
	v8 =	vand.u32 $0x7F, v19;
	v5 =	vor.u32 v21, v5  }
0x1ac: {  	v5 =	vor.u32 v8, v5;
	_ =	sdelay $0x1  }
0x1ad: {  	v4 =	vadd.f32 v6, v4;
	_ =	sdelay $0x1  }
0x1ae: {  	v24 =	vshll.u32 v22, $0xA;
	v25 =	vshll.u32 v23, $0x3;
	[tilespmem:$0x9200] =	vst v4  }
0x1af: {  	v9 =	vshll.u32 v22, $0x7;
	v8 =	vand.u32 $0xFFFFFC00, v25;
	v6 =	vand.u32 $0xFFFFE000, v24;
	v5 =	vld.idx.msk [tilespmem:v5+s14+$0x0], $0xffff  }
0x1b0: {  	v27 =	vld [tilespmem:$0xFA0];
	v26 =	vand.u32 $0x380, v9;
	v6 =	vadd.s32 v6, v8  }
0x1b1: {  	v28 =	vld [tilespmem:$0x3A0];
	v7 =	vand.u32 $0x7F, v23;
	v6 =	vor.u32 v26, v6  }
0x1b2: {  	v6 =	vor.u32 v7, v6;
	_ =	sdelay $0x1  }
0x1b3: {  	v4 =	vadd.f32 v5, v4;
	_ =	sdelay $0x1  }
0x1b4: {  	v29 =	vshll.u32 v28, $0x3;
	v5 =	vshll.u32 v27, $0xA;
	[tilespmem:$0x9200] =	vst v4  }
0x1b5: {  	v9 =	vshll.u32 v27, $0x7;
	v7 =	vand.u32 $0xFFFFFC00, v29;
	v5 =	vand.u32 $0xFFFFE000, v5;
	v6 =	vld.idx.msk [tilespmem:v6+s14+$0x0], $0xffff  }
0x1b6: {  	v31 =	vld [tilespmem:$0xFB0];
	v30 =	vand.u32 $0x380, v9;
	v5 =	vadd.s32 v5, v7  }
0x1b7: {  	v32 =	vld [tilespmem:$0x3B0];
	v8 =	vand.u32 $0x7F, v28;
	v5 =	vor.u32 v30, v5  }
0x1b8: {  	v5 =	vor.u32 v8, v5;
	_ =	sdelay $0x1  }
0x1b9: {  	v4 =	vadd.f32 v6, v4;
	_ =	sdelay $0x1  }
0x1ba: {  	v33 =	vshll.u32 v31, $0xA;
	v34 =	vshll.u32 v32, $0x3;
	[tilespmem:$0x9200] =	vst v4  }
0x1bb: {  	v9 =	vshll.u32 v31, $0x7;
	v8 =	vand.u32 $0xFFFFFC00, v34;
	v6 =	vand.u32 $0xFFFFE000, v33;
	v5 =	vld.idx.msk [tilespmem:v5+s14+$0x0], $0xffff  }
0x1bc: {  	v36 =	vld [tilespmem:$0xFC0];
	v35 =	vand.u32 $0x380, v9;
	v6 =	vadd.s32 v6, v8  }
0x1bd: {  	v37 =	vld [tilespmem:$0x3C0];
	v7 =	vand.u32 $0x7F, v32;
	v6 =	vor.u32 v35, v6  }
0x1be: {  	v6 =	vor.u32 v7, v6;
	_ =	sdelay $0x1  }
0x1bf: {  	v4 =	vadd.f32 v5, v4;
	_ =	sdelay $0x1  }
0x1c0: {  	v38 =	vshll.u32 v37, $0x3;
	v5 =	vshll.u32 v36, $0xA;
	[tilespmem:$0x9200] =	vst v4  }
0x1c1: {  	v9 =	vshll.u32 v36, $0x7;
	v7 =	vand.u32 $0xFFFFFC00, v38;
	v5 =	vand.u32 $0xFFFFE000, v5;
	v6 =	vld.idx.msk [tilespmem:v6+s14+$0x0], $0xffff  }
0x1c2: {  	v40 =	vld [tilespmem:$0xFD0];
	v39 =	vand.u32 $0x380, v9;
	v5 =	vadd.s32 v5, v7  }
0x1c3: {  	v41 =	vld [tilespmem:$0x3D0];
	v8 =	vand.u32 $0x7F, v37;
	v5 =	vor.u32 v39, v5  }
0x1c4: {  	v5 =	vor.u32 v8, v5;
	_ =	sdelay $0x1  }
0x1c5: {  	v4 =	vadd.f32 v6, v4;
	_ =	sdelay $0x1  }
0x1c6: {  	v42 =	vshll.u32 v40, $0xA;
	v43 =	vshll.u32 v41, $0x3;
	[tilespmem:$0x9200] =	vst v4  }
0x1c7: {  	v9 =	vshll.u32 v40, $0x7;
	v8 =	vand.u32 $0xFFFFFC00, v43;
	v6 =	vand.u32 $0xFFFFE000, v42;
	v5 =	vld.idx.msk [tilespmem:v5+s14+$0x0], $0xffff  }
0x1c8: {  	v45 =	vld [tilespmem:$0xFE0];
	v44 =	vand.u32 $0x380, v9;
	v6 =	vadd.s32 v6, v8  }
0x1c9: {  	v46 =	vld [tilespmem:$0x3E0];
	v7 =	vand.u32 $0x7F, v41;
	v6 =	vor.u32 v44, v6  }
0x1ca: {  	v6 =	vor.u32 v7, v6;
	_ =	sdelay $0x1  }
0x1cb: {  	v4 =	vadd.f32 v5, v4;
	_ =	sdelay $0x1  }
0x1cc: {  	v47 =	vshll.u32 v46, $0x3;
	v5 =	vshll.u32 v45, $0xA;
	[tilespmem:$0x9200] =	vst v4  }
0x1cd: {  	v9 =	vshll.u32 v45, $0x7;
	v7 =	vand.u32 $0xFFFFFC00, v47;
	v5 =	vand.u32 $0xFFFFE000, v5;
	v6 =	vld.idx.msk [tilespmem:v6+s14+$0x0], $0xffff  }
0x1ce: {  	v48 =	vand.u32 $0x380, v9;
	v5 =	vadd.s32 v5, v7  }
0x1cf: {  	v8 =	vand.u32 $0x7F, v46;
	v5 =	vor.u32 v48, v5  }
0x1d0: {  	v5 =	vor.u32 v8, v5;
	_ =	sdelay $0x1  }
0x1d1: {  	v4 =	vadd.f32 v6, v4;
	_ =	sdelay $0x1  }
0x1d2: {  	[tilespmem:$0x9200] =	vst v4  }
0x1d3: {  	v5 =	vld.idx.msk [tilespmem:v5+s14+$0x0], $0xffff  }
0x1d4: {  	v49 =	vld [tilespmem:$0xFF0]  }
0x1d5: {  	v50 =	vld [tilespmem:$0x3F0];
	_ =	sdelay $0x4  }
0x1d6: {  	v51 =	vshll.u32 v49, $0xA;
	v52 =	vshll.u32 v50, $0x3  }
0x1d7: {  	v6 =	vshll.u32 v49, $0x7;
	v8 =	vand.u32 $0xFFFFE000, v51;
	v9 =	vand.u32 $0xFFFFFC00, v52  }
0x1d8: {  	v53 =	vld [tilespmem:$0x1000];
	v6 =	vand.u32 $0x380, v6;
	v8 =	vadd.s32 v8, v9  }
0x1d9: {  	v54 =	vld [tilespmem:$0x400];
	v7 =	vand.u32 $0x7F, v50;
	v6 =	vor.u32 v6, v8  }
0x1da: {  	v6 =	vor.u32 v7, v6;
	_ =	sdelay $0x1  }
0x1db: {  	v4 =	vadd.f32 v5, v4;
	_ =	sdelay $0x1  }
0x1dc: {  	v5 =	vshll.u32 v53, $0xA;
	v55 =	vshll.u32 v54, $0x3;
	[tilespmem:$0x9200] =	vst v4  }
0x1dd: {  	v5 =	vand.u32 $0xFFFFE000, v5;
	v9 =	vshll.u32 v53, $0x7;
	v7 =	vand.u32 $0xFFFFFC00, v55;
	v6 =	vld.idx.msk [tilespmem:v6+s14+$0x0], $0xffff  }
0x1de: {  	v57 =	vld [tilespmem:$0x1010];
	v56 =	vand.u32 $0x380, v9;
	v5 =	vadd.s32 v5, v7  }
0x1df: {  	v58 =	vld [tilespmem:$0x410];
	v8 =	vand.u32 $0x7F, v54;
	v5 =	vor.u32 v56, v5  }
0x1e0: {  	v5 =	vor.u32 v8, v5;
	_ =	sdelay $0x1  }
0x1e1: {  	v4 =	vadd.f32 v6, v4;
	_ =	sdelay $0x1  }
0x1e2: {  	v59 =	vshll.u32 v57, $0xA;
	v60 =	vshll.u32 v58, $0x3;
	[tilespmem:$0x9200] =	vst v4  }
0x1e3: {  	v9 =	vshll.u32 v57, $0x7;
	v8 =	vand.u32 $0xFFFFFC00, v60;
	v6 =	vand.u32 $0xFFFFE000, v59;
	v5 =	vld.idx.msk [tilespmem:v5+s14+$0x0], $0xffff  }
0x1e4: {  	v62 =	vld [tilespmem:$0x1020];
	v61 =	vand.u32 $0x380, v9;
	v6 =	vadd.s32 v6, v8  }
0x1e5: {  	v63 =	vld [tilespmem:$0x420];
	v7 =	vand.u32 $0x7F, v58;
	v6 =	vor.u32 v61, v6  }
0x1e6: {  	v6 =	vor.u32 v7, v6;
	_ =	sdelay $0x1  }
0x1e7: {  	v4 =	vadd.f32 v5, v4;
	_ =	sdelay $0x1  }
0x1e8: {  	v12 =	vshll.u32 v63, $0x3;
	v5 =	vshll.u32 v62, $0xA;
	[tilespmem:$0x9200] =	vst v4  }
0x1e9: {  	v9 =	vshll.u32 v62, $0x7;
	v7 =	vand.u32 $0xFFFFFC00, v12;
	v5 =	vand.u32 $0xFFFFE000, v5;
	v6 =	vld.idx.msk [tilespmem:v6+s14+$0x0], $0xffff  }
0x1ea: {  	v14 =	vld [tilespmem:$0x1030];
	v13 =	vand.u32 $0x380, v9;
	v5 =	vadd.s32 v5, v7  }
0x1eb: {  	v15 =	vld [tilespmem:$0x430];
	v8 =	vand.u32 $0x7F, v63;
	v5 =	vor.u32 v13, v5  }
0x1ec: {  	v5 =	vor.u32 v8, v5;
	_ =	sdelay $0x1  }
0x1ed: {  	v4 =	vadd.f32 v6, v4;
	_ =	sdelay $0x1  }
0x1ee: {  	v16 =	vshll.u32 v14, $0xA;
	v17 =	vshll.u32 v15, $0x3;
	[tilespmem:$0x9200] =	vst v4  }
0x1ef: {  	v9 =	vshll.u32 v14, $0x7;
	v8 =	vand.u32 $0xFFFFFC00, v17;
	v6 =	vand.u32 $0xFFFFE000, v16;
	v5 =	vld.idx.msk [tilespmem:v5+s14+$0x0], $0xffff  }
0x1f0: {  	v19 =	vld [tilespmem:$0x1040];
	v18 =	vand.u32 $0x380, v9;
	v6 =	vadd.s32 v6, v8  }
0x1f1: {  	v20 =	vld [tilespmem:$0x440];
	v7 =	vand.u32 $0x7F, v15;
	v6 =	vor.u32 v18, v6  }
0x1f2: {  	v6 =	vor.u32 v7, v6;
	_ =	sdelay $0x1  }
0x1f3: {  	v4 =	vadd.f32 v5, v4;
	_ =	sdelay $0x1  }
0x1f4: {  	v21 =	vshll.u32 v20, $0x3;
	v5 =	vshll.u32 v19, $0xA;
	[tilespmem:$0x9200] =	vst v4  }
0x1f5: {  	v9 =	vshll.u32 v19, $0x7;
	v7 =	vand.u32 $0xFFFFFC00, v21;
	v5 =	vand.u32 $0xFFFFE000, v5;
	v6 =	vld.idx.msk [tilespmem:v6+s14+$0x0], $0xffff  }
0x1f6: {  	v23 =	vld [tilespmem:$0x1050];
	v22 =	vand.u32 $0x380, v9;
	v5 =	vadd.s32 v5, v7  }
0x1f7: {  	v24 =	vld [tilespmem:$0x450];
	v8 =	vand.u32 $0x7F, v20;
	v5 =	vor.u32 v22, v5  }
0x1f8: {  	v5 =	vor.u32 v8, v5;
	_ =	sdelay $0x1  }
0x1f9: {  	v4 =	vadd.f32 v6, v4;
	_ =	sdelay $0x1  }
0x1fa: {  	v25 =	vshll.u32 v23, $0xA;
	v26 =	vshll.u32 v24, $0x3;
	[tilespmem:$0x9200] =	vst v4  }
0x1fb: {  	v9 =	vshll.u32 v23, $0x7;
	v8 =	vand.u32 $0xFFFFFC00, v26;
	v6 =	vand.u32 $0xFFFFE000, v25;
	v5 =	vld.idx.msk [tilespmem:v5+s14+$0x0], $0xffff  }
0x1fc: {  	v28 =	vld [tilespmem:$0x1060];
	v27 =	vand.u32 $0x380, v9;
	v6 =	vadd.s32 v6, v8  }
0x1fd: {  	v29 =	vld [tilespmem:$0x460];
	v7 =	vand.u32 $0x7F, v24;
	v6 =	vor.u32 v27, v6  }
0x1fe: {  	v6 =	vor.u32 v7, v6;
	_ =	sdelay $0x1  }
0x1ff: {  	v4 =	vadd.f32 v5, v4;
	_ =	sdelay $0x1  }
0x200: {  	v30 =	vshll.u32 v29, $0x3;
	v5 =	vshll.u32 v28, $0xA;
	[tilespmem:$0x9200] =	vst v4  }
0x201: {  	v9 =	vshll.u32 v28, $0x7;
	v7 =	vand.u32 $0xFFFFFC00, v30;
	v5 =	vand.u32 $0xFFFFE000, v5;
	v6 =	vld.idx.msk [tilespmem:v6+s14+$0x0], $0xffff  }
0x202: {  	v32 =	vld [tilespmem:$0x1070];
	v31 =	vand.u32 $0x380, v9;
	v5 =	vadd.s32 v5, v7  }
0x203: {  	v33 =	vld [tilespmem:$0x470];
	v8 =	vand.u32 $0x7F, v29;
	v5 =	vor.u32 v31, v5  }
0x204: {  	v5 =	vor.u32 v8, v5;
	_ =	sdelay $0x1  }
0x205: {  	v4 =	vadd.f32 v6, v4;
	_ =	sdelay $0x1  }
0x206: {  	v34 =	vshll.u32 v32, $0xA;
	v35 =	vshll.u32 v33, $0x3;
	[tilespmem:$0x9200] =	vst v4  }
0x207: {  	v9 =	vshll.u32 v32, $0x7;
	v8 =	vand.u32 $0xFFFFFC00, v35;
	v6 =	vand.u32 $0xFFFFE000, v34;
	v5 =	vld.idx.msk [tilespmem:v5+s14+$0x0], $0xffff  }
0x208: {  	v37 =	vld [tilespmem:$0x1080];
	v36 =	vand.u32 $0x380, v9;
	v6 =	vadd.s32 v6, v8  }
0x209: {  	v38 =	vld [tilespmem:$0x480];
	v7 =	vand.u32 $0x7F, v33;
	v6 =	vor.u32 v36, v6  }
0x20a: {  	v6 =	vor.u32 v7, v6;
	_ =	sdelay $0x1  }
0x20b: {  	v4 =	vadd.f32 v5, v4;
	_ =	sdelay $0x1  }
0x20c: {  	v39 =	vshll.u32 v38, $0x3;
	v5 =	vshll.u32 v37, $0xA;
	[tilespmem:$0x9200] =	vst v4  }
0x20d: {  	v9 =	vshll.u32 v37, $0x7;
	v7 =	vand.u32 $0xFFFFFC00, v39;
	v5 =	vand.u32 $0xFFFFE000, v5;
	v6 =	vld.idx.msk [tilespmem:v6+s14+$0x0], $0xffff  }
0x20e: {  	v41 =	vld [tilespmem:$0x1090];
	v40 =	vand.u32 $0x380, v9;
	v5 =	vadd.s32 v5, v7  }
0x20f: {  	v42 =	vld [tilespmem:$0x490];
	v8 =	vand.u32 $0x7F, v38;
	v5 =	vor.u32 v40, v5  }
0x210: {  	v5 =	vor.u32 v8, v5;
	_ =	sdelay $0x1  }
0x211: {  	v4 =	vadd.f32 v6, v4;
	_ =	sdelay $0x1  }
0x212: {  	v43 =	vshll.u32 v41, $0xA;
	v44 =	vshll.u32 v42, $0x3;
	[tilespmem:$0x9200] =	vst v4  }
0x213: {  	v9 =	vshll.u32 v41, $0x7;
	v8 =	vand.u32 $0xFFFFFC00, v44;
	v6 =	vand.u32 $0xFFFFE000, v43;
	v5 =	vld.idx.msk [tilespmem:v5+s14+$0x0], $0xffff  }
0x214: {  	v46 =	vld [tilespmem:$0x10A0];
	v45 =	vand.u32 $0x380, v9;
	v6 =	vadd.s32 v6, v8  }
0x215: {  	v47 =	vld [tilespmem:$0x4A0];
	v7 =	vand.u32 $0x7F, v42;
	v6 =	vor.u32 v45, v6  }
0x216: {  	v6 =	vor.u32 v7, v6;
	_ =	sdelay $0x1  }
0x217: {  	v4 =	vadd.f32 v5, v4;
	_ =	sdelay $0x1  }
0x218: {  	v48 =	vshll.u32 v47, $0x3;
	v5 =	vshll.u32 v46, $0xA;
	[tilespmem:$0x9200] =	vst v4  }
0x219: {  	v9 =	vshll.u32 v46, $0x7;
	v7 =	vand.u32 $0xFFFFFC00, v48;
	v5 =	vand.u32 $0xFFFFE000, v5;
	v6 =	vld.idx.msk [tilespmem:v6+s14+$0x0], $0xffff  }
0x21a: {  	v50 =	vld [tilespmem:$0x10B0];
	v49 =	vand.u32 $0x380, v9;
	v5 =	vadd.s32 v5, v7  }
0x21b: {  	v51 =	vld [tilespmem:$0x4B0];
	v8 =	vand.u32 $0x7F, v47;
	v5 =	vor.u32 v49, v5  }
0x21c: {  	v5 =	vor.u32 v8, v5;
	_ =	sdelay $0x1  }
0x21d: {  	v4 =	vadd.f32 v6, v4;
	_ =	sdelay $0x1  }
0x21e: {  	v52 =	vshll.u32 v50, $0xA;
	v53 =	vshll.u32 v51, $0x3;
	[tilespmem:$0x9200] =	vst v4  }
0x21f: {  	v9 =	vshll.u32 v50, $0x7;
	v8 =	vand.u32 $0xFFFFFC00, v53;
	v6 =	vand.u32 $0xFFFFE000, v52;
	v5 =	vld.idx.msk [tilespmem:v5+s14+$0x0], $0xffff  }
0x220: {  	v55 =	vld [tilespmem:$0x10C0];
	v54 =	vand.u32 $0x380, v9;
	v6 =	vadd.s32 v6, v8  }
0x221: {  	v56 =	vld [tilespmem:$0x4C0];
	v7 =	vand.u32 $0x7F, v51;
	v6 =	vor.u32 v54, v6  }
0x222: {  	v6 =	vor.u32 v7, v6;
	_ =	sdelay $0x1  }
0x223: {  	v4 =	vadd.f32 v5, v4;
	_ =	sdelay $0x1  }
0x224: {  	v57 =	vshll.u32 v56, $0x3;
	v5 =	vshll.u32 v55, $0xA;
	[tilespmem:$0x9200] =	vst v4  }
0x225: {  	v9 =	vshll.u32 v55, $0x7;
	v7 =	vand.u32 $0xFFFFFC00, v57;
	v5 =	vand.u32 $0xFFFFE000, v5;
	v6 =	vld.idx.msk [tilespmem:v6+s14+$0x0], $0xffff  }
0x226: {  	v60 =	vld [tilespmem:$0x4D0];
	v58 =	vand.u32 $0x380, v9;
	v5 =	vadd.s32 v5, v7  }
0x227: {  	v59 =	vld [tilespmem:$0x10D0];
	v8 =	vand.u32 $0x7F, v56;
	v5 =	vor.u32 v58, v5  }
0x228: {  	v5 =	vor.u32 v8, v5;
	_ =	sdelay $0x1  }
0x229: {  	v4 =	vadd.f32 v6, v4;
	_ =	sdelay $0x1  }
0x22a: {  	v61 =	vshll.u32 v59, $0xA;
	v62 =	vshll.u32 v60, $0x3;
	[tilespmem:$0x9200] =	vst v4  }
0x22b: {  	v9 =	vshll.u32 v59, $0x7;
	v8 =	vand.u32 $0xFFFFFC00, v62;
	v6 =	vand.u32 $0xFFFFE000, v61;
	v5 =	vld.idx.msk [tilespmem:v5+s14+$0x0], $0xffff  }
0x22c: {  	v12 =	vld [tilespmem:$0x10E0];
	v63 =	vand.u32 $0x380, v9;
	v6 =	vadd.s32 v6, v8  }
0x22d: {  	v13 =	vld [tilespmem:$0x4E0];
	v7 =	vand.u32 $0x7F, v60;
	v6 =	vor.u32 v63, v6  }
0x22e: {  	v6 =	vor.u32 v7, v6;
	_ =	sdelay $0x1  }
0x22f: {  	v4 =	vadd.f32 v5, v4;
	_ =	sdelay $0x1  }
0x230: {  	v14 =	vshll.u32 v13, $0x3;
	v5 =	vshll.u32 v12, $0xA;
	[tilespmem:$0x9200] =	vst v4  }
0x231: {  	v9 =	vshll.u32 v12, $0x7;
	v7 =	vand.u32 $0xFFFFFC00, v14;
	v5 =	vand.u32 $0xFFFFE000, v5;
	v6 =	vld.idx.msk [tilespmem:v6+s14+$0x0], $0xffff  }
0x232: {  	v15 =	vand.u32 $0x380, v9;
	v17 =	vld [tilespmem:$0x4F0];
	v5 =	vadd.s32 v5, v7  }
0x233: {  	v16 =	vld [tilespmem:$0x10F0];
	v8 =	vand.u32 $0x7F, v13;
	v5 =	vor.u32 v15, v5  }
0x234: {  	v5 =	vor.u32 v8, v5;
	_ =	sdelay $0x1  }
0x235: {  	v4 =	vadd.f32 v6, v4;
	_ =	sdelay $0x1  }
0x236: {  	v18 =	vshll.u32 v16, $0xA;
	v19 =	vshll.u32 v17, $0x3;
	[tilespmem:$0x9200] =	vst v4  }
0x237: {  	v9 =	vshll.u32 v16, $0x7;
	v8 =	vand.u32 $0xFFFFFC00, v19;
	v6 =	vand.u32 $0xFFFFE000, v18;
	v5 =	vld.idx.msk [tilespmem:v5+s14+$0x0], $0xffff  }
0x238: {  	v21 =	vld [tilespmem:$0x1100];
	v20 =	vand.u32 $0x380, v9;
	v6 =	vadd.s32 v6, v8  }
0x239: {  	v22 =	vld [tilespmem:$0x500];
	v7 =	vand.u32 $0x7F, v17;
	v6 =	vor.u32 v20, v6  }
0x23a: {  	v6 =	vor.u32 v7, v6;
	_ =	sdelay $0x1  }
0x23b: {  	v4 =	vadd.f32 v5, v4;
	_ =	sdelay $0x1  }
0x23c: {  	v23 =	vshll.u32 v22, $0x3;
	v5 =	vshll.u32 v21, $0xA;
	[tilespmem:$0x9200] =	vst v4  }
0x23d: {  	v9 =	vshll.u32 v21, $0x7;
	v7 =	vand.u32 $0xFFFFFC00, v23;
	v5 =	vand.u32 $0xFFFFE000, v5;
	v6 =	vld.idx.msk [tilespmem:v6+s14+$0x0], $0xffff  }
0x23e: {  	v24 =	vand.u32 $0x380, v9;
	v26 =	vld [tilespmem:$0x510];
	v5 =	vadd.s32 v5, v7  }
0x23f: {  	v25 =	vld [tilespmem:$0x1110];
	v8 =	vand.u32 $0x7F, v22;
	v5 =	vor.u32 v24, v5  }
0x240: {  	v5 =	vor.u32 v8, v5;
	_ =	sdelay $0x1  }
0x241: {  	v4 =	vadd.f32 v6, v4;
	_ =	sdelay $0x1  }
0x242: {  	v27 =	vshll.u32 v25, $0xA;
	v28 =	vshll.u32 v26, $0x3;
	[tilespmem:$0x9200] =	vst v4  }
0x243: {  	v9 =	vshll.u32 v25, $0x7;
	v8 =	vand.u32 $0xFFFFFC00, v28;
	v6 =	vand.u32 $0xFFFFE000, v27;
	v5 =	vld.idx.msk [tilespmem:v5+s14+$0x0], $0xffff  }
0x244: {  	v30 =	vld [tilespmem:$0x1120];
	v29 =	vand.u32 $0x380, v9;
	v6 =	vadd.s32 v6, v8  }
0x245: {  	v31 =	vld [tilespmem:$0x520];
	v7 =	vand.u32 $0x7F, v26;
	v6 =	vor.u32 v29, v6  }
0x246: {  	v6 =	vor.u32 v7, v6;
	_ =	sdelay $0x1  }
0x247: {  	v4 =	vadd.f32 v5, v4;
	_ =	sdelay $0x1  }
0x248: {  	v32 =	vshll.u32 v31, $0x3;
	v5 =	vshll.u32 v30, $0xA;
	[tilespmem:$0x9200] =	vst v4  }
0x249: {  	v9 =	vshll.u32 v30, $0x7;
	v7 =	vand.u32 $0xFFFFFC00, v32;
	v5 =	vand.u32 $0xFFFFE000, v5;
	v6 =	vld.idx.msk [tilespmem:v6+s14+$0x0], $0xffff  }
0x24a: {  	v33 =	vand.u32 $0x380, v9;
	v35 =	vld [tilespmem:$0x530];
	v5 =	vadd.s32 v5, v7  }
0x24b: {  	v34 =	vld [tilespmem:$0x1130];
	v8 =	vand.u32 $0x7F, v31;
	v5 =	vor.u32 v33, v5  }
0x24c: {  	v5 =	vor.u32 v8, v5;
	_ =	sdelay $0x1  }
0x24d: {  	v4 =	vadd.f32 v6, v4;
	_ =	sdelay $0x1  }
0x24e: {  	v36 =	vshll.u32 v34, $0xA;
	v37 =	vshll.u32 v35, $0x3;
	[tilespmem:$0x9200] =	vst v4  }
0x24f: {  	v9 =	vshll.u32 v34, $0x7;
	v8 =	vand.u32 $0xFFFFFC00, v37;
	v6 =	vand.u32 $0xFFFFE000, v36;
	v5 =	vld.idx.msk [tilespmem:v5+s14+$0x0], $0xffff  }
0x250: {  	v39 =	vld [tilespmem:$0x1140];
	v38 =	vand.u32 $0x380, v9;
	v6 =	vadd.s32 v6, v8  }
0x251: {  	v40 =	vld [tilespmem:$0x540];
	v7 =	vand.u32 $0x7F, v35;
	v6 =	vor.u32 v38, v6  }
0x252: {  	v6 =	vor.u32 v7, v6;
	_ =	sdelay $0x1  }
0x253: {  	v4 =	vadd.f32 v5, v4;
	_ =	sdelay $0x1  }
0x254: {  	v41 =	vshll.u32 v40, $0x3;
	v5 =	vshll.u32 v39, $0xA;
	[tilespmem:$0x9200] =	vst v4  }
0x255: {  	v9 =	vshll.u32 v39, $0x7;
	v7 =	vand.u32 $0xFFFFFC00, v41;
	v5 =	vand.u32 $0xFFFFE000, v5;
	v6 =	vld.idx.msk [tilespmem:v6+s14+$0x0], $0xffff  }
0x256: {  	v42 =	vand.u32 $0x380, v9;
	v44 =	vld [tilespmem:$0x550];
	v5 =	vadd.s32 v5, v7  }
0x257: {  	v43 =	vld [tilespmem:$0x1150];
	v8 =	vand.u32 $0x7F, v40;
	v5 =	vor.u32 v42, v5  }
0x258: {  	v5 =	vor.u32 v8, v5;
	_ =	sdelay $0x1  }
0x259: {  	v4 =	vadd.f32 v6, v4;
	_ =	sdelay $0x1  }
0x25a: {  	v45 =	vshll.u32 v43, $0xA;
	v46 =	vshll.u32 v44, $0x3;
	[tilespmem:$0x9200] =	vst v4  }
0x25b: {  	v9 =	vshll.u32 v43, $0x7;
	v8 =	vand.u32 $0xFFFFFC00, v46;
	v6 =	vand.u32 $0xFFFFE000, v45;
	v5 =	vld.idx.msk [tilespmem:v5+s14+$0x0], $0xffff  }
0x25c: {  	v48 =	vld [tilespmem:$0x1160];
	v47 =	vand.u32 $0x380, v9;
	v6 =	vadd.s32 v6, v8  }
0x25d: {  	v49 =	vld [tilespmem:$0x560];
	v7 =	vand.u32 $0x7F, v44;
	v6 =	vor.u32 v47, v6  }
0x25e: {  	v6 =	vor.u32 v7, v6;
	_ =	sdelay $0x1  }
0x25f: {  	v4 =	vadd.f32 v5, v4;
	_ =	sdelay $0x1  }
0x260: {  	v50 =	vshll.u32 v49, $0x3;
	v5 =	vshll.u32 v48, $0xA;
	[tilespmem:$0x9200] =	vst v4  }
0x261: {  	v9 =	vshll.u32 v48, $0x7;
	v7 =	vand.u32 $0xFFFFFC00, v50;
	v5 =	vand.u32 $0xFFFFE000, v5;
	v6 =	vld.idx.msk [tilespmem:v6+s14+$0x0], $0xffff  }
0x262: {  	v51 =	vand.u32 $0x380, v9;
	v53 =	vld [tilespmem:$0x570];
	v5 =	vadd.s32 v5, v7  }
0x263: {  	v52 =	vld [tilespmem:$0x1170];
	v8 =	vand.u32 $0x7F, v49;
	v5 =	vor.u32 v51, v5  }
0x264: {  	v5 =	vor.u32 v8, v5;
	_ =	sdelay $0x1  }
0x265: {  	v4 =	vadd.f32 v6, v4;
	_ =	sdelay $0x1  }
0x266: {  	v54 =	vshll.u32 v52, $0xA;
	v55 =	vshll.u32 v53, $0x3;
	[tilespmem:$0x9200] =	vst v4  }
0x267: {  	v9 =	vshll.u32 v52, $0x7;
	v8 =	vand.u32 $0xFFFFFC00, v55;
	v6 =	vand.u32 $0xFFFFE000, v54;
	v5 =	vld.idx.msk [tilespmem:v5+s14+$0x0], $0xffff  }
0x268: {  	v56 =	vand.u32 $0x380, v9;
	v6 =	vadd.s32 v6, v8  }
0x269: {  	v7 =	vand.u32 $0x7F, v53;
	v6 =	vor.u32 v56, v6  }
0x26a: {  	v57 =	vld [tilespmem:$0x40];
	v6 =	vor.u32 v7, v6;
	_ =	sdelay $0x1  }
0x26b: {  	v4 =	vadd.f32 v5, v4;
	_ =	sdelay $0x1  }
0x26c: {  	[tilespmem:$0x9200] =	vst v4  }
0x26d: {  	v58 =	vshll.u32 v57, $0x3;
	v5 =	vld.idx.msk [tilespmem:v6+s14+$0x0], $0xffff  }
0x26e: {  	v59 =	vand.u32 $0x7, v57;
	v6 =	vand.u32 $0xFFFFFFC0, v58  }
0x26f: {  	v6 =	vor.u32 v59, v6  }
0x270: {  	v60 =	vld [tilespmem:$0x50];
	v8 =	vperm.xlane v6, v1;
	_ =	sdelay $0x1  }
0x271: {  	v4 =	vadd.f32 v5, v4;
	v5 =	vadd.s32 v2, v8;
	_ =	sdelay $0x1  }
0x272: {  	[tilespmem:$0xE80] =	vst v57  }
0x273: {  	[tilespmem:$0xE90] =	vst v60  }
0x274: {  	[tilespmem:$0x9200] =	vst v4  }
0x275: {  	[tilespmem:s14], [sflag:$0x1] =	stream.indirect_vreg.gather [hbm4b:s3+s2], $0x80, v5, vm0, $0xb8;
	[tilespmem:$0x9280] =	vst v63  }
0x276: {  	v4 =	vperm.xlane v6, v3  }
0x277: {  	[tilespmem:s15], [sflag:$0x1] =	stream.indirect_vreg.gather [hbm4b:s5+s2], $0x80, v5, vm0, $0xb8;
	[tilespmem:$0x9280] =	vst v63  }
0x278: {  	v4 =	vadd.s32 v2, v4  }
0x279: {  	[tilespmem:s16], [sflag:$0x1] =	stream.indirect_vreg.gather [hbm4b:s6+s2], $0x80, v5, vm0, $0xb8;
	[tilespmem:$0x9280] =	vst v63  }
0x27a: {  	_ = 	snop  }
0x27b: {  	[tilespmem:s17], [sflag:$0x1] =	stream.indirect_vreg.gather [hbm4b:s7+s2], $0x80, v5, vm0, $0xb8;
	[tilespmem:$0x9280] =	vst v63  }
0x27c: {  	_ = 	snop  }
0x27d: {  	[tilespmem:s18], [sflag:$0x1] =	stream.indirect_vreg.gather [hbm4b:s3+s2], $0x80, v4, vm0, $0xb8;
	[tilespmem:$0x9280] =	vst v63  }
0x27e: {  	_ = 	snop  }
0x27f: {  	[tilespmem:s19], [sflag:$0x1] =	stream.indirect_vreg.gather [hbm4b:s5+s2], $0x80, v4, vm0, $0xb8;
	[tilespmem:$0x9280] =	vst v63  }
0x280: {  	_ = 	snop  }
0x281: {  	[tilespmem:s20], [sflag:$0x1] =	stream.indirect_vreg.gather [hbm4b:s6+s2], $0x80, v4, vm0, $0xb8;
	[tilespmem:$0x9280] =	vst v63  }
0x282: {  	_ = 	snop  }
0x283: {  	[tilespmem:s21], [sflag:$0x1] =	stream.indirect_vreg.gather [hbm4b:s7+s2], $0x80, v4, vm0, $0xb8;
	[tilespmem:$0x9280] =	vst v63  }
0x284: {  	v4 =	vld [tilespmem:$0xE90];
	_ =	sdelay $0x4  }
0x285: {  	v5 =	vshll.u32 v4, $0x3  }
0x286: {  	v4 =	vand.u32 $0x7, v4;
	v5 =	vand.u32 $0xFFFFFFC0, v5  }
0x287: {  	v4 =	vor.u32 v4, v5  }
0x288: {  	v5 =	vperm.xlane v4, v1;
	_ =	sdelay $0x1  }
0x289: {  	v5 =	vadd.s32 v2, v5;
	_ =	sdelay $0x4  }
0x28a: {  	[tilespmem:s22], [sflag:$0x1] =	stream.indirect_vreg.gather [hbm4b:s3+s2], $0x80, v5, vm0, $0xb8;
	[tilespmem:$0x9280] =	vst v63  }
0x28b: {  	v4 =	vperm.xlane v4, v3  }
0x28c: {  	[tilespmem:s23], [sflag:$0x1] =	stream.indirect_vreg.gather [hbm4b:s5+s2], $0x80, v5, vm0, $0xb8;
	[tilespmem:$0x9280] =	vst v63  }
0x28d: {  	v4 =	vadd.s32 v2, v4  }
0x28e: {  	[tilespmem:s24], [sflag:$0x1] =	stream.indirect_vreg.gather [hbm4b:s6+s2], $0x80, v5, vm0, $0xb8;
	[tilespmem:$0x9280] =	vst v63  }
0x28f: {  	_ = 	snop  }
0x290: {  	[tilespmem:s25], [sflag:$0x1] =	stream.indirect_vreg.gather [hbm4b:s7+s2], $0x80, v5, vm0, $0xb8;
	[tilespmem:$0x9280] =	vst v63  }
0x291: {  	_ = 	snop  }
0x292: {  	[tilespmem:s26], [sflag:$0x1] =	stream.indirect_vreg.gather [hbm4b:s3+s2], $0x80, v4, vm0, $0xb8;
	[tilespmem:$0x9280] =	vst v63  }
0x293: {  	_ = 	snop  }
0x294: {  	[tilespmem:s28], [sflag:$0x1] =	stream.indirect_vreg.gather [hbm4b:s5+s2], $0x80, v4, vm0, $0xb8;
	[tilespmem:$0x9280] =	vst v63  }
0x295: {  	_ = 	snop  }
0x296: {  	[tilespmem:s29], [sflag:$0x1] =	stream.indirect_vreg.gather [hbm4b:s6+s2], $0x80, v4, vm0, $0xb8;
	[tilespmem:$0x9280] =	vst v63  }
0x297: {  	_ = 	snop  }
0x298: {  	[tilespmem:s30], [sflag:$0x1] =	stream.indirect_vreg.gather [hbm4b:s7+s2], $0x80, v4, vm0, $0xb8;
	[tilespmem:$0x9280] =	vst v63  }
0x299: {  	_ =	swait.ge [sflag:s31], $0x8000  }
0x29a: {  	[sflag:s31] =	ssyncset.done $0x0  }
0x29b: {  	[sflag:s31] =	ssyncadd.s32 $0xFFFF8000  }
0x29c: {  	v4 =	vld [tilespmem:$0xF00]  }
0x29d: {  	v5 =	vld [tilespmem:$0x580];
	_ =	sdelay $0x4  }
0x29e: {  	v61 =	vshll.u32 v4, $0xA;
	v62 =	vshll.u32 v5, $0x3  }
0x29f: {  	v4 =	vshll.u32 v4, $0x7;
	v6 =	vand.u32 $0xFFFFE000, v61;
	v7 =	vand.u32 $0xFFFFFC00, v62  }
0x2a0: {  	v63 =	vld [tilespmem:$0xF10];
	v4 =	vand.u32 $0x380, v4;
	v6 =	vadd.s32 v6, v7  }
0x2a1: {  	v12 =	vld [tilespmem:$0x590];
	v5 =	vand.u32 $0x7F, v5;
	v4 =	vor.u32 v4, v6  }
0x2a2: {  	v4 =	vor.u32 v5, v4;
	_ =	sdelay $0x3  }
0x2a3: {  	v13 =	vshll.u32 v63, $0xA;
	v14 =	vshll.u32 v12, $0x3;
	v5 =	vld [tilespmem:$0x9200]  }
0x2a4: {  	v8 =	vand.u32 $0xFFFFE000, v13;
	v9 =	vand.u32 $0xFFFFFC00, v14;
	v7 =	vshll.u32 v63, $0x7;
	v4 =	vld.idx.msk [tilespmem:v4+s14+$0x0], $0xffff  }
0x2a5: {  	v15 =	vld [tilespmem:$0xF20];
	v8 =	vadd.s32 v8, v9;
	v7 =	vand.u32 $0x380, v7  }
0x2a6: {  	v16 =	vld [tilespmem:$0x5A0];
	v6 =	vand.u32 $0x7F, v12;
	v7 =	vor.u32 v7, v8  }
0x2a7: {  	v6 =	vor.u32 v6, v7;
	_ =	sdelay $0x1  }
0x2a8: {  	v4 =	vadd.f32 v4, v5;
	_ =	sdelay $0x1  }
0x2a9: {  	v17 =	vshll.u32 v16, $0x3;
	v5 =	vshll.u32 v15, $0xA;
	[tilespmem:$0x9200] =	vst v4  }
0x2aa: {  	v9 =	vshll.u32 v15, $0x7;
	v7 =	vand.u32 $0xFFFFFC00, v17;
	v5 =	vand.u32 $0xFFFFE000, v5;
	v6 =	vld.idx.msk [tilespmem:v6+s14+$0x0], $0xffff  }
0x2ab: {  	v19 =	vld [tilespmem:$0xF30];
	v18 =	vand.u32 $0x380, v9;
	v5 =	vadd.s32 v5, v7  }
0x2ac: {  	v20 =	vld [tilespmem:$0x5B0];
	v8 =	vand.u32 $0x7F, v16;
	v5 =	vor.u32 v18, v5  }
0x2ad: {  	v5 =	vor.u32 v8, v5;
	_ =	sdelay $0x1  }
0x2ae: {  	v4 =	vadd.f32 v6, v4;
	_ =	sdelay $0x1  }
0x2af: {  	v21 =	vshll.u32 v19, $0xA;
	v22 =	vshll.u32 v20, $0x3;
	[tilespmem:$0x9200] =	vst v4  }
0x2b0: {  	v9 =	vshll.u32 v19, $0x7;
	v8 =	vand.u32 $0xFFFFFC00, v22;
	v6 =	vand.u32 $0xFFFFE000, v21;
	v5 =	vld.idx.msk [tilespmem:v5+s14+$0x0], $0xffff  }
0x2b1: {  	v24 =	vld [tilespmem:$0xF40];
	v23 =	vand.u32 $0x380, v9;
	v6 =	vadd.s32 v6, v8  }
0x2b2: {  	v25 =	vld [tilespmem:$0x5C0];
	v7 =	vand.u32 $0x7F, v20;
	v6 =	vor.u32 v23, v6  }
0x2b3: {  	v6 =	vor.u32 v7, v6;
	_ =	sdelay $0x1  }
0x2b4: {  	v4 =	vadd.f32 v5, v4;
	_ =	sdelay $0x1  }
0x2b5: {  	v26 =	vshll.u32 v25, $0x3;
	v5 =	vshll.u32 v24, $0xA;
	[tilespmem:$0x9200] =	vst v4  }
0x2b6: {  	v9 =	vshll.u32 v24, $0x7;
	v7 =	vand.u32 $0xFFFFFC00, v26;
	v5 =	vand.u32 $0xFFFFE000, v5;
	v6 =	vld.idx.msk [tilespmem:v6+s14+$0x0], $0xffff  }
0x2b7: {  	v28 =	vld [tilespmem:$0xF50];
	v27 =	vand.u32 $0x380, v9;
	v5 =	vadd.s32 v5, v7  }
0x2b8: {  	v29 =	vld [tilespmem:$0x5D0];
	v8 =	vand.u32 $0x7F, v25;
	v5 =	vor.u32 v27, v5  }
0x2b9: {  	v5 =	vor.u32 v8, v5;
	_ =	sdelay $0x1  }
0x2ba: {  	v4 =	vadd.f32 v6, v4;
	_ =	sdelay $0x1  }
0x2bb: {  	v30 =	vshll.u32 v28, $0xA;
	v31 =	vshll.u32 v29, $0x3;
	[tilespmem:$0x9200] =	vst v4  }
0x2bc: {  	v9 =	vshll.u32 v28, $0x7;
	v8 =	vand.u32 $0xFFFFFC00, v31;
	v6 =	vand.u32 $0xFFFFE000, v30;
	v5 =	vld.idx.msk [tilespmem:v5+s14+$0x0], $0xffff  }
0x2bd: {  	v33 =	vld [tilespmem:$0xF60];
	v32 =	vand.u32 $0x380, v9;
	v6 =	vadd.s32 v6, v8  }
0x2be: {  	v34 =	vld [tilespmem:$0x5E0];
	v7 =	vand.u32 $0x7F, v29;
	v6 =	vor.u32 v32, v6  }
0x2bf: {  	v6 =	vor.u32 v7, v6;
	_ =	sdelay $0x1  }
0x2c0: {  	v4 =	vadd.f32 v5, v4;
	_ =	sdelay $0x1  }
0x2c1: {  	v35 =	vshll.u32 v34, $0x3;
	v5 =	vshll.u32 v33, $0xA;
	[tilespmem:$0x9200] =	vst v4  }
0x2c2: {  	v9 =	vshll.u32 v33, $0x7;
	v7 =	vand.u32 $0xFFFFFC00, v35;
	v5 =	vand.u32 $0xFFFFE000, v5;
	v6 =	vld.idx.msk [tilespmem:v6+s14+$0x0], $0xffff  }
0x2c3: {  	v37 =	vld [tilespmem:$0xF70];
	v36 =	vand.u32 $0x380, v9;
	v5 =	vadd.s32 v5, v7  }
0x2c4: {  	v38 =	vld [tilespmem:$0x5F0];
	v8 =	vand.u32 $0x7F, v34;
	v5 =	vor.u32 v36, v5  }
0x2c5: {  	v5 =	vor.u32 v8, v5;
	_ =	sdelay $0x1  }
0x2c6: {  	v4 =	vadd.f32 v6, v4;
	_ =	sdelay $0x1  }
0x2c7: {  	v39 =	vshll.u32 v37, $0xA;
	v40 =	vshll.u32 v38, $0x3;
	[tilespmem:$0x9200] =	vst v4  }
0x2c8: {  	v9 =	vshll.u32 v37, $0x7;
	v8 =	vand.u32 $0xFFFFFC00, v40;
	v6 =	vand.u32 $0xFFFFE000, v39;
	v5 =	vld.idx.msk [tilespmem:v5+s14+$0x0], $0xffff  }
0x2c9: {  	v42 =	vld [tilespmem:$0xF80];
	v41 =	vand.u32 $0x380, v9;
	v6 =	vadd.s32 v6, v8  }
0x2ca: {  	v43 =	vld [tilespmem:$0x600];
	v7 =	vand.u32 $0x7F, v38;
	v6 =	vor.u32 v41, v6  }
0x2cb: {  	v6 =	vor.u32 v7, v6;
	_ =	sdelay $0x1  }
0x2cc: {  	v4 =	vadd.f32 v5, v4;
	_ =	sdelay $0x1  }
0x2cd: {  	v44 =	vshll.u32 v43, $0x3;
	v5 =	vshll.u32 v42, $0xA;
	[tilespmem:$0x9200] =	vst v4  }
0x2ce: {  	v9 =	vshll.u32 v42, $0x7;
	v7 =	vand.u32 $0xFFFFFC00, v44;
	v5 =	vand.u32 $0xFFFFE000, v5;
	v6 =	vld.idx.msk [tilespmem:v6+s14+$0x0], $0xffff  }
0x2cf: {  	v46 =	vld [tilespmem:$0xF90];
	v45 =	vand.u32 $0x380, v9;
	v5 =	vadd.s32 v5, v7  }
0x2d0: {  	v47 =	vld [tilespmem:$0x610];
	v8 =	vand.u32 $0x7F, v43;
	v5 =	vor.u32 v45, v5  }
0x2d1: {  	v5 =	vor.u32 v8, v5;
	_ =	sdelay $0x1  }
0x2d2: {  	v4 =	vadd.f32 v6, v4;
	_ =	sdelay $0x1  }
0x2d3: {  	v48 =	vshll.u32 v46, $0xA;
	v49 =	vshll.u32 v47, $0x3;
	[tilespmem:$0x9200] =	vst v4  }
0x2d4: {  	v9 =	vshll.u32 v46, $0x7;
	v8 =	vand.u32 $0xFFFFFC00, v49;
	v6 =	vand.u32 $0xFFFFE000, v48;
	v5 =	vld.idx.msk [tilespmem:v5+s14+$0x0], $0xffff  }
0x2d5: {  	v51 =	vld [tilespmem:$0xFA0];
	v50 =	vand.u32 $0x380, v9;
	v6 =	vadd.s32 v6, v8  }
0x2d6: {  	v52 =	vld [tilespmem:$0x620];
	v7 =	vand.u32 $0x7F, v47;
	v6 =	vor.u32 v50, v6  }
0x2d7: {  	v6 =	vor.u32 v7, v6;
	_ =	sdelay $0x1  }
0x2d8: {  	v4 =	vadd.f32 v5, v4;
	_ =	sdelay $0x1  }
0x2d9: {  	v53 =	vshll.u32 v52, $0x3;
	v5 =	vshll.u32 v51, $0xA;
	[tilespmem:$0x9200] =	vst v4  }
0x2da: {  	v9 =	vshll.u32 v51, $0x7;
	v7 =	vand.u32 $0xFFFFFC00, v53;
	v5 =	vand.u32 $0xFFFFE000, v5;
	v6 =	vld.idx.msk [tilespmem:v6+s14+$0x0], $0xffff  }
0x2db: {  	v55 =	vld [tilespmem:$0xFB0];
	v54 =	vand.u32 $0x380, v9;
	v5 =	vadd.s32 v5, v7  }
0x2dc: {  	v56 =	vld [tilespmem:$0x630];
	v8 =	vand.u32 $0x7F, v52;
	v5 =	vor.u32 v54, v5  }
0x2dd: {  	v5 =	vor.u32 v8, v5;
	_ =	sdelay $0x1  }
0x2de: {  	v4 =	vadd.f32 v6, v4;
	_ =	sdelay $0x1  }
0x2df: {  	v57 =	vshll.u32 v55, $0xA;
	v58 =	vshll.u32 v56, $0x3;
	[tilespmem:$0x9200] =	vst v4  }
0x2e0: {  	v9 =	vshll.u32 v55, $0x7;
	v8 =	vand.u32 $0xFFFFFC00, v58;
	v6 =	vand.u32 $0xFFFFE000, v57;
	v5 =	vld.idx.msk [tilespmem:v5+s14+$0x0], $0xffff  }
0x2e1: {  	v60 =	vld [tilespmem:$0xFC0];
	v59 =	vand.u32 $0x380, v9;
	v6 =	vadd.s32 v6, v8  }
0x2e2: {  	v61 =	vld [tilespmem:$0x640];
	v7 =	vand.u32 $0x7F, v56;
	v6 =	vor.u32 v59, v6  }
0x2e3: {  	v6 =	vor.u32 v7, v6;
	_ =	sdelay $0x1  }
0x2e4: {  	v4 =	vadd.f32 v5, v4;
	_ =	sdelay $0x1  }
0x2e5: {  	v62 =	vshll.u32 v61, $0x3;
	v5 =	vshll.u32 v60, $0xA;
	[tilespmem:$0x9200] =	vst v4  }
0x2e6: {  	v9 =	vshll.u32 v60, $0x7;
	v7 =	vand.u32 $0xFFFFFC00, v62;
	v5 =	vand.u32 $0xFFFFE000, v5;
	v6 =	vld.idx.msk [tilespmem:v6+s14+$0x0], $0xffff  }
0x2e7: {  	v13 =	vld [tilespmem:$0x650];
	v63 =	vand.u32 $0x380, v9;
	v5 =	vadd.s32 v5, v7  }
0x2e8: {  	v12 =	vld [tilespmem:$0xFD0];
	v8 =	vand.u32 $0x7F, v61;
	v5 =	vor.u32 v63, v5  }
0x2e9: {  	v5 =	vor.u32 v8, v5;
	_ =	sdelay $0x1  }
0x2ea: {  	v4 =	vadd.f32 v6, v4;
	_ =	sdelay $0x1  }
0x2eb: {  	v14 =	vshll.u32 v12, $0xA;
	v15 =	vshll.u32 v13, $0x3;
	[tilespmem:$0x9200] =	vst v4  }
0x2ec: {  	v9 =	vshll.u32 v12, $0x7;
	v8 =	vand.u32 $0xFFFFFC00, v15;
	v6 =	vand.u32 $0xFFFFE000, v14;
	v5 =	vld.idx.msk [tilespmem:v5+s14+$0x0], $0xffff  }
0x2ed: {  	v17 =	vld [tilespmem:$0xFE0];
	v16 =	vand.u32 $0x380, v9;
	v6 =	vadd.s32 v6, v8  }
0x2ee: {  	v18 =	vld [tilespmem:$0x660];
	v7 =	vand.u32 $0x7F, v13;
	v6 =	vor.u32 v16, v6  }
0x2ef: {  	v6 =	vor.u32 v7, v6;
	_ =	sdelay $0x1  }
0x2f0: {  	v4 =	vadd.f32 v5, v4;
	_ =	sdelay $0x1  }
0x2f1: {  	v19 =	vshll.u32 v18, $0x3;
	v5 =	vshll.u32 v17, $0xA;
	[tilespmem:$0x9200] =	vst v4  }
0x2f2: {  	v9 =	vshll.u32 v17, $0x7;
	v7 =	vand.u32 $0xFFFFFC00, v19;
	v5 =	vand.u32 $0xFFFFE000, v5;
	v6 =	vld.idx.msk [tilespmem:v6+s14+$0x0], $0xffff  }
0x2f3: {  	v20 =	vand.u32 $0x380, v9;
	v22 =	vld [tilespmem:$0x670];
	v5 =	vadd.s32 v5, v7  }
0x2f4: {  	v21 =	vld [tilespmem:$0xFF0];
	v8 =	vand.u32 $0x7F, v18;
	v5 =	vor.u32 v20, v5  }
0x2f5: {  	v5 =	vor.u32 v8, v5;
	_ =	sdelay $0x1  }
0x2f6: {  	v4 =	vadd.f32 v6, v4;
	_ =	sdelay $0x1  }
0x2f7: {  	v23 =	vshll.u32 v21, $0xA;
	v24 =	vshll.u32 v22, $0x3;
	[tilespmem:$0x9200] =	vst v4  }
0x2f8: {  	v9 =	vshll.u32 v21, $0x7;
	v8 =	vand.u32 $0xFFFFFC00, v24;
	v6 =	vand.u32 $0xFFFFE000, v23;
	v5 =	vld.idx.msk [tilespmem:v5+s14+$0x0], $0xffff  }
0x2f9: {  	v26 =	vld [tilespmem:$0x1000];
	v25 =	vand.u32 $0x380, v9;
	v6 =	vadd.s32 v6, v8  }
0x2fa: {  	v27 =	vld [tilespmem:$0x680];
	v7 =	vand.u32 $0x7F, v22;
	v6 =	vor.u32 v25, v6  }
0x2fb: {  	v6 =	vor.u32 v7, v6;
	_ =	sdelay $0x1  }
0x2fc: {  	v4 =	vadd.f32 v5, v4;
	_ =	sdelay $0x1  }
0x2fd: {  	v28 =	vshll.u32 v27, $0x3;
	v5 =	vshll.u32 v26, $0xA;
	[tilespmem:$0x9200] =	vst v4  }
0x2fe: {  	v9 =	vshll.u32 v26, $0x7;
	v7 =	vand.u32 $0xFFFFFC00, v28;
	v5 =	vand.u32 $0xFFFFE000, v5;
	v6 =	vld.idx.msk [tilespmem:v6+s14+$0x0], $0xffff  }
0x2ff: {  	v29 =	vand.u32 $0x380, v9;
	v31 =	vld [tilespmem:$0x690];
	v5 =	vadd.s32 v5, v7  }
0x300: {  	v30 =	vld [tilespmem:$0x1010];
	v8 =	vand.u32 $0x7F, v27;
	v5 =	vor.u32 v29, v5  }
0x301: {  	v5 =	vor.u32 v8, v5;
	_ =	sdelay $0x1  }
0x302: {  	v4 =	vadd.f32 v6, v4;
	_ =	sdelay $0x1  }
0x303: {  	v32 =	vshll.u32 v30, $0xA;
	v33 =	vshll.u32 v31, $0x3;
	[tilespmem:$0x9200] =	vst v4  }
0x304: {  	v9 =	vshll.u32 v30, $0x7;
	v8 =	vand.u32 $0xFFFFFC00, v33;
	v6 =	vand.u32 $0xFFFFE000, v32;
	v5 =	vld.idx.msk [tilespmem:v5+s14+$0x0], $0xffff  }
0x305: {  	v35 =	vld [tilespmem:$0x1020];
	v34 =	vand.u32 $0x380, v9;
	v6 =	vadd.s32 v6, v8  }
0x306: {  	v36 =	vld [tilespmem:$0x6A0];
	v7 =	vand.u32 $0x7F, v31;
	v6 =	vor.u32 v34, v6  }
0x307: {  	v6 =	vor.u32 v7, v6;
	_ =	sdelay $0x1  }
0x308: {  	v4 =	vadd.f32 v5, v4;
	_ =	sdelay $0x1  }
0x309: {  	v37 =	vshll.u32 v36, $0x3;
	v5 =	vshll.u32 v35, $0xA;
	[tilespmem:$0x9200] =	vst v4  }
0x30a: {  	v9 =	vshll.u32 v35, $0x7;
	v7 =	vand.u32 $0xFFFFFC00, v37;
	v5 =	vand.u32 $0xFFFFE000, v5;
	v6 =	vld.idx.msk [tilespmem:v6+s14+$0x0], $0xffff  }
0x30b: {  	v38 =	vand.u32 $0x380, v9;
	v40 =	vld [tilespmem:$0x6B0];
	v5 =	vadd.s32 v5, v7  }
0x30c: {  	v39 =	vld [tilespmem:$0x1030];
	v8 =	vand.u32 $0x7F, v36;
	v5 =	vor.u32 v38, v5  }
0x30d: {  	v5 =	vor.u32 v8, v5;
	_ =	sdelay $0x1  }
0x30e: {  	v4 =	vadd.f32 v6, v4;
	_ =	sdelay $0x1  }
0x30f: {  	v41 =	vshll.u32 v39, $0xA;
	v42 =	vshll.u32 v40, $0x3;
	[tilespmem:$0x9200] =	vst v4  }
0x310: {  	v9 =	vshll.u32 v39, $0x7;
	v8 =	vand.u32 $0xFFFFFC00, v42;
	v6 =	vand.u32 $0xFFFFE000, v41;
	v5 =	vld.idx.msk [tilespmem:v5+s14+$0x0], $0xffff  }
0x311: {  	v44 =	vld [tilespmem:$0x1040];
	v43 =	vand.u32 $0x380, v9;
	v6 =	vadd.s32 v6, v8  }
0x312: {  	v45 =	vld [tilespmem:$0x6C0];
	v7 =	vand.u32 $0x7F, v40;
	v6 =	vor.u32 v43, v6  }
0x313: {  	v6 =	vor.u32 v7, v6;
	_ =	sdelay $0x1  }
0x314: {  	v4 =	vadd.f32 v5, v4;
	_ =	sdelay $0x1  }
0x315: {  	v46 =	vshll.u32 v45, $0x3;
	v5 =	vshll.u32 v44, $0xA;
	[tilespmem:$0x9200] =	vst v4  }
0x316: {  	v9 =	vshll.u32 v44, $0x7;
	v7 =	vand.u32 $0xFFFFFC00, v46;
	v5 =	vand.u32 $0xFFFFE000, v5;
	v6 =	vld.idx.msk [tilespmem:v6+s14+$0x0], $0xffff  }
0x317: {  	v47 =	vand.u32 $0x380, v9;
	v49 =	vld [tilespmem:$0x6D0];
	v5 =	vadd.s32 v5, v7  }
0x318: {  	v48 =	vld [tilespmem:$0x1050];
	v8 =	vand.u32 $0x7F, v45;
	v5 =	vor.u32 v47, v5  }
0x319: {  	v5 =	vor.u32 v8, v5;
	_ =	sdelay $0x1  }
0x31a: {  	v4 =	vadd.f32 v6, v4;
	_ =	sdelay $0x1  }
0x31b: {  	v50 =	vshll.u32 v48, $0xA;
	v51 =	vshll.u32 v49, $0x3;
	[tilespmem:$0x9200] =	vst v4  }
0x31c: {  	v9 =	vshll.u32 v48, $0x7;
	v8 =	vand.u32 $0xFFFFFC00, v51;
	v6 =	vand.u32 $0xFFFFE000, v50;
	v5 =	vld.idx.msk [tilespmem:v5+s14+$0x0], $0xffff  }
0x31d: {  	v53 =	vld [tilespmem:$0x1060];
	v52 =	vand.u32 $0x380, v9;
	v6 =	vadd.s32 v6, v8  }
0x31e: {  	v54 =	vld [tilespmem:$0x6E0];
	v7 =	vand.u32 $0x7F, v49;
	v6 =	vor.u32 v52, v6  }
0x31f: {  	v6 =	vor.u32 v7, v6;
	_ =	sdelay $0x1  }
0x320: {  	v4 =	vadd.f32 v5, v4;
	_ =	sdelay $0x1  }
0x321: {  	v55 =	vshll.u32 v54, $0x3;
	v5 =	vshll.u32 v53, $0xA;
	[tilespmem:$0x9200] =	vst v4  }
0x322: {  	v9 =	vshll.u32 v53, $0x7;
	v7 =	vand.u32 $0xFFFFFC00, v55;
	v5 =	vand.u32 $0xFFFFE000, v5;
	v6 =	vld.idx.msk [tilespmem:v6+s14+$0x0], $0xffff  }
0x323: {  	v56 =	vand.u32 $0x380, v9;
	v58 =	vld [tilespmem:$0x6F0];
	v5 =	vadd.s32 v5, v7  }
0x324: {  	v57 =	vld [tilespmem:$0x1070];
	v8 =	vand.u32 $0x7F, v54;
	v5 =	vor.u32 v56, v5  }
0x325: {  	v5 =	vor.u32 v8, v5;
	_ =	sdelay $0x1  }
0x326: {  	v4 =	vadd.f32 v6, v4;
	_ =	sdelay $0x1  }
0x327: {  	v59 =	vshll.u32 v57, $0xA;
	v60 =	vshll.u32 v58, $0x3;
	[tilespmem:$0x9200] =	vst v4  }
0x328: {  	v9 =	vshll.u32 v57, $0x7;
	v8 =	vand.u32 $0xFFFFFC00, v60;
	v6 =	vand.u32 $0xFFFFE000, v59;
	v5 =	vld.idx.msk [tilespmem:v5+s14+$0x0], $0xffff  }
0x329: {  	v62 =	vld [tilespmem:$0x1080];
	v61 =	vand.u32 $0x380, v9;
	v6 =	vadd.s32 v6, v8  }
0x32a: {  	v63 =	vld [tilespmem:$0x700];
	v7 =	vand.u32 $0x7F, v58;
	v6 =	vor.u32 v61, v6  }
0x32b: {  	v6 =	vor.u32 v7, v6;
	_ =	sdelay $0x1  }
0x32c: {  	v4 =	vadd.f32 v5, v4;
	_ =	sdelay $0x1  }
0x32d: {  	v12 =	vshll.u32 v63, $0x3;
	v5 =	vshll.u32 v62, $0xA;
	[tilespmem:$0x9200] =	vst v4  }
0x32e: {  	v9 =	vshll.u32 v62, $0x7;
	v7 =	vand.u32 $0xFFFFFC00, v12;
	v5 =	vand.u32 $0xFFFFE000, v5;
	v6 =	vld.idx.msk [tilespmem:v6+s14+$0x0], $0xffff  }
0x32f: {  	v13 =	vand.u32 $0x380, v9;
	v15 =	vld [tilespmem:$0x710];
	v5 =	vadd.s32 v5, v7  }
0x330: {  	v14 =	vld [tilespmem:$0x1090];
	v8 =	vand.u32 $0x7F, v63;
	v5 =	vor.u32 v13, v5  }
0x331: {  	v5 =	vor.u32 v8, v5;
	_ =	sdelay $0x1  }
0x332: {  	v4 =	vadd.f32 v6, v4;
	_ =	sdelay $0x1  }
0x333: {  	v16 =	vshll.u32 v14, $0xA;
	v17 =	vshll.u32 v15, $0x3;
	[tilespmem:$0x9200] =	vst v4  }
0x334: {  	v9 =	vshll.u32 v14, $0x7;
	v8 =	vand.u32 $0xFFFFFC00, v17;
	v6 =	vand.u32 $0xFFFFE000, v16;
	v5 =	vld.idx.msk [tilespmem:v5+s14+$0x0], $0xffff  }
0x335: {  	v19 =	vld [tilespmem:$0x10A0];
	v18 =	vand.u32 $0x380, v9;
	v6 =	vadd.s32 v6, v8  }
0x336: {  	v20 =	vld [tilespmem:$0x720];
	v7 =	vand.u32 $0x7F, v15;
	v6 =	vor.u32 v18, v6  }
0x337: {  	v6 =	vor.u32 v7, v6;
	_ =	sdelay $0x1  }
0x338: {  	v4 =	vadd.f32 v5, v4;
	_ =	sdelay $0x1  }
0x339: {  	v21 =	vshll.u32 v20, $0x3;
	v5 =	vshll.u32 v19, $0xA;
	[tilespmem:$0x9200] =	vst v4  }
0x33a: {  	v9 =	vshll.u32 v19, $0x7;
	v7 =	vand.u32 $0xFFFFFC00, v21;
	v5 =	vand.u32 $0xFFFFE000, v5;
	v6 =	vld.idx.msk [tilespmem:v6+s14+$0x0], $0xffff  }
0x33b: {  	v22 =	vand.u32 $0x380, v9;
	v24 =	vld [tilespmem:$0x730];
	v5 =	vadd.s32 v5, v7  }
0x33c: {  	v23 =	vld [tilespmem:$0x10B0];
	v8 =	vand.u32 $0x7F, v20;
	v5 =	vor.u32 v22, v5  }
0x33d: {  	v5 =	vor.u32 v8, v5;
	_ =	sdelay $0x1  }
0x33e: {  	v4 =	vadd.f32 v6, v4;
	_ =	sdelay $0x1  }
0x33f: {  	v25 =	vshll.u32 v23, $0xA;
	v26 =	vshll.u32 v24, $0x3;
	[tilespmem:$0x9200] =	vst v4  }
0x340: {  	v9 =	vshll.u32 v23, $0x7;
	v8 =	vand.u32 $0xFFFFFC00, v26;
	v6 =	vand.u32 $0xFFFFE000, v25;
	v5 =	vld.idx.msk [tilespmem:v5+s14+$0x0], $0xffff  }
0x341: {  	v28 =	vld [tilespmem:$0x10C0];
	v27 =	vand.u32 $0x380, v9;
	v6 =	vadd.s32 v6, v8  }
0x342: {  	v29 =	vld [tilespmem:$0x740];
	v7 =	vand.u32 $0x7F, v24;
	v6 =	vor.u32 v27, v6  }
0x343: {  	v6 =	vor.u32 v7, v6;
	_ =	sdelay $0x1  }
0x344: {  	v4 =	vadd.f32 v5, v4;
	_ =	sdelay $0x1  }
0x345: {  	v30 =	vshll.u32 v29, $0x3;
	v5 =	vshll.u32 v28, $0xA;
	[tilespmem:$0x9200] =	vst v4  }
0x346: {  	v9 =	vshll.u32 v28, $0x7;
	v7 =	vand.u32 $0xFFFFFC00, v30;
	v5 =	vand.u32 $0xFFFFE000, v5;
	v6 =	vld.idx.msk [tilespmem:v6+s14+$0x0], $0xffff  }
0x347: {  	v31 =	vand.u32 $0x380, v9;
	v33 =	vld [tilespmem:$0x750];
	v5 =	vadd.s32 v5, v7  }
0x348: {  	v32 =	vld [tilespmem:$0x10D0];
	v8 =	vand.u32 $0x7F, v29;
	v5 =	vor.u32 v31, v5  }
0x349: {  	v5 =	vor.u32 v8, v5;
	_ =	sdelay $0x1  }
0x34a: {  	v4 =	vadd.f32 v6, v4;
	_ =	sdelay $0x1  }
0x34b: {  	v34 =	vshll.u32 v32, $0xA;
	v35 =	vshll.u32 v33, $0x3;
	[tilespmem:$0x9200] =	vst v4  }
0x34c: {  	v9 =	vshll.u32 v32, $0x7;
	v8 =	vand.u32 $0xFFFFFC00, v35;
	v6 =	vand.u32 $0xFFFFE000, v34;
	v5 =	vld.idx.msk [tilespmem:v5+s14+$0x0], $0xffff  }
0x34d: {  	v37 =	vld [tilespmem:$0x10E0];
	v36 =	vand.u32 $0x380, v9;
	v6 =	vadd.s32 v6, v8  }
0x34e: {  	v38 =	vld [tilespmem:$0x760];
	v7 =	vand.u32 $0x7F, v33;
	v6 =	vor.u32 v36, v6  }
0x34f: {  	v6 =	vor.u32 v7, v6;
	_ =	sdelay $0x1  }
0x350: {  	v4 =	vadd.f32 v5, v4;
	_ =	sdelay $0x1  }
0x351: {  	v39 =	vshll.u32 v38, $0x3;
	v5 =	vshll.u32 v37, $0xA;
	[tilespmem:$0x9200] =	vst v4  }
0x352: {  	v9 =	vshll.u32 v37, $0x7;
	v7 =	vand.u32 $0xFFFFFC00, v39;
	v5 =	vand.u32 $0xFFFFE000, v5;
	v6 =	vld.idx.msk [tilespmem:v6+s14+$0x0], $0xffff  }
0x353: {  	v40 =	vand.u32 $0x380, v9;
	v42 =	vld [tilespmem:$0x770];
	v5 =	vadd.s32 v5, v7  }
0x354: {  	v41 =	vld [tilespmem:$0x10F0];
	v8 =	vand.u32 $0x7F, v38;
	v5 =	vor.u32 v40, v5  }
0x355: {  	v5 =	vor.u32 v8, v5;
	_ =	sdelay $0x1  }
0x356: {  	v4 =	vadd.f32 v6, v4;
	_ =	sdelay $0x1  }
0x357: {  	v43 =	vshll.u32 v41, $0xA;
	v44 =	vshll.u32 v42, $0x3;
	[tilespmem:$0x9200] =	vst v4  }
0x358: {  	v9 =	vshll.u32 v41, $0x7;
	v8 =	vand.u32 $0xFFFFFC00, v44;
	v6 =	vand.u32 $0xFFFFE000, v43;
	v5 =	vld.idx.msk [tilespmem:v5+s14+$0x0], $0xffff  }
0x359: {  	v46 =	vld [tilespmem:$0x1100];
	v45 =	vand.u32 $0x380, v9;
	v6 =	vadd.s32 v6, v8  }
0x35a: {  	v47 =	vld [tilespmem:$0x780];
	v7 =	vand.u32 $0x7F, v42;
	v6 =	vor.u32 v45, v6  }
0x35b: {  	v6 =	vor.u32 v7, v6;
	_ =	sdelay $0x1  }
0x35c: {  	v4 =	vadd.f32 v5, v4;
	_ =	sdelay $0x1  }
0x35d: {  	v48 =	vshll.u32 v47, $0x3;
	v5 =	vshll.u32 v46, $0xA;
	[tilespmem:$0x9200] =	vst v4  }
0x35e: {  	v9 =	vshll.u32 v46, $0x7;
	v7 =	vand.u32 $0xFFFFFC00, v48;
	v5 =	vand.u32 $0xFFFFE000, v5;
	v6 =	vld.idx.msk [tilespmem:v6+s14+$0x0], $0xffff  }
0x35f: {  	v49 =	vand.u32 $0x380, v9;
	v51 =	vld [tilespmem:$0x790];
	v5 =	vadd.s32 v5, v7  }
0x360: {  	v50 =	vld [tilespmem:$0x1110];
	v8 =	vand.u32 $0x7F, v47;
	v5 =	vor.u32 v49, v5  }
0x361: {  	v5 =	vor.u32 v8, v5;
	_ =	sdelay $0x1  }
0x362: {  	v4 =	vadd.f32 v6, v4;
	_ =	sdelay $0x1  }
0x363: {  	v52 =	vshll.u32 v50, $0xA;
	v53 =	vshll.u32 v51, $0x3;
	[tilespmem:$0x9200] =	vst v4  }
0x364: {  	v9 =	vshll.u32 v50, $0x7;
	v8 =	vand.u32 $0xFFFFFC00, v53;
	v6 =	vand.u32 $0xFFFFE000, v52;
	v5 =	vld.idx.msk [tilespmem:v5+s14+$0x0], $0xffff  }
0x365: {  	v55 =	vld [tilespmem:$0x1120];
	v54 =	vand.u32 $0x380, v9;
	v6 =	vadd.s32 v6, v8  }
0x366: {  	v56 =	vld [tilespmem:$0x7A0];
	v7 =	vand.u32 $0x7F, v51;
	v6 =	vor.u32 v54, v6  }
0x367: {  	v6 =	vor.u32 v7, v6;
	_ =	sdelay $0x1  }
0x368: {  	v4 =	vadd.f32 v5, v4;
	_ =	sdelay $0x1  }
0x369: {  	v57 =	vshll.u32 v56, $0x3;
	v5 =	vshll.u32 v55, $0xA;
	[tilespmem:$0x9200] =	vst v4  }
0x36a: {  	v9 =	vshll.u32 v55, $0x7;
	v7 =	vand.u32 $0xFFFFFC00, v57;
	v5 =	vand.u32 $0xFFFFE000, v5;
	v6 =	vld.idx.msk [tilespmem:v6+s14+$0x0], $0xffff  }
0x36b: {  	v58 =	vand.u32 $0x380, v9;
	v60 =	vld [tilespmem:$0x7B0];
	v5 =	vadd.s32 v5, v7  }
0x36c: {  	v59 =	vld [tilespmem:$0x1130];
	v8 =	vand.u32 $0x7F, v56;
	v5 =	vor.u32 v58, v5  }
0x36d: {  	v5 =	vor.u32 v8, v5;
	_ =	sdelay $0x1  }
0x36e: {  	v4 =	vadd.f32 v6, v4;
	_ =	sdelay $0x1  }
0x36f: {  	v61 =	vshll.u32 v59, $0xA;
	v62 =	vshll.u32 v60, $0x3;
	[tilespmem:$0x9200] =	vst v4  }
0x370: {  	v9 =	vshll.u32 v59, $0x7;
	v8 =	vand.u32 $0xFFFFFC00, v62;
	v6 =	vand.u32 $0xFFFFE000, v61;
	v5 =	vld.idx.msk [tilespmem:v5+s14+$0x0], $0xffff  }
0x371: {  	v12 =	vld [tilespmem:$0x1140];
	v63 =	vand.u32 $0x380, v9;
	v6 =	vadd.s32 v6, v8  }
0x372: {  	v13 =	vld [tilespmem:$0x7C0];
	v7 =	vand.u32 $0x7F, v60;
	v6 =	vor.u32 v63, v6  }
0x373: {  	v6 =	vor.u32 v7, v6;
	_ =	sdelay $0x1  }
0x374: {  	v4 =	vadd.f32 v5, v4;
	_ =	sdelay $0x1  }
0x375: {  	v14 =	vshll.u32 v13, $0x3;
	v5 =	vshll.u32 v12, $0xA;
	[tilespmem:$0x9200] =	vst v4  }
0x376: {  	v9 =	vshll.u32 v12, $0x7;
	v7 =	vand.u32 $0xFFFFFC00, v14;
	v5 =	vand.u32 $0xFFFFE000, v5;
	v6 =	vld.idx.msk [tilespmem:v6+s14+$0x0], $0xffff  }
0x377: {  	v15 =	vand.u32 $0x380, v9;
	v17 =	vld [tilespmem:$0x7D0];
	v5 =	vadd.s32 v5, v7  }
0x378: {  	v16 =	vld [tilespmem:$0x1150];
	v8 =	vand.u32 $0x7F, v13;
	v5 =	vor.u32 v15, v5  }
0x379: {  	v5 =	vor.u32 v8, v5;
	_ =	sdelay $0x1  }
0x37a: {  	v4 =	vadd.f32 v6, v4;
	_ =	sdelay $0x1  }
0x37b: {  	v18 =	vshll.u32 v16, $0xA;
	v19 =	vshll.u32 v17, $0x3;
	[tilespmem:$0x9200] =	vst v4  }
0x37c: {  	v9 =	vshll.u32 v16, $0x7;
	v8 =	vand.u32 $0xFFFFFC00, v19;
	v6 =	vand.u32 $0xFFFFE000, v18;
	v5 =	vld.idx.msk [tilespmem:v5+s14+$0x0], $0xffff  }
0x37d: {  	v21 =	vld [tilespmem:$0x1160];
	v20 =	vand.u32 $0x380, v9;
	v6 =	vadd.s32 v6, v8  }
0x37e: {  	v22 =	vld [tilespmem:$0x7E0];
	v7 =	vand.u32 $0x7F, v17;
	v6 =	vor.u32 v20, v6  }
0x37f: {  	v6 =	vor.u32 v7, v6;
	_ =	sdelay $0x1  }
0x380: {  	v4 =	vadd.f32 v5, v4;
	_ =	sdelay $0x1  }
0x381: {  	v23 =	vshll.u32 v22, $0x3;
	v5 =	vshll.u32 v21, $0xA;
	[tilespmem:$0x9200] =	vst v4  }
0x382: {  	v9 =	vshll.u32 v21, $0x7;
	v7 =	vand.u32 $0xFFFFFC00, v23;
	v5 =	vand.u32 $0xFFFFE000, v5;
	v6 =	vld.idx.msk [tilespmem:v6+s14+$0x0], $0xffff  }
0x383: {  	v24 =	vand.u32 $0x380, v9;
	v26 =	vld [tilespmem:$0x7F0];
	v5 =	vadd.s32 v5, v7  }
0x384: {  	v25 =	vld [tilespmem:$0x1170];
	v8 =	vand.u32 $0x7F, v22;
	v5 =	vor.u32 v24, v5  }
0x385: {  	v5 =	vor.u32 v8, v5;
	_ =	sdelay $0x1  }
0x386: {  	v4 =	vadd.f32 v6, v4;
	_ =	sdelay $0x1  }
0x387: {  	v27 =	vshll.u32 v25, $0xA;
	v28 =	vshll.u32 v26, $0x3;
	[tilespmem:$0x9200] =	vst v4  }
0x388: {  	v9 =	vshll.u32 v25, $0x7;
	v8 =	vand.u32 $0xFFFFFC00, v28;
	v6 =	vand.u32 $0xFFFFE000, v27;
	v5 =	vld.idx.msk [tilespmem:v5+s14+$0x0], $0xffff  }
0x389: {  	v29 =	vand.u32 $0x380, v9;
	v6 =	vadd.s32 v6, v8  }
0x38a: {  	v7 =	vand.u32 $0x7F, v26;
	v6 =	vor.u32 v29, v6  }
0x38b: {  	v30 =	vld [tilespmem:$0x60];
	v6 =	vor.u32 v7, v6;
	_ =	sdelay $0x1  }
0x38c: {  	v4 =	vadd.f32 v5, v4;
	_ =	sdelay $0x1  }
0x38d: {  	[tilespmem:$0x9200] =	vst v4  }
0x38e: {  	v31 =	vshll.u32 v30, $0x3;
	v5 =	vld.idx.msk [tilespmem:v6+s14+$0x0], $0xffff  }
0x38f: {  	v32 =	vand.u32 $0x7, v30;
	v6 =	vand.u32 $0xFFFFFFC0, v31  }
0x390: {  	v6 =	vor.u32 v32, v6  }
0x391: {  	v33 =	vld [tilespmem:$0x70];
	v8 =	vperm.xlane v6, v1;
	_ =	sdelay $0x1  }
0x392: {  	v4 =	vadd.f32 v5, v4;
	v5 =	vadd.s32 v2, v8;
	_ =	sdelay $0x1  }
0x393: {  	[tilespmem:$0xE80] =	vst v30  }
0x394: {  	[tilespmem:$0xE90] =	vst v33  }
0x395: {  	[tilespmem:$0x9200] =	vst v4  }
0x396: {  	[tilespmem:s14], [sflag:$0x1] =	stream.indirect_vreg.gather [hbm4b:s3+s2], $0x80, v5, vm0, $0xb8;
	[tilespmem:$0x9280] =	vst v63  }
0x397: {  	v4 =	vperm.xlane v6, v3  }
0x398: {  	[tilespmem:s15], [sflag:$0x1] =	stream.indirect_vreg.gather [hbm4b:s5+s2], $0x80, v5, vm0, $0xb8;
	[tilespmem:$0x9280] =	vst v63  }
0x399: {  	v4 =	vadd.s32 v2, v4  }
0x39a: {  	[tilespmem:s16], [sflag:$0x1] =	stream.indirect_vreg.gather [hbm4b:s6+s2], $0x80, v5, vm0, $0xb8;
	[tilespmem:$0x9280] =	vst v63  }
0x39b: {  	_ = 	snop  }
0x39c: {  	[tilespmem:s17], [sflag:$0x1] =	stream.indirect_vreg.gather [hbm4b:s7+s2], $0x80, v5, vm0, $0xb8;
	[tilespmem:$0x9280] =	vst v63  }
0x39d: {  	_ = 	snop  }
0x39e: {  	[tilespmem:s18], [sflag:$0x1] =	stream.indirect_vreg.gather [hbm4b:s3+s2], $0x80, v4, vm0, $0xb8;
	[tilespmem:$0x9280] =	vst v63  }
0x39f: {  	_ = 	snop  }
0x3a0: {  	[tilespmem:s19], [sflag:$0x1] =	stream.indirect_vreg.gather [hbm4b:s5+s2], $0x80, v4, vm0, $0xb8;
	[tilespmem:$0x9280] =	vst v63  }
0x3a1: {  	_ = 	snop  }
0x3a2: {  	[tilespmem:s20], [sflag:$0x1] =	stream.indirect_vreg.gather [hbm4b:s6+s2], $0x80, v4, vm0, $0xb8;
	[tilespmem:$0x9280] =	vst v63  }
0x3a3: {  	_ = 	snop  }
0x3a4: {  	[tilespmem:s21], [sflag:$0x1] =	stream.indirect_vreg.gather [hbm4b:s7+s2], $0x80, v4, vm0, $0xb8;
	[tilespmem:$0x9280] =	vst v63  }
0x3a5: {  	v4 =	vld [tilespmem:$0xE90];
	_ =	sdelay $0x4  }
0x3a6: {  	v5 =	vshll.u32 v4, $0x3  }
0x3a7: {  	v4 =	vand.u32 $0x7, v4;
	v5 =	vand.u32 $0xFFFFFFC0, v5  }
0x3a8: {  	v4 =	vor.u32 v4, v5  }
0x3a9: {  	v5 =	vperm.xlane v4, v1;
	_ =	sdelay $0x1  }
0x3aa: {  	v5 =	vadd.s32 v2, v5;
	_ =	sdelay $0x4  }
0x3ab: {  	[tilespmem:s22], [sflag:$0x1] =	stream.indirect_vreg.gather [hbm4b:s3+s2], $0x80, v5, vm0, $0xb8;
	[tilespmem:$0x9280] =	vst v63  }
0x3ac: {  	v4 =	vperm.xlane v4, v3  }
0x3ad: {  	[tilespmem:s23], [sflag:$0x1] =	stream.indirect_vreg.gather [hbm4b:s5+s2], $0x80, v5, vm0, $0xb8;
	[tilespmem:$0x9280] =	vst v63  }
0x3ae: {  	v4 =	vadd.s32 v2, v4  }
0x3af: {  	[tilespmem:s24], [sflag:$0x1] =	stream.indirect_vreg.gather [hbm4b:s6+s2], $0x80, v5, vm0, $0xb8;
	[tilespmem:$0x9280] =	vst v63  }
0x3b0: {  	_ = 	snop  }
0x3b1: {  	[tilespmem:s25], [sflag:$0x1] =	stream.indirect_vreg.gather [hbm4b:s7+s2], $0x80, v5, vm0, $0xb8;
	[tilespmem:$0x9280] =	vst v63  }
0x3b2: {  	_ = 	snop  }
0x3b3: {  	[tilespmem:s26], [sflag:$0x1] =	stream.indirect_vreg.gather [hbm4b:s3+s2], $0x80, v4, vm0, $0xb8;
	[tilespmem:$0x9280] =	vst v63  }
0x3b4: {  	_ = 	snop  }
0x3b5: {  	[tilespmem:s28], [sflag:$0x1] =	stream.indirect_vreg.gather [hbm4b:s5+s2], $0x80, v4, vm0, $0xb8;
	[tilespmem:$0x9280] =	vst v63  }
0x3b6: {  	_ = 	snop  }
0x3b7: {  	[tilespmem:s29], [sflag:$0x1] =	stream.indirect_vreg.gather [hbm4b:s6+s2], $0x80, v4, vm0, $0xb8;
	[tilespmem:$0x9280] =	vst v63  }
0x3b8: {  	_ = 	snop  }
0x3b9: {  	[tilespmem:s30], [sflag:$0x1] =	stream.indirect_vreg.gather [hbm4b:s7+s2], $0x80, v4, vm0, $0xb8;
	[tilespmem:$0x9280] =	vst v63  }
0x3ba: {  	_ =	swait.ge [sflag:s31], $0x8000  }
0x3bb: {  	[sflag:s31] =	ssyncset.done $0x0  }
0x3bc: {  	[sflag:s31] =	ssyncadd.s32 $0xFFFF8000  }
0x3bd: {  	v4 =	vld [tilespmem:$0xF00]  }
0x3be: {  	v5 =	vld [tilespmem:$0x800];
	_ =	sdelay $0x4  }
0x3bf: {  	v34 =	vshll.u32 v4, $0xA;
	v35 =	vshll.u32 v5, $0x3  }
0x3c0: {  	v4 =	vshll.u32 v4, $0x7;
	v6 =	vand.u32 $0xFFFFE000, v34;
	v7 =	vand.u32 $0xFFFFFC00, v35  }
0x3c1: {  	v36 =	vld [tilespmem:$0xF10];
	v4 =	vand.u32 $0x380, v4;
	v6 =	vadd.s32 v6, v7  }
0x3c2: {  	v37 =	vld [tilespmem:$0x810];
	v5 =	vand.u32 $0x7F, v5;
	v4 =	vor.u32 v4, v6  }
0x3c3: {  	v4 =	vor.u32 v5, v4;
	_ =	sdelay $0x3  }
0x3c4: {  	v38 =	vshll.u32 v36, $0xA;
	v39 =	vshll.u32 v37, $0x3;
	v5 =	vld [tilespmem:$0x9200]  }
0x3c5: {  	v8 =	vand.u32 $0xFFFFE000, v38;
	v9 =	vand.u32 $0xFFFFFC00, v39;
	v7 =	vshll.u32 v36, $0x7;
	v4 =	vld.idx.msk [tilespmem:v4+s14+$0x0], $0xffff  }
0x3c6: {  	v40 =	vld [tilespmem:$0xF20];
	v8 =	vadd.s32 v8, v9;
	v7 =	vand.u32 $0x380, v7  }
0x3c7: {  	v41 =	vld [tilespmem:$0x820];
	v6 =	vand.u32 $0x7F, v37;
	v7 =	vor.u32 v7, v8  }
0x3c8: {  	v6 =	vor.u32 v6, v7;
	_ =	sdelay $0x1  }
0x3c9: {  	v4 =	vadd.f32 v4, v5;
	_ =	sdelay $0x1  }
0x3ca: {  	v42 =	vshll.u32 v41, $0x3;
	v5 =	vshll.u32 v40, $0xA;
	[tilespmem:$0x9200] =	vst v4  }
0x3cb: {  	v9 =	vshll.u32 v40, $0x7;
	v7 =	vand.u32 $0xFFFFFC00, v42;
	v5 =	vand.u32 $0xFFFFE000, v5;
	v6 =	vld.idx.msk [tilespmem:v6+s14+$0x0], $0xffff  }
0x3cc: {  	v44 =	vld [tilespmem:$0xF30];
	v43 =	vand.u32 $0x380, v9;
	v5 =	vadd.s32 v5, v7  }
0x3cd: {  	v45 =	vld [tilespmem:$0x830];
	v8 =	vand.u32 $0x7F, v41;
	v5 =	vor.u32 v43, v5  }
0x3ce: {  	v5 =	vor.u32 v8, v5;
	_ =	sdelay $0x1  }
0x3cf: {  	v4 =	vadd.f32 v6, v4;
	_ =	sdelay $0x1  }
0x3d0: {  	v46 =	vshll.u32 v44, $0xA;
	v47 =	vshll.u32 v45, $0x3;
	[tilespmem:$0x9200] =	vst v4  }
0x3d1: {  	v9 =	vshll.u32 v44, $0x7;
	v8 =	vand.u32 $0xFFFFFC00, v47;
	v6 =	vand.u32 $0xFFFFE000, v46;
	v5 =	vld.idx.msk [tilespmem:v5+s14+$0x0], $0xffff  }
0x3d2: {  	v49 =	vld [tilespmem:$0xF40];
	v48 =	vand.u32 $0x380, v9;
	v6 =	vadd.s32 v6, v8  }
0x3d3: {  	v50 =	vld [tilespmem:$0x840];
	v7 =	vand.u32 $0x7F, v45;
	v6 =	vor.u32 v48, v6  }
0x3d4: {  	v6 =	vor.u32 v7, v6;
	_ =	sdelay $0x1  }
0x3d5: {  	v4 =	vadd.f32 v5, v4;
	_ =	sdelay $0x1  }
0x3d6: {  	v51 =	vshll.u32 v50, $0x3;
	v5 =	vshll.u32 v49, $0xA;
	[tilespmem:$0x9200] =	vst v4  }
0x3d7: {  	v9 =	vshll.u32 v49, $0x7;
	v7 =	vand.u32 $0xFFFFFC00, v51;
	v5 =	vand.u32 $0xFFFFE000, v5;
	v6 =	vld.idx.msk [tilespmem:v6+s14+$0x0], $0xffff  }
0x3d8: {  	v53 =	vld [tilespmem:$0xF50];
	v52 =	vand.u32 $0x380, v9;
	v5 =	vadd.s32 v5, v7  }
0x3d9: {  	v54 =	vld [tilespmem:$0x850];
	v8 =	vand.u32 $0x7F, v50;
	v5 =	vor.u32 v52, v5  }
0x3da: {  	v5 =	vor.u32 v8, v5;
	_ =	sdelay $0x1  }
0x3db: {  	v4 =	vadd.f32 v6, v4;
	_ =	sdelay $0x1  }
0x3dc: {  	v55 =	vshll.u32 v53, $0xA;
	v56 =	vshll.u32 v54, $0x3;
	[tilespmem:$0x9200] =	vst v4  }
0x3dd: {  	v9 =	vshll.u32 v53, $0x7;
	v8 =	vand.u32 $0xFFFFFC00, v56;
	v6 =	vand.u32 $0xFFFFE000, v55;
	v5 =	vld.idx.msk [tilespmem:v5+s14+$0x0], $0xffff  }
0x3de: {  	v58 =	vld [tilespmem:$0xF60];
	v57 =	vand.u32 $0x380, v9;
	v6 =	vadd.s32 v6, v8  }
0x3df: {  	v59 =	vld [tilespmem:$0x860];
	v7 =	vand.u32 $0x7F, v54;
	v6 =	vor.u32 v57, v6  }
0x3e0: {  	v6 =	vor.u32 v7, v6;
	_ =	sdelay $0x1  }
0x3e1: {  	v4 =	vadd.f32 v5, v4;
	_ =	sdelay $0x1  }
0x3e2: {  	v60 =	vshll.u32 v59, $0x3;
	v5 =	vshll.u32 v58, $0xA;
	[tilespmem:$0x9200] =	vst v4  }
0x3e3: {  	v9 =	vshll.u32 v58, $0x7;
	v7 =	vand.u32 $0xFFFFFC00, v60;
	v5 =	vand.u32 $0xFFFFE000, v5;
	v6 =	vld.idx.msk [tilespmem:v6+s14+$0x0], $0xffff  }
0x3e4: {  	v62 =	vld [tilespmem:$0xF70];
	v61 =	vand.u32 $0x380, v9;
	v5 =	vadd.s32 v5, v7  }
0x3e5: {  	v63 =	vld [tilespmem:$0x870];
	v8 =	vand.u32 $0x7F, v59;
	v5 =	vor.u32 v61, v5  }
0x3e6: {  	v5 =	vor.u32 v8, v5;
	_ =	sdelay $0x1  }
0x3e7: {  	v4 =	vadd.f32 v6, v4;
	_ =	sdelay $0x1  }
0x3e8: {  	v12 =	vshll.u32 v62, $0xA;
	v13 =	vshll.u32 v63, $0x3;
	[tilespmem:$0x9200] =	vst v4  }
0x3e9: {  	v9 =	vshll.u32 v62, $0x7;
	v8 =	vand.u32 $0xFFFFFC00, v13;
	v6 =	vand.u32 $0xFFFFE000, v12;
	v5 =	vld.idx.msk [tilespmem:v5+s14+$0x0], $0xffff  }
0x3ea: {  	v15 =	vld [tilespmem:$0xF80];
	v14 =	vand.u32 $0x380, v9;
	v6 =	vadd.s32 v6, v8  }
0x3eb: {  	v16 =	vld [tilespmem:$0x880];
	v7 =	vand.u32 $0x7F, v63;
	v6 =	vor.u32 v14, v6  }
0x3ec: {  	v6 =	vor.u32 v7, v6;
	_ =	sdelay $0x1  }
0x3ed: {  	v4 =	vadd.f32 v5, v4;
	_ =	sdelay $0x1  }
0x3ee: {  	v17 =	vshll.u32 v16, $0x3;
	v5 =	vshll.u32 v15, $0xA;
	[tilespmem:$0x9200] =	vst v4  }
0x3ef: {  	v9 =	vshll.u32 v15, $0x7;
	v7 =	vand.u32 $0xFFFFFC00, v17;
	v5 =	vand.u32 $0xFFFFE000, v5;
	v6 =	vld.idx.msk [tilespmem:v6+s14+$0x0], $0xffff  }
0x3f0: {  	v19 =	vld [tilespmem:$0xF90];
	v18 =	vand.u32 $0x380, v9;
	v5 =	vadd.s32 v5, v7  }
0x3f1: {  	v20 =	vld [tilespmem:$0x890];
	v8 =	vand.u32 $0x7F, v16;
	v5 =	vor.u32 v18, v5  }
0x3f2: {  	v5 =	vor.u32 v8, v5;
	_ =	sdelay $0x1  }
0x3f3: {  	v4 =	vadd.f32 v6, v4;
	_ =	sdelay $0x1  }
0x3f4: {  	v21 =	vshll.u32 v19, $0xA;
	v22 =	vshll.u32 v20, $0x3;
	[tilespmem:$0x9200] =	vst v4  }
0x3f5: {  	v9 =	vshll.u32 v19, $0x7;
	v8 =	vand.u32 $0xFFFFFC00, v22;
	v6 =	vand.u32 $0xFFFFE000, v21;
	v5 =	vld.idx.msk [tilespmem:v5+s14+$0x0], $0xffff  }
0x3f6: {  	v24 =	vld [tilespmem:$0xFA0];
	v23 =	vand.u32 $0x380, v9;
	v6 =	vadd.s32 v6, v8  }
0x3f7: {  	v25 =	vld [tilespmem:$0x8A0];
	v7 =	vand.u32 $0x7F, v20;
	v6 =	vor.u32 v23, v6  }
0x3f8: {  	v6 =	vor.u32 v7, v6;
	_ =	sdelay $0x1  }
0x3f9: {  	v4 =	vadd.f32 v5, v4;
	_ =	sdelay $0x1  }
0x3fa: {  	v26 =	vshll.u32 v25, $0x3;
	v5 =	vshll.u32 v24, $0xA;
	[tilespmem:$0x9200] =	vst v4  }
0x3fb: {  	v9 =	vshll.u32 v24, $0x7;
	v7 =	vand.u32 $0xFFFFFC00, v26;
	v5 =	vand.u32 $0xFFFFE000, v5;
	v6 =	vld.idx.msk [tilespmem:v6+s14+$0x0], $0xffff  }
0x3fc: {  	v28 =	vld [tilespmem:$0xFB0];
	v27 =	vand.u32 $0x380, v9;
	v5 =	vadd.s32 v5, v7  }
0x3fd: {  	v29 =	vld [tilespmem:$0x8B0];
	v8 =	vand.u32 $0x7F, v25;
	v5 =	vor.u32 v27, v5  }
0x3fe: {  	v5 =	vor.u32 v8, v5;
	_ =	sdelay $0x1  }
0x3ff: {  	v4 =	vadd.f32 v6, v4;
	_ =	sdelay $0x1  }
0x400: {  	v30 =	vshll.u32 v28, $0xA;
	v31 =	vshll.u32 v29, $0x3;
	[tilespmem:$0x9200] =	vst v4  }
0x401: {  	v9 =	vshll.u32 v28, $0x7;
	v8 =	vand.u32 $0xFFFFFC00, v31;
	v6 =	vand.u32 $0xFFFFE000, v30;
	v5 =	vld.idx.msk [tilespmem:v5+s14+$0x0], $0xffff  }
0x402: {  	v33 =	vld [tilespmem:$0xFC0];
	v32 =	vand.u32 $0x380, v9;
	v6 =	vadd.s32 v6, v8  }
0x403: {  	v34 =	vld [tilespmem:$0x8C0];
	v7 =	vand.u32 $0x7F, v29;
	v6 =	vor.u32 v32, v6  }
0x404: {  	v6 =	vor.u32 v7, v6;
	_ =	sdelay $0x1  }
0x405: {  	v4 =	vadd.f32 v5, v4;
	_ =	sdelay $0x1  }
0x406: {  	v35 =	vshll.u32 v34, $0x3;
	v5 =	vshll.u32 v33, $0xA;
	[tilespmem:$0x9200] =	vst v4  }
0x407: {  	v9 =	vshll.u32 v33, $0x7;
	v7 =	vand.u32 $0xFFFFFC00, v35;
	v5 =	vand.u32 $0xFFFFE000, v5;
	v6 =	vld.idx.msk [tilespmem:v6+s14+$0x0], $0xffff  }
0x408: {  	v38 =	vld [tilespmem:$0x8D0];
	v36 =	vand.u32 $0x380, v9;
	v5 =	vadd.s32 v5, v7  }
0x409: {  	v37 =	vld [tilespmem:$0xFD0];
	v8 =	vand.u32 $0x7F, v34;
	v5 =	vor.u32 v36, v5  }
0x40a: {  	v5 =	vor.u32 v8, v5;
	_ =	sdelay $0x1  }
0x40b: {  	v4 =	vadd.f32 v6, v4;
	_ =	sdelay $0x1  }
0x40c: {  	v39 =	vshll.u32 v37, $0xA;
	v40 =	vshll.u32 v38, $0x3;
	[tilespmem:$0x9200] =	vst v4  }
0x40d: {  	v9 =	vshll.u32 v37, $0x7;
	v8 =	vand.u32 $0xFFFFFC00, v40;
	v6 =	vand.u32 $0xFFFFE000, v39;
	v5 =	vld.idx.msk [tilespmem:v5+s14+$0x0], $0xffff  }
0x40e: {  	v42 =	vld [tilespmem:$0xFE0];
	v41 =	vand.u32 $0x380, v9;
	v6 =	vadd.s32 v6, v8  }
0x40f: {  	v43 =	vld [tilespmem:$0x8E0];
	v7 =	vand.u32 $0x7F, v38;
	v6 =	vor.u32 v41, v6  }
0x410: {  	v6 =	vor.u32 v7, v6;
	_ =	sdelay $0x1  }
0x411: {  	v4 =	vadd.f32 v5, v4;
	_ =	sdelay $0x1  }
0x412: {  	v44 =	vshll.u32 v43, $0x3;
	v5 =	vshll.u32 v42, $0xA;
	[tilespmem:$0x9200] =	vst v4  }
0x413: {  	v9 =	vshll.u32 v42, $0x7;
	v7 =	vand.u32 $0xFFFFFC00, v44;
	v5 =	vand.u32 $0xFFFFE000, v5;
	v6 =	vld.idx.msk [tilespmem:v6+s14+$0x0], $0xffff  }
0x414: {  	v45 =	vand.u32 $0x380, v9;
	v47 =	vld [tilespmem:$0x8F0];
	v5 =	vadd.s32 v5, v7  }
0x415: {  	v46 =	vld [tilespmem:$0xFF0];
	v8 =	vand.u32 $0x7F, v43;
	v5 =	vor.u32 v45, v5  }
0x416: {  	v5 =	vor.u32 v8, v5;
	_ =	sdelay $0x1  }
0x417: {  	v4 =	vadd.f32 v6, v4;
	_ =	sdelay $0x1  }
0x418: {  	v48 =	vshll.u32 v46, $0xA;
	v49 =	vshll.u32 v47, $0x3;
	[tilespmem:$0x9200] =	vst v4  }
0x419: {  	v9 =	vshll.u32 v46, $0x7;
	v8 =	vand.u32 $0xFFFFFC00, v49;
	v6 =	vand.u32 $0xFFFFE000, v48;
	v5 =	vld.idx.msk [tilespmem:v5+s14+$0x0], $0xffff  }
0x41a: {  	v51 =	vld [tilespmem:$0x1000];
	v50 =	vand.u32 $0x380, v9;
	v6 =	vadd.s32 v6, v8  }
0x41b: {  	v52 =	vld [tilespmem:$0x900];
	v7 =	vand.u32 $0x7F, v47;
	v6 =	vor.u32 v50, v6  }
0x41c: {  	v6 =	vor.u32 v7, v6;
	_ =	sdelay $0x1  }
0x41d: {  	v4 =	vadd.f32 v5, v4;
	_ =	sdelay $0x1  }
0x41e: {  	v53 =	vshll.u32 v52, $0x3;
	v5 =	vshll.u32 v51, $0xA;
	[tilespmem:$0x9200] =	vst v4  }
0x41f: {  	v9 =	vshll.u32 v51, $0x7;
	v7 =	vand.u32 $0xFFFFFC00, v53;
	v5 =	vand.u32 $0xFFFFE000, v5;
	v6 =	vld.idx.msk [tilespmem:v6+s14+$0x0], $0xffff  }
0x420: {  	v54 =	vand.u32 $0x380, v9;
	v56 =	vld [tilespmem:$0x910];
	v5 =	vadd.s32 v5, v7  }
0x421: {  	v55 =	vld [tilespmem:$0x1010];
	v8 =	vand.u32 $0x7F, v52;
	v5 =	vor.u32 v54, v5  }
0x422: {  	v5 =	vor.u32 v8, v5;
	_ =	sdelay $0x1  }
0x423: {  	v4 =	vadd.f32 v6, v4;
	_ =	sdelay $0x1  }
0x424: {  	v57 =	vshll.u32 v55, $0xA;
	v58 =	vshll.u32 v56, $0x3;
	[tilespmem:$0x9200] =	vst v4  }
0x425: {  	v9 =	vshll.u32 v55, $0x7;
	v8 =	vand.u32 $0xFFFFFC00, v58;
	v6 =	vand.u32 $0xFFFFE000, v57;
	v5 =	vld.idx.msk [tilespmem:v5+s14+$0x0], $0xffff  }
0x426: {  	v60 =	vld [tilespmem:$0x1020];
	v59 =	vand.u32 $0x380, v9;
	v6 =	vadd.s32 v6, v8  }
0x427: {  	v61 =	vld [tilespmem:$0x920];
	v7 =	vand.u32 $0x7F, v56;
	v6 =	vor.u32 v59, v6  }
0x428: {  	v6 =	vor.u32 v7, v6;
	_ =	sdelay $0x1  }
0x429: {  	v4 =	vadd.f32 v5, v4;
	_ =	sdelay $0x1  }
0x42a: {  	v62 =	vshll.u32 v61, $0x3;
	v5 =	vshll.u32 v60, $0xA;
	[tilespmem:$0x9200] =	vst v4  }
0x42b: {  	v9 =	vshll.u32 v60, $0x7;
	v7 =	vand.u32 $0xFFFFFC00, v62;
	v5 =	vand.u32 $0xFFFFE000, v5;
	v6 =	vld.idx.msk [tilespmem:v6+s14+$0x0], $0xffff  }
0x42c: {  	v63 =	vand.u32 $0x380, v9;
	v13 =	vld [tilespmem:$0x930];
	v5 =	vadd.s32 v5, v7  }
0x42d: {  	v12 =	vld [tilespmem:$0x1030];
	v8 =	vand.u32 $0x7F, v61;
	v5 =	vor.u32 v63, v5  }
0x42e: {  	v5 =	vor.u32 v8, v5;
	_ =	sdelay $0x1  }
0x42f: {  	v4 =	vadd.f32 v6, v4;
	_ =	sdelay $0x1  }
0x430: {  	v14 =	vshll.u32 v12, $0xA;
	v15 =	vshll.u32 v13, $0x3;
	[tilespmem:$0x9200] =	vst v4  }
0x431: {  	v9 =	vshll.u32 v12, $0x7;
	v8 =	vand.u32 $0xFFFFFC00, v15;
	v6 =	vand.u32 $0xFFFFE000, v14;
	v5 =	vld.idx.msk [tilespmem:v5+s14+$0x0], $0xffff  }
0x432: {  	v17 =	vld [tilespmem:$0x1040];
	v16 =	vand.u32 $0x380, v9;
	v6 =	vadd.s32 v6, v8  }
0x433: {  	v18 =	vld [tilespmem:$0x940];
	v7 =	vand.u32 $0x7F, v13;
	v6 =	vor.u32 v16, v6  }
0x434: {  	v6 =	vor.u32 v7, v6;
	_ =	sdelay $0x1  }
0x435: {  	v4 =	vadd.f32 v5, v4;
	_ =	sdelay $0x1  }
0x436: {  	v19 =	vshll.u32 v18, $0x3;
	v5 =	vshll.u32 v17, $0xA;
	[tilespmem:$0x9200] =	vst v4  }
0x437: {  	v9 =	vshll.u32 v17, $0x7;
	v7 =	vand.u32 $0xFFFFFC00, v19;
	v5 =	vand.u32 $0xFFFFE000, v5;
	v6 =	vld.idx.msk [tilespmem:v6+s14+$0x0], $0xffff  }
0x438: {  	v20 =	vand.u32 $0x380, v9;
	v22 =	vld [tilespmem:$0x950];
	v5 =	vadd.s32 v5, v7  }
0x439: {  	v21 =	vld [tilespmem:$0x1050];
	v8 =	vand.u32 $0x7F, v18;
	v5 =	vor.u32 v20, v5  }
0x43a: {  	v5 =	vor.u32 v8, v5;
	_ =	sdelay $0x1  }
0x43b: {  	v4 =	vadd.f32 v6, v4;
	_ =	sdelay $0x1  }
0x43c: {  	v23 =	vshll.u32 v21, $0xA;
	v24 =	vshll.u32 v22, $0x3;
	[tilespmem:$0x9200] =	vst v4  }
0x43d: {  	v9 =	vshll.u32 v21, $0x7;
	v8 =	vand.u32 $0xFFFFFC00, v24;
	v6 =	vand.u32 $0xFFFFE000, v23;
	v5 =	vld.idx.msk [tilespmem:v5+s14+$0x0], $0xffff  }
0x43e: {  	v26 =	vld [tilespmem:$0x1060];
	v25 =	vand.u32 $0x380, v9;
	v6 =	vadd.s32 v6, v8  }
0x43f: {  	v27 =	vld [tilespmem:$0x960];
	v7 =	vand.u32 $0x7F, v22;
	v6 =	vor.u32 v25, v6  }
0x440: {  	v6 =	vor.u32 v7, v6;
	_ =	sdelay $0x1  }
0x441: {  	v4 =	vadd.f32 v5, v4;
	_ =	sdelay $0x1  }
0x442: {  	v28 =	vshll.u32 v27, $0x3;
	v5 =	vshll.u32 v26, $0xA;
	[tilespmem:$0x9200] =	vst v4  }
0x443: {  	v9 =	vshll.u32 v26, $0x7;
	v7 =	vand.u32 $0xFFFFFC00, v28;
	v5 =	vand.u32 $0xFFFFE000, v5;
	v6 =	vld.idx.msk [tilespmem:v6+s14+$0x0], $0xffff  }
0x444: {  	v29 =	vand.u32 $0x380, v9;
	v31 =	vld [tilespmem:$0x970];
	v5 =	vadd.s32 v5, v7  }
0x445: {  	v30 =	vld [tilespmem:$0x1070];
	v8 =	vand.u32 $0x7F, v27;
	v5 =	vor.u32 v29, v5  }
0x446: {  	v5 =	vor.u32 v8, v5;
	_ =	sdelay $0x1  }
0x447: {  	v4 =	vadd.f32 v6, v4;
	_ =	sdelay $0x1  }
0x448: {  	v32 =	vshll.u32 v30, $0xA;
	v33 =	vshll.u32 v31, $0x3;
	[tilespmem:$0x9200] =	vst v4  }
0x449: {  	v9 =	vshll.u32 v30, $0x7;
	v8 =	vand.u32 $0xFFFFFC00, v33;
	v6 =	vand.u32 $0xFFFFE000, v32;
	v5 =	vld.idx.msk [tilespmem:v5+s14+$0x0], $0xffff  }
0x44a: {  	v35 =	vld [tilespmem:$0x1080];
	v34 =	vand.u32 $0x380, v9;
	v6 =	vadd.s32 v6, v8  }
0x44b: {  	v36 =	vld [tilespmem:$0x980];
	v7 =	vand.u32 $0x7F, v31;
	v6 =	vor.u32 v34, v6  }
0x44c: {  	v6 =	vor.u32 v7, v6;
	_ =	sdelay $0x1  }
0x44d: {  	v4 =	vadd.f32 v5, v4;
	_ =	sdelay $0x1  }
0x44e: {  	v37 =	vshll.u32 v36, $0x3;
	v5 =	vshll.u32 v35, $0xA;
	[tilespmem:$0x9200] =	vst v4  }
0x44f: {  	v9 =	vshll.u32 v35, $0x7;
	v7 =	vand.u32 $0xFFFFFC00, v37;
	v5 =	vand.u32 $0xFFFFE000, v5;
	v6 =	vld.idx.msk [tilespmem:v6+s14+$0x0], $0xffff  }
0x450: {  	v38 =	vand.u32 $0x380, v9;
	v40 =	vld [tilespmem:$0x990];
	v5 =	vadd.s32 v5, v7  }
0x451: {  	v39 =	vld [tilespmem:$0x1090];
	v8 =	vand.u32 $0x7F, v36;
	v5 =	vor.u32 v38, v5  }
0x452: {  	v5 =	vor.u32 v8, v5;
	_ =	sdelay $0x1  }
0x453: {  	v4 =	vadd.f32 v6, v4;
	_ =	sdelay $0x1  }
0x454: {  	v41 =	vshll.u32 v39, $0xA;
	v42 =	vshll.u32 v40, $0x3;
	[tilespmem:$0x9200] =	vst v4  }
0x455: {  	v9 =	vshll.u32 v39, $0x7;
	v8 =	vand.u32 $0xFFFFFC00, v42;
	v6 =	vand.u32 $0xFFFFE000, v41;
	v5 =	vld.idx.msk [tilespmem:v5+s14+$0x0], $0xffff  }
0x456: {  	v44 =	vld [tilespmem:$0x10A0];
	v43 =	vand.u32 $0x380, v9;
	v6 =	vadd.s32 v6, v8  }
0x457: {  	v45 =	vld [tilespmem:$0x9A0];
	v7 =	vand.u32 $0x7F, v40;
	v6 =	vor.u32 v43, v6  }
0x458: {  	v6 =	vor.u32 v7, v6;
	_ =	sdelay $0x1  }
0x459: {  	v4 =	vadd.f32 v5, v4;
	_ =	sdelay $0x1  }
0x45a: {  	v46 =	vshll.u32 v45, $0x3;
	v5 =	vshll.u32 v44, $0xA;
	[tilespmem:$0x9200] =	vst v4  }
0x45b: {  	v9 =	vshll.u32 v44, $0x7;
	v7 =	vand.u32 $0xFFFFFC00, v46;
	v5 =	vand.u32 $0xFFFFE000, v5;
	v6 =	vld.idx.msk [tilespmem:v6+s14+$0x0], $0xffff  }
0x45c: {  	v47 =	vand.u32 $0x380, v9;
	v49 =	vld [tilespmem:$0x9B0];
	v5 =	vadd.s32 v5, v7  }
0x45d: {  	v48 =	vld [tilespmem:$0x10B0];
	v8 =	vand.u32 $0x7F, v45;
	v5 =	vor.u32 v47, v5  }
0x45e: {  	v5 =	vor.u32 v8, v5;
	_ =	sdelay $0x1  }
0x45f: {  	v4 =	vadd.f32 v6, v4;
	_ =	sdelay $0x1  }
0x460: {  	v50 =	vshll.u32 v48, $0xA;
	v51 =	vshll.u32 v49, $0x3;
	[tilespmem:$0x9200] =	vst v4  }
0x461: {  	v9 =	vshll.u32 v48, $0x7;
	v8 =	vand.u32 $0xFFFFFC00, v51;
	v6 =	vand.u32 $0xFFFFE000, v50;
	v5 =	vld.idx.msk [tilespmem:v5+s14+$0x0], $0xffff  }
0x462: {  	v53 =	vld [tilespmem:$0x10C0];
	v52 =	vand.u32 $0x380, v9;
	v6 =	vadd.s32 v6, v8  }
0x463: {  	v54 =	vld [tilespmem:$0x9C0];
	v7 =	vand.u32 $0x7F, v49;
	v6 =	vor.u32 v52, v6  }
0x464: {  	v6 =	vor.u32 v7, v6;
	_ =	sdelay $0x1  }
0x465: {  	v4 =	vadd.f32 v5, v4;
	_ =	sdelay $0x1  }
0x466: {  	v55 =	vshll.u32 v54, $0x3;
	v5 =	vshll.u32 v53, $0xA;
	[tilespmem:$0x9200] =	vst v4  }
0x467: {  	v9 =	vshll.u32 v53, $0x7;
	v7 =	vand.u32 $0xFFFFFC00, v55;
	v5 =	vand.u32 $0xFFFFE000, v5;
	v6 =	vld.idx.msk [tilespmem:v6+s14+$0x0], $0xffff  }
0x468: {  	v56 =	vand.u32 $0x380, v9;
	v58 =	vld [tilespmem:$0x9D0];
	v5 =	vadd.s32 v5, v7  }
0x469: {  	v57 =	vld [tilespmem:$0x10D0];
	v8 =	vand.u32 $0x7F, v54;
	v5 =	vor.u32 v56, v5  }
0x46a: {  	v5 =	vor.u32 v8, v5;
	_ =	sdelay $0x1  }
0x46b: {  	v4 =	vadd.f32 v6, v4;
	_ =	sdelay $0x1  }
0x46c: {  	v59 =	vshll.u32 v57, $0xA;
	v60 =	vshll.u32 v58, $0x3;
	[tilespmem:$0x9200] =	vst v4  }
0x46d: {  	v9 =	vshll.u32 v57, $0x7;
	v8 =	vand.u32 $0xFFFFFC00, v60;
	v6 =	vand.u32 $0xFFFFE000, v59;
	v5 =	vld.idx.msk [tilespmem:v5+s14+$0x0], $0xffff  }
0x46e: {  	v62 =	vld [tilespmem:$0x10E0];
	v61 =	vand.u32 $0x380, v9;
	v6 =	vadd.s32 v6, v8  }
0x46f: {  	v63 =	vld [tilespmem:$0x9E0];
	v7 =	vand.u32 $0x7F, v58;
	v6 =	vor.u32 v61, v6  }
0x470: {  	v6 =	vor.u32 v7, v6;
	_ =	sdelay $0x1  }
0x471: {  	v4 =	vadd.f32 v5, v4;
	_ =	sdelay $0x1  }
0x472: {  	v12 =	vshll.u32 v63, $0x3;
	v5 =	vshll.u32 v62, $0xA;
	[tilespmem:$0x9200] =	vst v4  }
0x473: {  	v9 =	vshll.u32 v62, $0x7;
	v7 =	vand.u32 $0xFFFFFC00, v12;
	v5 =	vand.u32 $0xFFFFE000, v5;
	v6 =	vld.idx.msk [tilespmem:v6+s14+$0x0], $0xffff  }
0x474: {  	v13 =	vand.u32 $0x380, v9;
	v15 =	vld [tilespmem:$0x9F0];
	v5 =	vadd.s32 v5, v7  }
0x475: {  	v14 =	vld [tilespmem:$0x10F0];
	v8 =	vand.u32 $0x7F, v63;
	v5 =	vor.u32 v13, v5  }
0x476: {  	v5 =	vor.u32 v8, v5;
	_ =	sdelay $0x1  }
0x477: {  	v4 =	vadd.f32 v6, v4;
	_ =	sdelay $0x1  }
0x478: {  	v16 =	vshll.u32 v14, $0xA;
	v17 =	vshll.u32 v15, $0x3;
	[tilespmem:$0x9200] =	vst v4  }
0x479: {  	v9 =	vshll.u32 v14, $0x7;
	v8 =	vand.u32 $0xFFFFFC00, v17;
	v6 =	vand.u32 $0xFFFFE000, v16;
	v5 =	vld.idx.msk [tilespmem:v5+s14+$0x0], $0xffff  }
0x47a: {  	v19 =	vld [tilespmem:$0x1100];
	v18 =	vand.u32 $0x380, v9;
	v6 =	vadd.s32 v6, v8  }
0x47b: {  	v20 =	vld [tilespmem:$0xA00];
	v7 =	vand.u32 $0x7F, v15;
	v6 =	vor.u32 v18, v6  }
0x47c: {  	v6 =	vor.u32 v7, v6;
	_ =	sdelay $0x1  }
0x47d: {  	v4 =	vadd.f32 v5, v4;
	_ =	sdelay $0x1  }
0x47e: {  	v21 =	vshll.u32 v20, $0x3;
	v5 =	vshll.u32 v19, $0xA;
	[tilespmem:$0x9200] =	vst v4  }
0x47f: {  	v9 =	vshll.u32 v19, $0x7;
	v7 =	vand.u32 $0xFFFFFC00, v21;
	v5 =	vand.u32 $0xFFFFE000, v5;
	v6 =	vld.idx.msk [tilespmem:v6+s14+$0x0], $0xffff  }
0x480: {  	v22 =	vand.u32 $0x380, v9;
	v24 =	vld [tilespmem:$0xA10];
	v5 =	vadd.s32 v5, v7  }
0x481: {  	v23 =	vld [tilespmem:$0x1110];
	v8 =	vand.u32 $0x7F, v20;
	v5 =	vor.u32 v22, v5  }
0x482: {  	v5 =	vor.u32 v8, v5;
	_ =	sdelay $0x1  }
0x483: {  	v4 =	vadd.f32 v6, v4;
	_ =	sdelay $0x1  }
0x484: {  	v25 =	vshll.u32 v23, $0xA;
	v26 =	vshll.u32 v24, $0x3;
	[tilespmem:$0x9200] =	vst v4  }
0x485: {  	v9 =	vshll.u32 v23, $0x7;
	v8 =	vand.u32 $0xFFFFFC00, v26;
	v6 =	vand.u32 $0xFFFFE000, v25;
	v5 =	vld.idx.msk [tilespmem:v5+s14+$0x0], $0xffff  }
0x486: {  	v28 =	vld [tilespmem:$0x1120];
	v27 =	vand.u32 $0x380, v9;
	v6 =	vadd.s32 v6, v8  }
0x487: {  	v29 =	vld [tilespmem:$0xA20];
	v7 =	vand.u32 $0x7F, v24;
	v6 =	vor.u32 v27, v6  }
0x488: {  	v6 =	vor.u32 v7, v6;
	_ =	sdelay $0x1  }
0x489: {  	v4 =	vadd.f32 v5, v4;
	_ =	sdelay $0x1  }
0x48a: {  	v30 =	vshll.u32 v29, $0x3;
	v5 =	vshll.u32 v28, $0xA;
	[tilespmem:$0x9200] =	vst v4  }
0x48b: {  	v9 =	vshll.u32 v28, $0x7;
	v7 =	vand.u32 $0xFFFFFC00, v30;
	v5 =	vand.u32 $0xFFFFE000, v5;
	v6 =	vld.idx.msk [tilespmem:v6+s14+$0x0], $0xffff  }
0x48c: {  	v31 =	vand.u32 $0x380, v9;
	v33 =	vld [tilespmem:$0xA30];
	v5 =	vadd.s32 v5, v7  }
0x48d: {  	v32 =	vld [tilespmem:$0x1130];
	v8 =	vand.u32 $0x7F, v29;
	v5 =	vor.u32 v31, v5  }
0x48e: {  	v5 =	vor.u32 v8, v5;
	_ =	sdelay $0x1  }
0x48f: {  	v4 =	vadd.f32 v6, v4;
	_ =	sdelay $0x1  }
0x490: {  	v34 =	vshll.u32 v32, $0xA;
	v35 =	vshll.u32 v33, $0x3;
	[tilespmem:$0x9200] =	vst v4  }
0x491: {  	v9 =	vshll.u32 v32, $0x7;
	v8 =	vand.u32 $0xFFFFFC00, v35;
	v6 =	vand.u32 $0xFFFFE000, v34;
	v5 =	vld.idx.msk [tilespmem:v5+s14+$0x0], $0xffff  }
0x492: {  	v37 =	vld [tilespmem:$0x1140];
	v36 =	vand.u32 $0x380, v9;
	v6 =	vadd.s32 v6, v8  }
0x493: {  	v38 =	vld [tilespmem:$0xA40];
	v7 =	vand.u32 $0x7F, v33;
	v6 =	vor.u32 v36, v6  }
0x494: {  	v6 =	vor.u32 v7, v6;
	_ =	sdelay $0x1  }
0x495: {  	v4 =	vadd.f32 v5, v4;
	_ =	sdelay $0x1  }
0x496: {  	v39 =	vshll.u32 v38, $0x3;
	v5 =	vshll.u32 v37, $0xA;
	[tilespmem:$0x9200] =	vst v4  }
0x497: {  	v9 =	vshll.u32 v37, $0x7;
	v7 =	vand.u32 $0xFFFFFC00, v39;
	v5 =	vand.u32 $0xFFFFE000, v5;
	v6 =	vld.idx.msk [tilespmem:v6+s14+$0x0], $0xffff  }
0x498: {  	v40 =	vand.u32 $0x380, v9;
	v42 =	vld [tilespmem:$0xA50];
	v5 =	vadd.s32 v5, v7  }
0x499: {  	v41 =	vld [tilespmem:$0x1150];
	v8 =	vand.u32 $0x7F, v38;
	v5 =	vor.u32 v40, v5  }
0x49a: {  	v5 =	vor.u32 v8, v5;
	_ =	sdelay $0x1  }
0x49b: {  	v4 =	vadd.f32 v6, v4;
	_ =	sdelay $0x1  }
0x49c: {  	v43 =	vshll.u32 v41, $0xA;
	v44 =	vshll.u32 v42, $0x3;
	[tilespmem:$0x9200] =	vst v4  }
0x49d: {  	v9 =	vshll.u32 v41, $0x7;
	v8 =	vand.u32 $0xFFFFFC00, v44;
	v6 =	vand.u32 $0xFFFFE000, v43;
	v5 =	vld.idx.msk [tilespmem:v5+s14+$0x0], $0xffff  }
0x49e: {  	v46 =	vld [tilespmem:$0x1160];
	v45 =	vand.u32 $0x380, v9;
	v6 =	vadd.s32 v6, v8  }
0x49f: {  	v47 =	vld [tilespmem:$0xA60];
	v7 =	vand.u32 $0x7F, v42;
	v6 =	vor.u32 v45, v6  }
0x4a0: {  	v6 =	vor.u32 v7, v6;
	_ =	sdelay $0x1  }
0x4a1: {  	v4 =	vadd.f32 v5, v4;
	_ =	sdelay $0x1  }
0x4a2: {  	v48 =	vshll.u32 v47, $0x3;
	v5 =	vshll.u32 v46, $0xA;
	[tilespmem:$0x9200] =	vst v4  }
0x4a3: {  	v9 =	vshll.u32 v46, $0x7;
	v7 =	vand.u32 $0xFFFFFC00, v48;
	v5 =	vand.u32 $0xFFFFE000, v5;
	v6 =	vld.idx.msk [tilespmem:v6+s14+$0x0], $0xffff  }
0x4a4: {  	v49 =	vand.u32 $0x380, v9;
	v51 =	vld [tilespmem:$0xA70];
	v5 =	vadd.s32 v5, v7  }
0x4a5: {  	v50 =	vld [tilespmem:$0x1170];
	v8 =	vand.u32 $0x7F, v47;
	v5 =	vor.u32 v49, v5  }
0x4a6: {  	v5 =	vor.u32 v8, v5;
	_ =	sdelay $0x1  }
0x4a7: {  	v4 =	vadd.f32 v6, v4;
	_ =	sdelay $0x1  }
0x4a8: {  	v52 =	vshll.u32 v50, $0xA;
	v53 =	vshll.u32 v51, $0x3;
	[tilespmem:$0x9200] =	vst v4  }
0x4a9: {  	v9 =	vshll.u32 v50, $0x7;
	v8 =	vand.u32 $0xFFFFFC00, v53;
	v6 =	vand.u32 $0xFFFFE000, v52;
	v5 =	vld.idx.msk [tilespmem:v5+s14+$0x0], $0xffff  }
0x4aa: {  	v54 =	vand.u32 $0x380, v9;
	v6 =	vadd.s32 v6, v8  }
0x4ab: {  	v7 =	vand.u32 $0x7F, v51;
	v6 =	vor.u32 v54, v6  }
0x4ac: {  	v6 =	vor.u32 v7, v6;
	_ =	sdelay $0x1  }
0x4ad: {  	v4 =	vadd.f32 v5, v4;
	_ =	sdelay $0x1  }
0x4ae: {  	v55 =	vld [tilespmem:$0x0];
	[tilespmem:$0x9200] =	vst v4  }
0x4af: {  	v5 =	vld.idx.msk [tilespmem:v6+s14+$0x0], $0xffff;
	_ =	sdelay $0x4  }
0x4b0: {  	v4 =	vadd.f32 v5, v4  }
0x4b1: {  	v56 =	vld [tilespmem:$0x10]  }
0x4b2: {  	[tilespmem:$0x9200] =	vst v4;
	v4 =	vld [tilespmem:$0x9180]  }
0x4b3: {  	v5 =	vld.idx.msk [tilespmem:v55+s12+$0x0], $0xffff;
	_ =	sdelay $0x4  }
0x4b4: {  	v4 =	vadd.f32 v5, v4;
	_ =	sdelay $0x1  }
0x4b5: {  	v57 =	vld [tilespmem:$0x20];
	[tilespmem:$0x9180] =	vst v4  }
0x4b6: {  	v5 =	vld.idx.msk [tilespmem:v56+s12+$0x0], $0xffff;
	_ =	sdelay $0x4  }
0x4b7: {  	v4 =	vadd.f32 v5, v4;
	_ =	sdelay $0x1  }
0x4b8: {  	v58 =	vld [tilespmem:$0x30];
	[tilespmem:$0x9180] =	vst v4  }
0x4b9: {  	v5 =	vld.idx.msk [tilespmem:v57+s12+$0x0], $0xffff;
	_ =	sdelay $0x4  }
0x4ba: {  	v4 =	vadd.f32 v5, v4;
	_ =	sdelay $0x1  }
0x4bb: {  	v59 =	vld [tilespmem:$0x40];
	[tilespmem:$0x9180] =	vst v4  }
0x4bc: {  	v5 =	vld.idx.msk [tilespmem:v58+s12+$0x0], $0xffff;
	_ =	sdelay $0x4  }
0x4bd: {  	v4 =	vadd.f32 v5, v4;
	_ =	sdelay $0x1  }
0x4be: {  	v60 =	vld [tilespmem:$0x50];
	[tilespmem:$0x9180] =	vst v4  }
0x4bf: {  	v5 =	vld.idx.msk [tilespmem:v59+s12+$0x0], $0xffff;
	_ =	sdelay $0x4  }
0x4c0: {  	v4 =	vadd.f32 v5, v4;
	_ =	sdelay $0x1  }
0x4c1: {  	v61 =	vld [tilespmem:$0x60];
	[tilespmem:$0x9180] =	vst v4  }
0x4c2: {  	v5 =	vld.idx.msk [tilespmem:v60+s12+$0x0], $0xffff;
	_ =	sdelay $0x4  }
0x4c3: {  	v4 =	vadd.f32 v5, v4;
	_ =	sdelay $0x1  }
0x4c4: {  	v62 =	vld [tilespmem:$0x70];
	[tilespmem:$0x9180] =	vst v4  }
0x4c5: {  	v5 =	vld.idx.msk [tilespmem:v61+s12+$0x0], $0xffff;
	_ =	sdelay $0x4  }
0x4c6: {  	v4 =	vadd.f32 v5, v4;
	_ =	sdelay $0x1  }
0x4c7: {  	[tilespmem:$0x9180] =	vst v4  }
0x4c8: {  	v5 =	vld.idx.msk [tilespmem:v62+s12+$0x0], $0xffff;
	_ =	sdelay $0x3  }
0x4c9: {  	v63 =	vld [tilespmem:$0x9200]  }
0x4ca: {  	v4 =	vadd.f32 v5, v4;
	_ =	sdelay $0x1  }
0x4cb: {  	v5 =	vmul.f32 $2.000000000e+01, v4;
	_ =	sdelay $0x1  }
0x4cc: {  	v5 =	vsub.f32 v5, v63  }
0x4cd: {  	p0 =	sne.s32 s9, $0x1;
	[tilespmem:$0x9180] =	vst v4  }
.Ltmp0:
0x4ce: {  	[tilespmem:$0x9180] =	vst v5;
	(pc) =	sbr.rel @p0 .LBB2_1-.Ltmp0, $4  }
0x4cf: {  	[hbm4b:s8+s2] =	stream.linear.scatter [tilespmem:s1], [sflag:$0x2], $0x80, $0x38;
	[tilespmem:$0x9280] =	vst v63  }
0x4d0: {  	_ =	swait.ge [sflag:s10], $0x80  }
0x4d1: {  	[sflag:s10] =	ssyncset.done $0x0  }
0x4d2: {  	s9 =	sadd.s32 $0xFFFFFFFF, s9;
	[sflag:s10] =	ssyncadd.s32 $0xFFFFFF80  }
0x4d3: {  	_ =	sfence.sel $0x180000  }
0x4d4: {  	[bflag:$0x0] =	sbarrier.arrive $0xFFFF  }
0x4d5: {  	_ =	strace $0x90000047  }
0x4d6: {  	s0 =	stileid.u32;
	[bflag:$0x2] =	sbarrier.arrive $0xFFFF  }
0x4d7: {  	p0 =	sne.s32 s0, $0x0;
	s0 =	rddreg [dreg:$0x2]  }
0x4d8: {  	s0 =	sadd.s32 @!p0 $0x100000, s0  }
0x4d9: {  	[sflag:s0] =	ssyncadd.tile.s32 @!p0 $0x1;
	_ =	shalt  }
.Lfunc_end2:
_tile_overlayer_lowered:
.L_overlay_start_2:
0x4da: {  	(tag) =	ssettag $0x2  }
0x4db: {  	s0 =	rddreg [dreg:$0x0];
	s2 =	stileid.u32  }
0x4dc: {  	s1 =	rddreg [dreg:$0x1];
	p0 =	sne.s32 s2, $0x0  }
0x4dd: {  	s3 =	rddreg [dreg:$0x2];
	[bflag:$0x3] =	sbarrier.arrive $0xFFFF;
	s2 =	simm.s32 @!p0 $0x1C02  }
0x4de: {  	[timem:s3], [sflag:s2] =	dma.local @!p0 [hbm:s0], s1  }
0x4df: {  	s0 =	simm.s32 @!p0 $0x2  }
0x4e0: {  	_ =	swait.ge @!p0 [sflag:s0], s1  }
0x4e1: {  	s1 =	ssub.s32 @!p0 $0x0, s1;
	[sflag:s0] =	ssyncset.done @!p0 $0x0  }
0x4e2: {  	[sflag:s0] =	ssyncadd.s32 @!p0 s1  }
0x4e3: {  	[bflag:$0x3] =	sbarrier.arrive $0xFFFF  }
0x4e4: {  	_ =	shalt  }

</sc_bundles>
